<compile_context>
chip_gen: v7x
topology: tpu7x:2x2x1
jax: 0.10.2.dev20260603
libtpu: 0.0.44.dev20260713+nightly
codegen_flags: <defaults>
</compile_context>

<pallas_src>
import jax
import jax.numpy as jnp
from jax import lax
from jax.experimental import pallas as pl
from jax.experimental.pallas import tpu as pltpu
from jax.experimental.pallas import tpu_sc as plsc

NUM_BUCKETS = 100000
VOCAB = 1000
SOFTCAP = 30.0
N_TOK = 1024 * 50
SEQ = 50

NC, NS, L = 2, 16, 16
NW = NC * NS
ROWS_PER_W = N_TOK // NW
CHUNK = 32
N_CHUNKS = ROWS_PER_W // CHUNK


def _sc_body(ids_hbm, tgt_hbm, w_hbm, sums_hbm, cts_hbm,
             ids_v, tgt_v, idx_v, rows_v, sums_v, cts_v, sem):
    i32 = jnp.int32
    wid = lax.axis_index("s") * NC + lax.axis_index("c")
    base = wid * ROWS_PER_W

    pltpu.sync_copy(ids_hbm.at[pl.ds(base, ROWS_PER_W)], ids_v)
    pltpu.sync_copy(tgt_hbm.at[pl.ds(base, ROWS_PER_W)], tgt_v)

    iota = lax.broadcasted_iota(jnp.int32, (L,), 0)

    def hash_block(i, _):
        l0 = i * L
        prev1 = ids_v[pl.ds(l0, L)]
        lidx = l0 + iota
        prev2 = plsc.load_gather(ids_v, [jnp.maximum(lidx - 1, 0)])
        s_pos = (base + lidx) % SEQ
        prev2 = jnp.where(s_pos == 0, 0, prev2)
        h = ((prev2 * 1000003) ^ (prev1 * 92821)) % NUM_BUCKETS
        idx_v[pl.ds(l0, L)] = h
        return 0

    lax.fori_loop(0, ROWS_PER_W // L, hash_block, 0, unroll=4)

    inv15 = jnp.float32(1.0 / 15.0)

    def softcap(x):
        u = jnp.exp(x * inv15)
        return jnp.float32(30.0) - jnp.float32(60.0) / (u + jnp.float32(1.0))

    def start_gather(k, slot):
        return pltpu.make_async_copy(
            w_hbm.at[idx_v.at[pl.ds(k * CHUNK, CHUNK)]],
            rows_v.at[slot], sem)

    start_gather(0, 0).start()

    def chunk_body(k, _):
        slot = lax.rem(k, 2)

        @pl.when(k + 1 < N_CHUNKS)
        def _():
            start_gather(k + 1, 1 - slot).start()

        pltpu.make_async_copy(
            w_hbm.at[idx_v.at[pl.ds(k * CHUNK, CHUNK)]],
            rows_v.at[slot], sem).wait()

        for g in range(CHUNK // L):
            rows16 = g * L + iota
            lrow = k * CHUNK + g * L

            tg16 = tgt_v[pl.ds(lrow, L)]
            ct16 = softcap(plsc.load_gather(
                rows_v.at[slot],
                [rows16, jnp.right_shift(tg16, 7),
                 jnp.bitwise_and(tg16, 127)]))
            cts_v[pl.ds(lrow, L)] = ct16

            def tok_body(j, sums16):
                t = g * L + j
                acc = jnp.zeros((L,), jnp.float32)
                for s in range(8):
                    nh = 8 if s < 7 else 7
                    for h in range(nh):
                        x = rows_v[slot, t, s, pl.ds(h * L, L)]
                        e = jnp.exp(softcap(x))
                        if s == 7 and h == 6:
                            e = jnp.where(iota < 8, e, jnp.float32(0.0))
                        acc = acc + e
                total = jnp.sum(acc)
                return jnp.where(iota == j, total, sums16)

            sums16 = lax.fori_loop(0, L, tok_body,
                                   jnp.zeros((L,), jnp.float32))
            sums_v[pl.ds(lrow, L)] = sums16
        return 0

    lax.fori_loop(0, N_CHUNKS, chunk_body, 0)

    pltpu.sync_copy(sums_v, sums_hbm.at[pl.ds(base, ROWS_PER_W)])
    pltpu.sync_copy(cts_v, cts_hbm.at[pl.ds(base, ROWS_PER_W)])


@jax.jit
def _sc_gather_ce(ids_i32, tgt_i32, W):
    with jax.enable_x64(False):
        return _sc_gather_ce_x32(ids_i32, tgt_i32, W)


def _sc_gather_ce_x32(ids_i32, tgt_i32, W):
    mesh = plsc.VectorSubcoreMesh(core_axis_name="c", subcore_axis_name="s")
    f = pl.kernel(
        _sc_body,
        out_type=(
            jax.ShapeDtypeStruct((N_TOK,), jnp.float32),
            jax.ShapeDtypeStruct((N_TOK,), jnp.float32),
        ),
        mesh=mesh,
        scratch_types=[
            pltpu.VMEM((ROWS_PER_W,), jnp.int32),
            pltpu.VMEM((ROWS_PER_W,), jnp.int32),
            pltpu.VMEM((ROWS_PER_W,), jnp.int32),
            pltpu.VMEM((2, CHUNK, 8, 128), jnp.float32),
            pltpu.VMEM((ROWS_PER_W,), jnp.float32),
            pltpu.VMEM((ROWS_PER_W,), jnp.float32),
            pltpu.SemaphoreType.DMA,
        ],
        compiler_params=pltpu.CompilerParams(needs_layout_passes=False),
    )
    return f(ids_i32, tgt_i32, W)


def _reduce_body(s_ref, c_ref, o_ref):
    idx = (lax.broadcasted_iota(jnp.int32, (400, 128), 0) * 128
           + lax.broadcasted_iota(jnp.int32, (400, 128), 1))
    m0 = (idx % SEQ) == 0
    nll = jnp.where(m0, jnp.float32(6.907755278982137),
                    jnp.log(s_ref[...]) - c_ref[...])
    o_ref[0, 0] = jnp.sum(nll) * jnp.float32(1.0 / N_TOK)


@jax.jit
def _tc_reduce(sums, cts):
    out = pl.pallas_call(
        _reduce_body,
        out_shape=jax.ShapeDtypeStruct((1, 1), jnp.float32),
        out_specs=pl.BlockSpec(memory_space=pltpu.SMEM),
    )(sums.reshape(400, 128), cts.reshape(400, 128))
    return out[0, 0]


def kernel(input_ids, target_ids, W):
    ids = input_ids.reshape(-1).astype(jnp.int32)
    tgt = target_ids.reshape(-1).astype(jnp.int32)
    w3 = jnp.concatenate(
        [W, jnp.zeros((NUM_BUCKETS, 24), jnp.float32)],
        axis=1).reshape(NUM_BUCKETS, 8, 128)
    sums, cts = _sc_gather_ce(ids, tgt, w3)
    return _tc_reduce(sums, cts)

# --- scband reference (transcript-rebuilt; emitter-appended) ---
"""Pipeline reference for scband-hashed-markov2-lm-26104811225256 (READ-ONLY COPY).

The authoritative reference and input builder live on the scoring server;
editing this copy changes nothing except your own understanding.
"""

import jax, jax.numpy as jnp
import numpy as np
jax.config.update("jax_enable_x64", True)

NUM_BUCKETS = 100000
VOCAB = 1000
SOFTCAP = 30.0
BATCH = 1024
SEQ = 50


def setup_inputs(seed: int = 0) -> dict:
    key = jax.random.key(seed)
    k1, k2, k3 = jax.random.split(key, 3)
    input_ids = jax.random.randint(k1, (BATCH, SEQ), 0, VOCAB, dtype=jnp.int64)
    target_ids = jax.random.randint(k2, (BATCH, SEQ), 0, VOCAB, dtype=jnp.int64)
    # learned parameter: transition_logits [num_buckets, vocab]
    W = jax.random.normal(k3, (NUM_BUCKETS, VOCAB), dtype=jnp.float32) * 0.02
    return {"input_ids": input_ids, "target_ids": target_ids, "W": W}


def _forward_logits(input_ids, W):
    B, S = input_ids.shape
    prev1 = input_ids.astype(jnp.int64)
    prev2 = jnp.roll(prev1, shift=1, axis=1)
    prev2 = prev2.at[:, 0].set(0)
    hashed = ((prev2 * 1000003) ^ (prev1 * 92821)) % NUM_BUCKETS
    logits_proj = jnp.take(W, hashed.reshape(-1), axis=0)
    logits_proj = logits_proj.reshape(B, S, -1)
    logits_proj = logits_proj.at[:, 0, :].set(0.0)
    logits_proj = logits_proj.reshape(-1, VOCAB)
    return SOFTCAP * jnp.tanh(logits_proj / SOFTCAP)


def reference(input_ids, target_ids, W):
    targets = target_ids.reshape(-1)
    logits = _forward_logits(input_ids, W).astype(jnp.float32)
    logp = jax.nn.log_softmax(logits, axis=-1)
    nll = -jnp.take_along_axis(logp, targets[:, None], axis=1)[:, 0]
    return jnp.mean(nll)

if __name__ == "__main__":
    import jax
    _d = setup_inputs()
    print(jax.jit(kernel)(*tuple(_d.values())))

</pallas_src>

<mosaic_0001>
#map = affine_map<(d0, d1) -> (0)>
#map1 = affine_map<(d0, d1) -> (0, 0, 0)>
module attributes {stable_mosaic.version = 14 : i64} {
  func.func @_sc_body(%arg0: i32, %arg1: i32, %arg2: memref<51200xi32, #tpu.memory_space<hbm>>, %arg3: memref<51200xi32, #tpu.memory_space<hbm>>, %arg4: memref<100000x8x128xf32, #tpu.memory_space<hbm>>, %arg5: memref<51200xf32, #tpu.memory_space<hbm>>, %arg6: memref<51200xf32, #tpu.memory_space<hbm>>, %arg7: memref<1600xi32, #tpu.memory_space<vmem>>, %arg8: memref<1600xi32, #tpu.memory_space<vmem>>, %arg9: memref<1600xi32, #tpu.memory_space<vmem>>, %arg10: memref<2x32x8x128xf32, #tpu.memory_space<vmem>>, %arg11: memref<1600xf32, #tpu.memory_space<vmem>>, %arg12: memref<1600xf32, #tpu.memory_space<vmem>>, %arg13: memref<!tpu.dma_semaphore, #tpu.memory_space<semaphore_mem>>) attributes {dimension_semantics = [#tpu.dimension_semantics<core_parallel>, #tpu.dimension_semantics<subcore_parallel>], iteration_bounds = array<i64: 2, 16>, scalar_prefetch = 0 : i64, scratch_operands = 7 : i64, tpu.core_type = #tpu.core_type<sc_vector_subcore>, window_params = [{transform_indices = #map}, {transform_indices = #map}, {transform_indices = #map1}, {transform_indices = #map}, {transform_indices = #map}]} {
    %mul3A = arith.constant 2 : i32
    %mul3A_0 = arith.muli %arg1, %mul3A : i32
    %add3A = arith.addi %mul3A_0, %arg0 : i32
    %mul3A_1 = arith.constant 1600 : i32
    %mul3A_2 = arith.muli %add3A, %mul3A_1 : i32
    "tpu.region"() ({
      %run_scoped3A = tpu.sem_alloc : memref<!tpu.dma_semaphore, #tpu.memory_space<semaphore_mem>>
      %dma_start3A_28 = tpu.memref_slice %arg2[%mul3A_2] : memref<51200xi32, #tpu.memory_space<hbm>> -> memref<1600xi32, #tpu.memory_space<hbm>>
      %dma_start3A_29 = tpu.memref_slice %arg2[%mul3A_2] : memref<51200xi32, #tpu.memory_space<hbm>> -> memref<1600xi32, #tpu.memory_space<hbm>>
      tpu.enqueue_dma source(%dma_start3A_29 : memref<1600xi32, #tpu.memory_space<hbm>>) target(%arg7 : memref<1600xi32, #tpu.memory_space<vmem>>) target_semaphore(%run_scoped3A : memref<!tpu.dma_semaphore, #tpu.memory_space<semaphore_mem>>)
      %dma_wait3A = tpu.memref_slice %arg2[%mul3A_2] : memref<51200xi32, #tpu.memory_space<hbm>> -> memref<1600xi32, #tpu.memory_space<hbm>>
      %dma_wait3A_30 = tpu.memref_slice %arg2[%mul3A_2] : memref<51200xi32, #tpu.memory_space<hbm>> -> memref<1600xi32, #tpu.memory_space<hbm>>
      tpu.wait_dma2 semaphore(%run_scoped3A : memref<!tpu.dma_semaphore, #tpu.memory_space<semaphore_mem>>) src(%dma_wait3A_30 : memref<1600xi32, #tpu.memory_space<hbm>>) dst(%arg7 : memref<1600xi32, #tpu.memory_space<vmem>>)
      tpu.yield
    }) : () -> ()
    "tpu.region"() ({
      %run_scoped3A = tpu.sem_alloc : memref<!tpu.dma_semaphore, #tpu.memory_space<semaphore_mem>>
      %dma_start3A_28 = tpu.memref_slice %arg3[%mul3A_2] : memref<51200xi32, #tpu.memory_space<hbm>> -> memref<1600xi32, #tpu.memory_space<hbm>>
      %dma_start3A_29 = tpu.memref_slice %arg3[%mul3A_2] : memref<51200xi32, #tpu.memory_space<hbm>> -> memref<1600xi32, #tpu.memory_space<hbm>>
      tpu.enqueue_dma source(%dma_start3A_29 : memref<1600xi32, #tpu.memory_space<hbm>>) target(%arg8 : memref<1600xi32, #tpu.memory_space<vmem>>) target_semaphore(%run_scoped3A : memref<!tpu.dma_semaphore, #tpu.memory_space<semaphore_mem>>)
      %dma_wait3A = tpu.memref_slice %arg3[%mul3A_2] : memref<51200xi32, #tpu.memory_space<hbm>> -> memref<1600xi32, #tpu.memory_space<hbm>>
      %dma_wait3A_30 = tpu.memref_slice %arg3[%mul3A_2] : memref<51200xi32, #tpu.memory_space<hbm>> -> memref<1600xi32, #tpu.memory_space<hbm>>
      tpu.wait_dma2 semaphore(%run_scoped3A : memref<!tpu.dma_semaphore, #tpu.memory_space<semaphore_mem>>) src(%dma_wait3A_30 : memref<1600xi32, #tpu.memory_space<hbm>>) dst(%arg8 : memref<1600xi32, #tpu.memory_space<vmem>>)
      tpu.yield
    }) : () -> ()
    %iota3A = tpu.iota {dimensions = array<i32: 0>} : vector<16xi32>
    %scan3A = arith.constant 0 : i32
    %scan3A_3 = arith.constant 0 : i32
    %scan3A_4 = arith.constant 100 : i32
    %scan3A_5 = arith.addi %scan3A_3, %scan3A_4 : i32
    %scan3A_6 = arith.constant 4 : i32
    %scan3A_7 = scf.for %scan3A_28 = %scan3A_3 to %scan3A_5 step %scan3A_6 iter_args(%scan3A_29 = %scan3A) -> (i32)  : i32 {
      %mul3A_30 = arith.constant 16 : i32
      %mul3A_31 = arith.muli %scan3A_28, %mul3A_30 : i32
      %get3A = arith.index_cast %mul3A_31 : i32 to index
      %get3A_32 = tpu.vector_load %arg7[%get3A] {strides = array<i32>} : memref<1600xi32, #tpu.memory_space<vmem>>, vector<16xi32>,
      %add3A_33 = vector.broadcast %mul3A_31 : i32 to vector<16xi32>
      %add3A_34 = arith.addi %add3A_33, %iota3A : vector<16xi32>
      %sub3A = arith.constant 1 : i32
      %sub3A_35 = vector.broadcast %sub3A : i32 to vector<16xi32>
      %sub3A_36 = arith.subi %add3A_34, %sub3A_35 : vector<16xi32>
      %max3A = arith.constant 0 : i32
      %max3A_37 = vector.broadcast %max3A : i32 to vector<16xi32>
      %max3A_38 = arith.maxsi %sub3A_36, %max3A_37 : vector<16xi32>
      %gather3A = tpu.vector_load_idx %arg7[%max3A_38] : memref<1600xi32, #tpu.memory_space<vmem>>[vector<16xi32>], vector<16xi32>,
      %add3A_39 = vector.broadcast %mul3A_2 : i32 to vector<16xi32>
      %add3A_40 = arith.addi %add3A_39, %add3A_34 : vector<16xi32>
      %jit3A = arith.constant 50 : i32
      %eq3A = arith.constant 0 : i32
      %eq3A_41 = arith.cmpi eq, %jit3A, %eq3A : i32
      %jit3A_42 = arith.constant 1 : i32
      %select_n3A = arith.select %eq3A_41, %jit3A_42, %jit3A : i32
      %rem3A = vector.broadcast %select_n3A : i32 to vector<16xi32>
      %rem3A_43 = arith.remsi %add3A_40, %rem3A : vector<16xi32>
      %ne3A = arith.constant 0 : i32
      %ne3A_44 = vector.broadcast %ne3A : i32 to vector<16xi32>
      %ne3A_45 = arith.cmpi ne, %rem3A_43, %ne3A_44 : vector<16xi32>
      %lt3A = arith.constant 0 : i32
      %lt3A_46 = vector.broadcast %lt3A : i32 to vector<16xi32>
      %lt3A_47 = arith.cmpi slt, %rem3A_43, %lt3A_46 : vector<16xi32>
      %lt3A_48 = arith.constant 0 : i32
      %lt3A_49 = arith.cmpi slt, %select_n3A, %lt3A_48 : i32
      %ne3A_50 = vector.broadcast %lt3A_49 : i1 to vector<16xi1>
      %ne3A_51 = vector.broadcast %ne3A_50 : vector<16xi1> to vector<16xi1>
      %ne3A_52 = arith.xori %lt3A_47, %ne3A_51 : vector<16xi1>
      %and3A = arith.andi %ne3A_52, %ne3A_45 : vector<16xi1>
      %add3A_53 = vector.broadcast %select_n3A : i32 to vector<16xi32>
      %add3A_54 = arith.addi %rem3A_43, %add3A_53 : vector<16xi32>
      %select_n3A_55 = arith.select %and3A, %add3A_54, %rem3A_43 : vector<16xi1>, vector<16xi32>
      %eq3A_56 = arith.constant 0 : i32
      %eq3A_57 = vector.broadcast %eq3A_56 : i32 to vector<16xi32>
      %eq3A_58 = arith.cmpi eq, %select_n3A_55, %eq3A_57 : vector<16xi32>
      %jit3A_59 = arith.constant 0 : i32
      %broadcast_in_dim3A = vector.broadcast %jit3A_59 : i32 to vector<16xi32>
      %select_n3A_60 = arith.select %eq3A_58, %broadcast_in_dim3A, %gather3A : vector<16xi1>, vector<16xi32>
      %mul3A_61 = arith.constant 1000003 : i32
      %mul3A_62 = vector.broadcast %mul3A_61 : i32 to vector<16xi32>
      %mul3A_63 = arith.muli %select_n3A_60, %mul3A_62 : vector<16xi32>
      %mul3A_64 = arith.constant 92821 : i32
      %mul3A_65 = vector.broadcast %mul3A_64 : i32 to vector<16xi32>
      %mul3A_66 = arith.muli %get3A_32, %mul3A_65 : vector<16xi32>
      %xor3A = arith.xori %mul3A_63, %mul3A_66 : vector<16xi32>
      %jit3A_67 = arith.constant 100000 : i32
      %eq3A_68 = arith.constant 0 : i32
      %eq3A_69 = arith.cmpi eq, %jit3A_67, %eq3A_68 : i32
      %jit3A_70 = arith.constant 1 : i32
      %select_n3A_71 = arith.select %eq3A_69, %jit3A_70, %jit3A_67 : i32
      %rem3A_72 = vector.broadcast %select_n3A_71 : i32 to vector<16xi32>
      %rem3A_73 = arith.remsi %xor3A, %rem3A_72 : vector<16xi32>
      %ne3A_74 = arith.constant 0 : i32
      %ne3A_75 = vector.broadcast %ne3A_74 : i32 to vector<16xi32>
      %ne3A_76 = arith.cmpi ne, %rem3A_73, %ne3A_75 : vector<16xi32>
      %lt3A_77 = arith.constant 0 : i32
      %lt3A_78 = vector.broadcast %lt3A_77 : i32 to vector<16xi32>
      %lt3A_79 = arith.cmpi slt, %rem3A_73, %lt3A_78 : vector<16xi32>
      %lt3A_80 = arith.constant 0 : i32
      %lt3A_81 = arith.cmpi slt, %select_n3A_71, %lt3A_80 : i32
      %ne3A_82 = vector.broadcast %lt3A_81 : i1 to vector<16xi1>
      %ne3A_83 = vector.broadcast %ne3A_82 : vector<16xi1> to vector<16xi1>
      %ne3A_84 = arith.xori %lt3A_79, %ne3A_83 : vector<16xi1>
      %and3A_85 = arith.andi %ne3A_84, %ne3A_76 : vector<16xi1>
      %add3A_86 = vector.broadcast %select_n3A_71 : i32 to vector<16xi32>
      %add3A_87 = arith.addi %rem3A_73, %add3A_86 : vector<16xi32>
      %select_n3A_88 = arith.select %and3A_85, %add3A_87, %rem3A_73 : vector<16xi1>, vector<16xi32>
      %swap3A = arith.index_cast %mul3A_31 : i32 to index
      %swap3A_89 = tpu.vector_load %arg9[%swap3A] {strides = array<i32>} : memref<1600xi32, #tpu.memory_space<vmem>>, vector<16xi32>,
      tpu.vector_store %arg9[%swap3A], %select_n3A_88 {strides = array<i32>} : memref<1600xi32, #tpu.memory_space<vmem>>, vector<16xi32>,
      %scan3A_90 = arith.constant 0 : i32
      %scan3A_91 = arith.constant 1 : i32
      %scan3A_92 = arith.addi %scan3A_28, %scan3A_91 : i32
      %mul3A_93 = arith.constant 16 : i32
      %mul3A_94 = arith.muli %scan3A_92, %mul3A_93 : i32
      %get3A_95 = arith.index_cast %mul3A_94 : i32 to index
      %get3A_96 = tpu.vector_load %arg7[%get3A_95] {strides = array<i32>} : memref<1600xi32, #tpu.memory_space<vmem>>, vector<16xi32>,
      %add3A_97 = vector.broadcast %mul3A_94 : i32 to vector<16xi32>
      %add3A_98 = arith.addi %add3A_97, %iota3A : vector<16xi32>
      %sub3A_99 = arith.constant 1 : i32
      %sub3A_100 = vector.broadcast %sub3A_99 : i32 to vector<16xi32>
      %sub3A_101 = arith.subi %add3A_98, %sub3A_100 : vector<16xi32>
      %max3A_102 = arith.constant 0 : i32
      %max3A_103 = vector.broadcast %max3A_102 : i32 to vector<16xi32>
      %max3A_104 = arith.maxsi %sub3A_101, %max3A_103 : vector<16xi32>
      %gather3A_105 = tpu.vector_load_idx %arg7[%max3A_104] : memref<1600xi32, #tpu.memory_space<vmem>>[vector<16xi32>], vector<16xi32>,
      %add3A_106 = vector.broadcast %mul3A_2 : i32 to vector<16xi32>
      %add3A_107 = arith.addi %add3A_106, %add3A_98 : vector<16xi32>
      %jit3A_108 = arith.constant 50 : i32
      %eq3A_109 = arith.constant 0 : i32
      %eq3A_110 = arith.cmpi eq, %jit3A_108, %eq3A_109 : i32
      %jit3A_111 = arith.constant 1 : i32
      %select_n3A_112 = arith.select %eq3A_110, %jit3A_111, %jit3A_108 : i32
      %rem3A_113 = vector.broadcast %select_n3A_112 : i32 to vector<16xi32>
      %rem3A_114 = arith.remsi %add3A_107, %rem3A_113 : vector<16xi32>
      %ne3A_115 = arith.constant 0 : i32
      %ne3A_116 = vector.broadcast %ne3A_115 : i32 to vector<16xi32>
      %ne3A_117 = arith.cmpi ne, %rem3A_114, %ne3A_116 : vector<16xi32>
      %lt3A_118 = arith.constant 0 : i32
      %lt3A_119 = vector.broadcast %lt3A_118 : i32 to vector<16xi32>
      %lt3A_120 = arith.cmpi slt, %rem3A_114, %lt3A_119 : vector<16xi32>
      %lt3A_121 = arith.constant 0 : i32
      %lt3A_122 = arith.cmpi slt, %select_n3A_112, %lt3A_121 : i32
      %ne3A_123 = vector.broadcast %lt3A_122 : i1 to vector<16xi1>
      %ne3A_124 = vector.broadcast %ne3A_123 : vector<16xi1> to vector<16xi1>
      %ne3A_125 = arith.xori %lt3A_120, %ne3A_124 : vector<16xi1>
      %and3A_126 = arith.andi %ne3A_125, %ne3A_117 : vector<16xi1>
      %add3A_127 = vector.broadcast %select_n3A_112 : i32 to vector<16xi32>
      %add3A_128 = arith.addi %rem3A_114, %add3A_127 : vector<16xi32>
      %select_n3A_129 = arith.select %and3A_126, %add3A_128, %rem3A_114 : vector<16xi1>, vector<16xi32>
      %eq3A_130 = arith.constant 0 : i32
      %eq3A_131 = vector.broadcast %eq3A_130 : i32 to vector<16xi32>
      %eq3A_132 = arith.cmpi eq, %select_n3A_129, %eq3A_131 : vector<16xi32>
      %jit3A_133 = arith.constant 0 : i32
      %broadcast_in_dim3A_134 = vector.broadcast %jit3A_133 : i32 to vector<16xi32>
      %select_n3A_135 = arith.select %eq3A_132, %broadcast_in_dim3A_134, %gather3A_105 : vector<16xi1>, vector<16xi32>
      %mul3A_136 = arith.constant 1000003 : i32
      %mul3A_137 = vector.broadcast %mul3A_136 : i32 to vector<16xi32>
      %mul3A_138 = arith.muli %select_n3A_135, %mul3A_137 : vector<16xi32>
      %mul3A_139 = arith.constant 92821 : i32
      %mul3A_140 = vector.broadcast %mul3A_139 : i32 to vector<16xi32>
      %mul3A_141 = arith.muli %get3A_96, %mul3A_140 : vector<16xi32>
      %xor3A_142 = arith.xori %mul3A_138, %mul3A_141 : vector<16xi32>
      %jit3A_143 = arith.constant 100000 : i32
      %eq3A_144 = arith.constant 0 : i32
      %eq3A_145 = arith.cmpi eq, %jit3A_143, %eq3A_144 : i32
      %jit3A_146 = arith.constant 1 : i32
      %select_n3A_147 = arith.select %eq3A_145, %jit3A_146, %jit3A_143 : i32
      %rem3A_148 = vector.broadcast %select_n3A_147 : i32 to vector<16xi32>
      %rem3A_149 = arith.remsi %xor3A_142, %rem3A_148 : vector<16xi32>
      %ne3A_150 = arith.constant 0 : i32
      %ne3A_151 = vector.broadcast %ne3A_150 : i32 to vector<16xi32>
      %ne3A_152 = arith.cmpi ne, %rem3A_149, %ne3A_151 : vector<16xi32>
      %lt3A_153 = arith.constant 0 : i32
      %lt3A_154 = vector.broadcast %lt3A_153 : i32 to vector<16xi32>
      %lt3A_155 = arith.cmpi slt, %rem3A_149, %lt3A_154 : vector<16xi32>
      %lt3A_156 = arith.constant 0 : i32
      %lt3A_157 = arith.cmpi slt, %select_n3A_147, %lt3A_156 : i32
      %ne3A_158 = vector.broadcast %lt3A_157 : i1 to vector<16xi1>
      %ne3A_159 = vector.broadcast %ne3A_158 : vector<16xi1> to vector<16xi1>
      %ne3A_160 = arith.xori %lt3A_155, %ne3A_159 : vector<16xi1>
      %and3A_161 = arith.andi %ne3A_160, %ne3A_152 : vector<16xi1>
      %add3A_162 = vector.broadcast %select_n3A_147 : i32 to vector<16xi32>
      %add3A_163 = arith.addi %rem3A_149, %add3A_162 : vector<16xi32>
      %select_n3A_164 = arith.select %and3A_161, %add3A_163, %rem3A_149 : vector<16xi1>, vector<16xi32>
      %swap3A_165 = arith.index_cast %mul3A_94 : i32 to index
      %swap3A_166 = tpu.vector_load %arg9[%swap3A_165] {strides = array<i32>} : memref<1600xi32, #tpu.memory_space<vmem>>, vector<16xi32>,
      tpu.vector_store %arg9[%swap3A_165], %select_n3A_164 {strides = array<i32>} : memref<1600xi32, #tpu.memory_space<vmem>>, vector<16xi32>,
      %scan3A_167 = arith.constant 0 : i32
      %scan3A_168 = arith.constant 2 : i32
      %scan3A_169 = arith.addi %scan3A_28, %scan3A_168 : i32
      %mul3A_170 = arith.constant 16 : i32
      %mul3A_171 = arith.muli %scan3A_169, %mul3A_170 : i32
      %get3A_172 = arith.index_cast %mul3A_171 : i32 to index
      %get3A_173 = tpu.vector_load %arg7[%get3A_172] {strides = array<i32>} : memref<1600xi32, #tpu.memory_space<vmem>>, vector<16xi32>,
      %add3A_174 = vector.broadcast %mul3A_171 : i32 to vector<16xi32>
      %add3A_175 = arith.addi %add3A_174, %iota3A : vector<16xi32>
      %sub3A_176 = arith.constant 1 : i32
      %sub3A_177 = vector.broadcast %sub3A_176 : i32 to vector<16xi32>
      %sub3A_178 = arith.subi %add3A_175, %sub3A_177 : vector<16xi32>
      %max3A_179 = arith.constant 0 : i32
      %max3A_180 = vector.broadcast %max3A_179 : i32 to vector<16xi32>
      %max3A_181 = arith.maxsi %sub3A_178, %max3A_180 : vector<16xi32>
      %gather3A_182 = tpu.vector_load_idx %arg7[%max3A_181] : memref<1600xi32, #tpu.memory_space<vmem>>[vector<16xi32>], vector<16xi32>,
      %add3A_183 = vector.broadcast %mul3A_2 : i32 to vector<16xi32>
      %add3A_184 = arith.addi %add3A_183, %add3A_175 : vector<16xi32>
      %jit3A_185 = arith.constant 50 : i32
      %eq3A_186 = arith.constant 0 : i32
      %eq3A_187 = arith.cmpi eq, %jit3A_185, %eq3A_186 : i32
      %jit3A_188 = arith.constant 1 : i32
      %select_n3A_189 = arith.select %eq3A_187, %jit3A_188, %jit3A_185 : i32
      %rem3A_190 = vector.broadcast %select_n3A_189 : i32 to vector<16xi32>
      %rem3A_191 = arith.remsi %add3A_184, %rem3A_190 : vector<16xi32>
      %ne3A_192 = arith.constant 0 : i32
      %ne3A_193 = vector.broadcast %ne3A_192 : i32 to vector<16xi32>
      %ne3A_194 = arith.cmpi ne, %rem3A_191, %ne3A_193 : vector<16xi32>
      %lt3A_195 = arith.constant 0 : i32
      %lt3A_196 = vector.broadcast %lt3A_195 : i32 to vector<16xi32>
      %lt3A_197 = arith.cmpi slt, %rem3A_191, %lt3A_196 : vector<16xi32>
      %lt3A_198 = arith.constant 0 : i32
      %lt3A_199 = arith.cmpi slt, %select_n3A_189, %lt3A_198 : i32
      %ne3A_200 = vector.broadcast %lt3A_199 : i1 to vector<16xi1>
      %ne3A_201 = vector.broadcast %ne3A_200 : vector<16xi1> to vector<16xi1>
      %ne3A_202 = arith.xori %lt3A_197, %ne3A_201 : vector<16xi1>
      %and3A_203 = arith.andi %ne3A_202, %ne3A_194 : vector<16xi1>
      %add3A_204 = vector.broadcast %select_n3A_189 : i32 to vector<16xi32>
      %add3A_205 = arith.addi %rem3A_191, %add3A_204 : vector<16xi32>
      %select_n3A_206 = arith.select %and3A_203, %add3A_205, %rem3A_191 : vector<16xi1>, vector<16xi32>
      %eq3A_207 = arith.constant 0 : i32
      %eq3A_208 = vector.broadcast %eq3A_207 : i32 to vector<16xi32>
      %eq3A_209 = arith.cmpi eq, %select_n3A_206, %eq3A_208 : vector<16xi32>
      %jit3A_210 = arith.constant 0 : i32
      %broadcast_in_dim3A_211 = vector.broadcast %jit3A_210 : i32 to vector<16xi32>
      %select_n3A_212 = arith.select %eq3A_209, %broadcast_in_dim3A_211, %gather3A_182 : vector<16xi1>, vector<16xi32>
      %mul3A_213 = arith.constant 1000003 : i32
      %mul3A_214 = vector.broadcast %mul3A_213 : i32 to vector<16xi32>
      %mul3A_215 = arith.muli %select_n3A_212, %mul3A_214 : vector<16xi32>
      %mul3A_216 = arith.constant 92821 : i32
      %mul3A_217 = vector.broadcast %mul3A_216 : i32 to vector<16xi32>
      %mul3A_218 = arith.muli %get3A_173, %mul3A_217 : vector<16xi32>
      %xor3A_219 = arith.xori %mul3A_215, %mul3A_218 : vector<16xi32>
      %jit3A_220 = arith.constant 100000 : i32
      %eq3A_221 = arith.constant 0 : i32
      %eq3A_222 = arith.cmpi eq, %jit3A_220, %eq3A_221 : i32
      %jit3A_223 = arith.constant 1 : i32
      %select_n3A_224 = arith.select %eq3A_222, %jit3A_223, %jit3A_220 : i32
      %rem3A_225 = vector.broadcast %select_n3A_224 : i32 to vector<16xi32>
      %rem3A_226 = arith.remsi %xor3A_219, %rem3A_225 : vector<16xi32>
      %ne3A_227 = arith.constant 0 : i32
      %ne3A_228 = vector.broadcast %ne3A_227 : i32 to vector<16xi32>
      %ne3A_229 = arith.cmpi ne, %rem3A_226, %ne3A_228 : vector<16xi32>
      %lt3A_230 = arith.constant 0 : i32
      %lt3A_231 = vector.broadcast %lt3A_230 : i32 to vector<16xi32>
      %lt3A_232 = arith.cmpi slt, %rem3A_226, %lt3A_231 : vector<16xi32>
      %lt3A_233 = arith.constant 0 : i32
      %lt3A_234 = arith.cmpi slt, %select_n3A_224, %lt3A_233 : i32
      %ne3A_235 = vector.broadcast %lt3A_234 : i1 to vector<16xi1>
      %ne3A_236 = vector.broadcast %ne3A_235 : vector<16xi1> to vector<16xi1>
      %ne3A_237 = arith.xori %lt3A_232, %ne3A_236 : vector<16xi1>
      %and3A_238 = arith.andi %ne3A_237, %ne3A_229 : vector<16xi1>
      %add3A_239 = vector.broadcast %select_n3A_224 : i32 to vector<16xi32>
      %add3A_240 = arith.addi %rem3A_226, %add3A_239 : vector<16xi32>
      %select_n3A_241 = arith.select %and3A_238, %add3A_240, %rem3A_226 : vector<16xi1>, vector<16xi32>
      %swap3A_242 = arith.index_cast %mul3A_171 : i32 to index
      %swap3A_243 = tpu.vector_load %arg9[%swap3A_242] {strides = array<i32>} : memref<1600xi32, #tpu.memory_space<vmem>>, vector<16xi32>,
      tpu.vector_store %arg9[%swap3A_242], %select_n3A_241 {strides = array<i32>} : memref<1600xi32, #tpu.memory_space<vmem>>, vector<16xi32>,
      %scan3A_244 = arith.constant 0 : i32
      %scan3A_245 = arith.constant 3 : i32
      %scan3A_246 = arith.addi %scan3A_28, %scan3A_245 : i32
      %mul3A_247 = arith.constant 16 : i32
      %mul3A_248 = arith.muli %scan3A_246, %mul3A_247 : i32
      %get3A_249 = arith.index_cast %mul3A_248 : i32 to index
      %get3A_250 = tpu.vector_load %arg7[%get3A_249] {strides = array<i32>} : memref<1600xi32, #tpu.memory_space<vmem>>, vector<16xi32>,
      %add3A_251 = vector.broadcast %mul3A_248 : i32 to vector<16xi32>
      %add3A_252 = arith.addi %add3A_251, %iota3A : vector<16xi32>
      %sub3A_253 = arith.constant 1 : i32
      %sub3A_254 = vector.broadcast %sub3A_253 : i32 to vector<16xi32>
      %sub3A_255 = arith.subi %add3A_252, %sub3A_254 : vector<16xi32>
      %max3A_256 = arith.constant 0 : i32
      %max3A_257 = vector.broadcast %max3A_256 : i32 to vector<16xi32>
      %max3A_258 = arith.maxsi %sub3A_255, %max3A_257 : vector<16xi32>
      %gather3A_259 = tpu.vector_load_idx %arg7[%max3A_258] : memref<1600xi32, #tpu.memory_space<vmem>>[vector<16xi32>], vector<16xi32>,
      %add3A_260 = vector.broadcast %mul3A_2 : i32 to vector<16xi32>
      %add3A_261 = arith.addi %add3A_260, %add3A_252 : vector<16xi32>
      %jit3A_262 = arith.constant 50 : i32
      %eq3A_263 = arith.constant 0 : i32
      %eq3A_264 = arith.cmpi eq, %jit3A_262, %eq3A_263 : i32
      %jit3A_265 = arith.constant 1 : i32
      %select_n3A_266 = arith.select %eq3A_264, %jit3A_265, %jit3A_262 : i32
      %rem3A_267 = vector.broadcast %select_n3A_266 : i32 to vector<16xi32>
      %rem3A_268 = arith.remsi %add3A_261, %rem3A_267 : vector<16xi32>
      %ne3A_269 = arith.constant 0 : i32
      %ne3A_270 = vector.broadcast %ne3A_269 : i32 to vector<16xi32>
      %ne3A_271 = arith.cmpi ne, %rem3A_268, %ne3A_270 : vector<16xi32>
      %lt3A_272 = arith.constant 0 : i32
      %lt3A_273 = vector.broadcast %lt3A_272 : i32 to vector<16xi32>
      %lt3A_274 = arith.cmpi slt, %rem3A_268, %lt3A_273 : vector<16xi32>
      %lt3A_275 = arith.constant 0 : i32
      %lt3A_276 = arith.cmpi slt, %select_n3A_266, %lt3A_275 : i32
      %ne3A_277 = vector.broadcast %lt3A_276 : i1 to vector<16xi1>
      %ne3A_278 = vector.broadcast %ne3A_277 : vector<16xi1> to vector<16xi1>
      %ne3A_279 = arith.xori %lt3A_274, %ne3A_278 : vector<16xi1>
      %and3A_280 = arith.andi %ne3A_279, %ne3A_271 : vector<16xi1>
      %add3A_281 = vector.broadcast %select_n3A_266 : i32 to vector<16xi32>
      %add3A_282 = arith.addi %rem3A_268, %add3A_281 : vector<16xi32>
      %select_n3A_283 = arith.select %and3A_280, %add3A_282, %rem3A_268 : vector<16xi1>, vector<16xi32>
      %eq3A_284 = arith.constant 0 : i32
      %eq3A_285 = vector.broadcast %eq3A_284 : i32 to vector<16xi32>
      %eq3A_286 = arith.cmpi eq, %select_n3A_283, %eq3A_285 : vector<16xi32>
      %jit3A_287 = arith.constant 0 : i32
      %broadcast_in_dim3A_288 = vector.broadcast %jit3A_287 : i32 to vector<16xi32>
      %select_n3A_289 = arith.select %eq3A_286, %broadcast_in_dim3A_288, %gather3A_259 : vector<16xi1>, vector<16xi32>
      %mul3A_290 = arith.constant 1000003 : i32
      %mul3A_291 = vector.broadcast %mul3A_290 : i32 to vector<16xi32>
      %mul3A_292 = arith.muli %select_n3A_289, %mul3A_291 : vector<16xi32>
      %mul3A_293 = arith.constant 92821 : i32
      %mul3A_294 = vector.broadcast %mul3A_293 : i32 to vector<16xi32>
      %mul3A_295 = arith.muli %get3A_250, %mul3A_294 : vector<16xi32>
      %xor3A_296 = arith.xori %mul3A_292, %mul3A_295 : vector<16xi32>
      %jit3A_297 = arith.constant 100000 : i32
      %eq3A_298 = arith.constant 0 : i32
      %eq3A_299 = arith.cmpi eq, %jit3A_297, %eq3A_298 : i32
      %jit3A_300 = arith.constant 1 : i32
      %select_n3A_301 = arith.select %eq3A_299, %jit3A_300, %jit3A_297 : i32
      %rem3A_302 = vector.broadcast %select_n3A_301 : i32 to vector<16xi32>
      %rem3A_303 = arith.remsi %xor3A_296, %rem3A_302 : vector<16xi32>
      %ne3A_304 = arith.constant 0 : i32
      %ne3A_305 = vector.broadcast %ne3A_304 : i32 to vector<16xi32>
      %ne3A_306 = arith.cmpi ne, %rem3A_303, %ne3A_305 : vector<16xi32>
      %lt3A_307 = arith.constant 0 : i32
      %lt3A_308 = vector.broadcast %lt3A_307 : i32 to vector<16xi32>
      %lt3A_309 = arith.cmpi slt, %rem3A_303, %lt3A_308 : vector<16xi32>
      %lt3A_310 = arith.constant 0 : i32
      %lt3A_311 = arith.cmpi slt, %select_n3A_301, %lt3A_310 : i32
      %ne3A_312 = vector.broadcast %lt3A_311 : i1 to vector<16xi1>
      %ne3A_313 = vector.broadcast %ne3A_312 : vector<16xi1> to vector<16xi1>
      %ne3A_314 = arith.xori %lt3A_309, %ne3A_313 : vector<16xi1>
      %and3A_315 = arith.andi %ne3A_314, %ne3A_306 : vector<16xi1>
      %add3A_316 = vector.broadcast %select_n3A_301 : i32 to vector<16xi32>
      %add3A_317 = arith.addi %rem3A_303, %add3A_316 : vector<16xi32>
      %select_n3A_318 = arith.select %and3A_315, %add3A_317, %rem3A_303 : vector<16xi1>, vector<16xi32>
      %swap3A_319 = arith.index_cast %mul3A_248 : i32 to index
      %swap3A_320 = tpu.vector_load %arg9[%swap3A_319] {strides = array<i32>} : memref<1600xi32, #tpu.memory_space<vmem>>, vector<16xi32>,
      tpu.vector_store %arg9[%swap3A_319], %select_n3A_318 {strides = array<i32>} : memref<1600xi32, #tpu.memory_space<vmem>>, vector<16xi32>,
      %scan3A_321 = arith.constant 0 : i32
      scf.yield %scan3A_321 : i32
    }
    %scan3A_8 = arith.constant 100 : i32
    %dma_start3A = arith.constant 0 : i32
    %dma_start3A_9 = arith.constant 0 : i32
    %dma_start3A_10 = arith.constant 0 : i32
    %dma_start3A_11 = arith.constant 0 : i32
    %dma_start3A_12 = tpu.memref_slice %arg10[%dma_start3A, %dma_start3A_9, %dma_start3A_10, %dma_start3A_11] : memref<2x32x8x128xf32, #tpu.memory_space<vmem>> -> memref<1x32x8x128xf32, #tpu.memory_space<vmem>>
    %dma_start3A_13 = tpu.memref_squeeze %dma_start3A_12 : memref<1x32x8x128xf32, #tpu.memory_space<vmem>> -> memref<32x8x128xf32, #tpu.memory_space<vmem>>
    %dma_start3A_14 = arith.constant 0 : i32
    %dma_start3A_15 = tpu.memref_slice %arg9[%dma_start3A_14] : memref<1600xi32, #tpu.memory_space<vmem>> -> memref<32xi32, #tpu.memory_space<vmem>>
    %dma_start3A_16 = arith.constant 0 : i32
    %dma_start3A_17 = arith.constant 0 : i32
    %dma_start3A_18 = arith.constant 0 : i32
    %dma_start3A_19 = tpu.memref_slice %arg4[%dma_start3A_16, %dma_start3A_17, %dma_start3A_18] : memref<100000x8x128xf32, #tpu.memory_space<hbm>> -> memref<100000x8x128xf32, #tpu.memory_space<hbm>>
    tpu.enqueue_indirect_dma source(%dma_start3A_19 : memref<100000x8x128xf32, #tpu.memory_space<hbm>>) target(%dma_start3A_13 : memref<32x8x128xf32, #tpu.memory_space<vmem>>) offsets(%dma_start3A_15 : memref<32xi32, #tpu.memory_space<vmem>>) semaphore(%arg13 : memref<!tpu.dma_semaphore, #tpu.memory_space<semaphore_mem>>)
    %scan3A_20 = arith.constant 0.0666666701 : f32
    %scan3A_21 = arith.constant 0 : i32
    %scan3A_22 = arith.constant 0 : i32
    %scan3A_23 = arith.constant 50 : i32
    %scan3A_24 = arith.addi %scan3A_22, %scan3A_23 : i32
    %scan3A_25 = arith.constant 1 : i32
    %scan3A_26 = scf.for %scan3A_28 = %scan3A_22 to %scan3A_24 step %scan3A_25 iter_args(%scan3A_29 = %scan3A_21) -> (i32)  : i32 {
      %rem3A = arith.constant 2 : i32
      %rem3A_30 = arith.remsi %scan3A_28, %rem3A : i32
      %add3A_31 = arith.constant 1 : i32
      %add3A_32 = arith.addi %scan3A_28, %add3A_31 : i32
      %lt3A = arith.constant 50 : i32
      %lt3A_33 = arith.cmpi slt, %add3A_32, %lt3A : i32
      %convert_element_type3A = arith.extui %lt3A_33 : i1 to i32
      %cond3A = arith.constant 0 : i32
      %cond3A_34 = arith.cmpi ne, %convert_element_type3A, %cond3A : i32
      scf.if %cond3A_34 {
        %add3A_128 = arith.constant 1 : i32
        %add3A_129 = arith.addi %scan3A_28, %add3A_128 : i32
        %sub3A_130 = arith.constant 1 : i32
        %sub3A_131 = arith.subi %sub3A_130, %rem3A_30 : i32
        %mul3A_132 = arith.constant 32 : i32
        %mul3A_133 = arith.muli %add3A_129, %mul3A_132 : i32
        %dma_start3A_134 = arith.constant 0 : i32
        %dma_start3A_135 = arith.constant 0 : i32
        %dma_start3A_136 = arith.constant 0 : i32
        %dma_start3A_137 = tpu.memref_slice %arg10[%sub3A_131, %dma_start3A_134, %dma_start3A_135, %dma_start3A_136] : memref<2x32x8x128xf32, #tpu.memory_space<vmem>> -> memref<1x32x8x128xf32, #tpu.memory_space<vmem>>
        %dma_start3A_138 = tpu.memref_squeeze %dma_start3A_137 : memref<1x32x8x128xf32, #tpu.memory_space<vmem>> -> memref<32x8x128xf32, #tpu.memory_space<vmem>>
        %dma_start3A_139 = tpu.memref_slice %arg9[%mul3A_133] : memref<1600xi32, #tpu.memory_space<vmem>> -> memref<32xi32, #tpu.memory_space<vmem>>
        %dma_start3A_140 = arith.constant 0 : i32
        %dma_start3A_141 = arith.constant 0 : i32
        %dma_start3A_142 = arith.constant 0 : i32
        %dma_start3A_143 = tpu.memref_slice %arg4[%dma_start3A_140, %dma_start3A_141, %dma_start3A_142] : memref<100000x8x128xf32, #tpu.memory_space<hbm>> -> memref<100000x8x128xf32, #tpu.memory_space<hbm>>
        tpu.enqueue_indirect_dma source(%dma_start3A_143 : memref<100000x8x128xf32, #tpu.memory_space<hbm>>) target(%dma_start3A_138 : memref<32x8x128xf32, #tpu.memory_space<vmem>>) offsets(%dma_start3A_139 : memref<32xi32, #tpu.memory_space<vmem>>) semaphore(%arg13 : memref<!tpu.dma_semaphore, #tpu.memory_space<semaphore_mem>>)
      } else {
      }
      %mul3A_35 = arith.constant 32 : i32
      %mul3A_36 = arith.muli %scan3A_28, %mul3A_35 : i32
      %dma_wait3A = arith.constant 0 : i32
      %dma_wait3A_37 = arith.constant 0 : i32
      %dma_wait3A_38 = arith.constant 0 : i32
      %dma_wait3A_39 = tpu.memref_slice %arg10[%rem3A_30, %dma_wait3A, %dma_wait3A_37, %dma_wait3A_38] : memref<2x32x8x128xf32, #tpu.memory_space<vmem>> -> memref<1x32x8x128xf32, #tpu.memory_space<vmem>>
      %dma_wait3A_40 = tpu.memref_squeeze %dma_wait3A_39 : memref<1x32x8x128xf32, #tpu.memory_space<vmem>> -> memref<32x8x128xf32, #tpu.memory_space<vmem>>
      %dma_wait3A_41 = tpu.memref_slice %arg9[%mul3A_36] : memref<1600xi32, #tpu.memory_space<vmem>> -> memref<32xi32, #tpu.memory_space<vmem>>
      %dma_wait3A_42 = arith.constant 0 : i32
      %dma_wait3A_43 = arith.constant 0 : i32
      %dma_wait3A_44 = arith.constant 0 : i32
      %dma_wait3A_45 = tpu.memref_slice %arg4[%dma_wait3A_42, %dma_wait3A_43, %dma_wait3A_44] : memref<100000x8x128xf32, #tpu.memory_space<hbm>> -> memref<100000x8x128xf32, #tpu.memory_space<hbm>>
      tpu.wait_indirect_dma semaphore(%arg13 : memref<!tpu.dma_semaphore, #tpu.memory_space<semaphore_mem>>) src(%dma_wait3A_45 : memref<100000x8x128xf32, #tpu.memory_space<hbm>>) dst(%dma_wait3A_40 : memref<32x8x128xf32, #tpu.memory_space<vmem>>)
      %add3A_46 = arith.constant 0 : i32
      %add3A_47 = vector.broadcast %add3A_46 : i32 to vector<16xi32>
      %add3A_48 = arith.addi %add3A_47, %iota3A : vector<16xi32>
      %mul3A_49 = arith.constant 32 : i32
      %mul3A_50 = arith.muli %scan3A_28, %mul3A_49 : i32
      %add3A_51 = arith.constant 0 : i32
      %add3A_52 = arith.addi %mul3A_50, %add3A_51 : i32
      %get3A = arith.index_cast %add3A_52 : i32 to index
      %get3A_53 = tpu.vector_load %arg8[%get3A] {strides = array<i32>} : memref<1600xi32, #tpu.memory_space<vmem>>, vector<16xi32>,
      %shift_right_arithmetic3A = arith.constant 7 : i32
      %shift_right_arithmetic3A_54 = vector.broadcast %shift_right_arithmetic3A : i32 to vector<16xi32>
      %shift_right_arithmetic3A_55 = arith.shrsi %get3A_53, %shift_right_arithmetic3A_54 : vector<16xi32>
      %and3A = arith.constant 127 : i32
      %and3A_56 = vector.broadcast %and3A : i32 to vector<16xi32>
      %and3A_57 = arith.andi %get3A_53, %and3A_56 : vector<16xi32>
      %gather3A = arith.constant 0 : i32
      %gather3A_58 = arith.constant 0 : i32
      %gather3A_59 = arith.constant 0 : i32
      %gather3A_60 = tpu.memref_slice %arg10[%rem3A_30, %gather3A, %gather3A_58, %gather3A_59] : memref<2x32x8x128xf32, #tpu.memory_space<vmem>> -> memref<1x32x8x128xf32, #tpu.memory_space<vmem>>
      %gather3A_61 = tpu.memref_squeeze %gather3A_60 : memref<1x32x8x128xf32, #tpu.memory_space<vmem>> -> memref<32x8x128xf32, #tpu.memory_space<vmem>>
      %gather3A_62 = tpu.vector_load_idx %gather3A_61[%add3A_48, %shift_right_arithmetic3A_55, %and3A_57] : memref<32x8x128xf32, #tpu.memory_space<vmem>>[vector<16xi32>, vector<16xi32>, vector<16xi32>], vector<16xf32>,
      %mul3A_63 = vector.broadcast %scan3A_20 : f32 to vector<16xf32>
      %mul3A_64 = arith.mulf %gather3A_62, %mul3A_63 : vector<16xf32>
      %exp3A = math.exp %mul3A_64 : vector<16xf32>
      %add3A_65 = arith.constant 1.000000e+00 : f32
      %add3A_66 = vector.broadcast %add3A_65 : f32 to vector<16xf32>
      %add3A_67 = arith.addf %exp3A, %add3A_66 : vector<16xf32>
      %div3A = arith.constant 6.000000e+01 : f32
      %div3A_68 = vector.broadcast %div3A : f32 to vector<16xf32>
      %div3A_69 = arith.divf %div3A_68, %add3A_67 : vector<16xf32>
      %sub3A = arith.constant 3.000000e+01 : f32
      %sub3A_70 = vector.broadcast %sub3A : f32 to vector<16xf32>
      %sub3A_71 = arith.subf %sub3A_70, %div3A_69 : vector<16xf32>
      %swap3A = arith.index_cast %add3A_52 : i32 to index
      %swap3A_72 = tpu.vector_load %arg12[%swap3A] {strides = array<i32>} : memref<1600xf32, #tpu.memory_space<vmem>>, vector<16xf32>,
      tpu.vector_store %arg12[%swap3A], %sub3A_71 {strides = array<i32>} : memref<1600xf32, #tpu.memory_space<vmem>>, vector<16xf32>,
      %broadcast_in_dim3A = arith.constant 0.000000e+00 : f32
      %broadcast_in_dim3A_73 = vector.broadcast %broadcast_in_dim3A : f32 to vector<16xf32>
      %scan3A_74 = arith.constant 0 : i32
      %scan3A_75 = arith.constant 16 : i32
      %scan3A_76 = arith.addi %scan3A_74, %scan3A_75 : i32
      %scan3A_77 = arith.constant 1 : i32
      %scan3A_78 = scf.for %scan3A_128 = %scan3A_74 to %scan3A_76 step %scan3A_77 iter_args(%scan3A_129 = %broadcast_in_dim3A_73) -> (vector<16xf32>)  : i32 {
        %add3A_130 = arith.constant 0 : i32
        %add3A_131 = arith.addi %add3A_130, %scan3A_128 : i32
        %broadcast_in_dim3A_132 = arith.constant 0.000000e+00 : f32
        %broadcast_in_dim3A_133 = vector.broadcast %broadcast_in_dim3A_132 : f32 to vector<16xf32>
        %get3A_134 = arith.constant 0 : i32
        %get3A_135 = arith.index_cast %rem3A_30 : i32 to index
        %get3A_136 = arith.index_cast %add3A_131 : i32 to index
        %get3A_137 = arith.index_cast %get3A_134 : i32 to index
        %get3A_138 = arith.constant 0 : index
        %get3A_139 = tpu.vector_load %arg10[%get3A_135, %get3A_136, %get3A_137, %get3A_138] {strides = array<i32>} : memref<2x32x8x128xf32, #tpu.memory_space<vmem>>, vector<16xf32>,
        %mul3A_140 = vector.broadcast %scan3A_20 : f32 to vector<16xf32>
        %mul3A_141 = arith.mulf %get3A_139, %mul3A_140 : vector<16xf32>
        %exp3A_142 = math.exp %mul3A_141 : vector<16xf32>
        %add3A_143 = arith.constant 1.000000e+00 : f32
        %add3A_144 = vector.broadcast %add3A_143 : f32 to vector<16xf32>
        %add3A_145 = arith.addf %exp3A_142, %add3A_144 : vector<16xf32>
        %div3A_146 = arith.constant 6.000000e+01 : f32
        %div3A_147 = vector.broadcast %div3A_146 : f32 to vector<16xf32>
        %div3A_148 = arith.divf %div3A_147, %add3A_145 : vector<16xf32>
        %sub3A_149 = arith.constant 3.000000e+01 : f32
        %sub3A_150 = vector.broadcast %sub3A_149 : f32 to vector<16xf32>
        %sub3A_151 = arith.subf %sub3A_150, %div3A_148 : vector<16xf32>
        %exp3A_152 = math.exp %sub3A_151 : vector<16xf32>
        %add3A_153 = arith.addf %broadcast_in_dim3A_133, %exp3A_152 : vector<16xf32>
        %get3A_154 = arith.constant 0 : i32
        %get3A_155 = arith.index_cast %rem3A_30 : i32 to index
        %get3A_156 = arith.index_cast %add3A_131 : i32 to index
        %get3A_157 = arith.index_cast %get3A_154 : i32 to index
        %get3A_158 = arith.constant 16 : index
        %get3A_159 = tpu.vector_load %arg10[%get3A_155, %get3A_156, %get3A_157, %get3A_158] {strides = array<i32>} : memref<2x32x8x128xf32, #tpu.memory_space<vmem>>, vector<16xf32>,
        %mul3A_160 = vector.broadcast %scan3A_20 : f32 to vector<16xf32>
        %mul3A_161 = arith.mulf %get3A_159, %mul3A_160 : vector<16xf32>
        %exp3A_162 = math.exp %mul3A_161 : vector<16xf32>
        %add3A_163 = arith.constant 1.000000e+00 : f32
        %add3A_164 = vector.broadcast %add3A_163 : f32 to vector<16xf32>
        %add3A_165 = arith.addf %exp3A_162, %add3A_164 : vector<16xf32>
        %div3A_166 = arith.constant 6.000000e+01 : f32
        %div3A_167 = vector.broadcast %div3A_166 : f32 to vector<16xf32>
        %div3A_168 = arith.divf %div3A_167, %add3A_165 : vector<16xf32>
        %sub3A_169 = arith.constant 3.000000e+01 : f32
        %sub3A_170 = vector.broadcast %sub3A_169 : f32 to vector<16xf32>
        %sub3A_171 = arith.subf %sub3A_170, %div3A_168 : vector<16xf32>
        %exp3A_172 = math.exp %sub3A_171 : vector<16xf32>
        %add3A_173 = arith.addf %add3A_153, %exp3A_172 : vector<16xf32>
        %get3A_174 = arith.constant 0 : i32
        %get3A_175 = arith.index_cast %rem3A_30 : i32 to index
        %get3A_176 = arith.index_cast %add3A_131 : i32 to index
        %get3A_177 = arith.index_cast %get3A_174 : i32 to index
        %get3A_178 = arith.constant 32 : index
        %get3A_179 = tpu.vector_load %arg10[%get3A_175, %get3A_176, %get3A_177, %get3A_178] {strides = array<i32>} : memref<2x32x8x128xf32, #tpu.memory_space<vmem>>, vector<16xf32>,
        %mul3A_180 = vector.broadcast %scan3A_20 : f32 to vector<16xf32>
        %mul3A_181 = arith.mulf %get3A_179, %mul3A_180 : vector<16xf32>
        %exp3A_182 = math.exp %mul3A_181 : vector<16xf32>
        %add3A_183 = arith.constant 1.000000e+00 : f32
        %add3A_184 = vector.broadcast %add3A_183 : f32 to vector<16xf32>
        %add3A_185 = arith.addf %exp3A_182, %add3A_184 : vector<16xf32>
        %div3A_186 = arith.constant 6.000000e+01 : f32
        %div3A_187 = vector.broadcast %div3A_186 : f32 to vector<16xf32>
        %div3A_188 = arith.divf %div3A_187, %add3A_185 : vector<16xf32>
        %sub3A_189 = arith.constant 3.000000e+01 : f32
        %sub3A_190 = vector.broadcast %sub3A_189 : f32 to vector<16xf32>
        %sub3A_191 = arith.subf %sub3A_190, %div3A_188 : vector<16xf32>
        %exp3A_192 = math.exp %sub3A_191 : vector<16xf32>
        %add3A_193 = arith.addf %add3A_173, %exp3A_192 : vector<16xf32>
        %get3A_194 = arith.constant 0 : i32
        %get3A_195 = arith.index_cast %rem3A_30 : i32 to index
        %get3A_196 = arith.index_cast %add3A_131 : i32 to index
        %get3A_197 = arith.index_cast %get3A_194 : i32 to index
        %get3A_198 = arith.constant 48 : index
        %get3A_199 = tpu.vector_load %arg10[%get3A_195, %get3A_196, %get3A_197, %get3A_198] {strides = array<i32>} : memref<2x32x8x128xf32, #tpu.memory_space<vmem>>, vector<16xf32>,
        %mul3A_200 = vector.broadcast %scan3A_20 : f32 to vector<16xf32>
        %mul3A_201 = arith.mulf %get3A_199, %mul3A_200 : vector<16xf32>
        %exp3A_202 = math.exp %mul3A_201 : vector<16xf32>
        %add3A_203 = arith.constant 1.000000e+00 : f32
        %add3A_204 = vector.broadcast %add3A_203 : f32 to vector<16xf32>
        %add3A_205 = arith.addf %exp3A_202, %add3A_204 : vector<16xf32>
        %div3A_206 = arith.constant 6.000000e+01 : f32
        %div3A_207 = vector.broadcast %div3A_206 : f32 to vector<16xf32>
        %div3A_208 = arith.divf %div3A_207, %add3A_205 : vector<16xf32>
        %sub3A_209 = arith.constant 3.000000e+01 : f32
        %sub3A_210 = vector.broadcast %sub3A_209 : f32 to vector<16xf32>
        %sub3A_211 = arith.subf %sub3A_210, %div3A_208 : vector<16xf32>
        %exp3A_212 = math.exp %sub3A_211 : vector<16xf32>
        %add3A_213 = arith.addf %add3A_193, %exp3A_212 : vector<16xf32>
        %get3A_214 = arith.constant 0 : i32
        %get3A_215 = arith.index_cast %rem3A_30 : i32 to index
        %get3A_216 = arith.index_cast %add3A_131 : i32 to index
        %get3A_217 = arith.index_cast %get3A_214 : i32 to index
        %get3A_218 = arith.constant 64 : index
        %get3A_219 = tpu.vector_load %arg10[%get3A_215, %get3A_216, %get3A_217, %get3A_218] {strides = array<i32>} : memref<2x32x8x128xf32, #tpu.memory_space<vmem>>, vector<16xf32>,
        %mul3A_220 = vector.broadcast %scan3A_20 : f32 to vector<16xf32>
        %mul3A_221 = arith.mulf %get3A_219, %mul3A_220 : vector<16xf32>
        %exp3A_222 = math.exp %mul3A_221 : vector<16xf32>
        %add3A_223 = arith.constant 1.000000e+00 : f32
        %add3A_224 = vector.broadcast %add3A_223 : f32 to vector<16xf32>
        %add3A_225 = arith.addf %exp3A_222, %add3A_224 : vector<16xf32>
        %div3A_226 = arith.constant 6.000000e+01 : f32
        %div3A_227 = vector.broadcast %div3A_226 : f32 to vector<16xf32>
        %div3A_228 = arith.divf %div3A_227, %add3A_225 : vector<16xf32>
        %sub3A_229 = arith.constant 3.000000e+01 : f32
        %sub3A_230 = vector.broadcast %sub3A_229 : f32 to vector<16xf32>
        %sub3A_231 = arith.subf %sub3A_230, %div3A_228 : vector<16xf32>
        %exp3A_232 = math.exp %sub3A_231 : vector<16xf32>
        %add3A_233 = arith.addf %add3A_213, %exp3A_232 : vector<16xf32>
        %get3A_234 = arith.constant 0 : i32
        %get3A_235 = arith.index_cast %rem3A_30 : i32 to index
        %get3A_236 = arith.index_cast %add3A_131 : i32 to index
        %get3A_237 = arith.index_cast %get3A_234 : i32 to index
        %get3A_238 = arith.constant 80 : index
        %get3A_239 = tpu.vector_load %arg10[%get3A_235, %get3A_236, %get3A_237, %get3A_238] {strides = array<i32>} : memref<2x32x8x128xf32, #tpu.memory_space<vmem>>, vector<16xf32>,
        %mul3A_240 = vector.broadcast %scan3A_20 : f32 to vector<16xf32>
        %mul3A_241 = arith.mulf %get3A_239, %mul3A_240 : vector<16xf32>
        %exp3A_242 = math.exp %mul3A_241 : vector<16xf32>
        %add3A_243 = arith.constant 1.000000e+00 : f32
        %add3A_244 = vector.broadcast %add3A_243 : f32 to vector<16xf32>
        %add3A_245 = arith.addf %exp3A_242, %add3A_244 : vector<16xf32>
        %div3A_246 = arith.constant 6.000000e+01 : f32
        %div3A_247 = vector.broadcast %div3A_246 : f32 to vector<16xf32>
        %div3A_248 = arith.divf %div3A_247, %add3A_245 : vector<16xf32>
        %sub3A_249 = arith.constant 3.000000e+01 : f32
        %sub3A_250 = vector.broadcast %sub3A_249 : f32 to vector<16xf32>
        %sub3A_251 = arith.subf %sub3A_250, %div3A_248 : vector<16xf32>
        %exp3A_252 = math.exp %sub3A_251 : vector<16xf32>
        %add3A_253 = arith.addf %add3A_233, %exp3A_252 : vector<16xf32>
        %get3A_254 = arith.constant 0 : i32
        %get3A_255 = arith.index_cast %rem3A_30 : i32 to index
        %get3A_256 = arith.index_cast %add3A_131 : i32 to index
        %get3A_257 = arith.index_cast %get3A_254 : i32 to index
        %get3A_258 = arith.constant 96 : index
        %get3A_259 = tpu.vector_load %arg10[%get3A_255, %get3A_256, %get3A_257, %get3A_258] {strides = array<i32>} : memref<2x32x8x128xf32, #tpu.memory_space<vmem>>, vector<16xf32>,
        %mul3A_260 = vector.broadcast %scan3A_20 : f32 to vector<16xf32>
        %mul3A_261 = arith.mulf %get3A_259, %mul3A_260 : vector<16xf32>
        %exp3A_262 = math.exp %mul3A_261 : vector<16xf32>
        %add3A_263 = arith.constant 1.000000e+00 : f32
        %add3A_264 = vector.broadcast %add3A_263 : f32 to vector<16xf32>
        %add3A_265 = arith.addf %exp3A_262, %add3A_264 : vector<16xf32>
        %div3A_266 = arith.constant 6.000000e+01 : f32
        %div3A_267 = vector.broadcast %div3A_266 : f32 to vector<16xf32>
        %div3A_268 = arith.divf %div3A_267, %add3A_265 : vector<16xf32>
        %sub3A_269 = arith.constant 3.000000e+01 : f32
        %sub3A_270 = vector.broadcast %sub3A_269 : f32 to vector<16xf32>
        %sub3A_271 = arith.subf %sub3A_270, %div3A_268 : vector<16xf32>
        %exp3A_272 = math.exp %sub3A_271 : vector<16xf32>
        %add3A_273 = arith.addf %add3A_253, %exp3A_272 : vector<16xf32>
        %get3A_274 = arith.constant 0 : i32
        %get3A_275 = arith.index_cast %rem3A_30 : i32 to index
        %get3A_276 = arith.index_cast %add3A_131 : i32 to index
        %get3A_277 = arith.index_cast %get3A_274 : i32 to index
        %get3A_278 = arith.constant 112 : index
        %get3A_279 = tpu.vector_load %arg10[%get3A_275, %get3A_276, %get3A_277, %get3A_278] {strides = array<i32>} : memref<2x32x8x128xf32, #tpu.memory_space<vmem>>, vector<16xf32>,
        %mul3A_280 = vector.broadcast %scan3A_20 : f32 to vector<16xf32>
        %mul3A_281 = arith.mulf %get3A_279, %mul3A_280 : vector<16xf32>
        %exp3A_282 = math.exp %mul3A_281 : vector<16xf32>
        %add3A_283 = arith.constant 1.000000e+00 : f32
        %add3A_284 = vector.broadcast %add3A_283 : f32 to vector<16xf32>
        %add3A_285 = arith.addf %exp3A_282, %add3A_284 : vector<16xf32>
        %div3A_286 = arith.constant 6.000000e+01 : f32
        %div3A_287 = vector.broadcast %div3A_286 : f32 to vector<16xf32>
        %div3A_288 = arith.divf %div3A_287, %add3A_285 : vector<16xf32>
        %sub3A_289 = arith.constant 3.000000e+01 : f32
        %sub3A_290 = vector.broadcast %sub3A_289 : f32 to vector<16xf32>
        %sub3A_291 = arith.subf %sub3A_290, %div3A_288 : vector<16xf32>
        %exp3A_292 = math.exp %sub3A_291 : vector<16xf32>
        %add3A_293 = arith.addf %add3A_273, %exp3A_292 : vector<16xf32>
        %get3A_294 = arith.constant 1 : i32
        %get3A_295 = arith.index_cast %rem3A_30 : i32 to index
        %get3A_296 = arith.index_cast %add3A_131 : i32 to index
        %get3A_297 = arith.index_cast %get3A_294 : i32 to index
        %get3A_298 = arith.constant 0 : index
        %get3A_299 = tpu.vector_load %arg10[%get3A_295, %get3A_296, %get3A_297, %get3A_298] {strides = array<i32>} : memref<2x32x8x128xf32, #tpu.memory_space<vmem>>, vector<16xf32>,
        %mul3A_300 = vector.broadcast %scan3A_20 : f32 to vector<16xf32>
        %mul3A_301 = arith.mulf %get3A_299, %mul3A_300 : vector<16xf32>
        %exp3A_302 = math.exp %mul3A_301 : vector<16xf32>
        %add3A_303 = arith.constant 1.000000e+00 : f32
        %add3A_304 = vector.broadcast %add3A_303 : f32 to vector<16xf32>
        %add3A_305 = arith.addf %exp3A_302, %add3A_304 : vector<16xf32>
        %div3A_306 = arith.constant 6.000000e+01 : f32
        %div3A_307 = vector.broadcast %div3A_306 : f32 to vector<16xf32>
        %div3A_308 = arith.divf %div3A_307, %add3A_305 : vector<16xf32>
        %sub3A_309 = arith.constant 3.000000e+01 : f32
        %sub3A_310 = vector.broadcast %sub3A_309 : f32 to vector<16xf32>
        %sub3A_311 = arith.subf %sub3A_310, %div3A_308 : vector<16xf32>
        %exp3A_312 = math.exp %sub3A_311 : vector<16xf32>
        %add3A_313 = arith.addf %add3A_293, %exp3A_312 : vector<16xf32>
        %get3A_314 = arith.constant 1 : i32
        %get3A_315 = arith.index_cast %rem3A_30 : i32 to index
        %get3A_316 = arith.index_cast %add3A_131 : i32 to index
        %get3A_317 = arith.index_cast %get3A_314 : i32 to index
        %get3A_318 = arith.constant 16 : index
        %get3A_319 = tpu.vector_load %arg10[%get3A_315, %get3A_316, %get3A_317, %get3A_318] {strides = array<i32>} : memref<2x32x8x128xf32, #tpu.memory_space<vmem>>, vector<16xf32>,
        %mul3A_320 = vector.broadcast %scan3A_20 : f32 to vector<16xf32>
        %mul3A_321 = arith.mulf %get3A_319, %mul3A_320 : vector<16xf32>
        %exp3A_322 = math.exp %mul3A_321 : vector<16xf32>
        %add3A_323 = arith.constant 1.000000e+00 : f32
        %add3A_324 = vector.broadcast %add3A_323 : f32 to vector<16xf32>
        %add3A_325 = arith.addf %exp3A_322, %add3A_324 : vector<16xf32>
        %div3A_326 = arith.constant 6.000000e+01 : f32
        %div3A_327 = vector.broadcast %div3A_326 : f32 to vector<16xf32>
        %div3A_328 = arith.divf %div3A_327, %add3A_325 : vector<16xf32>
        %sub3A_329 = arith.constant 3.000000e+01 : f32
        %sub3A_330 = vector.broadcast %sub3A_329 : f32 to vector<16xf32>
        %sub3A_331 = arith.subf %sub3A_330, %div3A_328 : vector<16xf32>
        %exp3A_332 = math.exp %sub3A_331 : vector<16xf32>
        %add3A_333 = arith.addf %add3A_313, %exp3A_332 : vector<16xf32>
        %get3A_334 = arith.constant 1 : i32
        %get3A_335 = arith.index_cast %rem3A_30 : i32 to index
        %get3A_336 = arith.index_cast %add3A_131 : i32 to index
        %get3A_337 = arith.index_cast %get3A_334 : i32 to index
        %get3A_338 = arith.constant 32 : index
        %get3A_339 = tpu.vector_load %arg10[%get3A_335, %get3A_336, %get3A_337, %get3A_338] {strides = array<i32>} : memref<2x32x8x128xf32, #tpu.memory_space<vmem>>, vector<16xf32>,
        %mul3A_340 = vector.broadcast %scan3A_20 : f32 to vector<16xf32>
        %mul3A_341 = arith.mulf %get3A_339, %mul3A_340 : vector<16xf32>
        %exp3A_342 = math.exp %mul3A_341 : vector<16xf32>
        %add3A_343 = arith.constant 1.000000e+00 : f32
        %add3A_344 = vector.broadcast %add3A_343 : f32 to vector<16xf32>
        %add3A_345 = arith.addf %exp3A_342, %add3A_344 : vector<16xf32>
        %div3A_346 = arith.constant 6.000000e+01 : f32
        %div3A_347 = vector.broadcast %div3A_346 : f32 to vector<16xf32>
        %div3A_348 = arith.divf %div3A_347, %add3A_345 : vector<16xf32>
        %sub3A_349 = arith.constant 3.000000e+01 : f32
        %sub3A_350 = vector.broadcast %sub3A_349 : f32 to vector<16xf32>
        %sub3A_351 = arith.subf %sub3A_350, %div3A_348 : vector<16xf32>
        %exp3A_352 = math.exp %sub3A_351 : vector<16xf32>
        %add3A_353 = arith.addf %add3A_333, %exp3A_352 : vector<16xf32>
        %get3A_354 = arith.constant 1 : i32
        %get3A_355 = arith.index_cast %rem3A_30 : i32 to index
        %get3A_356 = arith.index_cast %add3A_131 : i32 to index
        %get3A_357 = arith.index_cast %get3A_354 : i32 to index
        %get3A_358 = arith.constant 48 : index
        %get3A_359 = tpu.vector_load %arg10[%get3A_355, %get3A_356, %get3A_357, %get3A_358] {strides = array<i32>} : memref<2x32x8x128xf32, #tpu.memory_space<vmem>>, vector<16xf32>,
        %mul3A_360 = vector.broadcast %scan3A_20 : f32 to vector<16xf32>
        %mul3A_361 = arith.mulf %get3A_359, %mul3A_360 : vector<16xf32>
        %exp3A_362 = math.exp %mul3A_361 : vector<16xf32>
        %add3A_363 = arith.constant 1.000000e+00 : f32
        %add3A_364 = vector.broadcast %add3A_363 : f32 to vector<16xf32>
        %add3A_365 = arith.addf %exp3A_362, %add3A_364 : vector<16xf32>
        %div3A_366 = arith.constant 6.000000e+01 : f32
        %div3A_367 = vector.broadcast %div3A_366 : f32 to vector<16xf32>
        %div3A_368 = arith.divf %div3A_367, %add3A_365 : vector<16xf32>
        %sub3A_369 = arith.constant 3.000000e+01 : f32
        %sub3A_370 = vector.broadcast %sub3A_369 : f32 to vector<16xf32>
        %sub3A_371 = arith.subf %sub3A_370, %div3A_368 : vector<16xf32>
        %exp3A_372 = math.exp %sub3A_371 : vector<16xf32>
        %add3A_373 = arith.addf %add3A_353, %exp3A_372 : vector<16xf32>
        %get3A_374 = arith.constant 1 : i32
        %get3A_375 = arith.index_cast %rem3A_30 : i32 to index
        %get3A_376 = arith.index_cast %add3A_131 : i32 to index
        %get3A_377 = arith.index_cast %get3A_374 : i32 to index
        %get3A_378 = arith.constant 64 : index
        %get3A_379 = tpu.vector_load %arg10[%get3A_375, %get3A_376, %get3A_377, %get3A_378] {strides = array<i32>} : memref<2x32x8x128xf32, #tpu.memory_space<vmem>>, vector<16xf32>,
        %mul3A_380 = vector.broadcast %scan3A_20 : f32 to vector<16xf32>
        %mul3A_381 = arith.mulf %get3A_379, %mul3A_380 : vector<16xf32>
        %exp3A_382 = math.exp %mul3A_381 : vector<16xf32>
        %add3A_383 = arith.constant 1.000000e+00 : f32
        %add3A_384 = vector.broadcast %add3A_383 : f32 to vector<16xf32>
        %add3A_385 = arith.addf %exp3A_382, %add3A_384 : vector<16xf32>
        %div3A_386 = arith.constant 6.000000e+01 : f32
        %div3A_387 = vector.broadcast %div3A_386 : f32 to vector<16xf32>
        %div3A_388 = arith.divf %div3A_387, %add3A_385 : vector<16xf32>
        %sub3A_389 = arith.constant 3.000000e+01 : f32
        %sub3A_390 = vector.broadcast %sub3A_389 : f32 to vector<16xf32>
        %sub3A_391 = arith.subf %sub3A_390, %div3A_388 : vector<16xf32>
        %exp3A_392 = math.exp %sub3A_391 : vector<16xf32>
        %add3A_393 = arith.addf %add3A_373, %exp3A_392 : vector<16xf32>
        %get3A_394 = arith.constant 1 : i32
        %get3A_395 = arith.index_cast %rem3A_30 : i32 to index
        %get3A_396 = arith.index_cast %add3A_131 : i32 to index
        %get3A_397 = arith.index_cast %get3A_394 : i32 to index
        %get3A_398 = arith.constant 80 : index
        %get3A_399 = tpu.vector_load %arg10[%get3A_395, %get3A_396, %get3A_397, %get3A_398] {strides = array<i32>} : memref<2x32x8x128xf32, #tpu.memory_space<vmem>>, vector<16xf32>,
        %mul3A_400 = vector.broadcast %scan3A_20 : f32 to vector<16xf32>
        %mul3A_401 = arith.mulf %get3A_399, %mul3A_400 : vector<16xf32>
        %exp3A_402 = math.exp %mul3A_401 : vector<16xf32>
        %add3A_403 = arith.constant 1.000000e+00 : f32
        %add3A_404 = vector.broadcast %add3A_403 : f32 to vector<16xf32>
        %add3A_405 = arith.addf %exp3A_402, %add3A_404 : vector<16xf32>
        %div3A_406 = arith.constant 6.000000e+01 : f32
        %div3A_407 = vector.broadcast %div3A_406 : f32 to vector<16xf32>
        %div3A_408 = arith.divf %div3A_407, %add3A_405 : vector<16xf32>
        %sub3A_409 = arith.constant 3.000000e+01 : f32
        %sub3A_410 = vector.broadcast %sub3A_409 : f32 to vector<16xf32>
        %sub3A_411 = arith.subf %sub3A_410, %div3A_408 : vector<16xf32>
        %exp3A_412 = math.exp %sub3A_411 : vector<16xf32>
        %add3A_413 = arith.addf %add3A_393, %exp3A_412 : vector<16xf32>
        %get3A_414 = arith.constant 1 : i32
        %get3A_415 = arith.index_cast %rem3A_30 : i32 to index
        %get3A_416 = arith.index_cast %add3A_131 : i32 to index
        %get3A_417 = arith.index_cast %get3A_414 : i32 to index
        %get3A_418 = arith.constant 96 : index
        %get3A_419 = tpu.vector_load %arg10[%get3A_415, %get3A_416, %get3A_417, %get3A_418] {strides = array<i32>} : memref<2x32x8x128xf32, #tpu.memory_space<vmem>>, vector<16xf32>,
        %mul3A_420 = vector.broadcast %scan3A_20 : f32 to vector<16xf32>
        %mul3A_421 = arith.mulf %get3A_419, %mul3A_420 : vector<16xf32>
        %exp3A_422 = math.exp %mul3A_421 : vector<16xf32>
        %add3A_423 = arith.constant 1.000000e+00 : f32
        %add3A_424 = vector.broadcast %add3A_423 : f32 to vector<16xf32>
        %add3A_425 = arith.addf %exp3A_422, %add3A_424 : vector<16xf32>
        %div3A_426 = arith.constant 6.000000e+01 : f32
        %div3A_427 = vector.broadcast %div3A_426 : f32 to vector<16xf32>
        %div3A_428 = arith.divf %div3A_427, %add3A_425 : vector<16xf32>
        %sub3A_429 = arith.constant 3.000000e+01 : f32
        %sub3A_430 = vector.broadcast %sub3A_429 : f32 to vector<16xf32>
        %sub3A_431 = arith.subf %sub3A_430, %div3A_428 : vector<16xf32>
        %exp3A_432 = math.exp %sub3A_431 : vector<16xf32>
        %add3A_433 = arith.addf %add3A_413, %exp3A_432 : vector<16xf32>
        %get3A_434 = arith.constant 1 : i32
        %get3A_435 = arith.index_cast %rem3A_30 : i32 to index
        %get3A_436 = arith.index_cast %add3A_131 : i32 to index
        %get3A_437 = arith.index_cast %get3A_434 : i32 to index
        %get3A_438 = arith.constant 112 : index
        %get3A_439 = tpu.vector_load %arg10[%get3A_435, %get3A_436, %get3A_437, %get3A_438] {strides = array<i32>} : memref<2x32x8x128xf32, #tpu.memory_space<vmem>>, vector<16xf32>,
        %mul3A_440 = vector.broadcast %scan3A_20 : f32 to vector<16xf32>
        %mul3A_441 = arith.mulf %get3A_439, %mul3A_440 : vector<16xf32>
        %exp3A_442 = math.exp %mul3A_441 : vector<16xf32>
        %add3A_443 = arith.constant 1.000000e+00 : f32
        %add3A_444 = vector.broadcast %add3A_443 : f32 to vector<16xf32>
        %add3A_445 = arith.addf %exp3A_442, %add3A_444 : vector<16xf32>
        %div3A_446 = arith.constant 6.000000e+01 : f32
        %div3A_447 = vector.broadcast %div3A_446 : f32 to vector<16xf32>
        %div3A_448 = arith.divf %div3A_447, %add3A_445 : vector<16xf32>
        %sub3A_449 = arith.constant 3.000000e+01 : f32
        %sub3A_450 = vector.broadcast %sub3A_449 : f32 to vector<16xf32>
        %sub3A_451 = arith.subf %sub3A_450, %div3A_448 : vector<16xf32>
        %exp3A_452 = math.exp %sub3A_451 : vector<16xf32>
        %add3A_453 = arith.addf %add3A_433, %exp3A_452 : vector<16xf32>
        %get3A_454 = arith.constant 2 : i32
        %get3A_455 = arith.index_cast %rem3A_30 : i32 to index
        %get3A_456 = arith.index_cast %add3A_131 : i32 to index
        %get3A_457 = arith.index_cast %get3A_454 : i32 to index
        %get3A_458 = arith.constant 0 : index
        %get3A_459 = tpu.vector_load %arg10[%get3A_455, %get3A_456, %get3A_457, %get3A_458] {strides = array<i32>} : memref<2x32x8x128xf32, #tpu.memory_space<vmem>>, vector<16xf32>,
        %mul3A_460 = vector.broadcast %scan3A_20 : f32 to vector<16xf32>
        %mul3A_461 = arith.mulf %get3A_459, %mul3A_460 : vector<16xf32>
        %exp3A_462 = math.exp %mul3A_461 : vector<16xf32>
        %add3A_463 = arith.constant 1.000000e+00 : f32
        %add3A_464 = vector.broadcast %add3A_463 : f32 to vector<16xf32>
        %add3A_465 = arith.addf %exp3A_462, %add3A_464 : vector<16xf32>
        %div3A_466 = arith.constant 6.000000e+01 : f32
        %div3A_467 = vector.broadcast %div3A_466 : f32 to vector<16xf32>
        %div3A_468 = arith.divf %div3A_467, %add3A_465 : vector<16xf32>
        %sub3A_469 = arith.constant 3.000000e+01 : f32
        %sub3A_470 = vector.broadcast %sub3A_469 : f32 to vector<16xf32>
        %sub3A_471 = arith.subf %sub3A_470, %div3A_468 : vector<16xf32>
        %exp3A_472 = math.exp %sub3A_471 : vector<16xf32>
        %add3A_473 = arith.addf %add3A_453, %exp3A_472 : vector<16xf32>
        %get3A_474 = arith.constant 2 : i32
        %get3A_475 = arith.index_cast %rem3A_30 : i32 to index
        %get3A_476 = arith.index_cast %add3A_131 : i32 to index
        %get3A_477 = arith.index_cast %get3A_474 : i32 to index
        %get3A_478 = arith.constant 16 : index
        %get3A_479 = tpu.vector_load %arg10[%get3A_475, %get3A_476, %get3A_477, %get3A_478] {strides = array<i32>} : memref<2x32x8x128xf32, #tpu.memory_space<vmem>>, vector<16xf32>,
        %mul3A_480 = vector.broadcast %scan3A_20 : f32 to vector<16xf32>
        %mul3A_481 = arith.mulf %get3A_479, %mul3A_480 : vector<16xf32>
        %exp3A_482 = math.exp %mul3A_481 : vector<16xf32>
        %add3A_483 = arith.constant 1.000000e+00 : f32
        %add3A_484 = vector.broadcast %add3A_483 : f32 to vector<16xf32>
        %add3A_485 = arith.addf %exp3A_482, %add3A_484 : vector<16xf32>
        %div3A_486 = arith.constant 6.000000e+01 : f32
        %div3A_487 = vector.broadcast %div3A_486 : f32 to vector<16xf32>
        %div3A_488 = arith.divf %div3A_487, %add3A_485 : vector<16xf32>
        %sub3A_489 = arith.constant 3.000000e+01 : f32
        %sub3A_490 = vector.broadcast %sub3A_489 : f32 to vector<16xf32>
        %sub3A_491 = arith.subf %sub3A_490, %div3A_488 : vector<16xf32>
        %exp3A_492 = math.exp %sub3A_491 : vector<16xf32>
        %add3A_493 = arith.addf %add3A_473, %exp3A_492 : vector<16xf32>
        %get3A_494 = arith.constant 2 : i32
        %get3A_495 = arith.index_cast %rem3A_30 : i32 to index
        %get3A_496 = arith.index_cast %add3A_131 : i32 to index
        %get3A_497 = arith.index_cast %get3A_494 : i32 to index
        %get3A_498 = arith.constant 32 : index
        %get3A_499 = tpu.vector_load %arg10[%get3A_495, %get3A_496, %get3A_497, %get3A_498] {strides = array<i32>} : memref<2x32x8x128xf32, #tpu.memory_space<vmem>>, vector<16xf32>,
        %mul3A_500 = vector.broadcast %scan3A_20 : f32 to vector<16xf32>
        %mul3A_501 = arith.mulf %get3A_499, %mul3A_500 : vector<16xf32>
        %exp3A_502 = math.exp %mul3A_501 : vector<16xf32>
        %add3A_503 = arith.constant 1.000000e+00 : f32
        %add3A_504 = vector.broadcast %add3A_503 : f32 to vector<16xf32>
        %add3A_505 = arith.addf %exp3A_502, %add3A_504 : vector<16xf32>
        %div3A_506 = arith.constant 6.000000e+01 : f32
        %div3A_507 = vector.broadcast %div3A_506 : f32 to vector<16xf32>
        %div3A_508 = arith.divf %div3A_507, %add3A_505 : vector<16xf32>
        %sub3A_509 = arith.constant 3.000000e+01 : f32
        %sub3A_510 = vector.broadcast %sub3A_509 : f32 to vector<16xf32>
        %sub3A_511 = arith.subf %sub3A_510, %div3A_508 : vector<16xf32>
        %exp3A_512 = math.exp %sub3A_511 : vector<16xf32>
        %add3A_513 = arith.addf %add3A_493, %exp3A_512 : vector<16xf32>
        %get3A_514 = arith.constant 2 : i32
        %get3A_515 = arith.index_cast %rem3A_30 : i32 to index
        %get3A_516 = arith.index_cast %add3A_131 : i32 to index
        %get3A_517 = arith.index_cast %get3A_514 : i32 to index
        %get3A_518 = arith.constant 48 : index
        %get3A_519 = tpu.vector_load %arg10[%get3A_515, %get3A_516, %get3A_517, %get3A_518] {strides = array<i32>} : memref<2x32x8x128xf32, #tpu.memory_space<vmem>>, vector<16xf32>,
        %mul3A_520 = vector.broadcast %scan3A_20 : f32 to vector<16xf32>
        %mul3A_521 = arith.mulf %get3A_519, %mul3A_520 : vector<16xf32>
        %exp3A_522 = math.exp %mul3A_521 : vector<16xf32>
        %add3A_523 = arith.constant 1.000000e+00 : f32
        %add3A_524 = vector.broadcast %add3A_523 : f32 to vector<16xf32>
        %add3A_525 = arith.addf %exp3A_522, %add3A_524 : vector<16xf32>
        %div3A_526 = arith.constant 6.000000e+01 : f32
        %div3A_527 = vector.broadcast %div3A_526 : f32 to vector<16xf32>
        %div3A_528 = arith.divf %div3A_527, %add3A_525 : vector<16xf32>
        %sub3A_529 = arith.constant 3.000000e+01 : f32
        %sub3A_530 = vector.broadcast %sub3A_529 : f32 to vector<16xf32>
        %sub3A_531 = arith.subf %sub3A_530, %div3A_528 : vector<16xf32>
        %exp3A_532 = math.exp %sub3A_531 : vector<16xf32>
        %add3A_533 = arith.addf %add3A_513, %exp3A_532 : vector<16xf32>
        %get3A_534 = arith.constant 2 : i32
        %get3A_535 = arith.index_cast %rem3A_30 : i32 to index
        %get3A_536 = arith.index_cast %add3A_131 : i32 to index
        %get3A_537 = arith.index_cast %get3A_534 : i32 to index
        %get3A_538 = arith.constant 64 : index
        %get3A_539 = tpu.vector_load %arg10[%get3A_535, %get3A_536, %get3A_537, %get3A_538] {strides = array<i32>} : memref<2x32x8x128xf32, #tpu.memory_space<vmem>>, vector<16xf32>,
        %mul3A_540 = vector.broadcast %scan3A_20 : f32 to vector<16xf32>
        %mul3A_541 = arith.mulf %get3A_539, %mul3A_540 : vector<16xf32>
        %exp3A_542 = math.exp %mul3A_541 : vector<16xf32>
        %add3A_543 = arith.constant 1.000000e+00 : f32
        %add3A_544 = vector.broadcast %add3A_543 : f32 to vector<16xf32>
        %add3A_545 = arith.addf %exp3A_542, %add3A_544 : vector<16xf32>
        %div3A_546 = arith.constant 6.000000e+01 : f32
        %div3A_547 = vector.broadcast %div3A_546 : f32 to vector<16xf32>
        %div3A_548 = arith.divf %div3A_547, %add3A_545 : vector<16xf32>
        %sub3A_549 = arith.constant 3.000000e+01 : f32
        %sub3A_550 = vector.broadcast %sub3A_549 : f32 to vector<16xf32>
        %sub3A_551 = arith.subf %sub3A_550, %div3A_548 : vector<16xf32>
        %exp3A_552 = math.exp %sub3A_551 : vector<16xf32>
        %add3A_553 = arith.addf %add3A_533, %exp3A_552 : vector<16xf32>
        %get3A_554 = arith.constant 2 : i32
        %get3A_555 = arith.index_cast %rem3A_30 : i32 to index
        %get3A_556 = arith.index_cast %add3A_131 : i32 to index
        %get3A_557 = arith.index_cast %get3A_554 : i32 to index
        %get3A_558 = arith.constant 80 : index
        %get3A_559 = tpu.vector_load %arg10[%get3A_555, %get3A_556, %get3A_557, %get3A_558] {strides = array<i32>} : memref<2x32x8x128xf32, #tpu.memory_space<vmem>>, vector<16xf32>,
        %mul3A_560 = vector.broadcast %scan3A_20 : f32 to vector<16xf32>
        %mul3A_561 = arith.mulf %get3A_559, %mul3A_560 : vector<16xf32>
        %exp3A_562 = math.exp %mul3A_561 : vector<16xf32>
        %add3A_563 = arith.constant 1.000000e+00 : f32
        %add3A_564 = vector.broadcast %add3A_563 : f32 to vector<16xf32>
        %add3A_565 = arith.addf %exp3A_562, %add3A_564 : vector<16xf32>
        %div3A_566 = arith.constant 6.000000e+01 : f32
        %div3A_567 = vector.broadcast %div3A_566 : f32 to vector<16xf32>
        %div3A_568 = arith.divf %div3A_567, %add3A_565 : vector<16xf32>
        %sub3A_569 = arith.constant 3.000000e+01 : f32
        %sub3A_570 = vector.broadcast %sub3A_569 : f32 to vector<16xf32>
        %sub3A_571 = arith.subf %sub3A_570, %div3A_568 : vector<16xf32>
        %exp3A_572 = math.exp %sub3A_571 : vector<16xf32>
        %add3A_573 = arith.addf %add3A_553, %exp3A_572 : vector<16xf32>
        %get3A_574 = arith.constant 2 : i32
        %get3A_575 = arith.index_cast %rem3A_30 : i32 to index
        %get3A_576 = arith.index_cast %add3A_131 : i32 to index
        %get3A_577 = arith.index_cast %get3A_574 : i32 to index
        %get3A_578 = arith.constant 96 : index
        %get3A_579 = tpu.vector_load %arg10[%get3A_575, %get3A_576, %get3A_577, %get3A_578] {strides = array<i32>} : memref<2x32x8x128xf32, #tpu.memory_space<vmem>>, vector<16xf32>,
        %mul3A_580 = vector.broadcast %scan3A_20 : f32 to vector<16xf32>
        %mul3A_581 = arith.mulf %get3A_579, %mul3A_580 : vector<16xf32>
        %exp3A_582 = math.exp %mul3A_581 : vector<16xf32>
        %add3A_583 = arith.constant 1.000000e+00 : f32
        %add3A_584 = vector.broadcast %add3A_583 : f32 to vector<16xf32>
        %add3A_585 = arith.addf %exp3A_582, %add3A_584 : vector<16xf32>
        %div3A_586 = arith.constant 6.000000e+01 : f32
        %div3A_587 = vector.broadcast %div3A_586 : f32 to vector<16xf32>
        %div3A_588 = arith.divf %div3A_587, %add3A_585 : vector<16xf32>
        %sub3A_589 = arith.constant 3.000000e+01 : f32
        %sub3A_590 = vector.broadcast %sub3A_589 : f32 to vector<16xf32>
        %sub3A_591 = arith.subf %sub3A_590, %div3A_588 : vector<16xf32>
        %exp3A_592 = math.exp %sub3A_591 : vector<16xf32>
        %add3A_593 = arith.addf %add3A_573, %exp3A_592 : vector<16xf32>
        %get3A_594 = arith.constant 2 : i32
        %get3A_595 = arith.index_cast %rem3A_30 : i32 to index
        %get3A_596 = arith.index_cast %add3A_131 : i32 to index
        %get3A_597 = arith.index_cast %get3A_594 : i32 to index
        %get3A_598 = arith.constant 112 : index
        %get3A_599 = tpu.vector_load %arg10[%get3A_595, %get3A_596, %get3A_597, %get3A_598] {strides = array<i32>} : memref<2x32x8x128xf32, #tpu.memory_space<vmem>>, vector<16xf32>,
        %mul3A_600 = vector.broadcast %scan3A_20 : f32 to vector<16xf32>
        %mul3A_601 = arith.mulf %get3A_599, %mul3A_600 : vector<16xf32>
        %exp3A_602 = math.exp %mul3A_601 : vector<16xf32>
        %add3A_603 = arith.constant 1.000000e+00 : f32
        %add3A_604 = vector.broadcast %add3A_603 : f32 to vector<16xf32>
        %add3A_605 = arith.addf %exp3A_602, %add3A_604 : vector<16xf32>
        %div3A_606 = arith.constant 6.000000e+01 : f32
        %div3A_607 = vector.broadcast %div3A_606 : f32 to vector<16xf32>
        %div3A_608 = arith.divf %div3A_607, %add3A_605 : vector<16xf32>
        %sub3A_609 = arith.constant 3.000000e+01 : f32
        %sub3A_610 = vector.broadcast %sub3A_609 : f32 to vector<16xf32>
        %sub3A_611 = arith.subf %sub3A_610, %div3A_608 : vector<16xf32>
        %exp3A_612 = math.exp %sub3A_611 : vector<16xf32>
        %add3A_613 = arith.addf %add3A_593, %exp3A_612 : vector<16xf32>
        %get3A_614 = arith.constant 3 : i32
        %get3A_615 = arith.index_cast %rem3A_30 : i32 to index
        %get3A_616 = arith.index_cast %add3A_131 : i32 to index
        %get3A_617 = arith.index_cast %get3A_614 : i32 to index
        %get3A_618 = arith.constant 0 : index
        %get3A_619 = tpu.vector_load %arg10[%get3A_615, %get3A_616, %get3A_617, %get3A_618] {strides = array<i32>} : memref<2x32x8x128xf32, #tpu.memory_space<vmem>>, vector<16xf32>,
        %mul3A_620 = vector.broadcast %scan3A_20 : f32 to vector<16xf32>
        %mul3A_621 = arith.mulf %get3A_619, %mul3A_620 : vector<16xf32>
        %exp3A_622 = math.exp %mul3A_621 : vector<16xf32>
        %add3A_623 = arith.constant 1.000000e+00 : f32
        %add3A_624 = vector.broadcast %add3A_623 : f32 to vector<16xf32>
        %add3A_625 = arith.addf %exp3A_622, %add3A_624 : vector<16xf32>
        %div3A_626 = arith.constant 6.000000e+01 : f32
        %div3A_627 = vector.broadcast %div3A_626 : f32 to vector<16xf32>
        %div3A_628 = arith.divf %div3A_627, %add3A_625 : vector<16xf32>
        %sub3A_629 = arith.constant 3.000000e+01 : f32
        %sub3A_630 = vector.broadcast %sub3A_629 : f32 to vector<16xf32>
        %sub3A_631 = arith.subf %sub3A_630, %div3A_628 : vector<16xf32>
        %exp3A_632 = math.exp %sub3A_631 : vector<16xf32>
        %add3A_633 = arith.addf %add3A_613, %exp3A_632 : vector<16xf32>
        %get3A_634 = arith.constant 3 : i32
        %get3A_635 = arith.index_cast %rem3A_30 : i32 to index
        %get3A_636 = arith.index_cast %add3A_131 : i32 to index
        %get3A_637 = arith.index_cast %get3A_634 : i32 to index
        %get3A_638 = arith.constant 16 : index
        %get3A_639 = tpu.vector_load %arg10[%get3A_635, %get3A_636, %get3A_637, %get3A_638] {strides = array<i32>} : memref<2x32x8x128xf32, #tpu.memory_space<vmem>>, vector<16xf32>,
        %mul3A_640 = vector.broadcast %scan3A_20 : f32 to vector<16xf32>
        %mul3A_641 = arith.mulf %get3A_639, %mul3A_640 : vector<16xf32>
        %exp3A_642 = math.exp %mul3A_641 : vector<16xf32>
        %add3A_643 = arith.constant 1.000000e+00 : f32
        %add3A_644 = vector.broadcast %add3A_643 : f32 to vector<16xf32>
        %add3A_645 = arith.addf %exp3A_642, %add3A_644 : vector<16xf32>
        %div3A_646 = arith.constant 6.000000e+01 : f32
        %div3A_647 = vector.broadcast %div3A_646 : f32 to vector<16xf32>
        %div3A_648 = arith.divf %div3A_647, %add3A_645 : vector<16xf32>
        %sub3A_649 = arith.constant 3.000000e+01 : f32
        %sub3A_650 = vector.broadcast %sub3A_649 : f32 to vector<16xf32>
        %sub3A_651 = arith.subf %sub3A_650, %div3A_648 : vector<16xf32>
        %exp3A_652 = math.exp %sub3A_651 : vector<16xf32>
        %add3A_653 = arith.addf %add3A_633, %exp3A_652 : vector<16xf32>
        %get3A_654 = arith.constant 3 : i32
        %get3A_655 = arith.index_cast %rem3A_30 : i32 to index
        %get3A_656 = arith.index_cast %add3A_131 : i32 to index
        %get3A_657 = arith.index_cast %get3A_654 : i32 to index
        %get3A_658 = arith.constant 32 : index
        %get3A_659 = tpu.vector_load %arg10[%get3A_655, %get3A_656, %get3A_657, %get3A_658] {strides = array<i32>} : memref<2x32x8x128xf32, #tpu.memory_space<vmem>>, vector<16xf32>,
        %mul3A_660 = vector.broadcast %scan3A_20 : f32 to vector<16xf32>
        %mul3A_661 = arith.mulf %get3A_659, %mul3A_660 : vector<16xf32>
        %exp3A_662 = math.exp %mul3A_661 : vector<16xf32>
        %add3A_663 = arith.constant 1.000000e+00 : f32
        %add3A_664 = vector.broadcast %add3A_663 : f32 to vector<16xf32>
        %add3A_665 = arith.addf %exp3A_662, %add3A_664 : vector<16xf32>
        %div3A_666 = arith.constant 6.000000e+01 : f32
        %div3A_667 = vector.broadcast %div3A_666 : f32 to vector<16xf32>
        %div3A_668 = arith.divf %div3A_667, %add3A_665 : vector<16xf32>
        %sub3A_669 = arith.constant 3.000000e+01 : f32
        %sub3A_670 = vector.broadcast %sub3A_669 : f32 to vector<16xf32>
        %sub3A_671 = arith.subf %sub3A_670, %div3A_668 : vector<16xf32>
        %exp3A_672 = math.exp %sub3A_671 : vector<16xf32>
        %add3A_673 = arith.addf %add3A_653, %exp3A_672 : vector<16xf32>
        %get3A_674 = arith.constant 3 : i32
        %get3A_675 = arith.index_cast %rem3A_30 : i32 to index
        %get3A_676 = arith.index_cast %add3A_131 : i32 to index
        %get3A_677 = arith.index_cast %get3A_674 : i32 to index
        %get3A_678 = arith.constant 48 : index
        %get3A_679 = tpu.vector_load %arg10[%get3A_675, %get3A_676, %get3A_677, %get3A_678] {strides = array<i32>} : memref<2x32x8x128xf32, #tpu.memory_space<vmem>>, vector<16xf32>,
        %mul3A_680 = vector.broadcast %scan3A_20 : f32 to vector<16xf32>
        %mul3A_681 = arith.mulf %get3A_679, %mul3A_680 : vector<16xf32>
        %exp3A_682 = math.exp %mul3A_681 : vector<16xf32>
        %add3A_683 = arith.constant 1.000000e+00 : f32
        %add3A_684 = vector.broadcast %add3A_683 : f32 to vector<16xf32>
        %add3A_685 = arith.addf %exp3A_682, %add3A_684 : vector<16xf32>
        %div3A_686 = arith.constant 6.000000e+01 : f32
        %div3A_687 = vector.broadcast %div3A_686 : f32 to vector<16xf32>
        %div3A_688 = arith.divf %div3A_687, %add3A_685 : vector<16xf32>
        %sub3A_689 = arith.constant 3.000000e+01 : f32
        %sub3A_690 = vector.broadcast %sub3A_689 : f32 to vector<16xf32>
        %sub3A_691 = arith.subf %sub3A_690, %div3A_688 : vector<16xf32>
        %exp3A_692 = math.exp %sub3A_691 : vector<16xf32>
        %add3A_693 = arith.addf %add3A_673, %exp3A_692 : vector<16xf32>
        %get3A_694 = arith.constant 3 : i32
        %get3A_695 = arith.index_cast %rem3A_30 : i32 to index
        %get3A_696 = arith.index_cast %add3A_131 : i32 to index
        %get3A_697 = arith.index_cast %get3A_694 : i32 to index
        %get3A_698 = arith.constant 64 : index
        %get3A_699 = tpu.vector_load %arg10[%get3A_695, %get3A_696, %get3A_697, %get3A_698] {strides = array<i32>} : memref<2x32x8x128xf32, #tpu.memory_space<vmem>>, vector<16xf32>,
        %mul3A_700 = vector.broadcast %scan3A_20 : f32 to vector<16xf32>
        %mul3A_701 = arith.mulf %get3A_699, %mul3A_700 : vector<16xf32>
        %exp3A_702 = math.exp %mul3A_701 : vector<16xf32>
        %add3A_703 = arith.constant 1.000000e+00 : f32
        %add3A_704 = vector.broadcast %add3A_703 : f32 to vector<16xf32>
        %add3A_705 = arith.addf %exp3A_702, %add3A_704 : vector<16xf32>
        %div3A_706 = arith.constant 6.000000e+01 : f32
        %div3A_707 = vector.broadcast %div3A_706 : f32 to vector<16xf32>
        %div3A_708 = arith.divf %div3A_707, %add3A_705 : vector<16xf32>
        %sub3A_709 = arith.constant 3.000000e+01 : f32
        %sub3A_710 = vector.broadcast %sub3A_709 : f32 to vector<16xf32>
        %sub3A_711 = arith.subf %sub3A_710, %div3A_708 : vector<16xf32>
        %exp3A_712 = math.exp %sub3A_711 : vector<16xf32>
        %add3A_713 = arith.addf %add3A_693, %exp3A_712 : vector<16xf32>
        %get3A_714 = arith.constant 3 : i32
        %get3A_715 = arith.index_cast %rem3A_30 : i32 to index
        %get3A_716 = arith.index_cast %add3A_131 : i32 to index
        %get3A_717 = arith.index_cast %get3A_714 : i32 to index
        %get3A_718 = arith.constant 80 : index
        %get3A_719 = tpu.vector_load %arg10[%get3A_715, %get3A_716, %get3A_717, %get3A_718] {strides = array<i32>} : memref<2x32x8x128xf32, #tpu.memory_space<vmem>>, vector<16xf32>,
        %mul3A_720 = vector.broadcast %scan3A_20 : f32 to vector<16xf32>
        %mul3A_721 = arith.mulf %get3A_719, %mul3A_720 : vector<16xf32>
        %exp3A_722 = math.exp %mul3A_721 : vector<16xf32>
        %add3A_723 = arith.constant 1.000000e+00 : f32
        %add3A_724 = vector.broadcast %add3A_723 : f32 to vector<16xf32>
        %add3A_725 = arith.addf %exp3A_722, %add3A_724 : vector<16xf32>
        %div3A_726 = arith.constant 6.000000e+01 : f32
        %div3A_727 = vector.broadcast %div3A_726 : f32 to vector<16xf32>
        %div3A_728 = arith.divf %div3A_727, %add3A_725 : vector<16xf32>
        %sub3A_729 = arith.constant 3.000000e+01 : f32
        %sub3A_730 = vector.broadcast %sub3A_729 : f32 to vector<16xf32>
        %sub3A_731 = arith.subf %sub3A_730, %div3A_728 : vector<16xf32>
        %exp3A_732 = math.exp %sub3A_731 : vector<16xf32>
        %add3A_733 = arith.addf %add3A_713, %exp3A_732 : vector<16xf32>
        %get3A_734 = arith.constant 3 : i32
        %get3A_735 = arith.index_cast %rem3A_30 : i32 to index
        %get3A_736 = arith.index_cast %add3A_131 : i32 to index
        %get3A_737 = arith.index_cast %get3A_734 : i32 to index
        %get3A_738 = arith.constant 96 : index
        %get3A_739 = tpu.vector_load %arg10[%get3A_735, %get3A_736, %get3A_737, %get3A_738] {strides = array<i32>} : memref<2x32x8x128xf32, #tpu.memory_space<vmem>>, vector<16xf32>,
        %mul3A_740 = vector.broadcast %scan3A_20 : f32 to vector<16xf32>
        %mul3A_741 = arith.mulf %get3A_739, %mul3A_740 : vector<16xf32>
        %exp3A_742 = math.exp %mul3A_741 : vector<16xf32>
        %add3A_743 = arith.constant 1.000000e+00 : f32
        %add3A_744 = vector.broadcast %add3A_743 : f32 to vector<16xf32>
        %add3A_745 = arith.addf %exp3A_742, %add3A_744 : vector<16xf32>
        %div3A_746 = arith.constant 6.000000e+01 : f32
        %div3A_747 = vector.broadcast %div3A_746 : f32 to vector<16xf32>
        %div3A_748 = arith.divf %div3A_747, %add3A_745 : vector<16xf32>
        %sub3A_749 = arith.constant 3.000000e+01 : f32
        %sub3A_750 = vector.broadcast %sub3A_749 : f32 to vector<16xf32>
        %sub3A_751 = arith.subf %sub3A_750, %div3A_748 : vector<16xf32>
        %exp3A_752 = math.exp %sub3A_751 : vector<16xf32>
        %add3A_753 = arith.addf %add3A_733, %exp3A_752 : vector<16xf32>
        %get3A_754 = arith.constant 3 : i32
        %get3A_755 = arith.index_cast %rem3A_30 : i32 to index
        %get3A_756 = arith.index_cast %add3A_131 : i32 to index
        %get3A_757 = arith.index_cast %get3A_754 : i32 to index
        %get3A_758 = arith.constant 112 : index
        %get3A_759 = tpu.vector_load %arg10[%get3A_755, %get3A_756, %get3A_757, %get3A_758] {strides = array<i32>} : memref<2x32x8x128xf32, #tpu.memory_space<vmem>>, vector<16xf32>,
        %mul3A_760 = vector.broadcast %scan3A_20 : f32 to vector<16xf32>
        %mul3A_761 = arith.mulf %get3A_759, %mul3A_760 : vector<16xf32>
        %exp3A_762 = math.exp %mul3A_761 : vector<16xf32>
        %add3A_763 = arith.constant 1.000000e+00 : f32
        %add3A_764 = vector.broadcast %add3A_763 : f32 to vector<16xf32>
        %add3A_765 = arith.addf %exp3A_762, %add3A_764 : vector<16xf32>
        %div3A_766 = arith.constant 6.000000e+01 : f32
        %div3A_767 = vector.broadcast %div3A_766 : f32 to vector<16xf32>
        %div3A_768 = arith.divf %div3A_767, %add3A_765 : vector<16xf32>
        %sub3A_769 = arith.constant 3.000000e+01 : f32
        %sub3A_770 = vector.broadcast %sub3A_769 : f32 to vector<16xf32>
        %sub3A_771 = arith.subf %sub3A_770, %div3A_768 : vector<16xf32>
        %exp3A_772 = math.exp %sub3A_771 : vector<16xf32>
        %add3A_773 = arith.addf %add3A_753, %exp3A_772 : vector<16xf32>
        %get3A_774 = arith.constant 4 : i32
        %get3A_775 = arith.index_cast %rem3A_30 : i32 to index
        %get3A_776 = arith.index_cast %add3A_131 : i32 to index
        %get3A_777 = arith.index_cast %get3A_774 : i32 to index
        %get3A_778 = arith.constant 0 : index
        %get3A_779 = tpu.vector_load %arg10[%get3A_775, %get3A_776, %get3A_777, %get3A_778] {strides = array<i32>} : memref<2x32x8x128xf32, #tpu.memory_space<vmem>>, vector<16xf32>,
        %mul3A_780 = vector.broadcast %scan3A_20 : f32 to vector<16xf32>
        %mul3A_781 = arith.mulf %get3A_779, %mul3A_780 : vector<16xf32>
        %exp3A_782 = math.exp %mul3A_781 : vector<16xf32>
        %add3A_783 = arith.constant 1.000000e+00 : f32
        %add3A_784 = vector.broadcast %add3A_783 : f32 to vector<16xf32>
        %add3A_785 = arith.addf %exp3A_782, %add3A_784 : vector<16xf32>
        %div3A_786 = arith.constant 6.000000e+01 : f32
        %div3A_787 = vector.broadcast %div3A_786 : f32 to vector<16xf32>
        %div3A_788 = arith.divf %div3A_787, %add3A_785 : vector<16xf32>
        %sub3A_789 = arith.constant 3.000000e+01 : f32
        %sub3A_790 = vector.broadcast %sub3A_789 : f32 to vector<16xf32>
        %sub3A_791 = arith.subf %sub3A_790, %div3A_788 : vector<16xf32>
        %exp3A_792 = math.exp %sub3A_791 : vector<16xf32>
        %add3A_793 = arith.addf %add3A_773, %exp3A_792 : vector<16xf32>
        %get3A_794 = arith.constant 4 : i32
        %get3A_795 = arith.index_cast %rem3A_30 : i32 to index
        %get3A_796 = arith.index_cast %add3A_131 : i32 to index
        %get3A_797 = arith.index_cast %get3A_794 : i32 to index
        %get3A_798 = arith.constant 16 : index
        %get3A_799 = tpu.vector_load %arg10[%get3A_795, %get3A_796, %get3A_797, %get3A_798] {strides = array<i32>} : memref<2x32x8x128xf32, #tpu.memory_space<vmem>>, vector<16xf32>,
        %mul3A_800 = vector.broadcast %scan3A_20 : f32 to vector<16xf32>
        %mul3A_801 = arith.mulf %get3A_799, %mul3A_800 : vector<16xf32>
        %exp3A_802 = math.exp %mul3A_801 : vector<16xf32>
        %add3A_803 = arith.constant 1.000000e+00 : f32
        %add3A_804 = vector.broadcast %add3A_803 : f32 to vector<16xf32>
        %add3A_805 = arith.addf %exp3A_802, %add3A_804 : vector<16xf32>
        %div3A_806 = arith.constant 6.000000e+01 : f32
        %div3A_807 = vector.broadcast %div3A_806 : f32 to vector<16xf32>
        %div3A_808 = arith.divf %div3A_807, %add3A_805 : vector<16xf32>
        %sub3A_809 = arith.constant 3.000000e+01 : f32
        %sub3A_810 = vector.broadcast %sub3A_809 : f32 to vector<16xf32>
        %sub3A_811 = arith.subf %sub3A_810, %div3A_808 : vector<16xf32>
        %exp3A_812 = math.exp %sub3A_811 : vector<16xf32>
        %add3A_813 = arith.addf %add3A_793, %exp3A_812 : vector<16xf32>
        %get3A_814 = arith.constant 4 : i32
        %get3A_815 = arith.index_cast %rem3A_30 : i32 to index
        %get3A_816 = arith.index_cast %add3A_131 : i32 to index
        %get3A_817 = arith.index_cast %get3A_814 : i32 to index
        %get3A_818 = arith.constant 32 : index
        %get3A_819 = tpu.vector_load %arg10[%get3A_815, %get3A_816, %get3A_817, %get3A_818] {strides = array<i32>} : memref<2x32x8x128xf32, #tpu.memory_space<vmem>>, vector<16xf32>,
        %mul3A_820 = vector.broadcast %scan3A_20 : f32 to vector<16xf32>
        %mul3A_821 = arith.mulf %get3A_819, %mul3A_820 : vector<16xf32>
        %exp3A_822 = math.exp %mul3A_821 : vector<16xf32>
        %add3A_823 = arith.constant 1.000000e+00 : f32
        %add3A_824 = vector.broadcast %add3A_823 : f32 to vector<16xf32>
        %add3A_825 = arith.addf %exp3A_822, %add3A_824 : vector<16xf32>
        %div3A_826 = arith.constant 6.000000e+01 : f32
        %div3A_827 = vector.broadcast %div3A_826 : f32 to vector<16xf32>
        %div3A_828 = arith.divf %div3A_827, %add3A_825 : vector<16xf32>
        %sub3A_829 = arith.constant 3.000000e+01 : f32
        %sub3A_830 = vector.broadcast %sub3A_829 : f32 to vector<16xf32>
        %sub3A_831 = arith.subf %sub3A_830, %div3A_828 : vector<16xf32>
        %exp3A_832 = math.exp %sub3A_831 : vector<16xf32>
        %add3A_833 = arith.addf %add3A_813, %exp3A_832 : vector<16xf32>
        %get3A_834 = arith.constant 4 : i32
        %get3A_835 = arith.index_cast %rem3A_30 : i32 to index
        %get3A_836 = arith.index_cast %add3A_131 : i32 to index
        %get3A_837 = arith.index_cast %get3A_834 : i32 to index
        %get3A_838 = arith.constant 48 : index
        %get3A_839 = tpu.vector_load %arg10[%get3A_835, %get3A_836, %get3A_837, %get3A_838] {strides = array<i32>} : memref<2x32x8x128xf32, #tpu.memory_space<vmem>>, vector<16xf32>,
        %mul3A_840 = vector.broadcast %scan3A_20 : f32 to vector<16xf32>
        %mul3A_841 = arith.mulf %get3A_839, %mul3A_840 : vector<16xf32>
        %exp3A_842 = math.exp %mul3A_841 : vector<16xf32>
        %add3A_843 = arith.constant 1.000000e+00 : f32
        %add3A_844 = vector.broadcast %add3A_843 : f32 to vector<16xf32>
        %add3A_845 = arith.addf %exp3A_842, %add3A_844 : vector<16xf32>
        %div3A_846 = arith.constant 6.000000e+01 : f32
        %div3A_847 = vector.broadcast %div3A_846 : f32 to vector<16xf32>
        %div3A_848 = arith.divf %div3A_847, %add3A_845 : vector<16xf32>
        %sub3A_849 = arith.constant 3.000000e+01 : f32
        %sub3A_850 = vector.broadcast %sub3A_849 : f32 to vector<16xf32>
        %sub3A_851 = arith.subf %sub3A_850, %div3A_848 : vector<16xf32>
        %exp3A_852 = math.exp %sub3A_851 : vector<16xf32>
        %add3A_853 = arith.addf %add3A_833, %exp3A_852 : vector<16xf32>
        %get3A_854 = arith.constant 4 : i32
        %get3A_855 = arith.index_cast %rem3A_30 : i32 to index
        %get3A_856 = arith.index_cast %add3A_131 : i32 to index
        %get3A_857 = arith.index_cast %get3A_854 : i32 to index
        %get3A_858 = arith.constant 64 : index
        %get3A_859 = tpu.vector_load %arg10[%get3A_855, %get3A_856, %get3A_857, %get3A_858] {strides = array<i32>} : memref<2x32x8x128xf32, #tpu.memory_space<vmem>>, vector<16xf32>,
        %mul3A_860 = vector.broadcast %scan3A_20 : f32 to vector<16xf32>
        %mul3A_861 = arith.mulf %get3A_859, %mul3A_860 : vector<16xf32>
        %exp3A_862 = math.exp %mul3A_861 : vector<16xf32>
        %add3A_863 = arith.constant 1.000000e+00 : f32
        %add3A_864 = vector.broadcast %add3A_863 : f32 to vector<16xf32>
        %add3A_865 = arith.addf %exp3A_862, %add3A_864 : vector<16xf32>
        %div3A_866 = arith.constant 6.000000e+01 : f32
        %div3A_867 = vector.broadcast %div3A_866 : f32 to vector<16xf32>
        %div3A_868 = arith.divf %div3A_867, %add3A_865 : vector<16xf32>
        %sub3A_869 = arith.constant 3.000000e+01 : f32
        %sub3A_870 = vector.broadcast %sub3A_869 : f32 to vector<16xf32>
        %sub3A_871 = arith.subf %sub3A_870, %div3A_868 : vector<16xf32>
        %exp3A_872 = math.exp %sub3A_871 : vector<16xf32>
        %add3A_873 = arith.addf %add3A_853, %exp3A_872 : vector<16xf32>
        %get3A_874 = arith.constant 4 : i32
        %get3A_875 = arith.index_cast %rem3A_30 : i32 to index
        %get3A_876 = arith.index_cast %add3A_131 : i32 to index
        %get3A_877 = arith.index_cast %get3A_874 : i32 to index
        %get3A_878 = arith.constant 80 : index
        %get3A_879 = tpu.vector_load %arg10[%get3A_875, %get3A_876, %get3A_877, %get3A_878] {strides = array<i32>} : memref<2x32x8x128xf32, #tpu.memory_space<vmem>>, vector<16xf32>,
        %mul3A_880 = vector.broadcast %scan3A_20 : f32 to vector<16xf32>
        %mul3A_881 = arith.mulf %get3A_879, %mul3A_880 : vector<16xf32>
        %exp3A_882 = math.exp %mul3A_881 : vector<16xf32>
        %add3A_883 = arith.constant 1.000000e+00 : f32
        %add3A_884 = vector.broadcast %add3A_883 : f32 to vector<16xf32>
        %add3A_885 = arith.addf %exp3A_882, %add3A_884 : vector<16xf32>
        %div3A_886 = arith.constant 6.000000e+01 : f32
        %div3A_887 = vector.broadcast %div3A_886 : f32 to vector<16xf32>
        %div3A_888 = arith.divf %div3A_887, %add3A_885 : vector<16xf32>
        %sub3A_889 = arith.constant 3.000000e+01 : f32
        %sub3A_890 = vector.broadcast %sub3A_889 : f32 to vector<16xf32>
        %sub3A_891 = arith.subf %sub3A_890, %div3A_888 : vector<16xf32>
        %exp3A_892 = math.exp %sub3A_891 : vector<16xf32>
        %add3A_893 = arith.addf %add3A_873, %exp3A_892 : vector<16xf32>
        %get3A_894 = arith.constant 4 : i32
        %get3A_895 = arith.index_cast %rem3A_30 : i32 to index
        %get3A_896 = arith.index_cast %add3A_131 : i32 to index
        %get3A_897 = arith.index_cast %get3A_894 : i32 to index
        %get3A_898 = arith.constant 96 : index
        %get3A_899 = tpu.vector_load %arg10[%get3A_895, %get3A_896, %get3A_897, %get3A_898] {strides = array<i32>} : memref<2x32x8x128xf32, #tpu.memory_space<vmem>>, vector<16xf32>,
        %mul3A_900 = vector.broadcast %scan3A_20 : f32 to vector<16xf32>
        %mul3A_901 = arith.mulf %get3A_899, %mul3A_900 : vector<16xf32>
        %exp3A_902 = math.exp %mul3A_901 : vector<16xf32>
        %add3A_903 = arith.constant 1.000000e+00 : f32
        %add3A_904 = vector.broadcast %add3A_903 : f32 to vector<16xf32>
        %add3A_905 = arith.addf %exp3A_902, %add3A_904 : vector<16xf32>
        %div3A_906 = arith.constant 6.000000e+01 : f32
        %div3A_907 = vector.broadcast %div3A_906 : f32 to vector<16xf32>
        %div3A_908 = arith.divf %div3A_907, %add3A_905 : vector<16xf32>
        %sub3A_909 = arith.constant 3.000000e+01 : f32
        %sub3A_910 = vector.broadcast %sub3A_909 : f32 to vector<16xf32>
        %sub3A_911 = arith.subf %sub3A_910, %div3A_908 : vector<16xf32>
        %exp3A_912 = math.exp %sub3A_911 : vector<16xf32>
        %add3A_913 = arith.addf %add3A_893, %exp3A_912 : vector<16xf32>
        %get3A_914 = arith.constant 4 : i32
        %get3A_915 = arith.index_cast %rem3A_30 : i32 to index
        %get3A_916 = arith.index_cast %add3A_131 : i32 to index
        %get3A_917 = arith.index_cast %get3A_914 : i32 to index
        %get3A_918 = arith.constant 112 : index
        %get3A_919 = tpu.vector_load %arg10[%get3A_915, %get3A_916, %get3A_917, %get3A_918] {strides = array<i32>} : memref<2x32x8x128xf32, #tpu.memory_space<vmem>>, vector<16xf32>,
        %mul3A_920 = vector.broadcast %scan3A_20 : f32 to vector<16xf32>
        %mul3A_921 = arith.mulf %get3A_919, %mul3A_920 : vector<16xf32>
        %exp3A_922 = math.exp %mul3A_921 : vector<16xf32>
        %add3A_923 = arith.constant 1.000000e+00 : f32
        %add3A_924 = vector.broadcast %add3A_923 : f32 to vector<16xf32>
        %add3A_925 = arith.addf %exp3A_922, %add3A_924 : vector<16xf32>
        %div3A_926 = arith.constant 6.000000e+01 : f32
        %div3A_927 = vector.broadcast %div3A_926 : f32 to vector<16xf32>
        %div3A_928 = arith.divf %div3A_927, %add3A_925 : vector<16xf32>
        %sub3A_929 = arith.constant 3.000000e+01 : f32
        %sub3A_930 = vector.broadcast %sub3A_929 : f32 to vector<16xf32>
        %sub3A_931 = arith.subf %sub3A_930, %div3A_928 : vector<16xf32>
        %exp3A_932 = math.exp %sub3A_931 : vector<16xf32>
        %add3A_933 = arith.addf %add3A_913, %exp3A_932 : vector<16xf32>
        %get3A_934 = arith.constant 5 : i32
        %get3A_935 = arith.index_cast %rem3A_30 : i32 to index
        %get3A_936 = arith.index_cast %add3A_131 : i32 to index
        %get3A_937 = arith.index_cast %get3A_934 : i32 to index
        %get3A_938 = arith.constant 0 : index
        %get3A_939 = tpu.vector_load %arg10[%get3A_935, %get3A_936, %get3A_937, %get3A_938] {strides = array<i32>} : memref<2x32x8x128xf32, #tpu.memory_space<vmem>>, vector<16xf32>,
        %mul3A_940 = vector.broadcast %scan3A_20 : f32 to vector<16xf32>
        %mul3A_941 = arith.mulf %get3A_939, %mul3A_940 : vector<16xf32>
        %exp3A_942 = math.exp %mul3A_941 : vector<16xf32>
        %add3A_943 = arith.constant 1.000000e+00 : f32
        %add3A_944 = vector.broadcast %add3A_943 : f32 to vector<16xf32>
        %add3A_945 = arith.addf %exp3A_942, %add3A_944 : vector<16xf32>
        %div3A_946 = arith.constant 6.000000e+01 : f32
        %div3A_947 = vector.broadcast %div3A_946 : f32 to vector<16xf32>
        %div3A_948 = arith.divf %div3A_947, %add3A_945 : vector<16xf32>
        %sub3A_949 = arith.constant 3.000000e+01 : f32
        %sub3A_950 = vector.broadcast %sub3A_949 : f32 to vector<16xf32>
        %sub3A_951 = arith.subf %sub3A_950, %div3A_948 : vector<16xf32>
        %exp3A_952 = math.exp %sub3A_951 : vector<16xf32>
        %add3A_953 = arith.addf %add3A_933, %exp3A_952 : vector<16xf32>
        %get3A_954 = arith.constant 5 : i32
        %get3A_955 = arith.index_cast %rem3A_30 : i32 to index
        %get3A_956 = arith.index_cast %add3A_131 : i32 to index
        %get3A_957 = arith.index_cast %get3A_954 : i32 to index
        %get3A_958 = arith.constant 16 : index
        %get3A_959 = tpu.vector_load %arg10[%get3A_955, %get3A_956, %get3A_957, %get3A_958] {strides = array<i32>} : memref<2x32x8x128xf32, #tpu.memory_space<vmem>>, vector<16xf32>,
        %mul3A_960 = vector.broadcast %scan3A_20 : f32 to vector<16xf32>
        %mul3A_961 = arith.mulf %get3A_959, %mul3A_960 : vector<16xf32>
        %exp3A_962 = math.exp %mul3A_961 : vector<16xf32>
        %add3A_963 = arith.constant 1.000000e+00 : f32
        %add3A_964 = vector.broadcast %add3A_963 : f32 to vector<16xf32>
        %add3A_965 = arith.addf %exp3A_962, %add3A_964 : vector<16xf32>
        %div3A_966 = arith.constant 6.000000e+01 : f32
        %div3A_967 = vector.broadcast %div3A_966 : f32 to vector<16xf32>
        %div3A_968 = arith.divf %div3A_967, %add3A_965 : vector<16xf32>
        %sub3A_969 = arith.constant 3.000000e+01 : f32
        %sub3A_970 = vector.broadcast %sub3A_969 : f32 to vector<16xf32>
        %sub3A_971 = arith.subf %sub3A_970, %div3A_968 : vector<16xf32>
        %exp3A_972 = math.exp %sub3A_971 : vector<16xf32>
        %add3A_973 = arith.addf %add3A_953, %exp3A_972 : vector<16xf32>
        %get3A_974 = arith.constant 5 : i32
        %get3A_975 = arith.index_cast %rem3A_30 : i32 to index
        %get3A_976 = arith.index_cast %add3A_131 : i32 to index
        %get3A_977 = arith.index_cast %get3A_974 : i32 to index
        %get3A_978 = arith.constant 32 : index
        %get3A_979 = tpu.vector_load %arg10[%get3A_975, %get3A_976, %get3A_977, %get3A_978] {strides = array<i32>} : memref<2x32x8x128xf32, #tpu.memory_space<vmem>>, vector<16xf32>,
        %mul3A_980 = vector.broadcast %scan3A_20 : f32 to vector<16xf32>
        %mul3A_981 = arith.mulf %get3A_979, %mul3A_980 : vector<16xf32>
        %exp3A_982 = math.exp %mul3A_981 : vector<16xf32>
        %add3A_983 = arith.constant 1.000000e+00 : f32
        %add3A_984 = vector.broadcast %add3A_983 : f32 to vector<16xf32>
        %add3A_985 = arith.addf %exp3A_982, %add3A_984 : vector<16xf32>
        %div3A_986 = arith.constant 6.000000e+01 : f32
        %div3A_987 = vector.broadcast %div3A_986 : f32 to vector<16xf32>
        %div3A_988 = arith.divf %div3A_987, %add3A_985 : vector<16xf32>
        %sub3A_989 = arith.constant 3.000000e+01 : f32
        %sub3A_990 = vector.broadcast %sub3A_989 : f32 to vector<16xf32>
        %sub3A_991 = arith.subf %sub3A_990, %div3A_988 : vector<16xf32>
        %exp3A_992 = math.exp %sub3A_991 : vector<16xf32>
        %add3A_993 = arith.addf %add3A_973, %exp3A_992 : vector<16xf32>
        %get3A_994 = arith.constant 5 : i32
        %get3A_995 = arith.index_cast %rem3A_30 : i32 to index
        %get3A_996 = arith.index_cast %add3A_131 : i32 to index
        %get3A_997 = arith.index_cast %get3A_994 : i32 to index
        %get3A_998 = arith.constant 48 : index
        %get3A_999 = tpu.vector_load %arg10[%get3A_995, %get3A_996, %get3A_997, %get3A_998] {strides = array<i32>} : memref<2x32x8x128xf32, #tpu.memory_space<vmem>>, vector<16xf32>,
        %mul3A_1000 = vector.broadcast %scan3A_20 : f32 to vector<16xf32>
        %mul3A_1001 = arith.mulf %get3A_999, %mul3A_1000 : vector<16xf32>
        %exp3A_1002 = math.exp %mul3A_1001 : vector<16xf32>
        %add3A_1003 = arith.constant 1.000000e+00 : f32
        %add3A_1004 = vector.broadcast %add3A_1003 : f32 to vector<16xf32>
        %add3A_1005 = arith.addf %exp3A_1002, %add3A_1004 : vector<16xf32>
        %div3A_1006 = arith.constant 6.000000e+01 : f32
        %div3A_1007 = vector.broadcast %div3A_1006 : f32 to vector<16xf32>
        %div3A_1008 = arith.divf %div3A_1007, %add3A_1005 : vector<16xf32>
        %sub3A_1009 = arith.constant 3.000000e+01 : f32
        %sub3A_1010 = vector.broadcast %sub3A_1009 : f32 to vector<16xf32>
        %sub3A_1011 = arith.subf %sub3A_1010, %div3A_1008 : vector<16xf32>
        %exp3A_1012 = math.exp %sub3A_1011 : vector<16xf32>
        %add3A_1013 = arith.addf %add3A_993, %exp3A_1012 : vector<16xf32>
        %get3A_1014 = arith.constant 5 : i32
        %get3A_1015 = arith.index_cast %rem3A_30 : i32 to index
        %get3A_1016 = arith.index_cast %add3A_131 : i32 to index
        %get3A_1017 = arith.index_cast %get3A_1014 : i32 to index
        %get3A_1018 = arith.constant 64 : index
        %get3A_1019 = tpu.vector_load %arg10[%get3A_1015, %get3A_1016, %get3A_1017, %get3A_1018] {strides = array<i32>} : memref<2x32x8x128xf32, #tpu.memory_space<vmem>>, vector<16xf32>,
        %mul3A_1020 = vector.broadcast %scan3A_20 : f32 to vector<16xf32>
        %mul3A_1021 = arith.mulf %get3A_1019, %mul3A_1020 : vector<16xf32>
        %exp3A_1022 = math.exp %mul3A_1021 : vector<16xf32>
        %add3A_1023 = arith.constant 1.000000e+00 : f32
        %add3A_1024 = vector.broadcast %add3A_1023 : f32 to vector<16xf32>
        %add3A_1025 = arith.addf %exp3A_1022, %add3A_1024 : vector<16xf32>
        %div3A_1026 = arith.constant 6.000000e+01 : f32
        %div3A_1027 = vector.broadcast %div3A_1026 : f32 to vector<16xf32>
        %div3A_1028 = arith.divf %div3A_1027, %add3A_1025 : vector<16xf32>
        %sub3A_1029 = arith.constant 3.000000e+01 : f32
        %sub3A_1030 = vector.broadcast %sub3A_1029 : f32 to vector<16xf32>
        %sub3A_1031 = arith.subf %sub3A_1030, %div3A_1028 : vector<16xf32>
        %exp3A_1032 = math.exp %sub3A_1031 : vector<16xf32>
        %add3A_1033 = arith.addf %add3A_1013, %exp3A_1032 : vector<16xf32>
        %get3A_1034 = arith.constant 5 : i32
        %get3A_1035 = arith.index_cast %rem3A_30 : i32 to index
        %get3A_1036 = arith.index_cast %add3A_131 : i32 to index
        %get3A_1037 = arith.index_cast %get3A_1034 : i32 to index
        %get3A_1038 = arith.constant 80 : index
        %get3A_1039 = tpu.vector_load %arg10[%get3A_1035, %get3A_1036, %get3A_1037, %get3A_1038] {strides = array<i32>} : memref<2x32x8x128xf32, #tpu.memory_space<vmem>>, vector<16xf32>,
        %mul3A_1040 = vector.broadcast %scan3A_20 : f32 to vector<16xf32>
        %mul3A_1041 = arith.mulf %get3A_1039, %mul3A_1040 : vector<16xf32>
        %exp3A_1042 = math.exp %mul3A_1041 : vector<16xf32>
        %add3A_1043 = arith.constant 1.000000e+00 : f32
        %add3A_1044 = vector.broadcast %add3A_1043 : f32 to vector<16xf32>
        %add3A_1045 = arith.addf %exp3A_1042, %add3A_1044 : vector<16xf32>
        %div3A_1046 = arith.constant 6.000000e+01 : f32
        %div3A_1047 = vector.broadcast %div3A_1046 : f32 to vector<16xf32>
        %div3A_1048 = arith.divf %div3A_1047, %add3A_1045 : vector<16xf32>
        %sub3A_1049 = arith.constant 3.000000e+01 : f32
        %sub3A_1050 = vector.broadcast %sub3A_1049 : f32 to vector<16xf32>
        %sub3A_1051 = arith.subf %sub3A_1050, %div3A_1048 : vector<16xf32>
        %exp3A_1052 = math.exp %sub3A_1051 : vector<16xf32>
        %add3A_1053 = arith.addf %add3A_1033, %exp3A_1052 : vector<16xf32>
        %get3A_1054 = arith.constant 5 : i32
        %get3A_1055 = arith.index_cast %rem3A_30 : i32 to index
        %get3A_1056 = arith.index_cast %add3A_131 : i32 to index
        %get3A_1057 = arith.index_cast %get3A_1054 : i32 to index
        %get3A_1058 = arith.constant 96 : index
        %get3A_1059 = tpu.vector_load %arg10[%get3A_1055, %get3A_1056, %get3A_1057, %get3A_1058] {strides = array<i32>} : memref<2x32x8x128xf32, #tpu.memory_space<vmem>>, vector<16xf32>,
        %mul3A_1060 = vector.broadcast %scan3A_20 : f32 to vector<16xf32>
        %mul3A_1061 = arith.mulf %get3A_1059, %mul3A_1060 : vector<16xf32>
        %exp3A_1062 = math.exp %mul3A_1061 : vector<16xf32>
        %add3A_1063 = arith.constant 1.000000e+00 : f32
        %add3A_1064 = vector.broadcast %add3A_1063 : f32 to vector<16xf32>
        %add3A_1065 = arith.addf %exp3A_1062, %add3A_1064 : vector<16xf32>
        %div3A_1066 = arith.constant 6.000000e+01 : f32
        %div3A_1067 = vector.broadcast %div3A_1066 : f32 to vector<16xf32>
        %div3A_1068 = arith.divf %div3A_1067, %add3A_1065 : vector<16xf32>
        %sub3A_1069 = arith.constant 3.000000e+01 : f32
        %sub3A_1070 = vector.broadcast %sub3A_1069 : f32 to vector<16xf32>
        %sub3A_1071 = arith.subf %sub3A_1070, %div3A_1068 : vector<16xf32>
        %exp3A_1072 = math.exp %sub3A_1071 : vector<16xf32>
        %add3A_1073 = arith.addf %add3A_1053, %exp3A_1072 : vector<16xf32>
        %get3A_1074 = arith.constant 5 : i32
        %get3A_1075 = arith.index_cast %rem3A_30 : i32 to index
        %get3A_1076 = arith.index_cast %add3A_131 : i32 to index
        %get3A_1077 = arith.index_cast %get3A_1074 : i32 to index
        %get3A_1078 = arith.constant 112 : index
        %get3A_1079 = tpu.vector_load %arg10[%get3A_1075, %get3A_1076, %get3A_1077, %get3A_1078] {strides = array<i32>} : memref<2x32x8x128xf32, #tpu.memory_space<vmem>>, vector<16xf32>,
        %mul3A_1080 = vector.broadcast %scan3A_20 : f32 to vector<16xf32>
        %mul3A_1081 = arith.mulf %get3A_1079, %mul3A_1080 : vector<16xf32>
        %exp3A_1082 = math.exp %mul3A_1081 : vector<16xf32>
        %add3A_1083 = arith.constant 1.000000e+00 : f32
        %add3A_1084 = vector.broadcast %add3A_1083 : f32 to vector<16xf32>
        %add3A_1085 = arith.addf %exp3A_1082, %add3A_1084 : vector<16xf32>
        %div3A_1086 = arith.constant 6.000000e+01 : f32
        %div3A_1087 = vector.broadcast %div3A_1086 : f32 to vector<16xf32>
        %div3A_1088 = arith.divf %div3A_1087, %add3A_1085 : vector<16xf32>
        %sub3A_1089 = arith.constant 3.000000e+01 : f32
        %sub3A_1090 = vector.broadcast %sub3A_1089 : f32 to vector<16xf32>
        %sub3A_1091 = arith.subf %sub3A_1090, %div3A_1088 : vector<16xf32>
        %exp3A_1092 = math.exp %sub3A_1091 : vector<16xf32>
        %add3A_1093 = arith.addf %add3A_1073, %exp3A_1092 : vector<16xf32>
        %get3A_1094 = arith.constant 6 : i32
        %get3A_1095 = arith.index_cast %rem3A_30 : i32 to index
        %get3A_1096 = arith.index_cast %add3A_131 : i32 to index
        %get3A_1097 = arith.index_cast %get3A_1094 : i32 to index
        %get3A_1098 = arith.constant 0 : index
        %get3A_1099 = tpu.vector_load %arg10[%get3A_1095, %get3A_1096, %get3A_1097, %get3A_1098] {strides = array<i32>} : memref<2x32x8x128xf32, #tpu.memory_space<vmem>>, vector<16xf32>,
        %mul3A_1100 = vector.broadcast %scan3A_20 : f32 to vector<16xf32>
        %mul3A_1101 = arith.mulf %get3A_1099, %mul3A_1100 : vector<16xf32>
        %exp3A_1102 = math.exp %mul3A_1101 : vector<16xf32>
        %add3A_1103 = arith.constant 1.000000e+00 : f32
        %add3A_1104 = vector.broadcast %add3A_1103 : f32 to vector<16xf32>
        %add3A_1105 = arith.addf %exp3A_1102, %add3A_1104 : vector<16xf32>
        %div3A_1106 = arith.constant 6.000000e+01 : f32
        %div3A_1107 = vector.broadcast %div3A_1106 : f32 to vector<16xf32>
        %div3A_1108 = arith.divf %div3A_1107, %add3A_1105 : vector<16xf32>
        %sub3A_1109 = arith.constant 3.000000e+01 : f32
        %sub3A_1110 = vector.broadcast %sub3A_1109 : f32 to vector<16xf32>
        %sub3A_1111 = arith.subf %sub3A_1110, %div3A_1108 : vector<16xf32>
        %exp3A_1112 = math.exp %sub3A_1111 : vector<16xf32>
        %add3A_1113 = arith.addf %add3A_1093, %exp3A_1112 : vector<16xf32>
        %get3A_1114 = arith.constant 6 : i32
        %get3A_1115 = arith.index_cast %rem3A_30 : i32 to index
        %get3A_1116 = arith.index_cast %add3A_131 : i32 to index
        %get3A_1117 = arith.index_cast %get3A_1114 : i32 to index
        %get3A_1118 = arith.constant 16 : index
        %get3A_1119 = tpu.vector_load %arg10[%get3A_1115, %get3A_1116, %get3A_1117, %get3A_1118] {strides = array<i32>} : memref<2x32x8x128xf32, #tpu.memory_space<vmem>>, vector<16xf32>,
        %mul3A_1120 = vector.broadcast %scan3A_20 : f32 to vector<16xf32>
        %mul3A_1121 = arith.mulf %get3A_1119, %mul3A_1120 : vector<16xf32>
        %exp3A_1122 = math.exp %mul3A_1121 : vector<16xf32>
        %add3A_1123 = arith.constant 1.000000e+00 : f32
        %add3A_1124 = vector.broadcast %add3A_1123 : f32 to vector<16xf32>
        %add3A_1125 = arith.addf %exp3A_1122, %add3A_1124 : vector<16xf32>
        %div3A_1126 = arith.constant 6.000000e+01 : f32
        %div3A_1127 = vector.broadcast %div3A_1126 : f32 to vector<16xf32>
        %div3A_1128 = arith.divf %div3A_1127, %add3A_1125 : vector<16xf32>
        %sub3A_1129 = arith.constant 3.000000e+01 : f32
        %sub3A_1130 = vector.broadcast %sub3A_1129 : f32 to vector<16xf32>
        %sub3A_1131 = arith.subf %sub3A_1130, %div3A_1128 : vector<16xf32>
        %exp3A_1132 = math.exp %sub3A_1131 : vector<16xf32>
        %add3A_1133 = arith.addf %add3A_1113, %exp3A_1132 : vector<16xf32>
        %get3A_1134 = arith.constant 6 : i32
        %get3A_1135 = arith.index_cast %rem3A_30 : i32 to index
        %get3A_1136 = arith.index_cast %add3A_131 : i32 to index
        %get3A_1137 = arith.index_cast %get3A_1134 : i32 to index
        %get3A_1138 = arith.constant 32 : index
        %get3A_1139 = tpu.vector_load %arg10[%get3A_1135, %get3A_1136, %get3A_1137, %get3A_1138] {strides = array<i32>} : memref<2x32x8x128xf32, #tpu.memory_space<vmem>>, vector<16xf32>,
        %mul3A_1140 = vector.broadcast %scan3A_20 : f32 to vector<16xf32>
        %mul3A_1141 = arith.mulf %get3A_1139, %mul3A_1140 : vector<16xf32>
        %exp3A_1142 = math.exp %mul3A_1141 : vector<16xf32>
        %add3A_1143 = arith.constant 1.000000e+00 : f32
        %add3A_1144 = vector.broadcast %add3A_1143 : f32 to vector<16xf32>
        %add3A_1145 = arith.addf %exp3A_1142, %add3A_1144 : vector<16xf32>
        %div3A_1146 = arith.constant 6.000000e+01 : f32
        %div3A_1147 = vector.broadcast %div3A_1146 : f32 to vector<16xf32>
        %div3A_1148 = arith.divf %div3A_1147, %add3A_1145 : vector<16xf32>
        %sub3A_1149 = arith.constant 3.000000e+01 : f32
        %sub3A_1150 = vector.broadcast %sub3A_1149 : f32 to vector<16xf32>
        %sub3A_1151 = arith.subf %sub3A_1150, %div3A_1148 : vector<16xf32>
        %exp3A_1152 = math.exp %sub3A_1151 : vector<16xf32>
        %add3A_1153 = arith.addf %add3A_1133, %exp3A_1152 : vector<16xf32>
        %get3A_1154 = arith.constant 6 : i32
        %get3A_1155 = arith.index_cast %rem3A_30 : i32 to index
        %get3A_1156 = arith.index_cast %add3A_131 : i32 to index
        %get3A_1157 = arith.index_cast %get3A_1154 : i32 to index
        %get3A_1158 = arith.constant 48 : index
        %get3A_1159 = tpu.vector_load %arg10[%get3A_1155, %get3A_1156, %get3A_1157, %get3A_1158] {strides = array<i32>} : memref<2x32x8x128xf32, #tpu.memory_space<vmem>>, vector<16xf32>,
        %mul3A_1160 = vector.broadcast %scan3A_20 : f32 to vector<16xf32>
        %mul3A_1161 = arith.mulf %get3A_1159, %mul3A_1160 : vector<16xf32>
        %exp3A_1162 = math.exp %mul3A_1161 : vector<16xf32>
        %add3A_1163 = arith.constant 1.000000e+00 : f32
        %add3A_1164 = vector.broadcast %add3A_1163 : f32 to vector<16xf32>
        %add3A_1165 = arith.addf %exp3A_1162, %add3A_1164 : vector<16xf32>
        %div3A_1166 = arith.constant 6.000000e+01 : f32
        %div3A_1167 = vector.broadcast %div3A_1166 : f32 to vector<16xf32>
        %div3A_1168 = arith.divf %div3A_1167, %add3A_1165 : vector<16xf32>
        %sub3A_1169 = arith.constant 3.000000e+01 : f32
        %sub3A_1170 = vector.broadcast %sub3A_1169 : f32 to vector<16xf32>
        %sub3A_1171 = arith.subf %sub3A_1170, %div3A_1168 : vector<16xf32>
        %exp3A_1172 = math.exp %sub3A_1171 : vector<16xf32>
        %add3A_1173 = arith.addf %add3A_1153, %exp3A_1172 : vector<16xf32>
        %get3A_1174 = arith.constant 6 : i32
        %get3A_1175 = arith.index_cast %rem3A_30 : i32 to index
        %get3A_1176 = arith.index_cast %add3A_131 : i32 to index
        %get3A_1177 = arith.index_cast %get3A_1174 : i32 to index
        %get3A_1178 = arith.constant 64 : index
        %get3A_1179 = tpu.vector_load %arg10[%get3A_1175, %get3A_1176, %get3A_1177, %get3A_1178] {strides = array<i32>} : memref<2x32x8x128xf32, #tpu.memory_space<vmem>>, vector<16xf32>,
        %mul3A_1180 = vector.broadcast %scan3A_20 : f32 to vector<16xf32>
        %mul3A_1181 = arith.mulf %get3A_1179, %mul3A_1180 : vector<16xf32>
        %exp3A_1182 = math.exp %mul3A_1181 : vector<16xf32>
        %add3A_1183 = arith.constant 1.000000e+00 : f32
        %add3A_1184 = vector.broadcast %add3A_1183 : f32 to vector<16xf32>
        %add3A_1185 = arith.addf %exp3A_1182, %add3A_1184 : vector<16xf32>
        %div3A_1186 = arith.constant 6.000000e+01 : f32
        %div3A_1187 = vector.broadcast %div3A_1186 : f32 to vector<16xf32>
        %div3A_1188 = arith.divf %div3A_1187, %add3A_1185 : vector<16xf32>
        %sub3A_1189 = arith.constant 3.000000e+01 : f32
        %sub3A_1190 = vector.broadcast %sub3A_1189 : f32 to vector<16xf32>
        %sub3A_1191 = arith.subf %sub3A_1190, %div3A_1188 : vector<16xf32>
        %exp3A_1192 = math.exp %sub3A_1191 : vector<16xf32>
        %add3A_1193 = arith.addf %add3A_1173, %exp3A_1192 : vector<16xf32>
        %get3A_1194 = arith.constant 6 : i32
        %get3A_1195 = arith.index_cast %rem3A_30 : i32 to index
        %get3A_1196 = arith.index_cast %add3A_131 : i32 to index
        %get3A_1197 = arith.index_cast %get3A_1194 : i32 to index
        %get3A_1198 = arith.constant 80 : index
        %get3A_1199 = tpu.vector_load %arg10[%get3A_1195, %get3A_1196, %get3A_1197, %get3A_1198] {strides = array<i32>} : memref<2x32x8x128xf32, #tpu.memory_space<vmem>>, vector<16xf32>,
        %mul3A_1200 = vector.broadcast %scan3A_20 : f32 to vector<16xf32>
        %mul3A_1201 = arith.mulf %get3A_1199, %mul3A_1200 : vector<16xf32>
        %exp3A_1202 = math.exp %mul3A_1201 : vector<16xf32>
        %add3A_1203 = arith.constant 1.000000e+00 : f32
        %add3A_1204 = vector.broadcast %add3A_1203 : f32 to vector<16xf32>
        %add3A_1205 = arith.addf %exp3A_1202, %add3A_1204 : vector<16xf32>
        %div3A_1206 = arith.constant 6.000000e+01 : f32
        %div3A_1207 = vector.broadcast %div3A_1206 : f32 to vector<16xf32>
        %div3A_1208 = arith.divf %div3A_1207, %add3A_1205 : vector<16xf32>
        %sub3A_1209 = arith.constant 3.000000e+01 : f32
        %sub3A_1210 = vector.broadcast %sub3A_1209 : f32 to vector<16xf32>
        %sub3A_1211 = arith.subf %sub3A_1210, %div3A_1208 : vector<16xf32>
        %exp3A_1212 = math.exp %sub3A_1211 : vector<16xf32>
        %add3A_1213 = arith.addf %add3A_1193, %exp3A_1212 : vector<16xf32>
        %get3A_1214 = arith.constant 6 : i32
        %get3A_1215 = arith.index_cast %rem3A_30 : i32 to index
        %get3A_1216 = arith.index_cast %add3A_131 : i32 to index
        %get3A_1217 = arith.index_cast %get3A_1214 : i32 to index
        %get3A_1218 = arith.constant 96 : index
        %get3A_1219 = tpu.vector_load %arg10[%get3A_1215, %get3A_1216, %get3A_1217, %get3A_1218] {strides = array<i32>} : memref<2x32x8x128xf32, #tpu.memory_space<vmem>>, vector<16xf32>,
        %mul3A_1220 = vector.broadcast %scan3A_20 : f32 to vector<16xf32>
        %mul3A_1221 = arith.mulf %get3A_1219, %mul3A_1220 : vector<16xf32>
        %exp3A_1222 = math.exp %mul3A_1221 : vector<16xf32>
        %add3A_1223 = arith.constant 1.000000e+00 : f32
        %add3A_1224 = vector.broadcast %add3A_1223 : f32 to vector<16xf32>
        %add3A_1225 = arith.addf %exp3A_1222, %add3A_1224 : vector<16xf32>
        %div3A_1226 = arith.constant 6.000000e+01 : f32
        %div3A_1227 = vector.broadcast %div3A_1226 : f32 to vector<16xf32>
        %div3A_1228 = arith.divf %div3A_1227, %add3A_1225 : vector<16xf32>
        %sub3A_1229 = arith.constant 3.000000e+01 : f32
        %sub3A_1230 = vector.broadcast %sub3A_1229 : f32 to vector<16xf32>
        %sub3A_1231 = arith.subf %sub3A_1230, %div3A_1228 : vector<16xf32>
        %exp3A_1232 = math.exp %sub3A_1231 : vector<16xf32>
        %add3A_1233 = arith.addf %add3A_1213, %exp3A_1232 : vector<16xf32>
        %get3A_1234 = arith.constant 6 : i32
        %get3A_1235 = arith.index_cast %rem3A_30 : i32 to index
        %get3A_1236 = arith.index_cast %add3A_131 : i32 to index
        %get3A_1237 = arith.index_cast %get3A_1234 : i32 to index
        %get3A_1238 = arith.constant 112 : index
        %get3A_1239 = tpu.vector_load %arg10[%get3A_1235, %get3A_1236, %get3A_1237, %get3A_1238] {strides = array<i32>} : memref<2x32x8x128xf32, #tpu.memory_space<vmem>>, vector<16xf32>,
        %mul3A_1240 = vector.broadcast %scan3A_20 : f32 to vector<16xf32>
        %mul3A_1241 = arith.mulf %get3A_1239, %mul3A_1240 : vector<16xf32>
        %exp3A_1242 = math.exp %mul3A_1241 : vector<16xf32>
        %add3A_1243 = arith.constant 1.000000e+00 : f32
        %add3A_1244 = vector.broadcast %add3A_1243 : f32 to vector<16xf32>
        %add3A_1245 = arith.addf %exp3A_1242, %add3A_1244 : vector<16xf32>
        %div3A_1246 = arith.constant 6.000000e+01 : f32
        %div3A_1247 = vector.broadcast %div3A_1246 : f32 to vector<16xf32>
        %div3A_1248 = arith.divf %div3A_1247, %add3A_1245 : vector<16xf32>
        %sub3A_1249 = arith.constant 3.000000e+01 : f32
        %sub3A_1250 = vector.broadcast %sub3A_1249 : f32 to vector<16xf32>
        %sub3A_1251 = arith.subf %sub3A_1250, %div3A_1248 : vector<16xf32>
        %exp3A_1252 = math.exp %sub3A_1251 : vector<16xf32>
        %add3A_1253 = arith.addf %add3A_1233, %exp3A_1252 : vector<16xf32>
        %get3A_1254 = arith.constant 7 : i32
        %get3A_1255 = arith.index_cast %rem3A_30 : i32 to index
        %get3A_1256 = arith.index_cast %add3A_131 : i32 to index
        %get3A_1257 = arith.index_cast %get3A_1254 : i32 to index
        %get3A_1258 = arith.constant 0 : index
        %get3A_1259 = tpu.vector_load %arg10[%get3A_1255, %get3A_1256, %get3A_1257, %get3A_1258] {strides = array<i32>} : memref<2x32x8x128xf32, #tpu.memory_space<vmem>>, vector<16xf32>,
        %mul3A_1260 = vector.broadcast %scan3A_20 : f32 to vector<16xf32>
        %mul3A_1261 = arith.mulf %get3A_1259, %mul3A_1260 : vector<16xf32>
        %exp3A_1262 = math.exp %mul3A_1261 : vector<16xf32>
        %add3A_1263 = arith.constant 1.000000e+00 : f32
        %add3A_1264 = vector.broadcast %add3A_1263 : f32 to vector<16xf32>
        %add3A_1265 = arith.addf %exp3A_1262, %add3A_1264 : vector<16xf32>
        %div3A_1266 = arith.constant 6.000000e+01 : f32
        %div3A_1267 = vector.broadcast %div3A_1266 : f32 to vector<16xf32>
        %div3A_1268 = arith.divf %div3A_1267, %add3A_1265 : vector<16xf32>
        %sub3A_1269 = arith.constant 3.000000e+01 : f32
        %sub3A_1270 = vector.broadcast %sub3A_1269 : f32 to vector<16xf32>
        %sub3A_1271 = arith.subf %sub3A_1270, %div3A_1268 : vector<16xf32>
        %exp3A_1272 = math.exp %sub3A_1271 : vector<16xf32>
        %add3A_1273 = arith.addf %add3A_1253, %exp3A_1272 : vector<16xf32>
        %get3A_1274 = arith.constant 7 : i32
        %get3A_1275 = arith.index_cast %rem3A_30 : i32 to index
        %get3A_1276 = arith.index_cast %add3A_131 : i32 to index
        %get3A_1277 = arith.index_cast %get3A_1274 : i32 to index
        %get3A_1278 = arith.constant 16 : index
        %get3A_1279 = tpu.vector_load %arg10[%get3A_1275, %get3A_1276, %get3A_1277, %get3A_1278] {strides = array<i32>} : memref<2x32x8x128xf32, #tpu.memory_space<vmem>>, vector<16xf32>,
        %mul3A_1280 = vector.broadcast %scan3A_20 : f32 to vector<16xf32>
        %mul3A_1281 = arith.mulf %get3A_1279, %mul3A_1280 : vector<16xf32>
        %exp3A_1282 = math.exp %mul3A_1281 : vector<16xf32>
        %add3A_1283 = arith.constant 1.000000e+00 : f32
        %add3A_1284 = vector.broadcast %add3A_1283 : f32 to vector<16xf32>
        %add3A_1285 = arith.addf %exp3A_1282, %add3A_1284 : vector<16xf32>
        %div3A_1286 = arith.constant 6.000000e+01 : f32
        %div3A_1287 = vector.broadcast %div3A_1286 : f32 to vector<16xf32>
        %div3A_1288 = arith.divf %div3A_1287, %add3A_1285 : vector<16xf32>
        %sub3A_1289 = arith.constant 3.000000e+01 : f32
        %sub3A_1290 = vector.broadcast %sub3A_1289 : f32 to vector<16xf32>
        %sub3A_1291 = arith.subf %sub3A_1290, %div3A_1288 : vector<16xf32>
        %exp3A_1292 = math.exp %sub3A_1291 : vector<16xf32>
        %add3A_1293 = arith.addf %add3A_1273, %exp3A_1292 : vector<16xf32>
        %get3A_1294 = arith.constant 7 : i32
        %get3A_1295 = arith.index_cast %rem3A_30 : i32 to index
        %get3A_1296 = arith.index_cast %add3A_131 : i32 to index
        %get3A_1297 = arith.index_cast %get3A_1294 : i32 to index
        %get3A_1298 = arith.constant 32 : index
        %get3A_1299 = tpu.vector_load %arg10[%get3A_1295, %get3A_1296, %get3A_1297, %get3A_1298] {strides = array<i32>} : memref<2x32x8x128xf32, #tpu.memory_space<vmem>>, vector<16xf32>,
        %mul3A_1300 = vector.broadcast %scan3A_20 : f32 to vector<16xf32>
        %mul3A_1301 = arith.mulf %get3A_1299, %mul3A_1300 : vector<16xf32>
        %exp3A_1302 = math.exp %mul3A_1301 : vector<16xf32>
        %add3A_1303 = arith.constant 1.000000e+00 : f32
        %add3A_1304 = vector.broadcast %add3A_1303 : f32 to vector<16xf32>
        %add3A_1305 = arith.addf %exp3A_1302, %add3A_1304 : vector<16xf32>
        %div3A_1306 = arith.constant 6.000000e+01 : f32
        %div3A_1307 = vector.broadcast %div3A_1306 : f32 to vector<16xf32>
        %div3A_1308 = arith.divf %div3A_1307, %add3A_1305 : vector<16xf32>
        %sub3A_1309 = arith.constant 3.000000e+01 : f32
        %sub3A_1310 = vector.broadcast %sub3A_1309 : f32 to vector<16xf32>
        %sub3A_1311 = arith.subf %sub3A_1310, %div3A_1308 : vector<16xf32>
        %exp3A_1312 = math.exp %sub3A_1311 : vector<16xf32>
        %add3A_1313 = arith.addf %add3A_1293, %exp3A_1312 : vector<16xf32>
        %get3A_1314 = arith.constant 7 : i32
        %get3A_1315 = arith.index_cast %rem3A_30 : i32 to index
        %get3A_1316 = arith.index_cast %add3A_131 : i32 to index
        %get3A_1317 = arith.index_cast %get3A_1314 : i32 to index
        %get3A_1318 = arith.constant 48 : index
        %get3A_1319 = tpu.vector_load %arg10[%get3A_1315, %get3A_1316, %get3A_1317, %get3A_1318] {strides = array<i32>} : memref<2x32x8x128xf32, #tpu.memory_space<vmem>>, vector<16xf32>,
        %mul3A_1320 = vector.broadcast %scan3A_20 : f32 to vector<16xf32>
        %mul3A_1321 = arith.mulf %get3A_1319, %mul3A_1320 : vector<16xf32>
        %exp3A_1322 = math.exp %mul3A_1321 : vector<16xf32>
        %add3A_1323 = arith.constant 1.000000e+00 : f32
        %add3A_1324 = vector.broadcast %add3A_1323 : f32 to vector<16xf32>
        %add3A_1325 = arith.addf %exp3A_1322, %add3A_1324 : vector<16xf32>
        %div3A_1326 = arith.constant 6.000000e+01 : f32
        %div3A_1327 = vector.broadcast %div3A_1326 : f32 to vector<16xf32>
        %div3A_1328 = arith.divf %div3A_1327, %add3A_1325 : vector<16xf32>
        %sub3A_1329 = arith.constant 3.000000e+01 : f32
        %sub3A_1330 = vector.broadcast %sub3A_1329 : f32 to vector<16xf32>
        %sub3A_1331 = arith.subf %sub3A_1330, %div3A_1328 : vector<16xf32>
        %exp3A_1332 = math.exp %sub3A_1331 : vector<16xf32>
        %add3A_1333 = arith.addf %add3A_1313, %exp3A_1332 : vector<16xf32>
        %get3A_1334 = arith.constant 7 : i32
        %get3A_1335 = arith.index_cast %rem3A_30 : i32 to index
        %get3A_1336 = arith.index_cast %add3A_131 : i32 to index
        %get3A_1337 = arith.index_cast %get3A_1334 : i32 to index
        %get3A_1338 = arith.constant 64 : index
        %get3A_1339 = tpu.vector_load %arg10[%get3A_1335, %get3A_1336, %get3A_1337, %get3A_1338] {strides = array<i32>} : memref<2x32x8x128xf32, #tpu.memory_space<vmem>>, vector<16xf32>,
        %mul3A_1340 = vector.broadcast %scan3A_20 : f32 to vector<16xf32>
        %mul3A_1341 = arith.mulf %get3A_1339, %mul3A_1340 : vector<16xf32>
        %exp3A_1342 = math.exp %mul3A_1341 : vector<16xf32>
        %add3A_1343 = arith.constant 1.000000e+00 : f32
        %add3A_1344 = vector.broadcast %add3A_1343 : f32 to vector<16xf32>
        %add3A_1345 = arith.addf %exp3A_1342, %add3A_1344 : vector<16xf32>
        %div3A_1346 = arith.constant 6.000000e+01 : f32
        %div3A_1347 = vector.broadcast %div3A_1346 : f32 to vector<16xf32>
        %div3A_1348 = arith.divf %div3A_1347, %add3A_1345 : vector<16xf32>
        %sub3A_1349 = arith.constant 3.000000e+01 : f32
        %sub3A_1350 = vector.broadcast %sub3A_1349 : f32 to vector<16xf32>
        %sub3A_1351 = arith.subf %sub3A_1350, %div3A_1348 : vector<16xf32>
        %exp3A_1352 = math.exp %sub3A_1351 : vector<16xf32>
        %add3A_1353 = arith.addf %add3A_1333, %exp3A_1352 : vector<16xf32>
        %get3A_1354 = arith.constant 7 : i32
        %get3A_1355 = arith.index_cast %rem3A_30 : i32 to index
        %get3A_1356 = arith.index_cast %add3A_131 : i32 to index
        %get3A_1357 = arith.index_cast %get3A_1354 : i32 to index
        %get3A_1358 = arith.constant 80 : index
        %get3A_1359 = tpu.vector_load %arg10[%get3A_1355, %get3A_1356, %get3A_1357, %get3A_1358] {strides = array<i32>} : memref<2x32x8x128xf32, #tpu.memory_space<vmem>>, vector<16xf32>,
        %mul3A_1360 = vector.broadcast %scan3A_20 : f32 to vector<16xf32>
        %mul3A_1361 = arith.mulf %get3A_1359, %mul3A_1360 : vector<16xf32>
        %exp3A_1362 = math.exp %mul3A_1361 : vector<16xf32>
        %add3A_1363 = arith.constant 1.000000e+00 : f32
        %add3A_1364 = vector.broadcast %add3A_1363 : f32 to vector<16xf32>
        %add3A_1365 = arith.addf %exp3A_1362, %add3A_1364 : vector<16xf32>
        %div3A_1366 = arith.constant 6.000000e+01 : f32
        %div3A_1367 = vector.broadcast %div3A_1366 : f32 to vector<16xf32>
        %div3A_1368 = arith.divf %div3A_1367, %add3A_1365 : vector<16xf32>
        %sub3A_1369 = arith.constant 3.000000e+01 : f32
        %sub3A_1370 = vector.broadcast %sub3A_1369 : f32 to vector<16xf32>
        %sub3A_1371 = arith.subf %sub3A_1370, %div3A_1368 : vector<16xf32>
        %exp3A_1372 = math.exp %sub3A_1371 : vector<16xf32>
        %add3A_1373 = arith.addf %add3A_1353, %exp3A_1372 : vector<16xf32>
        %get3A_1374 = arith.constant 7 : i32
        %get3A_1375 = arith.index_cast %rem3A_30 : i32 to index
        %get3A_1376 = arith.index_cast %add3A_131 : i32 to index
        %get3A_1377 = arith.index_cast %get3A_1374 : i32 to index
        %get3A_1378 = arith.constant 96 : index
        %get3A_1379 = tpu.vector_load %arg10[%get3A_1375, %get3A_1376, %get3A_1377, %get3A_1378] {strides = array<i32>} : memref<2x32x8x128xf32, #tpu.memory_space<vmem>>, vector<16xf32>,
        %mul3A_1380 = vector.broadcast %scan3A_20 : f32 to vector<16xf32>
        %mul3A_1381 = arith.mulf %get3A_1379, %mul3A_1380 : vector<16xf32>
        %exp3A_1382 = math.exp %mul3A_1381 : vector<16xf32>
        %add3A_1383 = arith.constant 1.000000e+00 : f32
        %add3A_1384 = vector.broadcast %add3A_1383 : f32 to vector<16xf32>
        %add3A_1385 = arith.addf %exp3A_1382, %add3A_1384 : vector<16xf32>
        %div3A_1386 = arith.constant 6.000000e+01 : f32
        %div3A_1387 = vector.broadcast %div3A_1386 : f32 to vector<16xf32>
        %div3A_1388 = arith.divf %div3A_1387, %add3A_1385 : vector<16xf32>
        %sub3A_1389 = arith.constant 3.000000e+01 : f32
        %sub3A_1390 = vector.broadcast %sub3A_1389 : f32 to vector<16xf32>
        %sub3A_1391 = arith.subf %sub3A_1390, %div3A_1388 : vector<16xf32>
        %exp3A_1392 = math.exp %sub3A_1391 : vector<16xf32>
        %lt3A_1393 = arith.constant 8 : i32
        %lt3A_1394 = vector.broadcast %lt3A_1393 : i32 to vector<16xi32>
        %lt3A_1395 = arith.cmpi slt, %iota3A, %lt3A_1394 : vector<16xi32>
        %jit3A = arith.constant 0.000000e+00 : f32
        %broadcast_in_dim3A_1396 = vector.broadcast %jit3A : f32 to vector<16xf32>
        %select_n3A = arith.select %lt3A_1395, %exp3A_1392, %broadcast_in_dim3A_1396 : vector<16xi1>, vector<16xf32>
        %add3A_1397 = arith.addf %add3A_1373, %select_n3A : vector<16xf32>
        %reduce_sum3A = arith.constant true
        %reduce_sum3A_1398 = vector.broadcast %reduce_sum3A : i1 to vector<16xi1>
        %reduce_sum3A_1399 = tpu.scan <sum>, %add3A_1397 masked %reduce_sum3A_1398 : vector<16xf32>, vector<16xi1> -> vector<16xf32>
        %reduce_sum3A_1400 = vector.extract %reduce_sum3A_1399[15] : f32 from vector<16xf32>
        %eq3A = vector.broadcast %scan3A_128 : i32 to vector<16xi32>
        %eq3A_1401 = arith.cmpi eq, %iota3A, %eq3A : vector<16xi32>
        %broadcast_in_dim3A_1402 = vector.broadcast %reduce_sum3A_1400 : f32 to vector<16xf32>
        %select_n3A_1403 = arith.select %eq3A_1401, %broadcast_in_dim3A_1402, %scan3A_129 : vector<16xi1>, vector<16xf32>
        scf.yield %select_n3A_1403 : vector<16xf32>
      }
      %scan3A_79 = arith.constant 16 : i32
      %swap3A_80 = arith.index_cast %add3A_52 : i32 to index
      %swap3A_81 = tpu.vector_load %arg11[%swap3A_80] {strides = array<i32>} : memref<1600xf32, #tpu.memory_space<vmem>>, vector<16xf32>,
      tpu.vector_store %arg11[%swap3A_80], %scan3A_78 {strides = array<i32>} : memref<1600xf32, #tpu.memory_space<vmem>>, vector<16xf32>,
      %add3A_82 = arith.constant 16 : i32
      %add3A_83 = vector.broadcast %add3A_82 : i32 to vector<16xi32>
      %add3A_84 = arith.addi %add3A_83, %iota3A : vector<16xi32>
      %mul3A_85 = arith.constant 32 : i32
      %mul3A_86 = arith.muli %scan3A_28, %mul3A_85 : i32
      %add3A_87 = arith.constant 16 : i32
      %add3A_88 = arith.addi %mul3A_86, %add3A_87 : i32
      %get3A_89 = arith.index_cast %add3A_88 : i32 to index
      %get3A_90 = tpu.vector_load %arg8[%get3A_89] {strides = array<i32>} : memref<1600xi32, #tpu.memory_space<vmem>>, vector<16xi32>,
      %shift_right_arithmetic3A_91 = arith.constant 7 : i32
      %shift_right_arithmetic3A_92 = vector.broadcast %shift_right_arithmetic3A_91 : i32 to vector<16xi32>
      %shift_right_arithmetic3A_93 = arith.shrsi %get3A_90, %shift_right_arithmetic3A_92 : vector<16xi32>
      %and3A_94 = arith.constant 127 : i32
      %and3A_95 = vector.broadcast %and3A_94 : i32 to vector<16xi32>
      %and3A_96 = arith.andi %get3A_90, %and3A_95 : vector<16xi32>
      %gather3A_97 = arith.constant 0 : i32
      %gather3A_98 = arith.constant 0 : i32
      %gather3A_99 = arith.constant 0 : i32
      %gather3A_100 = tpu.memref_slice %arg10[%rem3A_30, %gather3A_97, %gather3A_98, %gather3A_99] : memref<2x32x8x128xf32, #tpu.memory_space<vmem>> -> memref<1x32x8x128xf32, #tpu.memory_space<vmem>>
      %gather3A_101 = tpu.memref_squeeze %gather3A_100 : memref<1x32x8x128xf32, #tpu.memory_space<vmem>> -> memref<32x8x128xf32, #tpu.memory_space<vmem>>
      %gather3A_102 = tpu.vector_load_idx %gather3A_101[%add3A_84, %shift_right_arithmetic3A_93, %and3A_96] : memref<32x8x128xf32, #tpu.memory_space<vmem>>[vector<16xi32>, vector<16xi32>, vector<16xi32>], vector<16xf32>,
      %mul3A_103 = vector.broadcast %scan3A_20 : f32 to vector<16xf32>
      %mul3A_104 = arith.mulf %gather3A_102, %mul3A_103 : vector<16xf32>
      %exp3A_105 = math.exp %mul3A_104 : vector<16xf32>
      %add3A_106 = arith.constant 1.000000e+00 : f32
      %add3A_107 = vector.broadcast %add3A_106 : f32 to vector<16xf32>
      %add3A_108 = arith.addf %exp3A_105, %add3A_107 : vector<16xf32>
      %div3A_109 = arith.constant 6.000000e+01 : f32
      %div3A_110 = vector.broadcast %div3A_109 : f32 to vector<16xf32>
      %div3A_111 = arith.divf %div3A_110, %add3A_108 : vector<16xf32>
      %sub3A_112 = arith.constant 3.000000e+01 : f32
      %sub3A_113 = vector.broadcast %sub3A_112 : f32 to vector<16xf32>
      %sub3A_114 = arith.subf %sub3A_113, %div3A_111 : vector<16xf32>
      %swap3A_115 = arith.index_cast %add3A_88 : i32 to index
      %swap3A_116 = tpu.vector_load %arg12[%swap3A_115] {strides = array<i32>} : memref<1600xf32, #tpu.memory_space<vmem>>, vector<16xf32>,
      tpu.vector_store %arg12[%swap3A_115], %sub3A_114 {strides = array<i32>} : memref<1600xf32, #tpu.memory_space<vmem>>, vector<16xf32>,
      %broadcast_in_dim3A_117 = arith.constant 0.000000e+00 : f32
      %broadcast_in_dim3A_118 = vector.broadcast %broadcast_in_dim3A_117 : f32 to vector<16xf32>
      %scan3A_119 = arith.constant 0 : i32
      %scan3A_120 = arith.constant 16 : i32
      %scan3A_121 = arith.addi %scan3A_119, %scan3A_120 : i32
      %scan3A_122 = arith.constant 1 : i32
      %scan3A_123 = scf.for %scan3A_128 = %scan3A_119 to %scan3A_121 step %scan3A_122 iter_args(%scan3A_129 = %broadcast_in_dim3A_118) -> (vector<16xf32>)  : i32 {
        %add3A_130 = arith.constant 16 : i32
        %add3A_131 = arith.addi %add3A_130, %scan3A_128 : i32
        %broadcast_in_dim3A_132 = arith.constant 0.000000e+00 : f32
        %broadcast_in_dim3A_133 = vector.broadcast %broadcast_in_dim3A_132 : f32 to vector<16xf32>
        %get3A_134 = arith.constant 0 : i32
        %get3A_135 = arith.index_cast %rem3A_30 : i32 to index
        %get3A_136 = arith.index_cast %add3A_131 : i32 to index
        %get3A_137 = arith.index_cast %get3A_134 : i32 to index
        %get3A_138 = arith.constant 0 : index
        %get3A_139 = tpu.vector_load %arg10[%get3A_135, %get3A_136, %get3A_137, %get3A_138] {strides = array<i32>} : memref<2x32x8x128xf32, #tpu.memory_space<vmem>>, vector<16xf32>,
        %mul3A_140 = vector.broadcast %scan3A_20 : f32 to vector<16xf32>
        %mul3A_141 = arith.mulf %get3A_139, %mul3A_140 : vector<16xf32>
        %exp3A_142 = math.exp %mul3A_141 : vector<16xf32>
        %add3A_143 = arith.constant 1.000000e+00 : f32
        %add3A_144 = vector.broadcast %add3A_143 : f32 to vector<16xf32>
        %add3A_145 = arith.addf %exp3A_142, %add3A_144 : vector<16xf32>
        %div3A_146 = arith.constant 6.000000e+01 : f32
        %div3A_147 = vector.broadcast %div3A_146 : f32 to vector<16xf32>
        %div3A_148 = arith.divf %div3A_147, %add3A_145 : vector<16xf32>
        %sub3A_149 = arith.constant 3.000000e+01 : f32
        %sub3A_150 = vector.broadcast %sub3A_149 : f32 to vector<16xf32>
        %sub3A_151 = arith.subf %sub3A_150, %div3A_148 : vector<16xf32>
        %exp3A_152 = math.exp %sub3A_151 : vector<16xf32>
        %add3A_153 = arith.addf %broadcast_in_dim3A_133, %exp3A_152 : vector<16xf32>
        %get3A_154 = arith.constant 0 : i32
        %get3A_155 = arith.index_cast %rem3A_30 : i32 to index
        %get3A_156 = arith.index_cast %add3A_131 : i32 to index
        %get3A_157 = arith.index_cast %get3A_154 : i32 to index
        %get3A_158 = arith.constant 16 : index
        %get3A_159 = tpu.vector_load %arg10[%get3A_155, %get3A_156, %get3A_157, %get3A_158] {strides = array<i32>} : memref<2x32x8x128xf32, #tpu.memory_space<vmem>>, vector<16xf32>,
        %mul3A_160 = vector.broadcast %scan3A_20 : f32 to vector<16xf32>
        %mul3A_161 = arith.mulf %get3A_159, %mul3A_160 : vector<16xf32>
        %exp3A_162 = math.exp %mul3A_161 : vector<16xf32>
        %add3A_163 = arith.constant 1.000000e+00 : f32
        %add3A_164 = vector.broadcast %add3A_163 : f32 to vector<16xf32>
        %add3A_165 = arith.addf %exp3A_162, %add3A_164 : vector<16xf32>
        %div3A_166 = arith.constant 6.000000e+01 : f32
        %div3A_167 = vector.broadcast %div3A_166 : f32 to vector<16xf32>
        %div3A_168 = arith.divf %div3A_167, %add3A_165 : vector<16xf32>
        %sub3A_169 = arith.constant 3.000000e+01 : f32
        %sub3A_170 = vector.broadcast %sub3A_169 : f32 to vector<16xf32>
        %sub3A_171 = arith.subf %sub3A_170, %div3A_168 : vector<16xf32>
        %exp3A_172 = math.exp %sub3A_171 : vector<16xf32>
        %add3A_173 = arith.addf %add3A_153, %exp3A_172 : vector<16xf32>
        %get3A_174 = arith.constant 0 : i32
        %get3A_175 = arith.index_cast %rem3A_30 : i32 to index
        %get3A_176 = arith.index_cast %add3A_131 : i32 to index
        %get3A_177 = arith.index_cast %get3A_174 : i32 to index
        %get3A_178 = arith.constant 32 : index
        %get3A_179 = tpu.vector_load %arg10[%get3A_175, %get3A_176, %get3A_177, %get3A_178] {strides = array<i32>} : memref<2x32x8x128xf32, #tpu.memory_space<vmem>>, vector<16xf32>,
        %mul3A_180 = vector.broadcast %scan3A_20 : f32 to vector<16xf32>
        %mul3A_181 = arith.mulf %get3A_179, %mul3A_180 : vector<16xf32>
        %exp3A_182 = math.exp %mul3A_181 : vector<16xf32>
        %add3A_183 = arith.constant 1.000000e+00 : f32
        %add3A_184 = vector.broadcast %add3A_183 : f32 to vector<16xf32>
        %add3A_185 = arith.addf %exp3A_182, %add3A_184 : vector<16xf32>
        %div3A_186 = arith.constant 6.000000e+01 : f32
        %div3A_187 = vector.broadcast %div3A_186 : f32 to vector<16xf32>
        %div3A_188 = arith.divf %div3A_187, %add3A_185 : vector<16xf32>
        %sub3A_189 = arith.constant 3.000000e+01 : f32
        %sub3A_190 = vector.broadcast %sub3A_189 : f32 to vector<16xf32>
        %sub3A_191 = arith.subf %sub3A_190, %div3A_188 : vector<16xf32>
        %exp3A_192 = math.exp %sub3A_191 : vector<16xf32>
        %add3A_193 = arith.addf %add3A_173, %exp3A_192 : vector<16xf32>
        %get3A_194 = arith.constant 0 : i32
        %get3A_195 = arith.index_cast %rem3A_30 : i32 to index
        %get3A_196 = arith.index_cast %add3A_131 : i32 to index
        %get3A_197 = arith.index_cast %get3A_194 : i32 to index
        %get3A_198 = arith.constant 48 : index
        %get3A_199 = tpu.vector_load %arg10[%get3A_195, %get3A_196, %get3A_197, %get3A_198] {strides = array<i32>} : memref<2x32x8x128xf32, #tpu.memory_space<vmem>>, vector<16xf32>,
        %mul3A_200 = vector.broadcast %scan3A_20 : f32 to vector<16xf32>
        %mul3A_201 = arith.mulf %get3A_199, %mul3A_200 : vector<16xf32>
        %exp3A_202 = math.exp %mul3A_201 : vector<16xf32>
        %add3A_203 = arith.constant 1.000000e+00 : f32
        %add3A_204 = vector.broadcast %add3A_203 : f32 to vector<16xf32>
        %add3A_205 = arith.addf %exp3A_202, %add3A_204 : vector<16xf32>
        %div3A_206 = arith.constant 6.000000e+01 : f32
        %div3A_207 = vector.broadcast %div3A_206 : f32 to vector<16xf32>
        %div3A_208 = arith.divf %div3A_207, %add3A_205 : vector<16xf32>
        %sub3A_209 = arith.constant 3.000000e+01 : f32
        %sub3A_210 = vector.broadcast %sub3A_209 : f32 to vector<16xf32>
        %sub3A_211 = arith.subf %sub3A_210, %div3A_208 : vector<16xf32>
        %exp3A_212 = math.exp %sub3A_211 : vector<16xf32>
        %add3A_213 = arith.addf %add3A_193, %exp3A_212 : vector<16xf32>
        %get3A_214 = arith.constant 0 : i32
        %get3A_215 = arith.index_cast %rem3A_30 : i32 to index
        %get3A_216 = arith.index_cast %add3A_131 : i32 to index
        %get3A_217 = arith.index_cast %get3A_214 : i32 to index
        %get3A_218 = arith.constant 64 : index
        %get3A_219 = tpu.vector_load %arg10[%get3A_215, %get3A_216, %get3A_217, %get3A_218] {strides = array<i32>} : memref<2x32x8x128xf32, #tpu.memory_space<vmem>>, vector<16xf32>,
        %mul3A_220 = vector.broadcast %scan3A_20 : f32 to vector<16xf32>
        %mul3A_221 = arith.mulf %get3A_219, %mul3A_220 : vector<16xf32>
        %exp3A_222 = math.exp %mul3A_221 : vector<16xf32>
        %add3A_223 = arith.constant 1.000000e+00 : f32
        %add3A_224 = vector.broadcast %add3A_223 : f32 to vector<16xf32>
        %add3A_225 = arith.addf %exp3A_222, %add3A_224 : vector<16xf32>
        %div3A_226 = arith.constant 6.000000e+01 : f32
        %div3A_227 = vector.broadcast %div3A_226 : f32 to vector<16xf32>
        %div3A_228 = arith.divf %div3A_227, %add3A_225 : vector<16xf32>
        %sub3A_229 = arith.constant 3.000000e+01 : f32
        %sub3A_230 = vector.broadcast %sub3A_229 : f32 to vector<16xf32>
        %sub3A_231 = arith.subf %sub3A_230, %div3A_228 : vector<16xf32>
        %exp3A_232 = math.exp %sub3A_231 : vector<16xf32>
        %add3A_233 = arith.addf %add3A_213, %exp3A_232 : vector<16xf32>
        %get3A_234 = arith.constant 0 : i32
        %get3A_235 = arith.index_cast %rem3A_30 : i32 to index
        %get3A_236 = arith.index_cast %add3A_131 : i32 to index
        %get3A_237 = arith.index_cast %get3A_234 : i32 to index
        %get3A_238 = arith.constant 80 : index
        %get3A_239 = tpu.vector_load %arg10[%get3A_235, %get3A_236, %get3A_237, %get3A_238] {strides = array<i32>} : memref<2x32x8x128xf32, #tpu.memory_space<vmem>>, vector<16xf32>,
        %mul3A_240 = vector.broadcast %scan3A_20 : f32 to vector<16xf32>
        %mul3A_241 = arith.mulf %get3A_239, %mul3A_240 : vector<16xf32>
        %exp3A_242 = math.exp %mul3A_241 : vector<16xf32>
        %add3A_243 = arith.constant 1.000000e+00 : f32
        %add3A_244 = vector.broadcast %add3A_243 : f32 to vector<16xf32>
        %add3A_245 = arith.addf %exp3A_242, %add3A_244 : vector<16xf32>
        %div3A_246 = arith.constant 6.000000e+01 : f32
        %div3A_247 = vector.broadcast %div3A_246 : f32 to vector<16xf32>
        %div3A_248 = arith.divf %div3A_247, %add3A_245 : vector<16xf32>
        %sub3A_249 = arith.constant 3.000000e+01 : f32
        %sub3A_250 = vector.broadcast %sub3A_249 : f32 to vector<16xf32>
        %sub3A_251 = arith.subf %sub3A_250, %div3A_248 : vector<16xf32>
        %exp3A_252 = math.exp %sub3A_251 : vector<16xf32>
        %add3A_253 = arith.addf %add3A_233, %exp3A_252 : vector<16xf32>
        %get3A_254 = arith.constant 0 : i32
        %get3A_255 = arith.index_cast %rem3A_30 : i32 to index
        %get3A_256 = arith.index_cast %add3A_131 : i32 to index
        %get3A_257 = arith.index_cast %get3A_254 : i32 to index
        %get3A_258 = arith.constant 96 : index
        %get3A_259 = tpu.vector_load %arg10[%get3A_255, %get3A_256, %get3A_257, %get3A_258] {strides = array<i32>} : memref<2x32x8x128xf32, #tpu.memory_space<vmem>>, vector<16xf32>,
        %mul3A_260 = vector.broadcast %scan3A_20 : f32 to vector<16xf32>
        %mul3A_261 = arith.mulf %get3A_259, %mul3A_260 : vector<16xf32>
        %exp3A_262 = math.exp %mul3A_261 : vector<16xf32>
        %add3A_263 = arith.constant 1.000000e+00 : f32
        %add3A_264 = vector.broadcast %add3A_263 : f32 to vector<16xf32>
        %add3A_265 = arith.addf %exp3A_262, %add3A_264 : vector<16xf32>
        %div3A_266 = arith.constant 6.000000e+01 : f32
        %div3A_267 = vector.broadcast %div3A_266 : f32 to vector<16xf32>
        %div3A_268 = arith.divf %div3A_267, %add3A_265 : vector<16xf32>
        %sub3A_269 = arith.constant 3.000000e+01 : f32
        %sub3A_270 = vector.broadcast %sub3A_269 : f32 to vector<16xf32>
        %sub3A_271 = arith.subf %sub3A_270, %div3A_268 : vector<16xf32>
        %exp3A_272 = math.exp %sub3A_271 : vector<16xf32>
        %add3A_273 = arith.addf %add3A_253, %exp3A_272 : vector<16xf32>
        %get3A_274 = arith.constant 0 : i32
        %get3A_275 = arith.index_cast %rem3A_30 : i32 to index
        %get3A_276 = arith.index_cast %add3A_131 : i32 to index
        %get3A_277 = arith.index_cast %get3A_274 : i32 to index
        %get3A_278 = arith.constant 112 : index
        %get3A_279 = tpu.vector_load %arg10[%get3A_275, %get3A_276, %get3A_277, %get3A_278] {strides = array<i32>} : memref<2x32x8x128xf32, #tpu.memory_space<vmem>>, vector<16xf32>,
        %mul3A_280 = vector.broadcast %scan3A_20 : f32 to vector<16xf32>
        %mul3A_281 = arith.mulf %get3A_279, %mul3A_280 : vector<16xf32>
        %exp3A_282 = math.exp %mul3A_281 : vector<16xf32>
        %add3A_283 = arith.constant 1.000000e+00 : f32
        %add3A_284 = vector.broadcast %add3A_283 : f32 to vector<16xf32>
        %add3A_285 = arith.addf %exp3A_282, %add3A_284 : vector<16xf32>
        %div3A_286 = arith.constant 6.000000e+01 : f32
        %div3A_287 = vector.broadcast %div3A_286 : f32 to vector<16xf32>
        %div3A_288 = arith.divf %div3A_287, %add3A_285 : vector<16xf32>
        %sub3A_289 = arith.constant 3.000000e+01 : f32
        %sub3A_290 = vector.broadcast %sub3A_289 : f32 to vector<16xf32>
        %sub3A_291 = arith.subf %sub3A_290, %div3A_288 : vector<16xf32>
        %exp3A_292 = math.exp %sub3A_291 : vector<16xf32>
        %add3A_293 = arith.addf %add3A_273, %exp3A_292 : vector<16xf32>
        %get3A_294 = arith.constant 1 : i32
        %get3A_295 = arith.index_cast %rem3A_30 : i32 to index
        %get3A_296 = arith.index_cast %add3A_131 : i32 to index
        %get3A_297 = arith.index_cast %get3A_294 : i32 to index
        %get3A_298 = arith.constant 0 : index
        %get3A_299 = tpu.vector_load %arg10[%get3A_295, %get3A_296, %get3A_297, %get3A_298] {strides = array<i32>} : memref<2x32x8x128xf32, #tpu.memory_space<vmem>>, vector<16xf32>,
        %mul3A_300 = vector.broadcast %scan3A_20 : f32 to vector<16xf32>
        %mul3A_301 = arith.mulf %get3A_299, %mul3A_300 : vector<16xf32>
        %exp3A_302 = math.exp %mul3A_301 : vector<16xf32>
        %add3A_303 = arith.constant 1.000000e+00 : f32
        %add3A_304 = vector.broadcast %add3A_303 : f32 to vector<16xf32>
        %add3A_305 = arith.addf %exp3A_302, %add3A_304 : vector<16xf32>
        %div3A_306 = arith.constant 6.000000e+01 : f32
        %div3A_307 = vector.broadcast %div3A_306 : f32 to vector<16xf32>
        %div3A_308 = arith.divf %div3A_307, %add3A_305 : vector<16xf32>
        %sub3A_309 = arith.constant 3.000000e+01 : f32
        %sub3A_310 = vector.broadcast %sub3A_309 : f32 to vector<16xf32>
        %sub3A_311 = arith.subf %sub3A_310, %div3A_308 : vector<16xf32>
        %exp3A_312 = math.exp %sub3A_311 : vector<16xf32>
        %add3A_313 = arith.addf %add3A_293, %exp3A_312 : vector<16xf32>
        %get3A_314 = arith.constant 1 : i32
        %get3A_315 = arith.index_cast %rem3A_30 : i32 to index
        %get3A_316 = arith.index_cast %add3A_131 : i32 to index
        %get3A_317 = arith.index_cast %get3A_314 : i32 to index
        %get3A_318 = arith.constant 16 : index
        %get3A_319 = tpu.vector_load %arg10[%get3A_315, %get3A_316, %get3A_317, %get3A_318] {strides = array<i32>} : memref<2x32x8x128xf32, #tpu.memory_space<vmem>>, vector<16xf32>,
        %mul3A_320 = vector.broadcast %scan3A_20 : f32 to vector<16xf32>
        %mul3A_321 = arith.mulf %get3A_319, %mul3A_320 : vector<16xf32>
        %exp3A_322 = math.exp %mul3A_321 : vector<16xf32>
        %add3A_323 = arith.constant 1.000000e+00 : f32
        %add3A_324 = vector.broadcast %add3A_323 : f32 to vector<16xf32>
        %add3A_325 = arith.addf %exp3A_322, %add3A_324 : vector<16xf32>
        %div3A_326 = arith.constant 6.000000e+01 : f32
        %div3A_327 = vector.broadcast %div3A_326 : f32 to vector<16xf32>
        %div3A_328 = arith.divf %div3A_327, %add3A_325 : vector<16xf32>
        %sub3A_329 = arith.constant 3.000000e+01 : f32
        %sub3A_330 = vector.broadcast %sub3A_329 : f32 to vector<16xf32>
        %sub3A_331 = arith.subf %sub3A_330, %div3A_328 : vector<16xf32>
        %exp3A_332 = math.exp %sub3A_331 : vector<16xf32>
        %add3A_333 = arith.addf %add3A_313, %exp3A_332 : vector<16xf32>
        %get3A_334 = arith.constant 1 : i32
        %get3A_335 = arith.index_cast %rem3A_30 : i32 to index
        %get3A_336 = arith.index_cast %add3A_131 : i32 to index
        %get3A_337 = arith.index_cast %get3A_334 : i32 to index
        %get3A_338 = arith.constant 32 : index
        %get3A_339 = tpu.vector_load %arg10[%get3A_335, %get3A_336, %get3A_337, %get3A_338] {strides = array<i32>} : memref<2x32x8x128xf32, #tpu.memory_space<vmem>>, vector<16xf32>,
        %mul3A_340 = vector.broadcast %scan3A_20 : f32 to vector<16xf32>
        %mul3A_341 = arith.mulf %get3A_339, %mul3A_340 : vector<16xf32>
        %exp3A_342 = math.exp %mul3A_341 : vector<16xf32>
        %add3A_343 = arith.constant 1.000000e+00 : f32
        %add3A_344 = vector.broadcast %add3A_343 : f32 to vector<16xf32>
        %add3A_345 = arith.addf %exp3A_342, %add3A_344 : vector<16xf32>
        %div3A_346 = arith.constant 6.000000e+01 : f32
        %div3A_347 = vector.broadcast %div3A_346 : f32 to vector<16xf32>
        %div3A_348 = arith.divf %div3A_347, %add3A_345 : vector<16xf32>
        %sub3A_349 = arith.constant 3.000000e+01 : f32
        %sub3A_350 = vector.broadcast %sub3A_349 : f32 to vector<16xf32>
        %sub3A_351 = arith.subf %sub3A_350, %div3A_348 : vector<16xf32>
        %exp3A_352 = math.exp %sub3A_351 : vector<16xf32>
        %add3A_353 = arith.addf %add3A_333, %exp3A_352 : vector<16xf32>
        %get3A_354 = arith.constant 1 : i32
        %get3A_355 = arith.index_cast %rem3A_30 : i32 to index
        %get3A_356 = arith.index_cast %add3A_131 : i32 to index
        %get3A_357 = arith.index_cast %get3A_354 : i32 to index
        %get3A_358 = arith.constant 48 : index
        %get3A_359 = tpu.vector_load %arg10[%get3A_355, %get3A_356, %get3A_357, %get3A_358] {strides = array<i32>} : memref<2x32x8x128xf32, #tpu.memory_space<vmem>>, vector<16xf32>,
        %mul3A_360 = vector.broadcast %scan3A_20 : f32 to vector<16xf32>
        %mul3A_361 = arith.mulf %get3A_359, %mul3A_360 : vector<16xf32>
        %exp3A_362 = math.exp %mul3A_361 : vector<16xf32>
        %add3A_363 = arith.constant 1.000000e+00 : f32
        %add3A_364 = vector.broadcast %add3A_363 : f32 to vector<16xf32>
        %add3A_365 = arith.addf %exp3A_362, %add3A_364 : vector<16xf32>
        %div3A_366 = arith.constant 6.000000e+01 : f32
        %div3A_367 = vector.broadcast %div3A_366 : f32 to vector<16xf32>
        %div3A_368 = arith.divf %div3A_367, %add3A_365 : vector<16xf32>
        %sub3A_369 = arith.constant 3.000000e+01 : f32
        %sub3A_370 = vector.broadcast %sub3A_369 : f32 to vector<16xf32>
        %sub3A_371 = arith.subf %sub3A_370, %div3A_368 : vector<16xf32>
        %exp3A_372 = math.exp %sub3A_371 : vector<16xf32>
        %add3A_373 = arith.addf %add3A_353, %exp3A_372 : vector<16xf32>
        %get3A_374 = arith.constant 1 : i32
        %get3A_375 = arith.index_cast %rem3A_30 : i32 to index
        %get3A_376 = arith.index_cast %add3A_131 : i32 to index
        %get3A_377 = arith.index_cast %get3A_374 : i32 to index
        %get3A_378 = arith.constant 64 : index
        %get3A_379 = tpu.vector_load %arg10[%get3A_375, %get3A_376, %get3A_377, %get3A_378] {strides = array<i32>} : memref<2x32x8x128xf32, #tpu.memory_space<vmem>>, vector<16xf32>,
        %mul3A_380 = vector.broadcast %scan3A_20 : f32 to vector<16xf32>
        %mul3A_381 = arith.mulf %get3A_379, %mul3A_380 : vector<16xf32>
        %exp3A_382 = math.exp %mul3A_381 : vector<16xf32>
        %add3A_383 = arith.constant 1.000000e+00 : f32
        %add3A_384 = vector.broadcast %add3A_383 : f32 to vector<16xf32>
        %add3A_385 = arith.addf %exp3A_382, %add3A_384 : vector<16xf32>
        %div3A_386 = arith.constant 6.000000e+01 : f32
        %div3A_387 = vector.broadcast %div3A_386 : f32 to vector<16xf32>
        %div3A_388 = arith.divf %div3A_387, %add3A_385 : vector<16xf32>
        %sub3A_389 = arith.constant 3.000000e+01 : f32
        %sub3A_390 = vector.broadcast %sub3A_389 : f32 to vector<16xf32>
        %sub3A_391 = arith.subf %sub3A_390, %div3A_388 : vector<16xf32>
        %exp3A_392 = math.exp %sub3A_391 : vector<16xf32>
        %add3A_393 = arith.addf %add3A_373, %exp3A_392 : vector<16xf32>
        %get3A_394 = arith.constant 1 : i32
        %get3A_395 = arith.index_cast %rem3A_30 : i32 to index
        %get3A_396 = arith.index_cast %add3A_131 : i32 to index
        %get3A_397 = arith.index_cast %get3A_394 : i32 to index
        %get3A_398 = arith.constant 80 : index
        %get3A_399 = tpu.vector_load %arg10[%get3A_395, %get3A_396, %get3A_397, %get3A_398] {strides = array<i32>} : memref<2x32x8x128xf32, #tpu.memory_space<vmem>>, vector<16xf32>,
        %mul3A_400 = vector.broadcast %scan3A_20 : f32 to vector<16xf32>
        %mul3A_401 = arith.mulf %get3A_399, %mul3A_400 : vector<16xf32>
        %exp3A_402 = math.exp %mul3A_401 : vector<16xf32>
        %add3A_403 = arith.constant 1.000000e+00 : f32
        %add3A_404 = vector.broadcast %add3A_403 : f32 to vector<16xf32>
        %add3A_405 = arith.addf %exp3A_402, %add3A_404 : vector<16xf32>
        %div3A_406 = arith.constant 6.000000e+01 : f32
        %div3A_407 = vector.broadcast %div3A_406 : f32 to vector<16xf32>
        %div3A_408 = arith.divf %div3A_407, %add3A_405 : vector<16xf32>
        %sub3A_409 = arith.constant 3.000000e+01 : f32
        %sub3A_410 = vector.broadcast %sub3A_409 : f32 to vector<16xf32>
        %sub3A_411 = arith.subf %sub3A_410, %div3A_408 : vector<16xf32>
        %exp3A_412 = math.exp %sub3A_411 : vector<16xf32>
        %add3A_413 = arith.addf %add3A_393, %exp3A_412 : vector<16xf32>
        %get3A_414 = arith.constant 1 : i32
        %get3A_415 = arith.index_cast %rem3A_30 : i32 to index
        %get3A_416 = arith.index_cast %add3A_131 : i32 to index
        %get3A_417 = arith.index_cast %get3A_414 : i32 to index
        %get3A_418 = arith.constant 96 : index
        %get3A_419 = tpu.vector_load %arg10[%get3A_415, %get3A_416, %get3A_417, %get3A_418] {strides = array<i32>} : memref<2x32x8x128xf32, #tpu.memory_space<vmem>>, vector<16xf32>,
        %mul3A_420 = vector.broadcast %scan3A_20 : f32 to vector<16xf32>
        %mul3A_421 = arith.mulf %get3A_419, %mul3A_420 : vector<16xf32>
        %exp3A_422 = math.exp %mul3A_421 : vector<16xf32>
        %add3A_423 = arith.constant 1.000000e+00 : f32
        %add3A_424 = vector.broadcast %add3A_423 : f32 to vector<16xf32>
        %add3A_425 = arith.addf %exp3A_422, %add3A_424 : vector<16xf32>
        %div3A_426 = arith.constant 6.000000e+01 : f32
        %div3A_427 = vector.broadcast %div3A_426 : f32 to vector<16xf32>
        %div3A_428 = arith.divf %div3A_427, %add3A_425 : vector<16xf32>
        %sub3A_429 = arith.constant 3.000000e+01 : f32
        %sub3A_430 = vector.broadcast %sub3A_429 : f32 to vector<16xf32>
        %sub3A_431 = arith.subf %sub3A_430, %div3A_428 : vector<16xf32>
        %exp3A_432 = math.exp %sub3A_431 : vector<16xf32>
        %add3A_433 = arith.addf %add3A_413, %exp3A_432 : vector<16xf32>
        %get3A_434 = arith.constant 1 : i32
        %get3A_435 = arith.index_cast %rem3A_30 : i32 to index
        %get3A_436 = arith.index_cast %add3A_131 : i32 to index
        %get3A_437 = arith.index_cast %get3A_434 : i32 to index
        %get3A_438 = arith.constant 112 : index
        %get3A_439 = tpu.vector_load %arg10[%get3A_435, %get3A_436, %get3A_437, %get3A_438] {strides = array<i32>} : memref<2x32x8x128xf32, #tpu.memory_space<vmem>>, vector<16xf32>,
        %mul3A_440 = vector.broadcast %scan3A_20 : f32 to vector<16xf32>
        %mul3A_441 = arith.mulf %get3A_439, %mul3A_440 : vector<16xf32>
        %exp3A_442 = math.exp %mul3A_441 : vector<16xf32>
        %add3A_443 = arith.constant 1.000000e+00 : f32
        %add3A_444 = vector.broadcast %add3A_443 : f32 to vector<16xf32>
        %add3A_445 = arith.addf %exp3A_442, %add3A_444 : vector<16xf32>
        %div3A_446 = arith.constant 6.000000e+01 : f32
        %div3A_447 = vector.broadcast %div3A_446 : f32 to vector<16xf32>
        %div3A_448 = arith.divf %div3A_447, %add3A_445 : vector<16xf32>
        %sub3A_449 = arith.constant 3.000000e+01 : f32
        %sub3A_450 = vector.broadcast %sub3A_449 : f32 to vector<16xf32>
        %sub3A_451 = arith.subf %sub3A_450, %div3A_448 : vector<16xf32>
        %exp3A_452 = math.exp %sub3A_451 : vector<16xf32>
        %add3A_453 = arith.addf %add3A_433, %exp3A_452 : vector<16xf32>
        %get3A_454 = arith.constant 2 : i32
        %get3A_455 = arith.index_cast %rem3A_30 : i32 to index
        %get3A_456 = arith.index_cast %add3A_131 : i32 to index
        %get3A_457 = arith.index_cast %get3A_454 : i32 to index
        %get3A_458 = arith.constant 0 : index
        %get3A_459 = tpu.vector_load %arg10[%get3A_455, %get3A_456, %get3A_457, %get3A_458] {strides = array<i32>} : memref<2x32x8x128xf32, #tpu.memory_space<vmem>>, vector<16xf32>,
        %mul3A_460 = vector.broadcast %scan3A_20 : f32 to vector<16xf32>
        %mul3A_461 = arith.mulf %get3A_459, %mul3A_460 : vector<16xf32>
        %exp3A_462 = math.exp %mul3A_461 : vector<16xf32>
        %add3A_463 = arith.constant 1.000000e+00 : f32
        %add3A_464 = vector.broadcast %add3A_463 : f32 to vector<16xf32>
        %add3A_465 = arith.addf %exp3A_462, %add3A_464 : vector<16xf32>
        %div3A_466 = arith.constant 6.000000e+01 : f32
        %div3A_467 = vector.broadcast %div3A_466 : f32 to vector<16xf32>
        %div3A_468 = arith.divf %div3A_467, %add3A_465 : vector<16xf32>
        %sub3A_469 = arith.constant 3.000000e+01 : f32
        %sub3A_470 = vector.broadcast %sub3A_469 : f32 to vector<16xf32>
        %sub3A_471 = arith.subf %sub3A_470, %div3A_468 : vector<16xf32>
        %exp3A_472 = math.exp %sub3A_471 : vector<16xf32>
        %add3A_473 = arith.addf %add3A_453, %exp3A_472 : vector<16xf32>
        %get3A_474 = arith.constant 2 : i32
        %get3A_475 = arith.index_cast %rem3A_30 : i32 to index
        %get3A_476 = arith.index_cast %add3A_131 : i32 to index
        %get3A_477 = arith.index_cast %get3A_474 : i32 to index
        %get3A_478 = arith.constant 16 : index
        %get3A_479 = tpu.vector_load %arg10[%get3A_475, %get3A_476, %get3A_477, %get3A_478] {strides = array<i32>} : memref<2x32x8x128xf32, #tpu.memory_space<vmem>>, vector<16xf32>,
        %mul3A_480 = vector.broadcast %scan3A_20 : f32 to vector<16xf32>
        %mul3A_481 = arith.mulf %get3A_479, %mul3A_480 : vector<16xf32>
        %exp3A_482 = math.exp %mul3A_481 : vector<16xf32>
        %add3A_483 = arith.constant 1.000000e+00 : f32
        %add3A_484 = vector.broadcast %add3A_483 : f32 to vector<16xf32>
        %add3A_485 = arith.addf %exp3A_482, %add3A_484 : vector<16xf32>
        %div3A_486 = arith.constant 6.000000e+01 : f32
        %div3A_487 = vector.broadcast %div3A_486 : f32 to vector<16xf32>
        %div3A_488 = arith.divf %div3A_487, %add3A_485 : vector<16xf32>
        %sub3A_489 = arith.constant 3.000000e+01 : f32
        %sub3A_490 = vector.broadcast %sub3A_489 : f32 to vector<16xf32>
        %sub3A_491 = arith.subf %sub3A_490, %div3A_488 : vector<16xf32>
        %exp3A_492 = math.exp %sub3A_491 : vector<16xf32>
        %add3A_493 = arith.addf %add3A_473, %exp3A_492 : vector<16xf32>
        %get3A_494 = arith.constant 2 : i32
        %get3A_495 = arith.index_cast %rem3A_30 : i32 to index
        %get3A_496 = arith.index_cast %add3A_131 : i32 to index
        %get3A_497 = arith.index_cast %get3A_494 : i32 to index
        %get3A_498 = arith.constant 32 : index
        %get3A_499 = tpu.vector_load %arg10[%get3A_495, %get3A_496, %get3A_497, %get3A_498] {strides = array<i32>} : memref<2x32x8x128xf32, #tpu.memory_space<vmem>>, vector<16xf32>,
        %mul3A_500 = vector.broadcast %scan3A_20 : f32 to vector<16xf32>
        %mul3A_501 = arith.mulf %get3A_499, %mul3A_500 : vector<16xf32>
        %exp3A_502 = math.exp %mul3A_501 : vector<16xf32>
        %add3A_503 = arith.constant 1.000000e+00 : f32
        %add3A_504 = vector.broadcast %add3A_503 : f32 to vector<16xf32>
        %add3A_505 = arith.addf %exp3A_502, %add3A_504 : vector<16xf32>
        %div3A_506 = arith.constant 6.000000e+01 : f32
        %div3A_507 = vector.broadcast %div3A_506 : f32 to vector<16xf32>
        %div3A_508 = arith.divf %div3A_507, %add3A_505 : vector<16xf32>
        %sub3A_509 = arith.constant 3.000000e+01 : f32
        %sub3A_510 = vector.broadcast %sub3A_509 : f32 to vector<16xf32>
        %sub3A_511 = arith.subf %sub3A_510, %div3A_508 : vector<16xf32>
        %exp3A_512 = math.exp %sub3A_511 : vector<16xf32>
        %add3A_513 = arith.addf %add3A_493, %exp3A_512 : vector<16xf32>
        %get3A_514 = arith.constant 2 : i32
        %get3A_515 = arith.index_cast %rem3A_30 : i32 to index
        %get3A_516 = arith.index_cast %add3A_131 : i32 to index
        %get3A_517 = arith.index_cast %get3A_514 : i32 to index
        %get3A_518 = arith.constant 48 : index
        %get3A_519 = tpu.vector_load %arg10[%get3A_515, %get3A_516, %get3A_517, %get3A_518] {strides = array<i32>} : memref<2x32x8x128xf32, #tpu.memory_space<vmem>>, vector<16xf32>,
        %mul3A_520 = vector.broadcast %scan3A_20 : f32 to vector<16xf32>
        %mul3A_521 = arith.mulf %get3A_519, %mul3A_520 : vector<16xf32>
        %exp3A_522 = math.exp %mul3A_521 : vector<16xf32>
        %add3A_523 = arith.constant 1.000000e+00 : f32
        %add3A_524 = vector.broadcast %add3A_523 : f32 to vector<16xf32>
        %add3A_525 = arith.addf %exp3A_522, %add3A_524 : vector<16xf32>
        %div3A_526 = arith.constant 6.000000e+01 : f32
        %div3A_527 = vector.broadcast %div3A_526 : f32 to vector<16xf32>
        %div3A_528 = arith.divf %div3A_527, %add3A_525 : vector<16xf32>
        %sub3A_529 = arith.constant 3.000000e+01 : f32
        %sub3A_530 = vector.broadcast %sub3A_529 : f32 to vector<16xf32>
        %sub3A_531 = arith.subf %sub3A_530, %div3A_528 : vector<16xf32>
        %exp3A_532 = math.exp %sub3A_531 : vector<16xf32>
        %add3A_533 = arith.addf %add3A_513, %exp3A_532 : vector<16xf32>
        %get3A_534 = arith.constant 2 : i32
        %get3A_535 = arith.index_cast %rem3A_30 : i32 to index
        %get3A_536 = arith.index_cast %add3A_131 : i32 to index
        %get3A_537 = arith.index_cast %get3A_534 : i32 to index
        %get3A_538 = arith.constant 64 : index
        %get3A_539 = tpu.vector_load %arg10[%get3A_535, %get3A_536, %get3A_537, %get3A_538] {strides = array<i32>} : memref<2x32x8x128xf32, #tpu.memory_space<vmem>>, vector<16xf32>,
        %mul3A_540 = vector.broadcast %scan3A_20 : f32 to vector<16xf32>
        %mul3A_541 = arith.mulf %get3A_539, %mul3A_540 : vector<16xf32>
        %exp3A_542 = math.exp %mul3A_541 : vector<16xf32>
        %add3A_543 = arith.constant 1.000000e+00 : f32
        %add3A_544 = vector.broadcast %add3A_543 : f32 to vector<16xf32>
        %add3A_545 = arith.addf %exp3A_542, %add3A_544 : vector<16xf32>
        %div3A_546 = arith.constant 6.000000e+01 : f32
        %div3A_547 = vector.broadcast %div3A_546 : f32 to vector<16xf32>
        %div3A_548 = arith.divf %div3A_547, %add3A_545 : vector<16xf32>
        %sub3A_549 = arith.constant 3.000000e+01 : f32
        %sub3A_550 = vector.broadcast %sub3A_549 : f32 to vector<16xf32>
        %sub3A_551 = arith.subf %sub3A_550, %div3A_548 : vector<16xf32>
        %exp3A_552 = math.exp %sub3A_551 : vector<16xf32>
        %add3A_553 = arith.addf %add3A_533, %exp3A_552 : vector<16xf32>
        %get3A_554 = arith.constant 2 : i32
        %get3A_555 = arith.index_cast %rem3A_30 : i32 to index
        %get3A_556 = arith.index_cast %add3A_131 : i32 to index
        %get3A_557 = arith.index_cast %get3A_554 : i32 to index
        %get3A_558 = arith.constant 80 : index
        %get3A_559 = tpu.vector_load %arg10[%get3A_555, %get3A_556, %get3A_557, %get3A_558] {strides = array<i32>} : memref<2x32x8x128xf32, #tpu.memory_space<vmem>>, vector<16xf32>,
        %mul3A_560 = vector.broadcast %scan3A_20 : f32 to vector<16xf32>
        %mul3A_561 = arith.mulf %get3A_559, %mul3A_560 : vector<16xf32>
        %exp3A_562 = math.exp %mul3A_561 : vector<16xf32>
        %add3A_563 = arith.constant 1.000000e+00 : f32
        %add3A_564 = vector.broadcast %add3A_563 : f32 to vector<16xf32>
        %add3A_565 = arith.addf %exp3A_562, %add3A_564 : vector<16xf32>
        %div3A_566 = arith.constant 6.000000e+01 : f32
        %div3A_567 = vector.broadcast %div3A_566 : f32 to vector<16xf32>
        %div3A_568 = arith.divf %div3A_567, %add3A_565 : vector<16xf32>
        %sub3A_569 = arith.constant 3.000000e+01 : f32
        %sub3A_570 = vector.broadcast %sub3A_569 : f32 to vector<16xf32>
        %sub3A_571 = arith.subf %sub3A_570, %div3A_568 : vector<16xf32>
        %exp3A_572 = math.exp %sub3A_571 : vector<16xf32>
        %add3A_573 = arith.addf %add3A_553, %exp3A_572 : vector<16xf32>
        %get3A_574 = arith.constant 2 : i32
        %get3A_575 = arith.index_cast %rem3A_30 : i32 to index
        %get3A_576 = arith.index_cast %add3A_131 : i32 to index
        %get3A_577 = arith.index_cast %get3A_574 : i32 to index
        %get3A_578 = arith.constant 96 : index
        %get3A_579 = tpu.vector_load %arg10[%get3A_575, %get3A_576, %get3A_577, %get3A_578] {strides = array<i32>} : memref<2x32x8x128xf32, #tpu.memory_space<vmem>>, vector<16xf32>,
        %mul3A_580 = vector.broadcast %scan3A_20 : f32 to vector<16xf32>
        %mul3A_581 = arith.mulf %get3A_579, %mul3A_580 : vector<16xf32>
        %exp3A_582 = math.exp %mul3A_581 : vector<16xf32>
        %add3A_583 = arith.constant 1.000000e+00 : f32
        %add3A_584 = vector.broadcast %add3A_583 : f32 to vector<16xf32>
        %add3A_585 = arith.addf %exp3A_582, %add3A_584 : vector<16xf32>
        %div3A_586 = arith.constant 6.000000e+01 : f32
        %div3A_587 = vector.broadcast %div3A_586 : f32 to vector<16xf32>
        %div3A_588 = arith.divf %div3A_587, %add3A_585 : vector<16xf32>
        %sub3A_589 = arith.constant 3.000000e+01 : f32
        %sub3A_590 = vector.broadcast %sub3A_589 : f32 to vector<16xf32>
        %sub3A_591 = arith.subf %sub3A_590, %div3A_588 : vector<16xf32>
        %exp3A_592 = math.exp %sub3A_591 : vector<16xf32>
        %add3A_593 = arith.addf %add3A_573, %exp3A_592 : vector<16xf32>
        %get3A_594 = arith.constant 2 : i32
        %get3A_595 = arith.index_cast %rem3A_30 : i32 to index
        %get3A_596 = arith.index_cast %add3A_131 : i32 to index
        %get3A_597 = arith.index_cast %get3A_594 : i32 to index
        %get3A_598 = arith.constant 112 : index
        %get3A_599 = tpu.vector_load %arg10[%get3A_595, %get3A_596, %get3A_597, %get3A_598] {strides = array<i32>} : memref<2x32x8x128xf32, #tpu.memory_space<vmem>>, vector<16xf32>,
        %mul3A_600 = vector.broadcast %scan3A_20 : f32 to vector<16xf32>
        %mul3A_601 = arith.mulf %get3A_599, %mul3A_600 : vector<16xf32>
        %exp3A_602 = math.exp %mul3A_601 : vector<16xf32>
        %add3A_603 = arith.constant 1.000000e+00 : f32
        %add3A_604 = vector.broadcast %add3A_603 : f32 to vector<16xf32>
        %add3A_605 = arith.addf %exp3A_602, %add3A_604 : vector<16xf32>
        %div3A_606 = arith.constant 6.000000e+01 : f32
        %div3A_607 = vector.broadcast %div3A_606 : f32 to vector<16xf32>
        %div3A_608 = arith.divf %div3A_607, %add3A_605 : vector<16xf32>
        %sub3A_609 = arith.constant 3.000000e+01 : f32
        %sub3A_610 = vector.broadcast %sub3A_609 : f32 to vector<16xf32>
        %sub3A_611 = arith.subf %sub3A_610, %div3A_608 : vector<16xf32>
        %exp3A_612 = math.exp %sub3A_611 : vector<16xf32>
        %add3A_613 = arith.addf %add3A_593, %exp3A_612 : vector<16xf32>
        %get3A_614 = arith.constant 3 : i32
        %get3A_615 = arith.index_cast %rem3A_30 : i32 to index
        %get3A_616 = arith.index_cast %add3A_131 : i32 to index
        %get3A_617 = arith.index_cast %get3A_614 : i32 to index
        %get3A_618 = arith.constant 0 : index
        %get3A_619 = tpu.vector_load %arg10[%get3A_615, %get3A_616, %get3A_617, %get3A_618] {strides = array<i32>} : memref<2x32x8x128xf32, #tpu.memory_space<vmem>>, vector<16xf32>,
        %mul3A_620 = vector.broadcast %scan3A_20 : f32 to vector<16xf32>
        %mul3A_621 = arith.mulf %get3A_619, %mul3A_620 : vector<16xf32>
        %exp3A_622 = math.exp %mul3A_621 : vector<16xf32>
        %add3A_623 = arith.constant 1.000000e+00 : f32
        %add3A_624 = vector.broadcast %add3A_623 : f32 to vector<16xf32>
        %add3A_625 = arith.addf %exp3A_622, %add3A_624 : vector<16xf32>
        %div3A_626 = arith.constant 6.000000e+01 : f32
        %div3A_627 = vector.broadcast %div3A_626 : f32 to vector<16xf32>
        %div3A_628 = arith.divf %div3A_627, %add3A_625 : vector<16xf32>
        %sub3A_629 = arith.constant 3.000000e+01 : f32
        %sub3A_630 = vector.broadcast %sub3A_629 : f32 to vector<16xf32>
        %sub3A_631 = arith.subf %sub3A_630, %div3A_628 : vector<16xf32>
        %exp3A_632 = math.exp %sub3A_631 : vector<16xf32>
        %add3A_633 = arith.addf %add3A_613, %exp3A_632 : vector<16xf32>
        %get3A_634 = arith.constant 3 : i32
        %get3A_635 = arith.index_cast %rem3A_30 : i32 to index
        %get3A_636 = arith.index_cast %add3A_131 : i32 to index
        %get3A_637 = arith.index_cast %get3A_634 : i32 to index
        %get3A_638 = arith.constant 16 : index
        %get3A_639 = tpu.vector_load %arg10[%get3A_635, %get3A_636, %get3A_637, %get3A_638] {strides = array<i32>} : memref<2x32x8x128xf32, #tpu.memory_space<vmem>>, vector<16xf32>,
        %mul3A_640 = vector.broadcast %scan3A_20 : f32 to vector<16xf32>
        %mul3A_641 = arith.mulf %get3A_639, %mul3A_640 : vector<16xf32>
        %exp3A_642 = math.exp %mul3A_641 : vector<16xf32>
        %add3A_643 = arith.constant 1.000000e+00 : f32
        %add3A_644 = vector.broadcast %add3A_643 : f32 to vector<16xf32>
        %add3A_645 = arith.addf %exp3A_642, %add3A_644 : vector<16xf32>
        %div3A_646 = arith.constant 6.000000e+01 : f32
        %div3A_647 = vector.broadcast %div3A_646 : f32 to vector<16xf32>
        %div3A_648 = arith.divf %div3A_647, %add3A_645 : vector<16xf32>
        %sub3A_649 = arith.constant 3.000000e+01 : f32
        %sub3A_650 = vector.broadcast %sub3A_649 : f32 to vector<16xf32>
        %sub3A_651 = arith.subf %sub3A_650, %div3A_648 : vector<16xf32>
        %exp3A_652 = math.exp %sub3A_651 : vector<16xf32>
        %add3A_653 = arith.addf %add3A_633, %exp3A_652 : vector<16xf32>
        %get3A_654 = arith.constant 3 : i32
        %get3A_655 = arith.index_cast %rem3A_30 : i32 to index
        %get3A_656 = arith.index_cast %add3A_131 : i32 to index
        %get3A_657 = arith.index_cast %get3A_654 : i32 to index
        %get3A_658 = arith.constant 32 : index
        %get3A_659 = tpu.vector_load %arg10[%get3A_655, %get3A_656, %get3A_657, %get3A_658] {strides = array<i32>} : memref<2x32x8x128xf32, #tpu.memory_space<vmem>>, vector<16xf32>,
        %mul3A_660 = vector.broadcast %scan3A_20 : f32 to vector<16xf32>
        %mul3A_661 = arith.mulf %get3A_659, %mul3A_660 : vector<16xf32>
        %exp3A_662 = math.exp %mul3A_661 : vector<16xf32>
        %add3A_663 = arith.constant 1.000000e+00 : f32
        %add3A_664 = vector.broadcast %add3A_663 : f32 to vector<16xf32>
        %add3A_665 = arith.addf %exp3A_662, %add3A_664 : vector<16xf32>
        %div3A_666 = arith.constant 6.000000e+01 : f32
        %div3A_667 = vector.broadcast %div3A_666 : f32 to vector<16xf32>
        %div3A_668 = arith.divf %div3A_667, %add3A_665 : vector<16xf32>
        %sub3A_669 = arith.constant 3.000000e+01 : f32
        %sub3A_670 = vector.broadcast %sub3A_669 : f32 to vector<16xf32>
        %sub3A_671 = arith.subf %sub3A_670, %div3A_668 : vector<16xf32>
        %exp3A_672 = math.exp %sub3A_671 : vector<16xf32>
        %add3A_673 = arith.addf %add3A_653, %exp3A_672 : vector<16xf32>
        %get3A_674 = arith.constant 3 : i32
        %get3A_675 = arith.index_cast %rem3A_30 : i32 to index
        %get3A_676 = arith.index_cast %add3A_131 : i32 to index
        %get3A_677 = arith.index_cast %get3A_674 : i32 to index
        %get3A_678 = arith.constant 48 : index
        %get3A_679 = tpu.vector_load %arg10[%get3A_675, %get3A_676, %get3A_677, %get3A_678] {strides = array<i32>} : memref<2x32x8x128xf32, #tpu.memory_space<vmem>>, vector<16xf32>,
        %mul3A_680 = vector.broadcast %scan3A_20 : f32 to vector<16xf32>
        %mul3A_681 = arith.mulf %get3A_679, %mul3A_680 : vector<16xf32>
        %exp3A_682 = math.exp %mul3A_681 : vector<16xf32>
        %add3A_683 = arith.constant 1.000000e+00 : f32
        %add3A_684 = vector.broadcast %add3A_683 : f32 to vector<16xf32>
        %add3A_685 = arith.addf %exp3A_682, %add3A_684 : vector<16xf32>
        %div3A_686 = arith.constant 6.000000e+01 : f32
        %div3A_687 = vector.broadcast %div3A_686 : f32 to vector<16xf32>
        %div3A_688 = arith.divf %div3A_687, %add3A_685 : vector<16xf32>
        %sub3A_689 = arith.constant 3.000000e+01 : f32
        %sub3A_690 = vector.broadcast %sub3A_689 : f32 to vector<16xf32>
        %sub3A_691 = arith.subf %sub3A_690, %div3A_688 : vector<16xf32>
        %exp3A_692 = math.exp %sub3A_691 : vector<16xf32>
        %add3A_693 = arith.addf %add3A_673, %exp3A_692 : vector<16xf32>
        %get3A_694 = arith.constant 3 : i32
        %get3A_695 = arith.index_cast %rem3A_30 : i32 to index
        %get3A_696 = arith.index_cast %add3A_131 : i32 to index
        %get3A_697 = arith.index_cast %get3A_694 : i32 to index
        %get3A_698 = arith.constant 64 : index
        %get3A_699 = tpu.vector_load %arg10[%get3A_695, %get3A_696, %get3A_697, %get3A_698] {strides = array<i32>} : memref<2x32x8x128xf32, #tpu.memory_space<vmem>>, vector<16xf32>,
        %mul3A_700 = vector.broadcast %scan3A_20 : f32 to vector<16xf32>
        %mul3A_701 = arith.mulf %get3A_699, %mul3A_700 : vector<16xf32>
        %exp3A_702 = math.exp %mul3A_701 : vector<16xf32>
        %add3A_703 = arith.constant 1.000000e+00 : f32
        %add3A_704 = vector.broadcast %add3A_703 : f32 to vector<16xf32>
        %add3A_705 = arith.addf %exp3A_702, %add3A_704 : vector<16xf32>
        %div3A_706 = arith.constant 6.000000e+01 : f32
        %div3A_707 = vector.broadcast %div3A_706 : f32 to vector<16xf32>
        %div3A_708 = arith.divf %div3A_707, %add3A_705 : vector<16xf32>
        %sub3A_709 = arith.constant 3.000000e+01 : f32
        %sub3A_710 = vector.broadcast %sub3A_709 : f32 to vector<16xf32>
        %sub3A_711 = arith.subf %sub3A_710, %div3A_708 : vector<16xf32>
        %exp3A_712 = math.exp %sub3A_711 : vector<16xf32>
        %add3A_713 = arith.addf %add3A_693, %exp3A_712 : vector<16xf32>
        %get3A_714 = arith.constant 3 : i32
        %get3A_715 = arith.index_cast %rem3A_30 : i32 to index
        %get3A_716 = arith.index_cast %add3A_131 : i32 to index
        %get3A_717 = arith.index_cast %get3A_714 : i32 to index
        %get3A_718 = arith.constant 80 : index
        %get3A_719 = tpu.vector_load %arg10[%get3A_715, %get3A_716, %get3A_717, %get3A_718] {strides = array<i32>} : memref<2x32x8x128xf32, #tpu.memory_space<vmem>>, vector<16xf32>,
        %mul3A_720 = vector.broadcast %scan3A_20 : f32 to vector<16xf32>
        %mul3A_721 = arith.mulf %get3A_719, %mul3A_720 : vector<16xf32>
        %exp3A_722 = math.exp %mul3A_721 : vector<16xf32>
        %add3A_723 = arith.constant 1.000000e+00 : f32
        %add3A_724 = vector.broadcast %add3A_723 : f32 to vector<16xf32>
        %add3A_725 = arith.addf %exp3A_722, %add3A_724 : vector<16xf32>
        %div3A_726 = arith.constant 6.000000e+01 : f32
        %div3A_727 = vector.broadcast %div3A_726 : f32 to vector<16xf32>
        %div3A_728 = arith.divf %div3A_727, %add3A_725 : vector<16xf32>
        %sub3A_729 = arith.constant 3.000000e+01 : f32
        %sub3A_730 = vector.broadcast %sub3A_729 : f32 to vector<16xf32>
        %sub3A_731 = arith.subf %sub3A_730, %div3A_728 : vector<16xf32>
        %exp3A_732 = math.exp %sub3A_731 : vector<16xf32>
        %add3A_733 = arith.addf %add3A_713, %exp3A_732 : vector<16xf32>
        %get3A_734 = arith.constant 3 : i32
        %get3A_735 = arith.index_cast %rem3A_30 : i32 to index
        %get3A_736 = arith.index_cast %add3A_131 : i32 to index
        %get3A_737 = arith.index_cast %get3A_734 : i32 to index
        %get3A_738 = arith.constant 96 : index
        %get3A_739 = tpu.vector_load %arg10[%get3A_735, %get3A_736, %get3A_737, %get3A_738] {strides = array<i32>} : memref<2x32x8x128xf32, #tpu.memory_space<vmem>>, vector<16xf32>,
        %mul3A_740 = vector.broadcast %scan3A_20 : f32 to vector<16xf32>
        %mul3A_741 = arith.mulf %get3A_739, %mul3A_740 : vector<16xf32>
        %exp3A_742 = math.exp %mul3A_741 : vector<16xf32>
        %add3A_743 = arith.constant 1.000000e+00 : f32
        %add3A_744 = vector.broadcast %add3A_743 : f32 to vector<16xf32>
        %add3A_745 = arith.addf %exp3A_742, %add3A_744 : vector<16xf32>
        %div3A_746 = arith.constant 6.000000e+01 : f32
        %div3A_747 = vector.broadcast %div3A_746 : f32 to vector<16xf32>
        %div3A_748 = arith.divf %div3A_747, %add3A_745 : vector<16xf32>
        %sub3A_749 = arith.constant 3.000000e+01 : f32
        %sub3A_750 = vector.broadcast %sub3A_749 : f32 to vector<16xf32>
        %sub3A_751 = arith.subf %sub3A_750, %div3A_748 : vector<16xf32>
        %exp3A_752 = math.exp %sub3A_751 : vector<16xf32>
        %add3A_753 = arith.addf %add3A_733, %exp3A_752 : vector<16xf32>
        %get3A_754 = arith.constant 3 : i32
        %get3A_755 = arith.index_cast %rem3A_30 : i32 to index
        %get3A_756 = arith.index_cast %add3A_131 : i32 to index
        %get3A_757 = arith.index_cast %get3A_754 : i32 to index
        %get3A_758 = arith.constant 112 : index
        %get3A_759 = tpu.vector_load %arg10[%get3A_755, %get3A_756, %get3A_757, %get3A_758] {strides = array<i32>} : memref<2x32x8x128xf32, #tpu.memory_space<vmem>>, vector<16xf32>,
        %mul3A_760 = vector.broadcast %scan3A_20 : f32 to vector<16xf32>
        %mul3A_761 = arith.mulf %get3A_759, %mul3A_760 : vector<16xf32>
        %exp3A_762 = math.exp %mul3A_761 : vector<16xf32>
        %add3A_763 = arith.constant 1.000000e+00 : f32
        %add3A_764 = vector.broadcast %add3A_763 : f32 to vector<16xf32>
        %add3A_765 = arith.addf %exp3A_762, %add3A_764 : vector<16xf32>
        %div3A_766 = arith.constant 6.000000e+01 : f32
        %div3A_767 = vector.broadcast %div3A_766 : f32 to vector<16xf32>
        %div3A_768 = arith.divf %div3A_767, %add3A_765 : vector<16xf32>
        %sub3A_769 = arith.constant 3.000000e+01 : f32
        %sub3A_770 = vector.broadcast %sub3A_769 : f32 to vector<16xf32>
        %sub3A_771 = arith.subf %sub3A_770, %div3A_768 : vector<16xf32>
        %exp3A_772 = math.exp %sub3A_771 : vector<16xf32>
        %add3A_773 = arith.addf %add3A_753, %exp3A_772 : vector<16xf32>
        %get3A_774 = arith.constant 4 : i32
        %get3A_775 = arith.index_cast %rem3A_30 : i32 to index
        %get3A_776 = arith.index_cast %add3A_131 : i32 to index
        %get3A_777 = arith.index_cast %get3A_774 : i32 to index
        %get3A_778 = arith.constant 0 : index
        %get3A_779 = tpu.vector_load %arg10[%get3A_775, %get3A_776, %get3A_777, %get3A_778] {strides = array<i32>} : memref<2x32x8x128xf32, #tpu.memory_space<vmem>>, vector<16xf32>,
        %mul3A_780 = vector.broadcast %scan3A_20 : f32 to vector<16xf32>
        %mul3A_781 = arith.mulf %get3A_779, %mul3A_780 : vector<16xf32>
        %exp3A_782 = math.exp %mul3A_781 : vector<16xf32>
        %add3A_783 = arith.constant 1.000000e+00 : f32
        %add3A_784 = vector.broadcast %add3A_783 : f32 to vector<16xf32>
        %add3A_785 = arith.addf %exp3A_782, %add3A_784 : vector<16xf32>
        %div3A_786 = arith.constant 6.000000e+01 : f32
        %div3A_787 = vector.broadcast %div3A_786 : f32 to vector<16xf32>
        %div3A_788 = arith.divf %div3A_787, %add3A_785 : vector<16xf32>
        %sub3A_789 = arith.constant 3.000000e+01 : f32
        %sub3A_790 = vector.broadcast %sub3A_789 : f32 to vector<16xf32>
        %sub3A_791 = arith.subf %sub3A_790, %div3A_788 : vector<16xf32>
        %exp3A_792 = math.exp %sub3A_791 : vector<16xf32>
        %add3A_793 = arith.addf %add3A_773, %exp3A_792 : vector<16xf32>
        %get3A_794 = arith.constant 4 : i32
        %get3A_795 = arith.index_cast %rem3A_30 : i32 to index
        %get3A_796 = arith.index_cast %add3A_131 : i32 to index
        %get3A_797 = arith.index_cast %get3A_794 : i32 to index
        %get3A_798 = arith.constant 16 : index
        %get3A_799 = tpu.vector_load %arg10[%get3A_795, %get3A_796, %get3A_797, %get3A_798] {strides = array<i32>} : memref<2x32x8x128xf32, #tpu.memory_space<vmem>>, vector<16xf32>,
        %mul3A_800 = vector.broadcast %scan3A_20 : f32 to vector<16xf32>
        %mul3A_801 = arith.mulf %get3A_799, %mul3A_800 : vector<16xf32>
        %exp3A_802 = math.exp %mul3A_801 : vector<16xf32>
        %add3A_803 = arith.constant 1.000000e+00 : f32
        %add3A_804 = vector.broadcast %add3A_803 : f32 to vector<16xf32>
        %add3A_805 = arith.addf %exp3A_802, %add3A_804 : vector<16xf32>
        %div3A_806 = arith.constant 6.000000e+01 : f32
        %div3A_807 = vector.broadcast %div3A_806 : f32 to vector<16xf32>
        %div3A_808 = arith.divf %div3A_807, %add3A_805 : vector<16xf32>
        %sub3A_809 = arith.constant 3.000000e+01 : f32
        %sub3A_810 = vector.broadcast %sub3A_809 : f32 to vector<16xf32>
        %sub3A_811 = arith.subf %sub3A_810, %div3A_808 : vector<16xf32>
        %exp3A_812 = math.exp %sub3A_811 : vector<16xf32>
        %add3A_813 = arith.addf %add3A_793, %exp3A_812 : vector<16xf32>
        %get3A_814 = arith.constant 4 : i32
        %get3A_815 = arith.index_cast %rem3A_30 : i32 to index
        %get3A_816 = arith.index_cast %add3A_131 : i32 to index
        %get3A_817 = arith.index_cast %get3A_814 : i32 to index
        %get3A_818 = arith.constant 32 : index
        %get3A_819 = tpu.vector_load %arg10[%get3A_815, %get3A_816, %get3A_817, %get3A_818] {strides = array<i32>} : memref<2x32x8x128xf32, #tpu.memory_space<vmem>>, vector<16xf32>,
        %mul3A_820 = vector.broadcast %scan3A_20 : f32 to vector<16xf32>
        %mul3A_821 = arith.mulf %get3A_819, %mul3A_820 : vector<16xf32>
        %exp3A_822 = math.exp %mul3A_821 : vector<16xf32>
        %add3A_823 = arith.constant 1.000000e+00 : f32
        %add3A_824 = vector.broadcast %add3A_823 : f32 to vector<16xf32>
        %add3A_825 = arith.addf %exp3A_822, %add3A_824 : vector<16xf32>
        %div3A_826 = arith.constant 6.000000e+01 : f32
        %div3A_827 = vector.broadcast %div3A_826 : f32 to vector<16xf32>
        %div3A_828 = arith.divf %div3A_827, %add3A_825 : vector<16xf32>
        %sub3A_829 = arith.constant 3.000000e+01 : f32
        %sub3A_830 = vector.broadcast %sub3A_829 : f32 to vector<16xf32>
        %sub3A_831 = arith.subf %sub3A_830, %div3A_828 : vector<16xf32>
        %exp3A_832 = math.exp %sub3A_831 : vector<16xf32>
        %add3A_833 = arith.addf %add3A_813, %exp3A_832 : vector<16xf32>
        %get3A_834 = arith.constant 4 : i32
        %get3A_835 = arith.index_cast %rem3A_30 : i32 to index
        %get3A_836 = arith.index_cast %add3A_131 : i32 to index
        %get3A_837 = arith.index_cast %get3A_834 : i32 to index
        %get3A_838 = arith.constant 48 : index
        %get3A_839 = tpu.vector_load %arg10[%get3A_835, %get3A_836, %get3A_837, %get3A_838] {strides = array<i32>} : memref<2x32x8x128xf32, #tpu.memory_space<vmem>>, vector<16xf32>,
        %mul3A_840 = vector.broadcast %scan3A_20 : f32 to vector<16xf32>
        %mul3A_841 = arith.mulf %get3A_839, %mul3A_840 : vector<16xf32>
        %exp3A_842 = math.exp %mul3A_841 : vector<16xf32>
        %add3A_843 = arith.constant 1.000000e+00 : f32
        %add3A_844 = vector.broadcast %add3A_843 : f32 to vector<16xf32>
        %add3A_845 = arith.addf %exp3A_842, %add3A_844 : vector<16xf32>
        %div3A_846 = arith.constant 6.000000e+01 : f32
        %div3A_847 = vector.broadcast %div3A_846 : f32 to vector<16xf32>
        %div3A_848 = arith.divf %div3A_847, %add3A_845 : vector<16xf32>
        %sub3A_849 = arith.constant 3.000000e+01 : f32
        %sub3A_850 = vector.broadcast %sub3A_849 : f32 to vector<16xf32>
        %sub3A_851 = arith.subf %sub3A_850, %div3A_848 : vector<16xf32>
        %exp3A_852 = math.exp %sub3A_851 : vector<16xf32>
        %add3A_853 = arith.addf %add3A_833, %exp3A_852 : vector<16xf32>
        %get3A_854 = arith.constant 4 : i32
        %get3A_855 = arith.index_cast %rem3A_30 : i32 to index
        %get3A_856 = arith.index_cast %add3A_131 : i32 to index
        %get3A_857 = arith.index_cast %get3A_854 : i32 to index
        %get3A_858 = arith.constant 64 : index
        %get3A_859 = tpu.vector_load %arg10[%get3A_855, %get3A_856, %get3A_857, %get3A_858] {strides = array<i32>} : memref<2x32x8x128xf32, #tpu.memory_space<vmem>>, vector<16xf32>,
        %mul3A_860 = vector.broadcast %scan3A_20 : f32 to vector<16xf32>
        %mul3A_861 = arith.mulf %get3A_859, %mul3A_860 : vector<16xf32>
        %exp3A_862 = math.exp %mul3A_861 : vector<16xf32>
        %add3A_863 = arith.constant 1.000000e+00 : f32
        %add3A_864 = vector.broadcast %add3A_863 : f32 to vector<16xf32>
        %add3A_865 = arith.addf %exp3A_862, %add3A_864 : vector<16xf32>
        %div3A_866 = arith.constant 6.000000e+01 : f32
        %div3A_867 = vector.broadcast %div3A_866 : f32 to vector<16xf32>
        %div3A_868 = arith.divf %div3A_867, %add3A_865 : vector<16xf32>
        %sub3A_869 = arith.constant 3.000000e+01 : f32
        %sub3A_870 = vector.broadcast %sub3A_869 : f32 to vector<16xf32>
        %sub3A_871 = arith.subf %sub3A_870, %div3A_868 : vector<16xf32>
        %exp3A_872 = math.exp %sub3A_871 : vector<16xf32>
        %add3A_873 = arith.addf %add3A_853, %exp3A_872 : vector<16xf32>
        %get3A_874 = arith.constant 4 : i32
        %get3A_875 = arith.index_cast %rem3A_30 : i32 to index
        %get3A_876 = arith.index_cast %add3A_131 : i32 to index
        %get3A_877 = arith.index_cast %get3A_874 : i32 to index
        %get3A_878 = arith.constant 80 : index
        %get3A_879 = tpu.vector_load %arg10[%get3A_875, %get3A_876, %get3A_877, %get3A_878] {strides = array<i32>} : memref<2x32x8x128xf32, #tpu.memory_space<vmem>>, vector<16xf32>,
        %mul3A_880 = vector.broadcast %scan3A_20 : f32 to vector<16xf32>
        %mul3A_881 = arith.mulf %get3A_879, %mul3A_880 : vector<16xf32>
        %exp3A_882 = math.exp %mul3A_881 : vector<16xf32>
        %add3A_883 = arith.constant 1.000000e+00 : f32
        %add3A_884 = vector.broadcast %add3A_883 : f32 to vector<16xf32>
        %add3A_885 = arith.addf %exp3A_882, %add3A_884 : vector<16xf32>
        %div3A_886 = arith.constant 6.000000e+01 : f32
        %div3A_887 = vector.broadcast %div3A_886 : f32 to vector<16xf32>
        %div3A_888 = arith.divf %div3A_887, %add3A_885 : vector<16xf32>
        %sub3A_889 = arith.constant 3.000000e+01 : f32
        %sub3A_890 = vector.broadcast %sub3A_889 : f32 to vector<16xf32>
        %sub3A_891 = arith.subf %sub3A_890, %div3A_888 : vector<16xf32>
        %exp3A_892 = math.exp %sub3A_891 : vector<16xf32>
        %add3A_893 = arith.addf %add3A_873, %exp3A_892 : vector<16xf32>
        %get3A_894 = arith.constant 4 : i32
        %get3A_895 = arith.index_cast %rem3A_30 : i32 to index
        %get3A_896 = arith.index_cast %add3A_131 : i32 to index
        %get3A_897 = arith.index_cast %get3A_894 : i32 to index
        %get3A_898 = arith.constant 96 : index
        %get3A_899 = tpu.vector_load %arg10[%get3A_895, %get3A_896, %get3A_897, %get3A_898] {strides = array<i32>} : memref<2x32x8x128xf32, #tpu.memory_space<vmem>>, vector<16xf32>,
        %mul3A_900 = vector.broadcast %scan3A_20 : f32 to vector<16xf32>
        %mul3A_901 = arith.mulf %get3A_899, %mul3A_900 : vector<16xf32>
        %exp3A_902 = math.exp %mul3A_901 : vector<16xf32>
        %add3A_903 = arith.constant 1.000000e+00 : f32
        %add3A_904 = vector.broadcast %add3A_903 : f32 to vector<16xf32>
        %add3A_905 = arith.addf %exp3A_902, %add3A_904 : vector<16xf32>
        %div3A_906 = arith.constant 6.000000e+01 : f32
        %div3A_907 = vector.broadcast %div3A_906 : f32 to vector<16xf32>
        %div3A_908 = arith.divf %div3A_907, %add3A_905 : vector<16xf32>
        %sub3A_909 = arith.constant 3.000000e+01 : f32
        %sub3A_910 = vector.broadcast %sub3A_909 : f32 to vector<16xf32>
        %sub3A_911 = arith.subf %sub3A_910, %div3A_908 : vector<16xf32>
        %exp3A_912 = math.exp %sub3A_911 : vector<16xf32>
        %add3A_913 = arith.addf %add3A_893, %exp3A_912 : vector<16xf32>
        %get3A_914 = arith.constant 4 : i32
        %get3A_915 = arith.index_cast %rem3A_30 : i32 to index
        %get3A_916 = arith.index_cast %add3A_131 : i32 to index
        %get3A_917 = arith.index_cast %get3A_914 : i32 to index
        %get3A_918 = arith.constant 112 : index
        %get3A_919 = tpu.vector_load %arg10[%get3A_915, %get3A_916, %get3A_917, %get3A_918] {strides = array<i32>} : memref<2x32x8x128xf32, #tpu.memory_space<vmem>>, vector<16xf32>,
        %mul3A_920 = vector.broadcast %scan3A_20 : f32 to vector<16xf32>
        %mul3A_921 = arith.mulf %get3A_919, %mul3A_920 : vector<16xf32>
        %exp3A_922 = math.exp %mul3A_921 : vector<16xf32>
        %add3A_923 = arith.constant 1.000000e+00 : f32
        %add3A_924 = vector.broadcast %add3A_923 : f32 to vector<16xf32>
        %add3A_925 = arith.addf %exp3A_922, %add3A_924 : vector<16xf32>
        %div3A_926 = arith.constant 6.000000e+01 : f32
        %div3A_927 = vector.broadcast %div3A_926 : f32 to vector<16xf32>
        %div3A_928 = arith.divf %div3A_927, %add3A_925 : vector<16xf32>
        %sub3A_929 = arith.constant 3.000000e+01 : f32
        %sub3A_930 = vector.broadcast %sub3A_929 : f32 to vector<16xf32>
        %sub3A_931 = arith.subf %sub3A_930, %div3A_928 : vector<16xf32>
        %exp3A_932 = math.exp %sub3A_931 : vector<16xf32>
        %add3A_933 = arith.addf %add3A_913, %exp3A_932 : vector<16xf32>
        %get3A_934 = arith.constant 5 : i32
        %get3A_935 = arith.index_cast %rem3A_30 : i32 to index
        %get3A_936 = arith.index_cast %add3A_131 : i32 to index
        %get3A_937 = arith.index_cast %get3A_934 : i32 to index
        %get3A_938 = arith.constant 0 : index
        %get3A_939 = tpu.vector_load %arg10[%get3A_935, %get3A_936, %get3A_937, %get3A_938] {strides = array<i32>} : memref<2x32x8x128xf32, #tpu.memory_space<vmem>>, vector<16xf32>,
        %mul3A_940 = vector.broadcast %scan3A_20 : f32 to vector<16xf32>
        %mul3A_941 = arith.mulf %get3A_939, %mul3A_940 : vector<16xf32>
        %exp3A_942 = math.exp %mul3A_941 : vector<16xf32>
        %add3A_943 = arith.constant 1.000000e+00 : f32
        %add3A_944 = vector.broadcast %add3A_943 : f32 to vector<16xf32>
        %add3A_945 = arith.addf %exp3A_942, %add3A_944 : vector<16xf32>
        %div3A_946 = arith.constant 6.000000e+01 : f32
        %div3A_947 = vector.broadcast %div3A_946 : f32 to vector<16xf32>
        %div3A_948 = arith.divf %div3A_947, %add3A_945 : vector<16xf32>
        %sub3A_949 = arith.constant 3.000000e+01 : f32
        %sub3A_950 = vector.broadcast %sub3A_949 : f32 to vector<16xf32>
        %sub3A_951 = arith.subf %sub3A_950, %div3A_948 : vector<16xf32>
        %exp3A_952 = math.exp %sub3A_951 : vector<16xf32>
        %add3A_953 = arith.addf %add3A_933, %exp3A_952 : vector<16xf32>
        %get3A_954 = arith.constant 5 : i32
        %get3A_955 = arith.index_cast %rem3A_30 : i32 to index
        %get3A_956 = arith.index_cast %add3A_131 : i32 to index
        %get3A_957 = arith.index_cast %get3A_954 : i32 to index
        %get3A_958 = arith.constant 16 : index
        %get3A_959 = tpu.vector_load %arg10[%get3A_955, %get3A_956, %get3A_957, %get3A_958] {strides = array<i32>} : memref<2x32x8x128xf32, #tpu.memory_space<vmem>>, vector<16xf32>,
        %mul3A_960 = vector.broadcast %scan3A_20 : f32 to vector<16xf32>
        %mul3A_961 = arith.mulf %get3A_959, %mul3A_960 : vector<16xf32>
        %exp3A_962 = math.exp %mul3A_961 : vector<16xf32>
        %add3A_963 = arith.constant 1.000000e+00 : f32
        %add3A_964 = vector.broadcast %add3A_963 : f32 to vector<16xf32>
        %add3A_965 = arith.addf %exp3A_962, %add3A_964 : vector<16xf32>
        %div3A_966 = arith.constant 6.000000e+01 : f32
        %div3A_967 = vector.broadcast %div3A_966 : f32 to vector<16xf32>
        %div3A_968 = arith.divf %div3A_967, %add3A_965 : vector<16xf32>
        %sub3A_969 = arith.constant 3.000000e+01 : f32
        %sub3A_970 = vector.broadcast %sub3A_969 : f32 to vector<16xf32>
        %sub3A_971 = arith.subf %sub3A_970, %div3A_968 : vector<16xf32>
        %exp3A_972 = math.exp %sub3A_971 : vector<16xf32>
        %add3A_973 = arith.addf %add3A_953, %exp3A_972 : vector<16xf32>
        %get3A_974 = arith.constant 5 : i32
        %get3A_975 = arith.index_cast %rem3A_30 : i32 to index
        %get3A_976 = arith.index_cast %add3A_131 : i32 to index
        %get3A_977 = arith.index_cast %get3A_974 : i32 to index
        %get3A_978 = arith.constant 32 : index
        %get3A_979 = tpu.vector_load %arg10[%get3A_975, %get3A_976, %get3A_977, %get3A_978] {strides = array<i32>} : memref<2x32x8x128xf32, #tpu.memory_space<vmem>>, vector<16xf32>,
        %mul3A_980 = vector.broadcast %scan3A_20 : f32 to vector<16xf32>
        %mul3A_981 = arith.mulf %get3A_979, %mul3A_980 : vector<16xf32>
        %exp3A_982 = math.exp %mul3A_981 : vector<16xf32>
        %add3A_983 = arith.constant 1.000000e+00 : f32
        %add3A_984 = vector.broadcast %add3A_983 : f32 to vector<16xf32>
        %add3A_985 = arith.addf %exp3A_982, %add3A_984 : vector<16xf32>
        %div3A_986 = arith.constant 6.000000e+01 : f32
        %div3A_987 = vector.broadcast %div3A_986 : f32 to vector<16xf32>
        %div3A_988 = arith.divf %div3A_987, %add3A_985 : vector<16xf32>
        %sub3A_989 = arith.constant 3.000000e+01 : f32
        %sub3A_990 = vector.broadcast %sub3A_989 : f32 to vector<16xf32>
        %sub3A_991 = arith.subf %sub3A_990, %div3A_988 : vector<16xf32>
        %exp3A_992 = math.exp %sub3A_991 : vector<16xf32>
        %add3A_993 = arith.addf %add3A_973, %exp3A_992 : vector<16xf32>
        %get3A_994 = arith.constant 5 : i32
        %get3A_995 = arith.index_cast %rem3A_30 : i32 to index
        %get3A_996 = arith.index_cast %add3A_131 : i32 to index
        %get3A_997 = arith.index_cast %get3A_994 : i32 to index
        %get3A_998 = arith.constant 48 : index
        %get3A_999 = tpu.vector_load %arg10[%get3A_995, %get3A_996, %get3A_997, %get3A_998] {strides = array<i32>} : memref<2x32x8x128xf32, #tpu.memory_space<vmem>>, vector<16xf32>,
        %mul3A_1000 = vector.broadcast %scan3A_20 : f32 to vector<16xf32>
        %mul3A_1001 = arith.mulf %get3A_999, %mul3A_1000 : vector<16xf32>
        %exp3A_1002 = math.exp %mul3A_1001 : vector<16xf32>
        %add3A_1003 = arith.constant 1.000000e+00 : f32
        %add3A_1004 = vector.broadcast %add3A_1003 : f32 to vector<16xf32>
        %add3A_1005 = arith.addf %exp3A_1002, %add3A_1004 : vector<16xf32>
        %div3A_1006 = arith.constant 6.000000e+01 : f32
        %div3A_1007 = vector.broadcast %div3A_1006 : f32 to vector<16xf32>
        %div3A_1008 = arith.divf %div3A_1007, %add3A_1005 : vector<16xf32>
        %sub3A_1009 = arith.constant 3.000000e+01 : f32
        %sub3A_1010 = vector.broadcast %sub3A_1009 : f32 to vector<16xf32>
        %sub3A_1011 = arith.subf %sub3A_1010, %div3A_1008 : vector<16xf32>
        %exp3A_1012 = math.exp %sub3A_1011 : vector<16xf32>
        %add3A_1013 = arith.addf %add3A_993, %exp3A_1012 : vector<16xf32>
        %get3A_1014 = arith.constant 5 : i32
        %get3A_1015 = arith.index_cast %rem3A_30 : i32 to index
        %get3A_1016 = arith.index_cast %add3A_131 : i32 to index
        %get3A_1017 = arith.index_cast %get3A_1014 : i32 to index
        %get3A_1018 = arith.constant 64 : index
        %get3A_1019 = tpu.vector_load %arg10[%get3A_1015, %get3A_1016, %get3A_1017, %get3A_1018] {strides = array<i32>} : memref<2x32x8x128xf32, #tpu.memory_space<vmem>>, vector<16xf32>,
        %mul3A_1020 = vector.broadcast %scan3A_20 : f32 to vector<16xf32>
        %mul3A_1021 = arith.mulf %get3A_1019, %mul3A_1020 : vector<16xf32>
        %exp3A_1022 = math.exp %mul3A_1021 : vector<16xf32>
        %add3A_1023 = arith.constant 1.000000e+00 : f32
        %add3A_1024 = vector.broadcast %add3A_1023 : f32 to vector<16xf32>
        %add3A_1025 = arith.addf %exp3A_1022, %add3A_1024 : vector<16xf32>
        %div3A_1026 = arith.constant 6.000000e+01 : f32
        %div3A_1027 = vector.broadcast %div3A_1026 : f32 to vector<16xf32>
        %div3A_1028 = arith.divf %div3A_1027, %add3A_1025 : vector<16xf32>
        %sub3A_1029 = arith.constant 3.000000e+01 : f32
        %sub3A_1030 = vector.broadcast %sub3A_1029 : f32 to vector<16xf32>
        %sub3A_1031 = arith.subf %sub3A_1030, %div3A_1028 : vector<16xf32>
        %exp3A_1032 = math.exp %sub3A_1031 : vector<16xf32>
        %add3A_1033 = arith.addf %add3A_1013, %exp3A_1032 : vector<16xf32>
        %get3A_1034 = arith.constant 5 : i32
        %get3A_1035 = arith.index_cast %rem3A_30 : i32 to index
        %get3A_1036 = arith.index_cast %add3A_131 : i32 to index
        %get3A_1037 = arith.index_cast %get3A_1034 : i32 to index
        %get3A_1038 = arith.constant 80 : index
        %get3A_1039 = tpu.vector_load %arg10[%get3A_1035, %get3A_1036, %get3A_1037, %get3A_1038] {strides = array<i32>} : memref<2x32x8x128xf32, #tpu.memory_space<vmem>>, vector<16xf32>,
        %mul3A_1040 = vector.broadcast %scan3A_20 : f32 to vector<16xf32>
        %mul3A_1041 = arith.mulf %get3A_1039, %mul3A_1040 : vector<16xf32>
        %exp3A_1042 = math.exp %mul3A_1041 : vector<16xf32>
        %add3A_1043 = arith.constant 1.000000e+00 : f32
        %add3A_1044 = vector.broadcast %add3A_1043 : f32 to vector<16xf32>
        %add3A_1045 = arith.addf %exp3A_1042, %add3A_1044 : vector<16xf32>
        %div3A_1046 = arith.constant 6.000000e+01 : f32
        %div3A_1047 = vector.broadcast %div3A_1046 : f32 to vector<16xf32>
        %div3A_1048 = arith.divf %div3A_1047, %add3A_1045 : vector<16xf32>
        %sub3A_1049 = arith.constant 3.000000e+01 : f32
        %sub3A_1050 = vector.broadcast %sub3A_1049 : f32 to vector<16xf32>
        %sub3A_1051 = arith.subf %sub3A_1050, %div3A_1048 : vector<16xf32>
        %exp3A_1052 = math.exp %sub3A_1051 : vector<16xf32>
        %add3A_1053 = arith.addf %add3A_1033, %exp3A_1052 : vector<16xf32>
        %get3A_1054 = arith.constant 5 : i32
        %get3A_1055 = arith.index_cast %rem3A_30 : i32 to index
        %get3A_1056 = arith.index_cast %add3A_131 : i32 to index
        %get3A_1057 = arith.index_cast %get3A_1054 : i32 to index
        %get3A_1058 = arith.constant 96 : index
        %get3A_1059 = tpu.vector_load %arg10[%get3A_1055, %get3A_1056, %get3A_1057, %get3A_1058] {strides = array<i32>} : memref<2x32x8x128xf32, #tpu.memory_space<vmem>>, vector<16xf32>,
        %mul3A_1060 = vector.broadcast %scan3A_20 : f32 to vector<16xf32>
        %mul3A_1061 = arith.mulf %get3A_1059, %mul3A_1060 : vector<16xf32>
        %exp3A_1062 = math.exp %mul3A_1061 : vector<16xf32>
        %add3A_1063 = arith.constant 1.000000e+00 : f32
        %add3A_1064 = vector.broadcast %add3A_1063 : f32 to vector<16xf32>
        %add3A_1065 = arith.addf %exp3A_1062, %add3A_1064 : vector<16xf32>
        %div3A_1066 = arith.constant 6.000000e+01 : f32
        %div3A_1067 = vector.broadcast %div3A_1066 : f32 to vector<16xf32>
        %div3A_1068 = arith.divf %div3A_1067, %add3A_1065 : vector<16xf32>
        %sub3A_1069 = arith.constant 3.000000e+01 : f32
        %sub3A_1070 = vector.broadcast %sub3A_1069 : f32 to vector<16xf32>
        %sub3A_1071 = arith.subf %sub3A_1070, %div3A_1068 : vector<16xf32>
        %exp3A_1072 = math.exp %sub3A_1071 : vector<16xf32>
        %add3A_1073 = arith.addf %add3A_1053, %exp3A_1072 : vector<16xf32>
        %get3A_1074 = arith.constant 5 : i32
        %get3A_1075 = arith.index_cast %rem3A_30 : i32 to index
        %get3A_1076 = arith.index_cast %add3A_131 : i32 to index
        %get3A_1077 = arith.index_cast %get3A_1074 : i32 to index
        %get3A_1078 = arith.constant 112 : index
        %get3A_1079 = tpu.vector_load %arg10[%get3A_1075, %get3A_1076, %get3A_1077, %get3A_1078] {strides = array<i32>} : memref<2x32x8x128xf32, #tpu.memory_space<vmem>>, vector<16xf32>,
        %mul3A_1080 = vector.broadcast %scan3A_20 : f32 to vector<16xf32>
        %mul3A_1081 = arith.mulf %get3A_1079, %mul3A_1080 : vector<16xf32>
        %exp3A_1082 = math.exp %mul3A_1081 : vector<16xf32>
        %add3A_1083 = arith.constant 1.000000e+00 : f32
        %add3A_1084 = vector.broadcast %add3A_1083 : f32 to vector<16xf32>
        %add3A_1085 = arith.addf %exp3A_1082, %add3A_1084 : vector<16xf32>
        %div3A_1086 = arith.constant 6.000000e+01 : f32
        %div3A_1087 = vector.broadcast %div3A_1086 : f32 to vector<16xf32>
        %div3A_1088 = arith.divf %div3A_1087, %add3A_1085 : vector<16xf32>
        %sub3A_1089 = arith.constant 3.000000e+01 : f32
        %sub3A_1090 = vector.broadcast %sub3A_1089 : f32 to vector<16xf32>
        %sub3A_1091 = arith.subf %sub3A_1090, %div3A_1088 : vector<16xf32>
        %exp3A_1092 = math.exp %sub3A_1091 : vector<16xf32>
        %add3A_1093 = arith.addf %add3A_1073, %exp3A_1092 : vector<16xf32>
        %get3A_1094 = arith.constant 6 : i32
        %get3A_1095 = arith.index_cast %rem3A_30 : i32 to index
        %get3A_1096 = arith.index_cast %add3A_131 : i32 to index
        %get3A_1097 = arith.index_cast %get3A_1094 : i32 to index
        %get3A_1098 = arith.constant 0 : index
        %get3A_1099 = tpu.vector_load %arg10[%get3A_1095, %get3A_1096, %get3A_1097, %get3A_1098] {strides = array<i32>} : memref<2x32x8x128xf32, #tpu.memory_space<vmem>>, vector<16xf32>,
        %mul3A_1100 = vector.broadcast %scan3A_20 : f32 to vector<16xf32>
        %mul3A_1101 = arith.mulf %get3A_1099, %mul3A_1100 : vector<16xf32>
        %exp3A_1102 = math.exp %mul3A_1101 : vector<16xf32>
        %add3A_1103 = arith.constant 1.000000e+00 : f32
        %add3A_1104 = vector.broadcast %add3A_1103 : f32 to vector<16xf32>
        %add3A_1105 = arith.addf %exp3A_1102, %add3A_1104 : vector<16xf32>
        %div3A_1106 = arith.constant 6.000000e+01 : f32
        %div3A_1107 = vector.broadcast %div3A_1106 : f32 to vector<16xf32>
        %div3A_1108 = arith.divf %div3A_1107, %add3A_1105 : vector<16xf32>
        %sub3A_1109 = arith.constant 3.000000e+01 : f32
        %sub3A_1110 = vector.broadcast %sub3A_1109 : f32 to vector<16xf32>
        %sub3A_1111 = arith.subf %sub3A_1110, %div3A_1108 : vector<16xf32>
        %exp3A_1112 = math.exp %sub3A_1111 : vector<16xf32>
        %add3A_1113 = arith.addf %add3A_1093, %exp3A_1112 : vector<16xf32>
        %get3A_1114 = arith.constant 6 : i32
        %get3A_1115 = arith.index_cast %rem3A_30 : i32 to index
        %get3A_1116 = arith.index_cast %add3A_131 : i32 to index
        %get3A_1117 = arith.index_cast %get3A_1114 : i32 to index
        %get3A_1118 = arith.constant 16 : index
        %get3A_1119 = tpu.vector_load %arg10[%get3A_1115, %get3A_1116, %get3A_1117, %get3A_1118] {strides = array<i32>} : memref<2x32x8x128xf32, #tpu.memory_space<vmem>>, vector<16xf32>,
        %mul3A_1120 = vector.broadcast %scan3A_20 : f32 to vector<16xf32>
        %mul3A_1121 = arith.mulf %get3A_1119, %mul3A_1120 : vector<16xf32>
        %exp3A_1122 = math.exp %mul3A_1121 : vector<16xf32>
        %add3A_1123 = arith.constant 1.000000e+00 : f32
        %add3A_1124 = vector.broadcast %add3A_1123 : f32 to vector<16xf32>
        %add3A_1125 = arith.addf %exp3A_1122, %add3A_1124 : vector<16xf32>
        %div3A_1126 = arith.constant 6.000000e+01 : f32
        %div3A_1127 = vector.broadcast %div3A_1126 : f32 to vector<16xf32>
        %div3A_1128 = arith.divf %div3A_1127, %add3A_1125 : vector<16xf32>
        %sub3A_1129 = arith.constant 3.000000e+01 : f32
        %sub3A_1130 = vector.broadcast %sub3A_1129 : f32 to vector<16xf32>
        %sub3A_1131 = arith.subf %sub3A_1130, %div3A_1128 : vector<16xf32>
        %exp3A_1132 = math.exp %sub3A_1131 : vector<16xf32>
        %add3A_1133 = arith.addf %add3A_1113, %exp3A_1132 : vector<16xf32>
        %get3A_1134 = arith.constant 6 : i32
        %get3A_1135 = arith.index_cast %rem3A_30 : i32 to index
        %get3A_1136 = arith.index_cast %add3A_131 : i32 to index
        %get3A_1137 = arith.index_cast %get3A_1134 : i32 to index
        %get3A_1138 = arith.constant 32 : index
        %get3A_1139 = tpu.vector_load %arg10[%get3A_1135, %get3A_1136, %get3A_1137, %get3A_1138] {strides = array<i32>} : memref<2x32x8x128xf32, #tpu.memory_space<vmem>>, vector<16xf32>,
        %mul3A_1140 = vector.broadcast %scan3A_20 : f32 to vector<16xf32>
        %mul3A_1141 = arith.mulf %get3A_1139, %mul3A_1140 : vector<16xf32>
        %exp3A_1142 = math.exp %mul3A_1141 : vector<16xf32>
        %add3A_1143 = arith.constant 1.000000e+00 : f32
        %add3A_1144 = vector.broadcast %add3A_1143 : f32 to vector<16xf32>
        %add3A_1145 = arith.addf %exp3A_1142, %add3A_1144 : vector<16xf32>
        %div3A_1146 = arith.constant 6.000000e+01 : f32
        %div3A_1147 = vector.broadcast %div3A_1146 : f32 to vector<16xf32>
        %div3A_1148 = arith.divf %div3A_1147, %add3A_1145 : vector<16xf32>
        %sub3A_1149 = arith.constant 3.000000e+01 : f32
        %sub3A_1150 = vector.broadcast %sub3A_1149 : f32 to vector<16xf32>
        %sub3A_1151 = arith.subf %sub3A_1150, %div3A_1148 : vector<16xf32>
        %exp3A_1152 = math.exp %sub3A_1151 : vector<16xf32>
        %add3A_1153 = arith.addf %add3A_1133, %exp3A_1152 : vector<16xf32>
        %get3A_1154 = arith.constant 6 : i32
        %get3A_1155 = arith.index_cast %rem3A_30 : i32 to index
        %get3A_1156 = arith.index_cast %add3A_131 : i32 to index
        %get3A_1157 = arith.index_cast %get3A_1154 : i32 to index
        %get3A_1158 = arith.constant 48 : index
        %get3A_1159 = tpu.vector_load %arg10[%get3A_1155, %get3A_1156, %get3A_1157, %get3A_1158] {strides = array<i32>} : memref<2x32x8x128xf32, #tpu.memory_space<vmem>>, vector<16xf32>,
        %mul3A_1160 = vector.broadcast %scan3A_20 : f32 to vector<16xf32>
        %mul3A_1161 = arith.mulf %get3A_1159, %mul3A_1160 : vector<16xf32>
        %exp3A_1162 = math.exp %mul3A_1161 : vector<16xf32>
        %add3A_1163 = arith.constant 1.000000e+00 : f32
        %add3A_1164 = vector.broadcast %add3A_1163 : f32 to vector<16xf32>
        %add3A_1165 = arith.addf %exp3A_1162, %add3A_1164 : vector<16xf32>
        %div3A_1166 = arith.constant 6.000000e+01 : f32
        %div3A_1167 = vector.broadcast %div3A_1166 : f32 to vector<16xf32>
        %div3A_1168 = arith.divf %div3A_1167, %add3A_1165 : vector<16xf32>
        %sub3A_1169 = arith.constant 3.000000e+01 : f32
        %sub3A_1170 = vector.broadcast %sub3A_1169 : f32 to vector<16xf32>
        %sub3A_1171 = arith.subf %sub3A_1170, %div3A_1168 : vector<16xf32>
        %exp3A_1172 = math.exp %sub3A_1171 : vector<16xf32>
        %add3A_1173 = arith.addf %add3A_1153, %exp3A_1172 : vector<16xf32>
        %get3A_1174 = arith.constant 6 : i32
        %get3A_1175 = arith.index_cast %rem3A_30 : i32 to index
        %get3A_1176 = arith.index_cast %add3A_131 : i32 to index
        %get3A_1177 = arith.index_cast %get3A_1174 : i32 to index
        %get3A_1178 = arith.constant 64 : index
        %get3A_1179 = tpu.vector_load %arg10[%get3A_1175, %get3A_1176, %get3A_1177, %get3A_1178] {strides = array<i32>} : memref<2x32x8x128xf32, #tpu.memory_space<vmem>>, vector<16xf32>,
        %mul3A_1180 = vector.broadcast %scan3A_20 : f32 to vector<16xf32>
        %mul3A_1181 = arith.mulf %get3A_1179, %mul3A_1180 : vector<16xf32>
        %exp3A_1182 = math.exp %mul3A_1181 : vector<16xf32>
        %add3A_1183 = arith.constant 1.000000e+00 : f32
        %add3A_1184 = vector.broadcast %add3A_1183 : f32 to vector<16xf32>
        %add3A_1185 = arith.addf %exp3A_1182, %add3A_1184 : vector<16xf32>
        %div3A_1186 = arith.constant 6.000000e+01 : f32
        %div3A_1187 = vector.broadcast %div3A_1186 : f32 to vector<16xf32>
        %div3A_1188 = arith.divf %div3A_1187, %add3A_1185 : vector<16xf32>
        %sub3A_1189 = arith.constant 3.000000e+01 : f32
        %sub3A_1190 = vector.broadcast %sub3A_1189 : f32 to vector<16xf32>
        %sub3A_1191 = arith.subf %sub3A_1190, %div3A_1188 : vector<16xf32>
        %exp3A_1192 = math.exp %sub3A_1191 : vector<16xf32>
        %add3A_1193 = arith.addf %add3A_1173, %exp3A_1192 : vector<16xf32>
        %get3A_1194 = arith.constant 6 : i32
        %get3A_1195 = arith.index_cast %rem3A_30 : i32 to index
        %get3A_1196 = arith.index_cast %add3A_131 : i32 to index
        %get3A_1197 = arith.index_cast %get3A_1194 : i32 to index
        %get3A_1198 = arith.constant 80 : index
        %get3A_1199 = tpu.vector_load %arg10[%get3A_1195, %get3A_1196, %get3A_1197, %get3A_1198] {strides = array<i32>} : memref<2x32x8x128xf32, #tpu.memory_space<vmem>>, vector<16xf32>,
        %mul3A_1200 = vector.broadcast %scan3A_20 : f32 to vector<16xf32>
        %mul3A_1201 = arith.mulf %get3A_1199, %mul3A_1200 : vector<16xf32>
        %exp3A_1202 = math.exp %mul3A_1201 : vector<16xf32>
        %add3A_1203 = arith.constant 1.000000e+00 : f32
        %add3A_1204 = vector.broadcast %add3A_1203 : f32 to vector<16xf32>
        %add3A_1205 = arith.addf %exp3A_1202, %add3A_1204 : vector<16xf32>
        %div3A_1206 = arith.constant 6.000000e+01 : f32
        %div3A_1207 = vector.broadcast %div3A_1206 : f32 to vector<16xf32>
        %div3A_1208 = arith.divf %div3A_1207, %add3A_1205 : vector<16xf32>
        %sub3A_1209 = arith.constant 3.000000e+01 : f32
        %sub3A_1210 = vector.broadcast %sub3A_1209 : f32 to vector<16xf32>
        %sub3A_1211 = arith.subf %sub3A_1210, %div3A_1208 : vector<16xf32>
        %exp3A_1212 = math.exp %sub3A_1211 : vector<16xf32>
        %add3A_1213 = arith.addf %add3A_1193, %exp3A_1212 : vector<16xf32>
        %get3A_1214 = arith.constant 6 : i32
        %get3A_1215 = arith.index_cast %rem3A_30 : i32 to index
        %get3A_1216 = arith.index_cast %add3A_131 : i32 to index
        %get3A_1217 = arith.index_cast %get3A_1214 : i32 to index
        %get3A_1218 = arith.constant 96 : index
        %get3A_1219 = tpu.vector_load %arg10[%get3A_1215, %get3A_1216, %get3A_1217, %get3A_1218] {strides = array<i32>} : memref<2x32x8x128xf32, #tpu.memory_space<vmem>>, vector<16xf32>,
        %mul3A_1220 = vector.broadcast %scan3A_20 : f32 to vector<16xf32>
        %mul3A_1221 = arith.mulf %get3A_1219, %mul3A_1220 : vector<16xf32>
        %exp3A_1222 = math.exp %mul3A_1221 : vector<16xf32>
        %add3A_1223 = arith.constant 1.000000e+00 : f32
        %add3A_1224 = vector.broadcast %add3A_1223 : f32 to vector<16xf32>
        %add3A_1225 = arith.addf %exp3A_1222, %add3A_1224 : vector<16xf32>
        %div3A_1226 = arith.constant 6.000000e+01 : f32
        %div3A_1227 = vector.broadcast %div3A_1226 : f32 to vector<16xf32>
        %div3A_1228 = arith.divf %div3A_1227, %add3A_1225 : vector<16xf32>
        %sub3A_1229 = arith.constant 3.000000e+01 : f32
        %sub3A_1230 = vector.broadcast %sub3A_1229 : f32 to vector<16xf32>
        %sub3A_1231 = arith.subf %sub3A_1230, %div3A_1228 : vector<16xf32>
        %exp3A_1232 = math.exp %sub3A_1231 : vector<16xf32>
        %add3A_1233 = arith.addf %add3A_1213, %exp3A_1232 : vector<16xf32>
        %get3A_1234 = arith.constant 6 : i32
        %get3A_1235 = arith.index_cast %rem3A_30 : i32 to index
        %get3A_1236 = arith.index_cast %add3A_131 : i32 to index
        %get3A_1237 = arith.index_cast %get3A_1234 : i32 to index
        %get3A_1238 = arith.constant 112 : index
        %get3A_1239 = tpu.vector_load %arg10[%get3A_1235, %get3A_1236, %get3A_1237, %get3A_1238] {strides = array<i32>} : memref<2x32x8x128xf32, #tpu.memory_space<vmem>>, vector<16xf32>,
        %mul3A_1240 = vector.broadcast %scan3A_20 : f32 to vector<16xf32>
        %mul3A_1241 = arith.mulf %get3A_1239, %mul3A_1240 : vector<16xf32>
        %exp3A_1242 = math.exp %mul3A_1241 : vector<16xf32>
        %add3A_1243 = arith.constant 1.000000e+00 : f32
        %add3A_1244 = vector.broadcast %add3A_1243 : f32 to vector<16xf32>
        %add3A_1245 = arith.addf %exp3A_1242, %add3A_1244 : vector<16xf32>
        %div3A_1246 = arith.constant 6.000000e+01 : f32
        %div3A_1247 = vector.broadcast %div3A_1246 : f32 to vector<16xf32>
        %div3A_1248 = arith.divf %div3A_1247, %add3A_1245 : vector<16xf32>
        %sub3A_1249 = arith.constant 3.000000e+01 : f32
        %sub3A_1250 = vector.broadcast %sub3A_1249 : f32 to vector<16xf32>
        %sub3A_1251 = arith.subf %sub3A_1250, %div3A_1248 : vector<16xf32>
        %exp3A_1252 = math.exp %sub3A_1251 : vector<16xf32>
        %add3A_1253 = arith.addf %add3A_1233, %exp3A_1252 : vector<16xf32>
        %get3A_1254 = arith.constant 7 : i32
        %get3A_1255 = arith.index_cast %rem3A_30 : i32 to index
        %get3A_1256 = arith.index_cast %add3A_131 : i32 to index
        %get3A_1257 = arith.index_cast %get3A_1254 : i32 to index
        %get3A_1258 = arith.constant 0 : index
        %get3A_1259 = tpu.vector_load %arg10[%get3A_1255, %get3A_1256, %get3A_1257, %get3A_1258] {strides = array<i32>} : memref<2x32x8x128xf32, #tpu.memory_space<vmem>>, vector<16xf32>,
        %mul3A_1260 = vector.broadcast %scan3A_20 : f32 to vector<16xf32>
        %mul3A_1261 = arith.mulf %get3A_1259, %mul3A_1260 : vector<16xf32>
        %exp3A_1262 = math.exp %mul3A_1261 : vector<16xf32>
        %add3A_1263 = arith.constant 1.000000e+00 : f32
        %add3A_1264 = vector.broadcast %add3A_1263 : f32 to vector<16xf32>
        %add3A_1265 = arith.addf %exp3A_1262, %add3A_1264 : vector<16xf32>
        %div3A_1266 = arith.constant 6.000000e+01 : f32
        %div3A_1267 = vector.broadcast %div3A_1266 : f32 to vector<16xf32>
        %div3A_1268 = arith.divf %div3A_1267, %add3A_1265 : vector<16xf32>
        %sub3A_1269 = arith.constant 3.000000e+01 : f32
        %sub3A_1270 = vector.broadcast %sub3A_1269 : f32 to vector<16xf32>
        %sub3A_1271 = arith.subf %sub3A_1270, %div3A_1268 : vector<16xf32>
        %exp3A_1272 = math.exp %sub3A_1271 : vector<16xf32>
        %add3A_1273 = arith.addf %add3A_1253, %exp3A_1272 : vector<16xf32>
        %get3A_1274 = arith.constant 7 : i32
        %get3A_1275 = arith.index_cast %rem3A_30 : i32 to index
        %get3A_1276 = arith.index_cast %add3A_131 : i32 to index
        %get3A_1277 = arith.index_cast %get3A_1274 : i32 to index
        %get3A_1278 = arith.constant 16 : index
        %get3A_1279 = tpu.vector_load %arg10[%get3A_1275, %get3A_1276, %get3A_1277, %get3A_1278] {strides = array<i32>} : memref<2x32x8x128xf32, #tpu.memory_space<vmem>>, vector<16xf32>,
        %mul3A_1280 = vector.broadcast %scan3A_20 : f32 to vector<16xf32>
        %mul3A_1281 = arith.mulf %get3A_1279, %mul3A_1280 : vector<16xf32>
        %exp3A_1282 = math.exp %mul3A_1281 : vector<16xf32>
        %add3A_1283 = arith.constant 1.000000e+00 : f32
        %add3A_1284 = vector.broadcast %add3A_1283 : f32 to vector<16xf32>
        %add3A_1285 = arith.addf %exp3A_1282, %add3A_1284 : vector<16xf32>
        %div3A_1286 = arith.constant 6.000000e+01 : f32
        %div3A_1287 = vector.broadcast %div3A_1286 : f32 to vector<16xf32>
        %div3A_1288 = arith.divf %div3A_1287, %add3A_1285 : vector<16xf32>
        %sub3A_1289 = arith.constant 3.000000e+01 : f32
        %sub3A_1290 = vector.broadcast %sub3A_1289 : f32 to vector<16xf32>
        %sub3A_1291 = arith.subf %sub3A_1290, %div3A_1288 : vector<16xf32>
        %exp3A_1292 = math.exp %sub3A_1291 : vector<16xf32>
        %add3A_1293 = arith.addf %add3A_1273, %exp3A_1292 : vector<16xf32>
        %get3A_1294 = arith.constant 7 : i32
        %get3A_1295 = arith.index_cast %rem3A_30 : i32 to index
        %get3A_1296 = arith.index_cast %add3A_131 : i32 to index
        %get3A_1297 = arith.index_cast %get3A_1294 : i32 to index
        %get3A_1298 = arith.constant 32 : index
        %get3A_1299 = tpu.vector_load %arg10[%get3A_1295, %get3A_1296, %get3A_1297, %get3A_1298] {strides = array<i32>} : memref<2x32x8x128xf32, #tpu.memory_space<vmem>>, vector<16xf32>,
        %mul3A_1300 = vector.broadcast %scan3A_20 : f32 to vector<16xf32>
        %mul3A_1301 = arith.mulf %get3A_1299, %mul3A_1300 : vector<16xf32>
        %exp3A_1302 = math.exp %mul3A_1301 : vector<16xf32>
        %add3A_1303 = arith.constant 1.000000e+00 : f32
        %add3A_1304 = vector.broadcast %add3A_1303 : f32 to vector<16xf32>
        %add3A_1305 = arith.addf %exp3A_1302, %add3A_1304 : vector<16xf32>
        %div3A_1306 = arith.constant 6.000000e+01 : f32
        %div3A_1307 = vector.broadcast %div3A_1306 : f32 to vector<16xf32>
        %div3A_1308 = arith.divf %div3A_1307, %add3A_1305 : vector<16xf32>
        %sub3A_1309 = arith.constant 3.000000e+01 : f32
        %sub3A_1310 = vector.broadcast %sub3A_1309 : f32 to vector<16xf32>
        %sub3A_1311 = arith.subf %sub3A_1310, %div3A_1308 : vector<16xf32>
        %exp3A_1312 = math.exp %sub3A_1311 : vector<16xf32>
        %add3A_1313 = arith.addf %add3A_1293, %exp3A_1312 : vector<16xf32>
        %get3A_1314 = arith.constant 7 : i32
        %get3A_1315 = arith.index_cast %rem3A_30 : i32 to index
        %get3A_1316 = arith.index_cast %add3A_131 : i32 to index
        %get3A_1317 = arith.index_cast %get3A_1314 : i32 to index
        %get3A_1318 = arith.constant 48 : index
        %get3A_1319 = tpu.vector_load %arg10[%get3A_1315, %get3A_1316, %get3A_1317, %get3A_1318] {strides = array<i32>} : memref<2x32x8x128xf32, #tpu.memory_space<vmem>>, vector<16xf32>,
        %mul3A_1320 = vector.broadcast %scan3A_20 : f32 to vector<16xf32>
        %mul3A_1321 = arith.mulf %get3A_1319, %mul3A_1320 : vector<16xf32>
        %exp3A_1322 = math.exp %mul3A_1321 : vector<16xf32>
        %add3A_1323 = arith.constant 1.000000e+00 : f32
        %add3A_1324 = vector.broadcast %add3A_1323 : f32 to vector<16xf32>
        %add3A_1325 = arith.addf %exp3A_1322, %add3A_1324 : vector<16xf32>
        %div3A_1326 = arith.constant 6.000000e+01 : f32
        %div3A_1327 = vector.broadcast %div3A_1326 : f32 to vector<16xf32>
        %div3A_1328 = arith.divf %div3A_1327, %add3A_1325 : vector<16xf32>
        %sub3A_1329 = arith.constant 3.000000e+01 : f32
        %sub3A_1330 = vector.broadcast %sub3A_1329 : f32 to vector<16xf32>
        %sub3A_1331 = arith.subf %sub3A_1330, %div3A_1328 : vector<16xf32>
        %exp3A_1332 = math.exp %sub3A_1331 : vector<16xf32>
        %add3A_1333 = arith.addf %add3A_1313, %exp3A_1332 : vector<16xf32>
        %get3A_1334 = arith.constant 7 : i32
        %get3A_1335 = arith.index_cast %rem3A_30 : i32 to index
        %get3A_1336 = arith.index_cast %add3A_131 : i32 to index
        %get3A_1337 = arith.index_cast %get3A_1334 : i32 to index
        %get3A_1338 = arith.constant 64 : index
        %get3A_1339 = tpu.vector_load %arg10[%get3A_1335, %get3A_1336, %get3A_1337, %get3A_1338] {strides = array<i32>} : memref<2x32x8x128xf32, #tpu.memory_space<vmem>>, vector<16xf32>,
        %mul3A_1340 = vector.broadcast %scan3A_20 : f32 to vector<16xf32>
        %mul3A_1341 = arith.mulf %get3A_1339, %mul3A_1340 : vector<16xf32>
        %exp3A_1342 = math.exp %mul3A_1341 : vector<16xf32>
        %add3A_1343 = arith.constant 1.000000e+00 : f32
        %add3A_1344 = vector.broadcast %add3A_1343 : f32 to vector<16xf32>
        %add3A_1345 = arith.addf %exp3A_1342, %add3A_1344 : vector<16xf32>
        %div3A_1346 = arith.constant 6.000000e+01 : f32
        %div3A_1347 = vector.broadcast %div3A_1346 : f32 to vector<16xf32>
        %div3A_1348 = arith.divf %div3A_1347, %add3A_1345 : vector<16xf32>
        %sub3A_1349 = arith.constant 3.000000e+01 : f32
        %sub3A_1350 = vector.broadcast %sub3A_1349 : f32 to vector<16xf32>
        %sub3A_1351 = arith.subf %sub3A_1350, %div3A_1348 : vector<16xf32>
        %exp3A_1352 = math.exp %sub3A_1351 : vector<16xf32>
        %add3A_1353 = arith.addf %add3A_1333, %exp3A_1352 : vector<16xf32>
        %get3A_1354 = arith.constant 7 : i32
        %get3A_1355 = arith.index_cast %rem3A_30 : i32 to index
        %get3A_1356 = arith.index_cast %add3A_131 : i32 to index
        %get3A_1357 = arith.index_cast %get3A_1354 : i32 to index
        %get3A_1358 = arith.constant 80 : index
        %get3A_1359 = tpu.vector_load %arg10[%get3A_1355, %get3A_1356, %get3A_1357, %get3A_1358] {strides = array<i32>} : memref<2x32x8x128xf32, #tpu.memory_space<vmem>>, vector<16xf32>,
        %mul3A_1360 = vector.broadcast %scan3A_20 : f32 to vector<16xf32>
        %mul3A_1361 = arith.mulf %get3A_1359, %mul3A_1360 : vector<16xf32>
        %exp3A_1362 = math.exp %mul3A_1361 : vector<16xf32>
        %add3A_1363 = arith.constant 1.000000e+00 : f32
        %add3A_1364 = vector.broadcast %add3A_1363 : f32 to vector<16xf32>
        %add3A_1365 = arith.addf %exp3A_1362, %add3A_1364 : vector<16xf32>
        %div3A_1366 = arith.constant 6.000000e+01 : f32
        %div3A_1367 = vector.broadcast %div3A_1366 : f32 to vector<16xf32>
        %div3A_1368 = arith.divf %div3A_1367, %add3A_1365 : vector<16xf32>
        %sub3A_1369 = arith.constant 3.000000e+01 : f32
        %sub3A_1370 = vector.broadcast %sub3A_1369 : f32 to vector<16xf32>
        %sub3A_1371 = arith.subf %sub3A_1370, %div3A_1368 : vector<16xf32>
        %exp3A_1372 = math.exp %sub3A_1371 : vector<16xf32>
        %add3A_1373 = arith.addf %add3A_1353, %exp3A_1372 : vector<16xf32>
        %get3A_1374 = arith.constant 7 : i32
        %get3A_1375 = arith.index_cast %rem3A_30 : i32 to index
        %get3A_1376 = arith.index_cast %add3A_131 : i32 to index
        %get3A_1377 = arith.index_cast %get3A_1374 : i32 to index
        %get3A_1378 = arith.constant 96 : index
        %get3A_1379 = tpu.vector_load %arg10[%get3A_1375, %get3A_1376, %get3A_1377, %get3A_1378] {strides = array<i32>} : memref<2x32x8x128xf32, #tpu.memory_space<vmem>>, vector<16xf32>,
        %mul3A_1380 = vector.broadcast %scan3A_20 : f32 to vector<16xf32>
        %mul3A_1381 = arith.mulf %get3A_1379, %mul3A_1380 : vector<16xf32>
        %exp3A_1382 = math.exp %mul3A_1381 : vector<16xf32>
        %add3A_1383 = arith.constant 1.000000e+00 : f32
        %add3A_1384 = vector.broadcast %add3A_1383 : f32 to vector<16xf32>
        %add3A_1385 = arith.addf %exp3A_1382, %add3A_1384 : vector<16xf32>
        %div3A_1386 = arith.constant 6.000000e+01 : f32
        %div3A_1387 = vector.broadcast %div3A_1386 : f32 to vector<16xf32>
        %div3A_1388 = arith.divf %div3A_1387, %add3A_1385 : vector<16xf32>
        %sub3A_1389 = arith.constant 3.000000e+01 : f32
        %sub3A_1390 = vector.broadcast %sub3A_1389 : f32 to vector<16xf32>
        %sub3A_1391 = arith.subf %sub3A_1390, %div3A_1388 : vector<16xf32>
        %exp3A_1392 = math.exp %sub3A_1391 : vector<16xf32>
        %lt3A_1393 = arith.constant 8 : i32
        %lt3A_1394 = vector.broadcast %lt3A_1393 : i32 to vector<16xi32>
        %lt3A_1395 = arith.cmpi slt, %iota3A, %lt3A_1394 : vector<16xi32>
        %jit3A = arith.constant 0.000000e+00 : f32
        %broadcast_in_dim3A_1396 = vector.broadcast %jit3A : f32 to vector<16xf32>
        %select_n3A = arith.select %lt3A_1395, %exp3A_1392, %broadcast_in_dim3A_1396 : vector<16xi1>, vector<16xf32>
        %add3A_1397 = arith.addf %add3A_1373, %select_n3A : vector<16xf32>
        %reduce_sum3A = arith.constant true
        %reduce_sum3A_1398 = vector.broadcast %reduce_sum3A : i1 to vector<16xi1>
        %reduce_sum3A_1399 = tpu.scan <sum>, %add3A_1397 masked %reduce_sum3A_1398 : vector<16xf32>, vector<16xi1> -> vector<16xf32>
        %reduce_sum3A_1400 = vector.extract %reduce_sum3A_1399[15] : f32 from vector<16xf32>
        %eq3A = vector.broadcast %scan3A_128 : i32 to vector<16xi32>
        %eq3A_1401 = arith.cmpi eq, %iota3A, %eq3A : vector<16xi32>
        %broadcast_in_dim3A_1402 = vector.broadcast %reduce_sum3A_1400 : f32 to vector<16xf32>
        %select_n3A_1403 = arith.select %eq3A_1401, %broadcast_in_dim3A_1402, %scan3A_129 : vector<16xi1>, vector<16xf32>
        scf.yield %select_n3A_1403 : vector<16xf32>
      }
      %scan3A_124 = arith.constant 16 : i32
      %swap3A_125 = arith.index_cast %add3A_88 : i32 to index
      %swap3A_126 = tpu.vector_load %arg11[%swap3A_125] {strides = array<i32>} : memref<1600xf32, #tpu.memory_space<vmem>>, vector<16xf32>,
      tpu.vector_store %arg11[%swap3A_125], %scan3A_123 {strides = array<i32>} : memref<1600xf32, #tpu.memory_space<vmem>>, vector<16xf32>,
      %scan3A_127 = arith.constant 0 : i32
      scf.yield %scan3A_127 : i32
    }
    %scan3A_27 = arith.constant 50 : i32
    "tpu.region"() ({
      %run_scoped3A = tpu.sem_alloc : memref<!tpu.dma_semaphore, #tpu.memory_space<semaphore_mem>>
      %dma_start3A_28 = tpu.memref_slice %arg5[%mul3A_2] : memref<51200xf32, #tpu.memory_space<hbm>> -> memref<1600xf32, #tpu.memory_space<hbm>>
      %dma_start3A_29 = tpu.memref_slice %arg5[%mul3A_2] : memref<51200xf32, #tpu.memory_space<hbm>> -> memref<1600xf32, #tpu.memory_space<hbm>>
      tpu.enqueue_dma source(%arg11 : memref<1600xf32, #tpu.memory_space<vmem>>) target(%dma_start3A_29 : memref<1600xf32, #tpu.memory_space<hbm>>) target_semaphore(%run_scoped3A : memref<!tpu.dma_semaphore, #tpu.memory_space<semaphore_mem>>)
      %dma_wait3A = tpu.memref_slice %arg5[%mul3A_2] : memref<51200xf32, #tpu.memory_space<hbm>> -> memref<1600xf32, #tpu.memory_space<hbm>>
      %dma_wait3A_30 = tpu.memref_slice %arg5[%mul3A_2] : memref<51200xf32, #tpu.memory_space<hbm>> -> memref<1600xf32, #tpu.memory_space<hbm>>
      tpu.wait_dma2 semaphore(%run_scoped3A : memref<!tpu.dma_semaphore, #tpu.memory_space<semaphore_mem>>) src(%arg11 : memref<1600xf32, #tpu.memory_space<vmem>>) dst(%dma_wait3A_30 : memref<1600xf32, #tpu.memory_space<hbm>>)
      tpu.yield
    }) : () -> ()
    "tpu.region"() ({
      %run_scoped3A = tpu.sem_alloc : memref<!tpu.dma_semaphore, #tpu.memory_space<semaphore_mem>>
      %dma_start3A_28 = tpu.memref_slice %arg6[%mul3A_2] : memref<51200xf32, #tpu.memory_space<hbm>> -> memref<1600xf32, #tpu.memory_space<hbm>>
      %dma_start3A_29 = tpu.memref_slice %arg6[%mul3A_2] : memref<51200xf32, #tpu.memory_space<hbm>> -> memref<1600xf32, #tpu.memory_space<hbm>>
      tpu.enqueue_dma source(%arg12 : memref<1600xf32, #tpu.memory_space<vmem>>) target(%dma_start3A_29 : memref<1600xf32, #tpu.memory_space<hbm>>) target_semaphore(%run_scoped3A : memref<!tpu.dma_semaphore, #tpu.memory_space<semaphore_mem>>)
      %dma_wait3A = tpu.memref_slice %arg6[%mul3A_2] : memref<51200xf32, #tpu.memory_space<hbm>> -> memref<1600xf32, #tpu.memory_space<hbm>>
      %dma_wait3A_30 = tpu.memref_slice %arg6[%mul3A_2] : memref<51200xf32, #tpu.memory_space<hbm>> -> memref<1600xf32, #tpu.memory_space<hbm>>
      tpu.wait_dma2 semaphore(%run_scoped3A : memref<!tpu.dma_semaphore, #tpu.memory_space<semaphore_mem>>) src(%arg12 : memref<1600xf32, #tpu.memory_space<vmem>>) dst(%dma_wait3A_30 : memref<1600xf32, #tpu.memory_space<hbm>>)
      tpu.yield
    }) : () -> ()
    return
  }
}

</mosaic_0001>

<sc_bundles>
// kernel: _sc_gather_ce.3.cloned.1.call-start
scs
__scs_entry_jumppad:
0x0: {  	(pc) =	sbr.rel $0x88, $3  }
0x1: {  	(tag) =	ssettag $0x0;
	lr =	simm.s32 $0x1  }
0x2: {  	[smem:$0x3F9E] =	sst lr;
	_ =	strace $0xD0000000  }
0x3: {  	_ = 	snop  }
0x4: {  	_ = 	snop  }
0x5: {  	_ = 	snop  }
0x6: {  	_ = 	snop  }
0x7: {  	_ = 	snop  }
__scs_overlays_trampoline_lowered:
0x8: {  	[smem:$0x3FAD] =	sst s0  }
0x9: {  	[smem:$0x3FAE] =	sst s1  }
0xa: {  	[smem:$0x3FAF] =	sst s2  }
0xb: {  	[smem:$0x3FB0] =	sst s3  }
0xc: {  	[smem:$0x3FB1] =	sst s4  }
0xd: {  	[smem:$0x3FB2] =	sst s5  }
0xe: {  	[smem:$0x3FB3] =	sst s6  }
0xf: {  	[smem:$0x3FB4] =	sst s7  }
0x10: {  	[smem:$0x3FB5] =	sst s8  }
0x11: {  	[smem:$0x3FB6] =	sst s9;
	s0 =	simm.s32 @!p0 $0x0  }
0x12: {  	s1 =	sld [smem:$0x3F9C];
	s0 =	simm.s32 @p0 $0x1  }
0x13: {  	[smem:$0x3FB7] =	sst s0;
	s0 =	simm.s32 @!p1 $0x0  }
0x14: {  	s2 =	sld [smem:$0x3F9B];
	s0 =	simm.s32 @p1 $0x1  }
0x15: {  	[smem:$0x3FB8] =	sst s0;
	s0 =	simm.s32 @!p2 $0x0  }
0x16: {  	s3 =	sld [smem:$0x3FDB];
	s0 =	simm.s32 @p2 $0x1  }
0x17: {  	s4 =	simm.s32 $0x1BF5;
	[smem:$0x3FBA] =	sst s0  }
0x18: {  	s0 =	sld [smem:$0x3F9D];
	_ =	swait.ge [sflag:s4], $0x0  }
0x19: {  	s7 =	sld [smem:$0x3F9E]  }
0x1a: {  	s8 =	sadd.s32 $0xFFFFE003, lr  }
0x1b: {  	s9 =	sadd.s32 $0xFFFFFEF7, lr;
	s5 =	simm.s32 $0xFFFFFFFF;
	p2 =	slt.u32 s8, $0xFFFFF086  }
0x1c: {  	p1 =	slt.u32 s9, $0xF7A;
	s5 =	simm.s32 @!p2 $0x0  }
0x1d: {  	s5 =	simm.s32 @p1 $0x1;
	p0 =	seq.s32 s7, s2  }
0x1e: {  	s7 =	smul.u32 @!p0 $0xF7A, s2;
	p2 =	seq.s32 @!p0 s5, $0x0  }
0x1f: {  	s9 =	smul.u32 $0xF7A, s1;
	s8 =	simm.s32 @!p0 $0x1BF5;
	p2 =	por !p2, p0  }
0x20: {  	[sflag:s8] =	ssyncset.s32 @!p0 $0xFFFFF086;
	s6 =	sadd.s32 @!p0 s3, s7;
	s7 =	simm.s32 @!p0 $0x108  }
0x21: {  	s3 =	sadd.s32 s3, s9;
	s6 =	sadd.s32 @!p0 $0x88, s6;
	s7 =	simm.s32 @p2 $0x1082  }
0x22: {  	[simem:s7], [sflag:s8] =	dma.local @!p0 [hbm:s6], $0xF7A  }
0x23: {  	s9 =	sor.u32 $0xD0000000, s2;
	s6 =	simm.s32 $0x108;
	_ =	swait.ge @!p0 [sflag:s8], $0x0  }
0x24: {  	s3 =	sadd.s32 $0x88, s3;
	s6 =	simm.s32 @!p1 $0x1082;
	[sflag:s4] =	ssyncset.s32 $0xFFFFF086  }
0x25: {  	[simem:s6], [sflag:s4] =	dma.local [hbm:s3], $0xF7A  }
0x26: {  	[smem:$0x3F9E] =	sst s1;
	(tag) =	ssettag s2;
	_ =	strace s9  }
0x27: {  	s1 =	sld [smem:$0x3FAE]  }
0x28: {  	s2 =	sld [smem:$0x3FAF]  }
0x29: {  	s4 =	sld [smem:$0x3FB1]  }
0x2a: {  	p0 =	seq.s32 s5, $0x0;
	s5 =	sld [smem:$0x3FB2]  }
0x2b: {  	s6 =	sld [smem:$0x3FB3]  }
0x2c: {  	s7 =	sld [smem:$0x3FB4]  }
0x2d: {  	s3 =	simm.s32 $0x108;
	s8 =	sld [smem:$0x3FB5]  }
0x2e: {  	s3 =	simm.s32 @!p0 $0x1082;
	s9 =	sld [smem:$0x3FB6]  }
0x2f: {  	lr =	sadd.s32 s0, s3;
	s0 =	sld [smem:$0x3FAD]  }
0x30: {  	s3 =	sld [smem:$0x3FB0]  }
0x31: {  	[smem:$0x3FB9] =	sst s10  }
0x32: {  	s10 =	sld [smem:$0x3FB7];
	_ =	sdelay $0x3  }
0x33: {  	p0 =	seq.s32 s10, $0x1;
	s10 =	sld [smem:$0x3FB9];
	_ =	sdelay $0x3  }
0x34: {  	[smem:$0x3FB9] =	sst s10  }
0x35: {  	s10 =	sld [smem:$0x3FB8];
	_ =	sdelay $0x3  }
0x36: {  	p1 =	seq.s32 s10, $0x1;
	s10 =	sld [smem:$0x3FB9];
	_ =	sdelay $0x3  }
0x37: {  	[smem:$0x3FB9] =	sst s10  }
0x38: {  	s10 =	sld [smem:$0x3FBA]  }
0x39: {  	_ = 	snop;
	(pc) =	sbr.ind lr, $3  }
0x3a: {  	_ = 	snop  }
0x3b: {  	_ = 	snop  }
0x3c: {  	p2 =	seq.s32 s10, $0x1;
	s10 =	sld [smem:$0x3FB9]  }
0x3d: {  	_ =	shalt  }
0x3e: {  	_ =	shalt  }
0x3f: {  	_ =	shalt  }
0x40: {  	_ =	shalt  }
0x41: {  	_ =	shalt  }
0x42: {  	_ =	shalt  }
0x43: {  	_ =	shalt  }
0x44: {  	_ =	shalt  }
0x45: {  	_ =	shalt  }
0x46: {  	_ =	shalt  }
0x47: {  	_ =	shalt  }
0x48: {  	_ =	shalt  }
0x49: {  	_ =	shalt  }
0x4a: {  	_ =	shalt  }
0x4b: {  	_ =	shalt  }
0x4c: {  	_ =	shalt  }
0x4d: {  	_ =	shalt  }
0x4e: {  	_ =	shalt  }
0x4f: {  	_ =	shalt  }
0x50: {  	_ =	shalt  }
0x51: {  	_ =	shalt  }
0x52: {  	_ =	shalt  }
0x53: {  	_ =	shalt  }
0x54: {  	_ =	shalt  }
0x55: {  	_ =	shalt  }
0x56: {  	_ =	shalt  }
0x57: {  	_ =	shalt  }
0x58: {  	_ =	shalt  }
0x59: {  	_ =	shalt  }
0x5a: {  	_ =	shalt  }
0x5b: {  	_ =	shalt  }
0x5c: {  	_ =	shalt  }
0x5d: {  	_ =	shalt  }
0x5e: {  	_ =	shalt  }
0x5f: {  	_ =	shalt  }
0x60: {  	_ =	shalt  }
0x61: {  	_ =	shalt  }
0x62: {  	_ =	shalt  }
0x63: {  	_ =	shalt  }
0x64: {  	_ =	shalt  }
0x65: {  	_ =	shalt  }
0x66: {  	_ =	shalt  }
0x67: {  	_ =	shalt  }
0x68: {  	_ =	shalt  }
0x69: {  	_ =	shalt  }
0x6a: {  	_ =	shalt  }
0x6b: {  	_ =	shalt  }
0x6c: {  	_ =	shalt  }
0x6d: {  	_ =	shalt  }
0x6e: {  	_ =	shalt  }
0x6f: {  	_ =	shalt  }
0x70: {  	_ =	shalt  }
0x71: {  	_ =	shalt  }
0x72: {  	_ =	shalt  }
0x73: {  	_ =	shalt  }
0x74: {  	_ =	shalt  }
0x75: {  	_ =	shalt  }
0x76: {  	_ =	shalt  }
0x77: {  	_ =	shalt  }
0x78: {  	_ =	shalt  }
0x79: {  	_ =	shalt  }
0x7a: {  	_ =	shalt  }
0x7b: {  	_ =	shalt  }
0x7c: {  	_ =	shalt  }
0x7d: {  	_ =	shalt  }
0x7e: {  	_ =	shalt  }
0x7f: {  	_ =	shalt  }
0x80: {  	_ =	shalt  }
0x81: {  	_ =	shalt  }
0x82: {  	_ =	shalt  }
0x83: {  	_ =	shalt  }
0x84: {  	_ =	shalt  }
0x85: {  	_ =	shalt  }
0x86: {  	_ =	shalt  }
0x87: {  	_ =	shalt  }
.Lfunc_end0:
.L_simem_size_0:
called_computation_lowered:
.L_overlay_start_0:
0x88: {  	s2 =	sld [smem:$0x3FD9]  }
0x89: {  	s3 =	sld [smem:$0x3FFE];
	_ =	sdelay $0x1  }
0x8a: {  	s1 =	srdreg.scid  }
0x8b: {  	s0 =	sand.u32 $0x1, s1  }
0x8c: {  	s15 =	sshll.u32 s0, $0xA;
	s2 =	sadd.s32 s3, s2  }
0x8d: {  	s2 =	sadd.s32 s2, s15  }
0x8e: {  	[smem:$0x3FC5] =	sst s2  }
0x8f: {  	_ = 	snop  }
0x90: {  	s2 =	sld [smem:$0x3FD0]  }
0x91: {  	s16 =	sld [smem:$0x3FC9]  }
0x92: {  	s4 =	sld [smem:$0x3FC8]  }
0x93: {  	s6 =	simm.s32 $0xA;
	s7 =	simm.s32 $0x10;
	s5 =	sld [smem:$0x3FC7]  }
0x94: {  	[smem:s7], [sflag:s6] =	dma.local [hbm:s2], $0x1  }
0x95: {  	_ =	swait.eq [sflag:s6], $0x1  }
0x96: {  	[sflag:s6] =	ssyncset.done $0x0  }
0x97: {  	s17 =	sld [smem:$0x10];
	[sflag:s6] =	ssyncadd.s32 $0xFFFFFFFF  }
0x98: {  	s18 =	sld [smem:$0x11];
	(tm) =	ssettm $0x1  }
0x99: {  	s19 =	sld [smem:$0x3FFB];
	_ =	sdelay $0x3  }
0x9a: {  	_ =	strace s19  }
0x9b: {  	s7 =	sld [smem:$0x3FFC];
	_ =	sdelay $0x3  }
0x9c: {  	_ =	strace s7  }
0x9d: {  	s7 =	sld [smem:$0x3FFD];
	_ =	sdelay $0x3  }
0x9e: {  	_ =	strace s7  }
0x9f: {  	_ =	strace $0x8FFFFFFF  }
0xa0: {  	s20 =	sld [smem:$0x3FDB];
	_ =	sdelay $0x1  }
0xa1: {  	s8 =	simm.s32 $_scs_section_size  }
0xa2: {  	s9 =	simm.s32 $_size__tile_overlayer_lowered;
	s10 =	simm.s32 $_tile_overlayer_lowered  }
0xa3: {  	s23 =	simm.s32 $0x1BFF;
	s22 =	sshll.u32 s10, $0x1;
	s7 =	sadd.s32 s8, s20  }
0xa4: {  	s11 =	simm.s32 $0x0;
	s21 =	sshll.u32 s9, $0x1;
	s9 =	sadd.s32 s22, s7  }
0xa5: {  	[timem:s11], [sflag:s23] =	dma.local [hbm:s9], s21  }
0xa6: {  	_ =	swait.ge [sflag:s23], s21  }
0xa7: {  	s8 =	ssub.s32 $0x0, s21;
	[sflag:s23] =	ssyncset.done $0x0  }
0xa8: {  	[sflag:s23] =	ssyncadd.s32 s8;
	_ =	sdelay $0x1  }
0xa9: {  	s24 =	simm.s32 $0x1B8B  }
0xaa: {  	_ =	swait.ge [sflag:s24], $0x1  }
0xab: {  	[sflag:s24] =	ssyncset.done $0x0  }
0xac: {  	s25 =	simm.s32 $0x1B8E;
	[sflag:s24] =	ssyncadd.s32 $0xFFFFFFFF  }
0xad: {  	s26 =	simm.s32 $execute0_lowered;
	[smem:$0x3FD2] =	sst s25  }
0xae: {  	s8 =	sshll.u32 s26, $0x1;
	_ =	strace $0x80000046;
	[dreg:$0x1] =	wrdreg $0xFFFFFFFF  }
0xaf: {  	s28 =	simm.s32 $_size_execute0_lowered;
	s7 =	sadd.s32 s7, s8;
	[dreg:$0x0] =	wrdreg $0x0  }
0xb0: {  	s8 =	sshll.u32 s28, $0x1;
	[dreg:$0x2] =	wrdreg s7  }
0xb1: {  	[dreg:$0x3] =	wrdreg s8  }
0xb2: {  	[dreg:$0x4] =	wrdreg $0xC0  }
0xb3: {  	_ =	task [dreg:s11], $0x5FFFF  }
0xb4: {  	[dreg:$0x1] =	wrdreg $0xFFFFFFFF  }
0xb5: {  	[dreg:$0x0] =	wrdreg $0x60  }
0xb6: {  	[dreg:$0x2] =	wrdreg s16  }
0xb7: {  	[dreg:$0x3] =	wrdreg s4  }
0xb8: {  	[dreg:$0x4] =	wrdreg s5  }
0xb9: {  	[dreg:$0x5] =	wrdreg s17  }
0xba: {  	[dreg:$0x6] =	wrdreg s18  }
0xbb: {  	[dreg:$0x7] =	wrdreg $0x9  }
0xbc: {  	_ =	task.clear_ibuf [dreg:s11], $0x8FFFF;
	_ =	strace $0x90000046  }
0xbd: {  	s29 =	simm.s32 $0x9;
	_ =	strace $0x80000048  }
0xbe: {  	_ =	swait.ge [sflag:s29], $0x1  }
0xbf: {  	[sflag:s29] =	ssyncadd.s32 $0xFFFFFFFF  }
0xc0: {  	_ =	strace $0x90000048  }
0xc1: {  	_ =	sfence  }
0xc2: {  	s30 =	sld [smem:$0x0];
	_ =	sdelay $0x2  }
0xc3: {  	s31 =	sshll.u32 s1, $0xD;
	s1 =	sshrl.u32 s1, $0x2  }
0xc4: {  	s3 =	sand.u32 $0x4000, s31;
	s1 =	sadd.s32 s1, s30  }
0xc5: {  	s0 =	sor.u32 s3, s0;
	s1 =	sshll.u32 s1, $0x11  }
0xc6: {  	s0 =	sor.u32 s1, s0  }
0xc7: {  	s0 =	sadd.s32 $0x8F2B, s0  }
0xc8: {  	[sflag:s0] =	ssyncadd.remote.s32 $0x1  }
0xc9: {  	_ =	sfence.sel $0xFFFF  }
0xca: {  	[dreg:$0x0] =	wrdreg $0xFFFFFFFF;
	(pc) =	sbr.abs _section_cstart, $3  }
0xcb: {  	[dreg:$0x1] =	wrdreg $0xFFFFFFFF  }
0xcc: {  	_ =	task.clear_ibuf [dreg:s11], $0x2FFFF;
	_ =	strace $0x9FFFFFFF  }
0xcd: {  	(tm) =	ssettm $0x7FFFFFFF  }
tec
execute0_lowered:
.L_overlay_start_1:
0x0: {  	(tag) =	ssettag $0x1  }
0x1: {  	s0 =	rddreg [dreg:$0x0];
	s1 =	srdreg.scid  }
0x2: {  	s3 =	stileid.u32;
	s2 =	rddreg [dreg:$0x1]  }
0x3: {  	s6 =	rddreg [dreg:$0x3];
	s4 =	sand.u32 $0x1, s1;
	s3 =	sshll.u32 s3, $0x1  }
0x4: {  	s7 =	rddreg [dreg:$0x4];
	v2 =	vimm.s32 $0xECA86420;
	s3 =	sor.u32 s4, s3;
	s4 =	ssub.s32 $0x2, s4  }
0x5: {  	v0 =	vlaneseq.u32;
	s1 =	simm.s32 $0x0;
	v3 =	vunpack.c.l.s4.s8 v2;
	s5 =	smul.u32 $0x640, s3;
	s8 =	sshrl.u32 s4, $0x1  }
0x6: {  	v2 =	vadd.s32 $0xFFFFFFFF, v0;
	v4 =	vmul.u32 $0x2, v0;
	[smem:$0x7FF] =	sst s1;
	s8 =	ssub.s32 s4, s8  }
0x7: {  	vm0 =	vcmask $0xB08;
	_ =	strace $0x80000047;
	v3 =	vunpack.c.0.s8.s32 v3;
	[tilespmem:$0x1FFD0] =	vst v2;
	s9 =	sshrl.u32 s5, $0x3;
	s31 =	smax.u32 s8, $0x1  }
0x8: {  	vm1 =	vcmask $0x1310;
	vm2 =	vcmask $0x1B18;
	vm3 =	vcmask $0x300;
	[tilespmem:$0x1FFF0] =	vst v4;
	s0 =	sadd.s32 s0, s9;
	[dreg:$0xa] =	wrdreg s31  }
0x9: {  	vm4 =	vcmask $0x2320;
	v1 =	vor.u32 s5, v0;
	v0 =	vmul.u32 $0x400, v0;
	[tilespmem:$0x1FFE0] =	vst v3;
	s28 =	sadd.s32 s2, s9;
	[dreg:$0x6] =	wrdreg s0  }
0xa: {  	vm5 =	vcmask $0x2B28;
	vm6 =	vcmask $0x3330;
	vm7 =	vcmask $0x3B38;
	s29 =	sadd.s32 s6, s9;
	[tilespmem:$0x1FFC0] =	vst v1;
	[dreg:$0x7] =	wrdreg s28  }
0xb: {  	vm8 =	vmmov $0xff;
	vm15 =	vcmask $0x704;
	s30 =	sadd.s32 s7, s9;
	[dreg:$0x8] =	wrdreg s29;
	[tilespmem:$0x1FFA0] =	vst v0;
	v0 =	vor.u32 $0x4000, v0  }
0xc: {  	vm12 =	vcmask $0x1F1C;
	vm13 =	vcmask $0x2724;
	vm14 =	vcmask $0x2F2C;
	s3 =	simm.s32 $0x0;
	s2 =	simm.s32 $0x2;
	[dreg:$0x9] =	wrdreg s30;
	[tilespmem:$0x1FFB0] =	vst v0  }
.LBB2_1:
0xd: {  	[dreg:$0xb] =	wrdreg s3  }
0xe: {  	s0 =	rddreg [dreg:$0x6]  }
0xf: {  	[tilespmem:s1], [sflag:$0x2] =	stream.linear.gather [hbm4b:s0+s1], $0x640, $0x38;
	[tilespmem:$0x12080] =	vst v63  }
0x10: {  	_ =	swait.ge [sflag:s2], $0x640  }
0x11: {  	[sflag:s2] =	ssyncset.done $0x0  }
0x12: {  	s31 =	simm.s32 $0x680;
	s30 =	rddreg [dreg:$0x7];
	[sflag:s2] =	ssyncadd.s32 $0xFFFFF9C0  }
0x13: {  	[tilespmem:s31], [sflag:$0x2] =	stream.linear.gather [hbm4b:s30+s1], $0x640, $0x38;
	[tilespmem:$0x12080] =	vst v63  }
0x14: {  	_ =	swait.ge [sflag:s2], $0x640  }
0x15: {  	s19 =	simm.s32 $0xD20;
	s21 =	simm.s32 $0x0;
	[sflag:s2] =	ssyncset.done $0x0  }
0x16: {  	s0 =	simm.s32 $0xFFFFFFFC;
	s1 =	simm.s32 $0x20;
	[sflag:s2] =	ssyncadd.s32 $0xFFFFF9C0  }
.LBB2_2:
0x17: {  	v7 =	vadd.s32 s21, v2  }
0x18: {  	vm9 =	vgt.s32 v7, $0x0  }
0x19: {  	v7 =	vnsel vm9, $0x0, v7;
	_ =	sdelay $0x3  }
0x1a: {  	s20 =	simm.s32 $0x0  }
0x1b: {  	v7 =	vld.idx.msk [tilespmem:v7+s20+$0x0], $0xffff  }
0x1c: {  	v8 =	vld [tilespmem:s1+$0xFFFFFFE0];
	v9 =	vadd.s32 s21, v1  }
0x1d: {  	v9 =	vmul.u32 $0xC28F5C29, v9;
	_ =	sdelay $0x1  }
0x1e: {  	v10 =	vshll.u32 v9, $0x1F;
	v9 =	vshrl.u32 v9, $0x1  }
0x1f: {  	v9 =	vor.u32 v10, v9;
	v7 =	vmul.u32 $0xF4243, v7  }
0x20: {  	vm9 =	vle.u32 v9, $0x51EB851;
	v8 =	vmul.u32 $0x16A95, v8  }
0x21: {  	v7 =	vsel vm9, $0x0, v7  }
0x22: {  	v7 =	vxor.u32 v8, v7  }
0x23: {  	(v2sf) =	vpush v7, $0xD;
	_ =	sdelay $0x1  }
0x24: {  	(v2sf) =	vpush v7, $0xC;
	_ =	sdelay $0x1  }
0x25: {  	(v2sf) =	vpush v7, $0xE;
	_ =	sdelay $0x1  }
0x26: {  	(v2sf) =	vpush v7, $0xF;
	_ =	sdelay $0x1  }
0x27: {  	(v2sf) =	vpush v7, $0x9;
	_ =	sdelay $0x1  }
0x28: {  	(v2sf) =	vpush v7, $0x8;
	_ =	sdelay $0x1  }
0x29: {  	(v2sf) =	vpush v7, $0xA;
	_ =	sdelay $0x1  }
0x2a: {  	(v2sf) =	vpush v7, $0xB  }
0x2b: {  	s13 =	spop (v2sf)  }
0x2c: {  	[dreg:$0xc] =	wrdreg s0;
	(v2sf) =	vpush v7, $0x0;
	s2 =	smulhi.u32 $0x14F8B589, s13;
	s0 =	sshra.s32 s13, $0x1F  }
0x2d: {  	s10 =	spop (v2sf);
	(v2sf) =	vpush v7, $0x1;
	s0 =	smul.u32 $0x14F8B589, s0  }
0x2e: {  	s11 =	smulhi.u32 $0x14F8B589, s10;
	s10 =	sshra.s32 s10, $0x1F;
	(v2sf) =	vpush v7, $0x2  }
0x2f: {  	s22 =	spop (v2sf);
	s10 =	smul.u32 $0x14F8B589, s10;
	(v2sf) =	vpush v7, $0x3  }
0x30: {  	s23 =	smulhi.u32 $0x14F8B589, s22;
	s22 =	sshra.s32 s22, $0x1F;
	(v2sf) =	vpush v7, $0x4  }
0x31: {  	s25 =	spop (v2sf);
	s24 =	smul.u32 $0x14F8B589, s22;
	(v2sf) =	vpush v7, $0x5  }
0x32: {  	[dreg:$0xd] =	wrdreg s1;
	s14 =	smulhi.u32 $0x14F8B589, s25;
	s25 =	sshra.s32 s25, $0x1F;
	(v2sf) =	vpush v7, $0x6  }
0x33: {  	s22 =	sadd.s32 s0, s2;
	s28 =	spop (v2sf);
	s26 =	smul.u32 $0x14F8B589, s25;
	(v2sf) =	vpush v7, $0x7  }
0x34: {  	s2 =	sshrl.u32 s22, $0x1F;
	s29 =	smulhi.u32 $0x14F8B589, s28;
	s15 =	sshra.s32 s28, $0x1F  }
0x35: {  	s25 =	sadd.s32 s10, s11;
	s16 =	spop (v2sf);
	s28 =	smul.u32 $0x14F8B589, s15  }
0x36: {  	s12 =	sshrl.u32 s25, $0x1F;
	s30 =	smulhi.u32 $0x14F8B589, s16;
	s17 =	sshra.s32 s16, $0x1F  }
0x37: {  	s23 =	sadd.s32 s24, s23;
	s18 =	spop (v2sf);
	s31 =	smul.u32 $0x14F8B589, s17  }
0x38: {  	s24 =	sadd.s32 s26, s14;
	s13 =	smulhi.u32 $0x14F8B589, s18;
	s26 =	sshra.s32 s18, $0x1F  }
0x39: {  	s10 =	sshrl.u32 s23, $0x1F;
	s1 =	spop (v2sf);
	s15 =	smul.u32 $0x14F8B589, s26  }
0x3a: {  	s11 =	sshrl.u32 s24, $0x1F;
	s3 =	smulhi.u32 $0x14F8B589, s1;
	s9 =	sshra.s32 s1, $0x1F  }
0x3b: {  	s26 =	sadd.s32 s28, s29;
	s29 =	smul.u32 $0x14F8B589, s9;
	s16 =	spop (v2sf)  }
0x3c: {  	s4 =	smulhi.u32 $0x14F8B589, s16;
	s16 =	sshra.s32 s16, $0x1F;
	s5 =	spop (v2sf)  }
0x3d: {  	s0 =	sshrl.u32 s26, $0x1F;
	s16 =	smul.u32 $0x14F8B589, s16;
	s14 =	spop (v2sf)  }
0x3e: {  	s6 =	smulhi.u32 $0x14F8B589, s5;
	s5 =	sshra.s32 s5, $0x1F;
	s7 =	spop (v2sf)  }
0x3f: {  	s30 =	sadd.s32 s31, s30;
	s5 =	smul.u32 $0x14F8B589, s5;
	s9 =	spop (v2sf)  }
0x40: {  	s17 =	smulhi.u32 $0x14F8B589, s14;
	s18 =	sshra.s32 s14, $0x1F;
	s14 =	spop (v2sf)  }
0x41: {  	s31 =	sadd.s32 s15, s13;
	s1 =	smul.u32 $0x14F8B589, s18;
	s13 =	spop (v2sf)  }
0x42: {  	s28 =	sadd.s32 s29, s3;
	s15 =	smulhi.u32 $0x14F8B589, s7;
	s3 =	spop (v2sf)  }
0x43: {  	s4 =	sadd.s32 s16, s4;
	s16 =	smulhi.u32 $0x14F8B589, s3;
	s29 =	sshra.s32 s3, $0x1F  }
0x44: {  	s8 =	sshrl.u32 s30, $0x1F;
	s18 =	sshra.s32 s7, $0x1F;
	s29 =	smul.u32 $0x14F8B589, s29  }
0x45: {  	s5 =	sadd.s32 s5, s6;
	s6 =	smul.u32 $0x14F8B589, s18;
	s7 =	sshrl.u32 s4, $0x1F  }
0x46: {  	v31 =	vmov s12;
	s18 =	sshra.s32 s4, $0xD;
	s4 =	sshra.s32 s4, $0x1F;
	s29 =	sadd.s32 s29, s16  }
0x47: {  	v9 =	vsel vm0, s2, v31;
	s1 =	sadd.s32 s1, s17;
	s2 =	smulhi.u32 $0x14F8B589, s14;
	s16 =	sshra.s32 s29, $0x1F  }
0x48: {  	s17 =	sshrl.u32 s28, $0x1F;
	s6 =	sadd.s32 s6, s15;
	s15 =	smulhi.u32 $0x14F8B589, s9;
	v30 =	vmov s16  }
0x49: {  	vm11 =	vcmask $0x1714;
	vm10 =	vcmask $0x3734;
	s9 =	sshra.s32 s9, $0x1F;
	s12 =	sshrl.u32 s1, $0x1F;
	s3 =	sshrl.u32 s31, $0x1F;
	v8 =	vsel vm3, s18, v30  }
0x4a: {  	vm9 =	vcmask $0xF0C;
	v9 =	vsel vm1, s10, v9;
	s9 =	smul.u32 $0x14F8B589, s9;
	s18 =	sshra.s32 s14, $0x1F;
	s14 =	sshra.s32 s5, $0xD;
	v8 =	vsel vm15, s4, v8  }
0x4b: {  	v9 =	vsel vm2, s11, v9;
	v32 =	vmov s7;
	s10 =	sshrl.u32 s6, $0x1F;
	s7 =	smul.u32 $0x14F8B589, s18;
	s18 =	sshra.s32 s5, $0x1F;
	v8 =	vsel vm0, s14, v8  }
0x4c: {  	v11 =	vmov s8;
	v10 =	vnsel vm3, $0x0, v32;
	s11 =	sshra.s32 s6, $0x1F;
	s16 =	sshrl.u32 s5, $0x1F;
	s14 =	sshra.s32 s1, $0xD;
	v8 =	vsel vm9, s18, v8  }
0x4d: {  	v11 =	vsel vm0, s0, v11;
	v10 =	vsel vm0, s16, v10;
	s5 =	smulhi.u32 $0x14F8B589, s13;
	s13 =	sshra.s32 s13, $0x1F;
	s1 =	sshra.s32 s1, $0x1F;
	v8 =	vsel vm1, s14, v8  }
0x4e: {  	v11 =	vsel vm1, s3, v11;
	s8 =	sadd.s32 s9, s15;
	v10 =	vsel vm1, s12, v10;
	s4 =	sshra.s32 s6, $0xD;
	s16 =	smul.u32 $0x14F8B589, s13;
	v8 =	vsel vm11, s1, v8  }
0x4f: {  	v11 =	vsel vm2, s17, v11;
	s15 =	sshra.s32 s30, $0xD;
	v10 =	vsel vm2, s10, v10;
	s18 =	sshrl.u32 s8, $0x1F;
	s2 =	sadd.s32 s7, s2;
	v8 =	vsel vm2, s4, v8  }
0x50: {  	v9 =	vcombine.low v11, v9;
	s13 =	sshra.s32 s8, $0xD;
	v10 =	vsel vm4, s18, v10;
	s7 =	sshrl.u32 s2, $0x1F;
	s10 =	sadd.s32 s16, s5;
	v8 =	vsel vm12, s11, v8  }
0x51: {  	v12 =	vmov s15;
	s14 =	sshra.s32 s25, $0xD;
	s16 =	sshra.s32 s8, $0x1F;
	s18 =	sshra.s32 s26, $0xD;
	v10 =	vsel vm5, s7, v10;
	v8 =	vsel vm4, s13, v8  }
0x52: {  	s17 =	sshra.s32 s22, $0xD;
	s22 =	sshra.s32 s2, $0xD;
	s12 =	sshrl.u32 s10, $0x1F;
	v33 =	vmov s14;
	v12 =	vsel vm0, s18, v12;
	v8 =	vsel vm13, s16, v8  }
0x53: {  	s25 =	sshra.s32 s23, $0xD;
	s26 =	sshra.s32 s31, $0xD;
	s30 =	sshra.s32 s2, $0x1F;
	v10 =	vsel vm6, s12, v10;
	v11 =	vsel vm0, s17, v33;
	v8 =	vsel vm5, s22, v8  }
0x54: {  	s31 =	sshra.s32 s24, $0xD;
	s5 =	sshra.s32 s10, $0xD;
	v12 =	vsel vm1, s26, v12;
	s4 =	sshra.s32 s28, $0xD;
	v11 =	vsel vm1, s25, v11;
	v8 =	vsel vm14, s30, v8  }
0x55: {  	s6 =	sshrl.u32 s29, $0x1F;
	s7 =	sshra.s32 s10, $0x1F;
	v12 =	vsel vm2, s4, v12;
	v11 =	vsel vm2, s31, v11;
	v8 =	vsel vm6, s5, v8  }
0x56: {  	s8 =	sshra.s32 s29, $0xD;
	v10 =	vsel vm7, s6, v10;
	v11 =	vcombine.low v12, v11;
	v8 =	vsel vm10, s7, v8  }
0x57: {  	v9 =	vperm.xlane v9, v3;
	v10 =	vperm.xlane v10, v4;
	v8 =	vsel vm7, s8, v8  }
0x58: {  	v11 =	vperm.xlane v11, v3;
	v8 =	vperm.xlane v8, v4;
	_ =	sdelay $0x1  }
0x59: {  	s9 =	sadd.s32 $0x10, s21;
	v9 =	vsel vm8, v10, v9;
	v8 =	vsel vm8, v8, v11  }
0x5a: {  	v34 =	vadd.s32 s9, v2;
	v8 =	vadd.s32 v9, v8  }
0x5b: {  	vm9 =	vgt.s32 v34, $0x0;
	v8 =	vmul.u32 $0x186A0, v8  }
0x5c: {  	v9 =	vnsel vm9, $0x0, v34  }
0x5d: {  	v7 =	vsub.s32 v7, v8  }
0x5e: {  	vm9 =	vlt.s32 v7, $0x0;
	v8 =	vadd.s32 $0x186A0, v7  }
0x5f: {  	v7 =	vsel vm9, v8, v7  }
0x60: {  	[tilespmem:s19+$0xFFFFFFE0] =	vst v7  }
0x61: {  	s10 =	rddreg [dreg:$0xd];
	v7 =	vld.idx.msk [tilespmem:v9+s20+$0x0], $0xffff  }
0x62: {  	v36 =	vadd.s32 s9, v1;
	v35 =	vld [tilespmem:s10+$0xFFFFFFF0]  }
0x63: {  	v9 =	vmul.u32 $0xC28F5C29, v36;
	_ =	sdelay $0x1  }
0x64: {  	v37 =	vshll.u32 v9, $0x1F;
	v9 =	vshrl.u32 v9, $0x1  }
0x65: {  	v9 =	vor.u32 v37, v9;
	v7 =	vmul.u32 $0xF4243, v7  }
0x66: {  	vm9 =	vle.u32 v9, $0x51EB851;
	v8 =	vmul.u32 $0x16A95, v35  }
0x67: {  	v7 =	vsel vm9, $0x0, v7  }
0x68: {  	v7 =	vxor.u32 v8, v7  }
0x69: {  	(v2sf) =	vpush v7, $0xD;
	_ =	sdelay $0x1  }
0x6a: {  	(v2sf) =	vpush v7, $0xC;
	_ =	sdelay $0x1  }
0x6b: {  	(v2sf) =	vpush v7, $0xE;
	_ =	sdelay $0x1  }
0x6c: {  	(v2sf) =	vpush v7, $0xF;
	_ =	sdelay $0x1  }
0x6d: {  	(v2sf) =	vpush v7, $0x9;
	_ =	sdelay $0x1  }
0x6e: {  	(v2sf) =	vpush v7, $0x8;
	_ =	sdelay $0x1  }
0x6f: {  	(v2sf) =	vpush v7, $0xA;
	_ =	sdelay $0x1  }
0x70: {  	(v2sf) =	vpush v7, $0xB  }
0x71: {  	s11 =	spop (v2sf)  }
0x72: {  	(v2sf) =	vpush v7, $0x0;
	s12 =	smulhi.u32 $0x14F8B589, s11;
	s0 =	sshra.s32 s11, $0x1F  }
0x73: {  	(v2sf) =	vpush v7, $0x1;
	s13 =	spop (v2sf);
	s0 =	smul.u32 $0x14F8B589, s0  }
0x74: {  	(v2sf) =	vpush v7, $0x2;
	s14 =	smulhi.u32 $0x14F8B589, s13;
	s2 =	sshra.s32 s13, $0x1F  }
0x75: {  	(v2sf) =	vpush v7, $0x3;
	s16 =	spop (v2sf);
	s15 =	smul.u32 $0x14F8B589, s2  }
0x76: {  	(v2sf) =	vpush v7, $0x4;
	s17 =	smulhi.u32 $0x14F8B589, s16;
	s2 =	sshra.s32 s16, $0x1F  }
0x77: {  	(v2sf) =	vpush v7, $0x5;
	s23 =	spop (v2sf);
	s18 =	smul.u32 $0x14F8B589, s2  }
0x78: {  	(v2sf) =	vpush v7, $0x6;
	s22 =	sadd.s32 s0, s12;
	s24 =	smulhi.u32 $0x14F8B589, s23;
	s25 =	sshra.s32 s23, $0x1F  }
0x79: {  	s26 =	spop (v2sf);
	(v2sf) =	vpush v7, $0x7;
	s2 =	sshrl.u32 s22, $0x1F;
	s1 =	smul.u32 $0x14F8B589, s25  }
0x7a: {  	s25 =	sadd.s32 s15, s14;
	s28 =	smulhi.u32 $0x14F8B589, s26;
	s29 =	sshra.s32 s26, $0x1F  }
0x7b: {  	s30 =	spop (v2sf);
	s7 =	sshrl.u32 s25, $0x1F;
	s4 =	smul.u32 $0x14F8B589, s29  }
0x7c: {  	s23 =	sadd.s32 s18, s17;
	s31 =	smulhi.u32 $0x14F8B589, s30;
	s13 =	sshra.s32 s30, $0x1F  }
0x7d: {  	s14 =	spop (v2sf);
	s10 =	sshrl.u32 s23, $0x1F;
	s6 =	smul.u32 $0x14F8B589, s13  }
0x7e: {  	s24 =	sadd.s32 s1, s24;
	s1 =	smulhi.u32 $0x14F8B589, s14;
	s15 =	sshra.s32 s14, $0x1F  }
0x7f: {  	s16 =	spop (v2sf);
	s11 =	sshrl.u32 s24, $0x1F;
	s8 =	smul.u32 $0x14F8B589, s15  }
0x80: {  	s26 =	sadd.s32 s4, s28;
	s3 =	smulhi.u32 $0x14F8B589, s16;
	s17 =	sshra.s32 s16, $0x1F  }
0x81: {  	s18 =	spop (v2sf);
	s0 =	sshrl.u32 s26, $0x1F;
	s4 =	smul.u32 $0x14F8B589, s17  }
0x82: {  	s12 =	smulhi.u32 $0x14F8B589, s18;
	s9 =	sshra.s32 s18, $0x1F;
	s28 =	spop (v2sf)  }
0x83: {  	s30 =	sadd.s32 s6, s31;
	s29 =	smul.u32 $0x14F8B589, s9;
	s31 =	spop (v2sf)  }
0x84: {  	s9 =	smulhi.u32 $0x14F8B589, s28;
	s13 =	sshra.s32 s28, $0x1F;
	s14 =	spop (v2sf)  }
0x85: {  	s15 =	sshrl.u32 s30, $0x1F;
	s13 =	smul.u32 $0x14F8B589, s13;
	s16 =	spop (v2sf)  }
0x86: {  	s17 =	smulhi.u32 $0x14F8B589, s31;
	s6 =	sshra.s32 s31, $0x1F;
	s18 =	spop (v2sf)  }
0x87: {  	s31 =	sadd.s32 s8, s1;
	s1 =	smul.u32 $0x14F8B589, s6;
	s6 =	spop (v2sf)  }
0x88: {  	s28 =	sadd.s32 s4, s3;
	v41 =	vmov s15;
	s15 =	sshra.s32 s30, $0xD;
	s8 =	spop (v2sf)  }
0x89: {  	s5 =	sadd.s32 s29, s12;
	s29 =	smulhi.u32 $0x14F8B589, s8;
	s4 =	sshra.s32 s8, $0x1F  }
0x8a: {  	s9 =	sadd.s32 s13, s9;
	s13 =	sshrl.u32 s31, $0x1F;
	s4 =	smul.u32 $0x14F8B589, s4  }
0x8b: {  	v11 =	vsel vm0, s0, v41;
	s1 =	sadd.s32 s1, s17;
	s3 =	smulhi.u32 $0x14F8B589, s14;
	s14 =	sshra.s32 s14, $0x1F  }
0x8c: {  	v39 =	vmov s7;
	v11 =	vsel vm1, s13, v11;
	s12 =	smul.u32 $0x14F8B589, s14;
	s14 =	sshrl.u32 s28, $0x1F;
	s29 =	sadd.s32 s4, s29  }
0x8d: {  	v9 =	vsel vm0, s2, v39;
	s2 =	smulhi.u32 $0x14F8B589, s18;
	v11 =	vsel vm2, s14, v11;
	s14 =	sshra.s32 s25, $0xD;
	s17 =	sshra.s32 s29, $0x1F  }
0x8e: {  	s3 =	sadd.s32 s12, s3;
	s12 =	sshra.s32 s16, $0x1F;
	v38 =	vmov s17;
	s17 =	sshra.s32 s5, $0xD  }
0x8f: {  	s8 =	smulhi.u32 $0x14F8B589, s16;
	s4 =	sshrl.u32 s5, $0x1F;
	s5 =	sshra.s32 s5, $0x1F;
	v8 =	vsel vm3, s17, v38  }
0x90: {  	s16 =	sshrl.u32 s9, $0x1F;
	s7 =	smul.u32 $0x14F8B589, s12;
	s17 =	sshra.s32 s9, $0xD;
	v8 =	vsel vm15, s5, v8  }
0x91: {  	vm10 =	vcmask $0xF0C;
	s12 =	sshrl.u32 s1, $0x1F;
	v40 =	vmov s4;
	s4 =	sshra.s32 s18, $0x1F;
	s9 =	sshra.s32 s9, $0x1F;
	v8 =	vsel vm0, s17, v8  }
0x92: {  	s7 =	sadd.s32 s7, s8;
	v10 =	vnsel vm3, $0x0, v40;
	s4 =	smul.u32 $0x14F8B589, s4;
	s17 =	sshra.s32 s1, $0xD;
	v8 =	vsel vm10, s9, v8  }
0x93: {  	v9 =	vsel vm1, s10, v9;
	v10 =	vsel vm0, s16, v10;
	s16 =	smulhi.u32 $0x14F8B589, s6;
	s6 =	sshra.s32 s6, $0x1F;
	s1 =	sshra.s32 s1, $0x1F;
	v8 =	vsel vm1, s17, v8  }
0x94: {  	v9 =	vsel vm2, s11, v9;
	s18 =	sshrl.u32 s3, $0x1F;
	v10 =	vsel vm1, s12, v10;
	s6 =	smul.u32 $0x14F8B589, s6;
	s5 =	sshra.s32 s3, $0xD;
	v8 =	vsel vm11, s1, v8  }
0x95: {  	v43 =	vmov s15;
	s11 =	sshra.s32 s3, $0x1F;
	s2 =	sadd.s32 s4, s2;
	v10 =	vsel vm2, s18, v10;
	s18 =	sshrl.u32 s7, $0x1F;
	v8 =	vsel vm2, s5, v8  }
0x96: {  	v9 =	vcombine.low v11, v9;
	s13 =	sshra.s32 s7, $0xD;
	s8 =	sshrl.u32 s2, $0x1F;
	v10 =	vsel vm4, s18, v10;
	s10 =	sadd.s32 s6, s16;
	v8 =	vsel vm12, s11, v8  }
0x97: {  	v42 =	vmov s14;
	s16 =	sshra.s32 s7, $0x1F;
	s18 =	sshra.s32 s26, $0xD;
	v10 =	vsel vm5, s8, v10;
	s12 =	sshrl.u32 s10, $0x1F;
	v8 =	vsel vm4, s13, v8  }
0x98: {  	s26 =	sshra.s32 s31, $0xD;
	s17 =	sshra.s32 s22, $0xD;
	s22 =	sshra.s32 s2, $0xD;
	v12 =	vsel vm0, s18, v43;
	v10 =	vsel vm6, s12, v10;
	v8 =	vsel vm13, s16, v8  }
0x99: {  	s25 =	sshra.s32 s23, $0xD;
	s30 =	sshra.s32 s2, $0x1F;
	v11 =	vsel vm0, s17, v42;
	v12 =	vsel vm1, s26, v12;
	v8 =	vsel vm5, s22, v8  }
0x9a: {  	s3 =	sshra.s32 s28, $0xD;
	s31 =	sshra.s32 s24, $0xD;
	vm11 =	vcmask $0x3734;
	v11 =	vsel vm1, s25, v11;
	s5 =	sshra.s32 s10, $0xD;
	v8 =	vsel vm14, s30, v8  }
0x9b: {  	s6 =	sshrl.u32 s29, $0x1F;
	s7 =	sshra.s32 s10, $0x1F;
	v12 =	vsel vm2, s3, v12;
	v11 =	vsel vm2, s31, v11;
	v8 =	vsel vm6, s5, v8  }
0x9c: {  	s8 =	sshra.s32 s29, $0xD;
	v10 =	vsel vm7, s6, v10;
	v11 =	vcombine.low v12, v11;
	v8 =	vsel vm11, s7, v8  }
0x9d: {  	v9 =	vperm.xlane v9, v3;
	v10 =	vperm.xlane v10, v4;
	v8 =	vsel vm7, s8, v8  }
0x9e: {  	v11 =	vperm.xlane v11, v3;
	v8 =	vperm.xlane v8, v4;
	_ =	sdelay $0x1  }
0x9f: {  	s9 =	sadd.s32 $0x20, s21;
	v9 =	vsel vm8, v10, v9;
	v8 =	vsel vm8, v8, v11  }
0xa0: {  	v44 =	vadd.s32 s9, v2;
	v8 =	vadd.s32 v9, v8  }
0xa1: {  	vm9 =	vgt.s32 v44, $0x0;
	v8 =	vmul.u32 $0x186A0, v8  }
0xa2: {  	v9 =	vnsel vm9, $0x0, v44  }
0xa3: {  	v7 =	vsub.s32 v7, v8  }
0xa4: {  	vm9 =	vlt.s32 v7, $0x0;
	v8 =	vadd.s32 $0x186A0, v7  }
0xa5: {  	v7 =	vsel vm9, v8, v7  }
0xa6: {  	[tilespmem:s19+$0xFFFFFFF0] =	vst v7  }
0xa7: {  	s10 =	rddreg [dreg:$0xd];
	v7 =	vld.idx.msk [tilespmem:v9+s20+$0x0], $0xffff  }
0xa8: {  	v46 =	vadd.s32 s9, v1;
	v45 =	vld [tilespmem:s10+$0x0]  }
0xa9: {  	v9 =	vmul.u32 $0xC28F5C29, v46;
	_ =	sdelay $0x1  }
0xaa: {  	v47 =	vshll.u32 v9, $0x1F;
	v9 =	vshrl.u32 v9, $0x1  }
0xab: {  	v9 =	vor.u32 v47, v9;
	v7 =	vmul.u32 $0xF4243, v7  }
0xac: {  	vm9 =	vle.u32 v9, $0x51EB851;
	v8 =	vmul.u32 $0x16A95, v45  }
0xad: {  	v7 =	vsel vm9, $0x0, v7  }
0xae: {  	v7 =	vxor.u32 v8, v7  }
0xaf: {  	(v2sf) =	vpush v7, $0xD;
	_ =	sdelay $0x1  }
0xb0: {  	(v2sf) =	vpush v7, $0xC;
	_ =	sdelay $0x1  }
0xb1: {  	(v2sf) =	vpush v7, $0xE;
	_ =	sdelay $0x1  }
0xb2: {  	(v2sf) =	vpush v7, $0xF;
	_ =	sdelay $0x1  }
0xb3: {  	(v2sf) =	vpush v7, $0x9;
	_ =	sdelay $0x1  }
0xb4: {  	(v2sf) =	vpush v7, $0x8;
	_ =	sdelay $0x1  }
0xb5: {  	(v2sf) =	vpush v7, $0xA;
	_ =	sdelay $0x1  }
0xb6: {  	(v2sf) =	vpush v7, $0xB  }
0xb7: {  	s11 =	spop (v2sf)  }
0xb8: {  	(v2sf) =	vpush v7, $0x0;
	s12 =	smulhi.u32 $0x14F8B589, s11;
	s0 =	sshra.s32 s11, $0x1F  }
0xb9: {  	(v2sf) =	vpush v7, $0x1;
	s13 =	spop (v2sf);
	s0 =	smul.u32 $0x14F8B589, s0  }
0xba: {  	(v2sf) =	vpush v7, $0x2;
	s14 =	smulhi.u32 $0x14F8B589, s13;
	s2 =	sshra.s32 s13, $0x1F  }
0xbb: {  	(v2sf) =	vpush v7, $0x3;
	s16 =	spop (v2sf);
	s15 =	smul.u32 $0x14F8B589, s2  }
0xbc: {  	(v2sf) =	vpush v7, $0x4;
	s17 =	smulhi.u32 $0x14F8B589, s16;
	s2 =	sshra.s32 s16, $0x1F  }
0xbd: {  	s23 =	spop (v2sf);
	(v2sf) =	vpush v7, $0x5;
	s18 =	smul.u32 $0x14F8B589, s2  }
0xbe: {  	s22 =	sadd.s32 s0, s12;
	s24 =	smulhi.u32 $0x14F8B589, s23;
	s25 =	sshra.s32 s23, $0x1F;
	(v2sf) =	vpush v7, $0x6  }
0xbf: {  	s26 =	spop (v2sf);
	s2 =	sshrl.u32 s22, $0x1F;
	s1 =	smul.u32 $0x14F8B589, s25;
	(v2sf) =	vpush v7, $0x7  }
0xc0: {  	s25 =	sadd.s32 s15, s14;
	s28 =	smulhi.u32 $0x14F8B589, s26;
	s29 =	sshra.s32 s26, $0x1F  }
0xc1: {  	s30 =	spop (v2sf);
	s7 =	sshrl.u32 s25, $0x1F;
	s4 =	smul.u32 $0x14F8B589, s29  }
0xc2: {  	s23 =	sadd.s32 s18, s17;
	s31 =	smulhi.u32 $0x14F8B589, s30;
	s13 =	sshra.s32 s30, $0x1F  }
0xc3: {  	s14 =	spop (v2sf);
	s10 =	sshrl.u32 s23, $0x1F;
	s6 =	smul.u32 $0x14F8B589, s13  }
0xc4: {  	s24 =	sadd.s32 s1, s24;
	s1 =	smulhi.u32 $0x14F8B589, s14;
	s15 =	sshra.s32 s14, $0x1F  }
0xc5: {  	s16 =	spop (v2sf);
	s11 =	sshrl.u32 s24, $0x1F;
	s8 =	smul.u32 $0x14F8B589, s15  }
0xc6: {  	s26 =	sadd.s32 s4, s28;
	s3 =	smulhi.u32 $0x14F8B589, s16;
	s17 =	sshra.s32 s16, $0x1F  }
0xc7: {  	s18 =	spop (v2sf);
	s0 =	sshrl.u32 s26, $0x1F;
	s4 =	smul.u32 $0x14F8B589, s17  }
0xc8: {  	v49 =	vmov s7;
	s12 =	smulhi.u32 $0x14F8B589, s18;
	s9 =	sshra.s32 s18, $0x1F;
	s28 =	spop (v2sf)  }
0xc9: {  	v9 =	vsel vm0, s2, v49;
	s30 =	sadd.s32 s6, s31;
	s29 =	smul.u32 $0x14F8B589, s9;
	s31 =	spop (v2sf)  }
0xca: {  	v9 =	vsel vm1, s10, v9;
	s9 =	smulhi.u32 $0x14F8B589, s28;
	s13 =	sshra.s32 s28, $0x1F;
	s14 =	spop (v2sf)  }
0xcb: {  	s15 =	sshrl.u32 s30, $0x1F;
	v9 =	vsel vm2, s11, v9;
	s11 =	sshra.s32 s25, $0xD;
	s16 =	spop (v2sf)  }
0xcc: {  	s17 =	smulhi.u32 $0x14F8B589, s31;
	s6 =	sshra.s32 s31, $0x1F;
	s18 =	spop (v2sf)  }
0xcd: {  	s31 =	sadd.s32 s8, s1;
	s1 =	smul.u32 $0x14F8B589, s6;
	s6 =	spop (v2sf)  }
0xce: {  	s13 =	smul.u32 $0x14F8B589, s13;
	s28 =	sadd.s32 s4, s3;
	s8 =	spop (v2sf)  }
0xcf: {  	s5 =	sadd.s32 s29, s12;
	s29 =	smulhi.u32 $0x14F8B589, s8;
	s4 =	sshra.s32 s8, $0x1F  }
0xd0: {  	v51 =	vmov s15;
	s15 =	sshra.s32 s26, $0xD;
	s9 =	sadd.s32 s13, s9;
	s4 =	smul.u32 $0x14F8B589, s4  }
0xd1: {  	s3 =	smulhi.u32 $0x14F8B589, s14;
	s14 =	sshra.s32 s14, $0x1F;
	s13 =	sshrl.u32 s31, $0x1F  }
0xd2: {  	v11 =	vsel vm0, s0, v51;
	s12 =	smul.u32 $0x14F8B589, s14;
	s14 =	sshrl.u32 s28, $0x1F;
	s29 =	sadd.s32 s4, s29  }
0xd3: {  	v11 =	vsel vm1, s13, v11;
	s1 =	sadd.s32 s1, s17;
	s2 =	smulhi.u32 $0x14F8B589, s18;
	s17 =	sshra.s32 s29, $0x1F  }
0xd4: {  	v11 =	vsel vm2, s14, v11;
	s14 =	sshra.s32 s22, $0xD;
	s3 =	sadd.s32 s12, s3;
	v48 =	vmov s17;
	s17 =	sshra.s32 s5, $0xD  }
0xd5: {  	s12 =	sshra.s32 s16, $0x1F;
	s4 =	sshrl.u32 s5, $0x1F;
	s5 =	sshra.s32 s5, $0x1F;
	v8 =	vsel vm3, s17, v48  }
0xd6: {  	s8 =	smulhi.u32 $0x14F8B589, s16;
	s17 =	sshra.s32 s18, $0x1F;
	s18 =	sshra.s32 s9, $0xD;
	v8 =	vsel vm15, s5, v8  }
0xd7: {  	s16 =	sshrl.u32 s9, $0x1F;
	s7 =	smul.u32 $0x14F8B589, s12;
	v50 =	vmov s4;
	s9 =	sshra.s32 s9, $0x1F;
	v8 =	vsel vm0, s18, v8  }
0xd8: {  	s12 =	sshrl.u32 s1, $0x1F;
	v10 =	vnsel vm3, $0x0, v50;
	s4 =	smul.u32 $0x14F8B589, s17;
	s17 =	sshra.s32 s1, $0xD;
	v8 =	vsel vm10, s9, v8  }
0xd9: {  	vm9 =	vcmask $0x1714;
	s10 =	sshrl.u32 s3, $0x1F;
	v10 =	vsel vm0, s16, v10;
	s16 =	smulhi.u32 $0x14F8B589, s6;
	s1 =	sshra.s32 s1, $0x1F;
	v8 =	vsel vm1, s17, v8  }
0xda: {  	s6 =	sshra.s32 s6, $0x1F;
	s2 =	sadd.s32 s4, s2;
	s4 =	sshra.s32 s3, $0xD;
	v8 =	vsel vm9, s1, v8  }
0xdb: {  	v52 =	vmov s11;
	s7 =	sadd.s32 s7, s8;
	s8 =	sshra.s32 s3, $0x1F;
	v10 =	vsel vm1, s12, v10;
	s6 =	smul.u32 $0x14F8B589, s6;
	v8 =	vsel vm2, s4, v8  }
0xdc: {  	v9 =	vcombine.low v11, v9;
	s12 =	sshra.s32 s30, $0xD;
	v10 =	vsel vm2, s10, v10;
	s18 =	sshrl.u32 s7, $0x1F;
	s10 =	sshra.s32 s7, $0xD;
	v8 =	vsel vm12, s8, v8  }
0xdd: {  	s13 =	sshra.s32 s7, $0x1F;
	v53 =	vmov s12;
	v10 =	vsel vm4, s18, v10;
	s6 =	sadd.s32 s6, s16;
	s18 =	sshra.s32 s31, $0xD;
	v8 =	vsel vm4, s10, v8  }
0xde: {  	v11 =	vsel vm0, s14, v52;
	v12 =	vsel vm0, s15, v53;
	s5 =	sshrl.u32 s2, $0x1F;
	s16 =	sshra.s32 s2, $0xD;
	s17 =	sshra.s32 s23, $0xD;
	v8 =	vsel vm13, s13, v8  }
0xdf: {  	s22 =	sshra.s32 s2, $0x1F;
	s23 =	sshra.s32 s24, $0xD;
	v12 =	vsel vm1, s18, v12;
	s24 =	sshra.s32 s28, $0xD;
	v10 =	vsel vm5, s5, v10;
	v8 =	vsel vm5, s16, v8  }
0xe0: {  	s9 =	sshrl.u32 s6, $0x1F;
	s25 =	sshra.s32 s6, $0xD;
	v11 =	vsel vm1, s17, v11;
	v12 =	vsel vm2, s24, v12;
	v8 =	vsel vm14, s22, v8  }
0xe1: {  	s26 =	sshrl.u32 s29, $0x1F;
	s28 =	sshra.s32 s6, $0x1F;
	v10 =	vsel vm6, s9, v10;
	v11 =	vsel vm2, s23, v11;
	v8 =	vsel vm6, s25, v8  }
0xe2: {  	s29 =	sshra.s32 s29, $0xD;
	v10 =	vsel vm7, s26, v10;
	v11 =	vcombine.low v12, v11;
	v8 =	vsel vm11, s28, v8  }
0xe3: {  	v9 =	vperm.xlane v9, v3;
	v10 =	vperm.xlane v10, v4;
	v8 =	vsel vm7, s29, v8  }
0xe4: {  	v11 =	vperm.xlane v11, v3;
	v8 =	vperm.xlane v8, v4;
	_ =	sdelay $0x1  }
0xe5: {  	s30 =	sadd.s32 $0x30, s21;
	v9 =	vsel vm8, v10, v9;
	v8 =	vsel vm8, v8, v11  }
0xe6: {  	v54 =	vadd.s32 s30, v2;
	v8 =	vadd.s32 v9, v8  }
0xe7: {  	vm9 =	vgt.s32 v54, $0x0;
	v8 =	vmul.u32 $0x186A0, v8  }
0xe8: {  	v9 =	vnsel vm9, $0x0, v54  }
0xe9: {  	v7 =	vsub.s32 v7, v8  }
0xea: {  	vm9 =	vlt.s32 v7, $0x0;
	v8 =	vadd.s32 $0x186A0, v7  }
0xeb: {  	v7 =	vsel vm9, v8, v7  }
0xec: {  	[tilespmem:s19+$0x0] =	vst v7  }
0xed: {  	s31 =	rddreg [dreg:$0xd];
	v7 =	vld.idx.msk [tilespmem:v9+s20+$0x0], $0xffff  }
0xee: {  	v56 =	vadd.s32 s30, v1;
	v55 =	vld [tilespmem:s31+$0x10]  }
0xef: {  	v9 =	vmul.u32 $0xC28F5C29, v56;
	_ =	sdelay $0x1  }
0xf0: {  	v57 =	vshll.u32 v9, $0x1F;
	v9 =	vshrl.u32 v9, $0x1  }
0xf1: {  	v9 =	vor.u32 v57, v9;
	v7 =	vmul.u32 $0xF4243, v7  }
0xf2: {  	vm9 =	vle.u32 v9, $0x51EB851;
	v8 =	vmul.u32 $0x16A95, v55  }
0xf3: {  	v7 =	vsel vm9, $0x0, v7  }
0xf4: {  	v7 =	vxor.u32 v8, v7  }
0xf5: {  	(v2sf) =	vpush v7, $0xD;
	_ =	sdelay $0x1  }
0xf6: {  	(v2sf) =	vpush v7, $0xC;
	_ =	sdelay $0x1  }
0xf7: {  	(v2sf) =	vpush v7, $0xE;
	_ =	sdelay $0x1  }
0xf8: {  	(v2sf) =	vpush v7, $0xF;
	_ =	sdelay $0x1  }
0xf9: {  	(v2sf) =	vpush v7, $0x9;
	_ =	sdelay $0x1  }
0xfa: {  	(v2sf) =	vpush v7, $0x8;
	_ =	sdelay $0x1  }
0xfb: {  	(v2sf) =	vpush v7, $0xA;
	_ =	sdelay $0x1  }
0xfc: {  	(v2sf) =	vpush v7, $0xB  }
0xfd: {  	s2 =	spop (v2sf)  }
0xfe: {  	(v2sf) =	vpush v7, $0x0;
	s1 =	smulhi.u32 $0x14F8B589, s2;
	s0 =	sshra.s32 s2, $0x1F  }
0xff: {  	s3 =	spop (v2sf);
	s4 =	smul.u32 $0x14F8B589, s0  }
0x100: {  	(v2sf) =	vpush v7, $0x1;
	s25 =	smulhi.u32 $0x14F8B589, s3;
	s2 =	sshra.s32 s3, $0x1F  }
0x101: {  	(v2sf) =	vpush v7, $0x2;
	s5 =	spop (v2sf);
	s6 =	smul.u32 $0x14F8B589, s2  }
0x102: {  	s24 =	smulhi.u32 $0x14F8B589, s5;
	s2 =	sshra.s32 s5, $0x1F  }
0x103: {  	(v2sf) =	vpush v7, $0x3;
	s23 =	spop (v2sf);
	s2 =	smul.u32 $0x14F8B589, s2  }
0x104: {  	(v2sf) =	vpush v7, $0x4;
	s9 =	smulhi.u32 $0x14F8B589, s23;
	s0 =	sshra.s32 s23, $0x1F  }
0x105: {  	(v2sf) =	vpush v7, $0x5;
	s29 =	spop (v2sf);
	s11 =	smul.u32 $0x14F8B589, s0  }
0x106: {  	(v2sf) =	vpush v7, $0x6;
	s12 =	smulhi.u32 $0x14F8B589, s29;
	s7 =	sshra.s32 s29, $0x1F  }
0x107: {  	(v2sf) =	vpush v7, $0x7;
	s30 =	spop (v2sf);
	s14 =	smul.u32 $0x14F8B589, s7  }
0x108: {  	s16 =	smulhi.u32 $0x14F8B589, s30;
	s30 =	sshra.s32 s30, $0x1F  }
0x109: {  	s20 =	smov.u32 s19;
	s31 =	spop (v2sf);
	s17 =	smul.u32 $0x14F8B589, s30  }
0x10a: {  	s23 =	sadd.s32 s4, s1;
	s26 =	smulhi.u32 $0x14F8B589, s31;
	s31 =	sshra.s32 s31, $0x1F  }
0x10b: {  	s25 =	sadd.s32 s6, s25;
	s13 =	spop (v2sf);
	s28 =	smul.u32 $0x14F8B589, s31  }
0x10c: {  	s5 =	sshrl.u32 s23, $0x1F;
	s29 =	smulhi.u32 $0x14F8B589, s13;
	s7 =	sshra.s32 s13, $0x1F  }
0x10d: {  	s24 =	sadd.s32 s2, s24;
	s15 =	spop (v2sf);
	s1 =	smul.u32 $0x14F8B589, s7  }
0x10e: {  	s30 =	sadd.s32 s14, s12;
	s3 =	smulhi.u32 $0x14F8B589, s15;
	s13 =	sshra.s32 s15, $0x1F  }
0x10f: {  	s22 =	spop (v2sf);
	s7 =	sshrl.u32 s25, $0x1F;
	s4 =	smul.u32 $0x14F8B589, s13  }
0x110: {  	s31 =	sadd.s32 s17, s16;
	s8 =	spop (v2sf);
	s2 =	smulhi.u32 $0x14F8B589, s22  }
0x111: {  	s15 =	sshra.s32 s22, $0x1F;
	s13 =	sshrl.u32 s24, $0x1F;
	s22 =	sadd.s32 s11, s9  }
0x112: {  	s28 =	sadd.s32 s28, s26;
	s18 =	spop (v2sf);
	s6 =	smul.u32 $0x14F8B589, s15  }
0x113: {  	s9 =	smulhi.u32 $0x14F8B589, s8;
	s8 =	sshra.s32 s8, $0x1F;
	s10 =	spop (v2sf)  }
0x114: {  	s11 =	sshrl.u32 s22, $0x1F;
	s8 =	smul.u32 $0x14F8B589, s8;
	s19 =	spop (v2sf)  }
0x115: {  	s12 =	smulhi.u32 $0x14F8B589, s18;
	s17 =	sshra.s32 s18, $0x1F;
	s0 =	spop (v2sf)  }
0x116: {  	s26 =	sadd.s32 s1, s29;
	s1 =	smul.u32 $0x14F8B589, s17;
	s18 =	spop (v2sf)  }
0x117: {  	v59 =	vmov s7;
	s15 =	sshrl.u32 s30, $0x1F;
	s29 =	smulhi.u32 $0x14F8B589, s18;
	s14 =	sshra.s32 s18, $0x1F  }
0x118: {  	v9 =	vsel vm0, s5, v59;
	s3 =	sadd.s32 s4, s3;
	s4 =	sshrl.u32 s28, $0x1F;
	s16 =	smul.u32 $0x14F8B589, s14  }
0x119: {  	v9 =	vsel vm1, s13, v9;
	s2 =	sadd.s32 s6, s2;
	s17 =	smulhi.u32 $0x14F8B589, s10;
	s10 =	sshra.s32 s10, $0x1F  }
0x11a: {  	v9 =	vsel vm2, s11, v9;
	s11 =	sshra.s32 s25, $0xD;
	s10 =	smul.u32 $0x14F8B589, s10;
	s29 =	sadd.s32 s16, s29  }
0x11b: {  	s8 =	sadd.s32 s8, s9;
	s5 =	smulhi.u32 $0x14F8B589, s19;
	s6 =	sshra.s32 s29, $0x1F  }
0x11c: {  	s1 =	sadd.s32 s1, s12;
	s12 =	sshrl.u32 s3, $0x1F;
	s18 =	sshra.s32 s3, $0xD;
	v58 =	vmov s6  }
0x11d: {  	s13 =	sshra.s32 s8, $0xD;
	s9 =	sadd.s32 s10, s17;
	s3 =	sshra.s32 s3, $0x1F;
	v8 =	vsel vm3, s18, v58  }
0x11e: {  	s10 =	sshrl.u32 s26, $0x1F;
	v60 =	vmov s12;
	s12 =	smulhi.u32 $0x14F8B589, s0;
	s18 =	sshra.s32 s2, $0xD;
	v8 =	vsel vm15, s3, v8  }
0x11f: {  	vm9 =	vcmask $0x1714;
	s0 =	sshra.s32 s0, $0x1F;
	s16 =	sshrl.u32 s2, $0x1F;
	s2 =	sshra.s32 s2, $0x1F;
	v8 =	vsel vm0, s18, v8  }
0x120: {  	v62 =	vmov s11;
	s17 =	sshra.s32 s19, $0x1F;
	v10 =	vnsel vm3, $0x0, v60;
	s0 =	smul.u32 $0x14F8B589, s0;
	s14 =	sshrl.u32 s31, $0x1F;
	v8 =	vsel vm10, s2, v8  }
0x121: {  	s19 =	sshrl.u32 s8, $0x1F;
	s7 =	smul.u32 $0x14F8B589, s17;
	s17 =	sshra.s32 s8, $0x1F;
	v61 =	vmov s14;
	v10 =	vsel vm0, s16, v10;
	v8 =	vsel vm1, s13, v8  }
0x122: {  	s0 =	sadd.s32 s0, s12;
	s12 =	sshra.s32 s31, $0xD;
	v11 =	vsel vm0, s15, v61;
	v10 =	vsel vm1, s19, v10;
	s19 =	sshra.s32 s1, $0xD;
	v8 =	vsel vm9, s17, v8  }
0x123: {  	s15 =	sshra.s32 s30, $0xD;
	v63 =	vmov s12;
	s16 =	sshrl.u32 s1, $0x1F;
	v11 =	vsel vm1, s4, v11;
	s1 =	sshra.s32 s1, $0x1F;
	v8 =	vsel vm2, s19, v8  }
0x124: {  	s14 =	sshra.s32 s23, $0xD;
	v12 =	vsel vm0, s15, v63;
	v11 =	vsel vm2, s10, v11;
	s10 =	sshra.s32 s9, $0xD;
	v8 =	vsel vm12, s1, v8  }
0x125: {  	v10 =	vsel vm2, s16, v10;
	v9 =	vcombine.low v11, v9;
	s18 =	sshrl.u32 s9, $0x1F;
	s2 =	sadd.s32 s7, s5;
	s13 =	sshra.s32 s9, $0x1F;
	v8 =	vsel vm4, s10, v8  }
0x126: {  	v11 =	vsel vm0, s14, v62;
	v10 =	vsel vm4, s18, v10;
	s18 =	sshra.s32 s28, $0xD;
	s7 =	sshrl.u32 s2, $0x1F;
	s16 =	sshra.s32 s2, $0xD;
	v8 =	vsel vm13, s13, v8  }
0x127: {  	s8 =	sshrl.u32 s0, $0x1F;
	v12 =	vsel vm1, s18, v12;
	v10 =	vsel vm5, s7, v10;
	s17 =	sshra.s32 s24, $0xD;
	s19 =	sshra.s32 s2, $0x1F;
	v8 =	vsel vm5, s16, v8  }
0x128: {  	s23 =	sshra.s32 s22, $0xD;
	s25 =	sshra.s32 s0, $0xD;
	s24 =	sshra.s32 s26, $0xD;
	v10 =	vsel vm6, s8, v10;
	v11 =	vsel vm1, s17, v11;
	v8 =	vsel vm14, s19, v8  }
0x129: {  	s0 =	sshra.s32 s0, $0x1F;
	s26 =	sshrl.u32 s29, $0x1F;
	v12 =	vsel vm2, s24, v12;
	v11 =	vsel vm2, s23, v11;
	v8 =	vsel vm6, s25, v8  }
0x12a: {  	s30 =	sshra.s32 s29, $0xD;
	v10 =	vsel vm7, s26, v10;
	v11 =	vcombine.low v12, v11;
	v8 =	vsel vm11, s0, v8  }
0x12b: {  	v9 =	vperm.xlane v9, v3;
	v10 =	vperm.xlane v10, v4;
	v8 =	vsel vm7, s30, v8  }
0x12c: {  	v11 =	vperm.xlane v11, v3;
	v8 =	vperm.xlane v8, v4;
	_ =	sdelay $0x1  }
0x12d: {  	s31 =	rddreg [dreg:$0xc];
	v9 =	vsel vm8, v10, v9;
	v8 =	vsel vm8, v8, v11  }
0x12e: {  	s0 =	sadd.s32 $0x4, s31;
	v8 =	vadd.s32 v9, v8  }
0x12f: {  	p0 =	slt.u32 s0, $0x60;
	v8 =	vmul.u32 $0x186A0, v8  }
.Ltmp0:
0x130: {  	_ = 	snop;
	(pc) =	sbr.rel @p0 .LBB2_2-.Ltmp0, $4  }
0x131: {  	v7 =	vsub.s32 v7, v8  }
0x132: {  	vm9 =	vlt.s32 v7, $0x0;
	v8 =	vadd.s32 $0x186A0, v7  }
0x133: {  	s28 =	rddreg [dreg:$0xd];
	v7 =	vsel vm9, v8, v7  }
0x134: {  	s21 =	sadd.s32 $0x40, s21;
	s1 =	sadd.s32 $0x40, s28;
	s19 =	sadd.s32 $0x40, s20;
	[tilespmem:s20+$0x10] =	vst v7  }
0x135: {  	s4 =	rddreg [dreg:$0x2];
	s0 =	simm.s32 $0x20;
	s1 =	simm.s32 $0xD00  }
0x136: {  	s2 =	simm.s32 $0x1380;
	s18 =	simm.s32 $0x0;
	s5 =	simm.s32 $0x1  }
0x137: {  	[tilespmem:s2], [sflag:$0x1] =	stream.indirect.gather [hbm4b:s4+s0], $0x400, s1, s0, $0xb8;
	[tilespmem:$0x12080] =	vst v63  }
.LBB2_4:
0x138: {  	s0 =	smov.u32 s18  }
0x139: {  	s18 =	sadd.s32 $0x1, s18;
	p0 =	seq.s32 s0, $0x31  }
0x13a: {  	s1 =	sshll.u32 @!p0 s0, $0xF;
	s2 =	sshll.u32 @!p0 s18, $0x5  }
0x13b: {  	s20 =	sand.u32 @!p0 $0x8000, s1;
	s1 =	sand.u32 @!p0 $0x3FFFFFE0, s2  }
0x13c: {  	s3 =	simm.s32 @!p0 $0x20;
	s2 =	sxor.u32 @!p0 $0x9380, s20;
	s1 =	sadd.s32 @!p0 $0xD00, s1  }
0x13d: {  	[tilespmem:s2], [sflag:$0x1] =	stream.indirect.gather @!p0 [hbm4b:s4+s3], $0x400, s1, s3, $0xb8;
	[tilespmem:$0x12080] =	vst v63  }
0x13e: {  	_ =	swait.ge [sflag:s5], $0x8000  }
0x13f: {  	[sflag:s5] =	ssyncset.done $0x0  }
0x140: {  	s19 =	sshll.u32 s0, $0x5;
	v0 =	vld [tilespmem:$0x1FFA0];
	[sflag:s5] =	ssyncadd.s32 $0xFFFF8000  }
0x141: {  	v7 =	vld [tilespmem:s19+$0x680];
	_ =	sdelay $0x4  }
0x142: {  	v7 =	vadd.s32 v0, v7;
	_ =	sdelay $0x3  }
0x143: {  	s20 =	simm.s32 @p0 $0x8000  }
0x144: {  	v7 =	vld.idx.msk [tilespmem:v7+s20+$0x1380], $0xffff;
	_ =	sdelay $0x4  }
0x145: {  	v7 =	vmul.f32 $6.666667010e-02, v7;
	_ =	sdelay $0x1  }
0x146: {  	v7 =	vmul.f32 $1.442695020e+00, v7;
	_ =	sdelay $0x1  }
0x147: {  	(erf) = vpow2.f32 v7;
	_ =	sdelay $0x8  }
0x148: {  	v7 =	vpop (erf)  }
0x149: {  	v7 =	vadd.f32 $1.000000000e+00, v7;
	_ =	sdelay $0x1  }
0x14a: {  	(erf) = vrcp.f32 v7;
	_ =	sdelay $0x8  }
0x14b: {  	v7 =	vpop (erf)  }
0x14c: {  	v7 =	vmul.f32 $-6.000000000e+01, v7;
	_ =	sdelay $0x1  }
0x14d: {  	v7 =	vadd.f32 $3.000000000e+01, v7;
	_ =	sdelay $0x1  }
0x14e: {  	s22 =	sadd.s32 $0x1570, s20;
	[tilespmem:s19+$0x11A00] =	vst v7  }
0x14f: {  	v7 =	vld [tilespmem:s22+$0x1F0]  }
0x150: {  	v8 =	vld [tilespmem:s22+$0x1E0]  }
0x151: {  	v9 =	vld [tilespmem:s22+$0x1D0]  }
0x152: {  	v10 =	vld [tilespmem:s22+$0x1C0]  }
0x153: {  	v11 =	vld [tilespmem:s22+$0x1B0]  }
0x154: {  	v12 =	vld [tilespmem:s22+$0x1A0]  }
0x155: {  	v13 =	vld [tilespmem:s22+$0x190]  }
0x156: {  	v14 =	vld [tilespmem:s22+$0x180]  }
0x157: {  	v15 =	vld [tilespmem:s22+$0x170]  }
0x158: {  	v16 =	vld [tilespmem:s22+$0x160]  }
0x159: {  	v17 =	vld [tilespmem:s22+$0x150]  }
0x15a: {  	v18 =	vld [tilespmem:s22+$0x140]  }
0x15b: {  	v19 =	vld [tilespmem:s22+$0x130]  }
0x15c: {  	v20 =	vld [tilespmem:s22+$0x120]  }
0x15d: {  	v21 =	vld [tilespmem:s22+$0x110]  }
0x15e: {  	v22 =	vld [tilespmem:s22+$0x100]  }
0x15f: {  	v23 =	vld [tilespmem:s22+$0xF0]  }
0x160: {  	v24 =	vld [tilespmem:s22+$0xE0]  }
0x161: {  	v25 =	vld [tilespmem:s22+$0xD0]  }
0x162: {  	v26 =	vld [tilespmem:s22+$0xC0]  }
0x163: {  	v27 =	vld [tilespmem:s22+$0xB0]  }
0x164: {  	v28 =	vld [tilespmem:s22+$0xA0]  }
0x165: {  	v29 =	vld [tilespmem:s22+$0x90]  }
0x166: {  	v30 =	vld [tilespmem:s22+$0x80]  }
0x167: {  	v31 =	vld [tilespmem:s22+$0x70]  }
0x168: {  	v32 =	vld [tilespmem:s22+$0x60]  }
0x169: {  	v33 =	vld [tilespmem:s22+$0x50]  }
0x16a: {  	v34 =	vld [tilespmem:s22+$0x40]  }
0x16b: {  	v35 =	vld [tilespmem:s22+$0x30]  }
0x16c: {  	v36 =	vld [tilespmem:s22+$0x20]  }
0x16d: {  	v37 =	vld [tilespmem:s22+$0x10];
	v7 =	vmul.f32 $6.666667010e-02, v7;
	v8 =	vmul.f32 $6.666667010e-02, v8  }
0x16e: {  	v38 =	vld [tilespmem:s22+$0x0];
	v9 =	vmul.f32 $6.666667010e-02, v9;
	v10 =	vmul.f32 $6.666667010e-02, v10  }
0x16f: {  	v39 =	vld [tilespmem:s22+$0xFFFFFFF0];
	v12 =	vmul.f32 $6.666667010e-02, v12;
	v11 =	vmul.f32 $6.666667010e-02, v11  }
0x170: {  	v40 =	vld [tilespmem:s22+$0xFFFFFFE0];
	v13 =	vmul.f32 $6.666667010e-02, v13;
	v14 =	vmul.f32 $6.666667010e-02, v14  }
0x171: {  	v41 =	vld [tilespmem:s22+$0xFFFFFFD0];
	v15 =	vmul.f32 $6.666667010e-02, v15;
	v17 =	vmul.f32 $6.666667010e-02, v17  }
0x172: {  	v42 =	vld [tilespmem:s22+$0xFFFFFFC0];
	v16 =	vmul.f32 $6.666667010e-02, v16;
	v19 =	vmul.f32 $6.666667010e-02, v19  }
0x173: {  	v43 =	vld [tilespmem:s22+$0xFFFFFFB0];
	v18 =	vmul.f32 $6.666667010e-02, v18;
	v21 =	vmul.f32 $6.666667010e-02, v21  }
0x174: {  	v44 =	vld [tilespmem:s22+$0xFFFFFFA0];
	v20 =	vmul.f32 $6.666667010e-02, v20;
	v23 =	vmul.f32 $6.666667010e-02, v23  }
0x175: {  	v45 =	vld [tilespmem:s22+$0xFFFFFF90];
	v22 =	vmul.f32 $6.666667010e-02, v22;
	v25 =	vmul.f32 $6.666667010e-02, v25  }
0x176: {  	v46 =	vld [tilespmem:s22+$0xFFFFFF80];
	v24 =	vmul.f32 $6.666667010e-02, v24;
	v27 =	vmul.f32 $6.666667010e-02, v27  }
0x177: {  	v47 =	vld [tilespmem:s22+$0xFFFFFF70];
	v26 =	vmul.f32 $6.666667010e-02, v26;
	v29 =	vmul.f32 $6.666667010e-02, v29  }
0x178: {  	v48 =	vld [tilespmem:s22+$0xFFFFFF60];
	v28 =	vmul.f32 $6.666667010e-02, v28;
	v31 =	vmul.f32 $6.666667010e-02, v31  }
0x179: {  	v49 =	vld [tilespmem:s22+$0xFFFFFF50];
	v30 =	vmul.f32 $6.666667010e-02, v30;
	v33 =	vmul.f32 $6.666667010e-02, v33  }
0x17a: {  	v50 =	vld [tilespmem:s22+$0xFFFFFF40];
	v32 =	vmul.f32 $6.666667010e-02, v32;
	v35 =	vmul.f32 $6.666667010e-02, v35  }
0x17b: {  	v51 =	vld [tilespmem:s22+$0xFFFFFF30];
	v34 =	vmul.f32 $6.666667010e-02, v34;
	v37 =	vmul.f32 $6.666667010e-02, v37  }
0x17c: {  	v52 =	vld [tilespmem:s22+$0xFFFFFF20];
	v36 =	vmul.f32 $6.666667010e-02, v36;
	v39 =	vmul.f32 $6.666667010e-02, v39  }
0x17d: {  	v53 =	vld [tilespmem:s22+$0xFFFFFF10];
	v38 =	vmul.f32 $6.666667010e-02, v38;
	v41 =	vmul.f32 $6.666667010e-02, v41  }
0x17e: {  	v54 =	vld [tilespmem:s22+$0xFFFFFEF0];
	v40 =	vmul.f32 $6.666667010e-02, v40;
	v43 =	vmul.f32 $6.666667010e-02, v43  }
0x17f: {  	v55 =	vld [tilespmem:s22+$0xFFFFFF00];
	v42 =	vmul.f32 $6.666667010e-02, v42;
	v3 =	vmul.f32 $6.666667010e-02, v45  }
0x180: {  	v56 =	vld [tilespmem:s22+$0xFFFFFED0];
	v44 =	vmul.f32 $6.666667010e-02, v44;
	v60 =	vmul.f32 $6.666667010e-02, v47  }
0x181: {  	v57 =	vld [tilespmem:s22+$0xFFFFFEE0];
	v46 =	vmul.f32 $6.666667010e-02, v46;
	v61 =	vmul.f32 $6.666667010e-02, v49  }
0x182: {  	v48 =	vmul.f32 $6.666667010e-02, v48;
	v63 =	vmul.f32 $6.666667010e-02, v51  }
0x183: {  	v51 =	vmul.f32 $6.666667010e-02, v50;
	v62 =	vmul.f32 $6.666667010e-02, v53  }
0x184: {  	v58 =	vld [tilespmem:s22+$0xFFFFFEC0];
	v53 =	vmul.f32 $6.666667010e-02, v52;
	v45 =	vmul.f32 $6.666667010e-02, v54  }
0x185: {  	v59 =	vmul.f32 $6.666667010e-02, v55;
	v49 =	vmul.f32 $6.666667010e-02, v56  }
0x186: {  	v6 =	vmul.f32 $6.666667010e-02, v57;
	v7 =	vmul.f32 $1.442695020e+00, v7  }
0x187: {  	v8 =	vmul.f32 $1.442695020e+00, v8;
	v9 =	vmul.f32 $1.442695020e+00, v9  }
0x188: {  	v10 =	vmul.f32 $1.442695020e+00, v10;
	v11 =	vmul.f32 $1.442695020e+00, v11  }
0x189: {  	[tilespmem:$0x1FF70] =	vst v45;
	v12 =	vmul.f32 $1.442695020e+00, v12;
	v45 =	vmul.f32 $6.666667010e-02, v58  }
0x18a: {  	v47 =	vld [tilespmem:s22+$0xFFFFFEB0];
	[tilespmem:$0x1FF80] =	vst v49;
	v49 =	vmul.f32 $1.442695020e+00, v40;
	v41 =	vmul.f32 $1.442695020e+00, v41  }
0x18b: {  	v50 =	vld [tilespmem:s22+$0xFFFFFE90];
	v1 =	vmul.f32 $1.442695020e+00, v43;
	v2 =	vmul.f32 $1.442695020e+00, v44  }
0x18c: {  	v3 =	vmul.f32 $1.442695020e+00, v3;
	v57 =	vmul.f32 $1.442695020e+00, v46  }
0x18d: {  	v61 =	vmul.f32 $1.442695020e+00, v61;
	v56 =	vmul.f32 $1.442695020e+00, v63  }
0x18e: {  	[tilespmem:$0x1FF50] =	vst v62;
	v62 =	vld [tilespmem:s22+$0xFFFFFEA0];
	v55 =	vmul.f32 $1.442695020e+00, v53;
	(erf) = vpow2.f32 v7  }
0x18f: {  	v44 =	vmul.f32 $1.442695020e+00, v6;
	(erf) = vpow2.f32 v8  }
0x190: {  	v7 =	vld [tilespmem:s22+$0xFFFFFE80];
	v0 =	vmul.f32 $6.666667010e-02, v47;
	v50 =	vmul.f32 $6.666667010e-02, v50  }
0x191: {  	v8 =	vld [tilespmem:s22+$0xFFFFFE70];
	v47 =	vmul.f32 $1.442695020e+00, v42;
	(erf) = vpow2.f32 v9  }
0x192: {  	[tilespmem:$0x1FF60] =	vst v59;
	v59 =	vld [tilespmem:s22+$0xFFFFFE50];
	(erf) = vpow2.f32 v10;
	v10 =	vmul.f32 $1.442695020e+00, v13  }
0x193: {  	v58 =	vld [tilespmem:s22+$0xFFFFFE10];
	v4 =	vmul.f32 $6.666667010e-02, v62;
	(erf) = vpow2.f32 v11  }
0x194: {  	v9 =	vld [tilespmem:s22+$0xFFFFFE60];
	v42 =	vmul.f32 $1.442695020e+00, v0;
	(erf) = vpow2.f32 v12  }
0x195: {  	v11 =	vld [tilespmem:s22+$0xFFFFFE40];
	v12 =	vmul.f32 $1.442695020e+00, v14;
	v7 =	vmul.f32 $6.666667010e-02, v7  }
0x196: {  	v14 =	vld [tilespmem:s22+$0xFFFFFE20];
	(erf) = vpow2.f32 v10;
	v52 =	vmul.f32 $6.666667010e-02, v8  }
0x197: {  	v13 =	vld [tilespmem:s22+$0xFFFFFE30];
	v10 =	vmul.f32 $6.666667010e-02, v59;
	v59 =	vmul.f32 $1.442695020e+00, v60  }
0x198: {  	v60 =	vmul.f32 $1.442695020e+00, v48;
	(erf) = vpow2.f32 v12  }
0x199: {  	v62 =	vmul.f32 $6.666667010e-02, v9;
	v9 =	vmul.f32 $6.666667010e-02, v58  }
0x19a: {  	v58 =	vmul.f32 $1.442695020e+00, v51;
	v5 =	vmul.f32 $6.666667010e-02, v11  }
0x19b: {  	v8 =	vmul.f32 $6.666667010e-02, v14;
	v14 =	vmul.f32 $1.442695020e+00, v16  }
0x19c: {  	v11 =	vmul.f32 $6.666667010e-02, v13;
	v13 =	vmul.f32 $1.442695020e+00, v15  }
0x19d: {  	v15 =	vmul.f32 $1.442695020e+00, v17;
	v16 =	vmul.f32 $1.442695020e+00, v18  }
0x19e: {  	v17 =	vmul.f32 $1.442695020e+00, v19;
	(erf) = vpow2.f32 v13  }
0x19f: {  	v18 =	vmul.f32 $1.442695020e+00, v20;
	(erf) = vpow2.f32 v14;
	v14 =	vpop (erf)  }
0x1a0: {  	v19 =	vmul.f32 $1.442695020e+00, v21;
	(erf) = vpow2.f32 v15;
	v13 =	vpop (erf)  }
0x1a1: {  	v20 =	vmul.f32 $1.442695020e+00, v22;
	(erf) = vpow2.f32 v16;
	v16 =	vpop (erf)  }
0x1a2: {  	v21 =	vmul.f32 $1.442695020e+00, v23;
	(erf) = vpow2.f32 v17;
	v15 =	vpop (erf)  }
0x1a3: {  	v22 =	vmul.f32 $1.442695020e+00, v24;
	(erf) = vpow2.f32 v18;
	v18 =	vpop (erf)  }
0x1a4: {  	v23 =	vmul.f32 $1.442695020e+00, v25;
	(erf) = vpow2.f32 v19;
	v17 =	vpop (erf)  }
0x1a5: {  	v24 =	vmul.f32 $1.442695020e+00, v26;
	(erf) = vpow2.f32 v20;
	v20 =	vpop (erf)  }
0x1a6: {  	v25 =	vmul.f32 $1.442695020e+00, v27;
	(erf) = vpow2.f32 v21;
	v19 =	vpop (erf)  }
0x1a7: {  	v26 =	vmul.f32 $1.442695020e+00, v28;
	(erf) = vpow2.f32 v22;
	v22 =	vpop (erf)  }
0x1a8: {  	v27 =	vmul.f32 $1.442695020e+00, v29;
	(erf) = vpow2.f32 v23;
	v21 =	vpop (erf)  }
0x1a9: {  	v12 =	vld [tilespmem:$0x1FF50];
	v28 =	vmul.f32 $1.442695020e+00, v30;
	(erf) = vpow2.f32 v24;
	v24 =	vpop (erf)  }
0x1aa: {  	v29 =	vmul.f32 $1.442695020e+00, v31;
	(erf) = vpow2.f32 v25;
	v23 =	vpop (erf)  }
0x1ab: {  	v30 =	vmul.f32 $1.442695020e+00, v32;
	(erf) = vpow2.f32 v26;
	v26 =	vpop (erf)  }
0x1ac: {  	v31 =	vmul.f32 $1.442695020e+00, v33;
	(erf) = vpow2.f32 v27;
	v25 =	vpop (erf)  }
0x1ad: {  	v32 =	vmul.f32 $1.442695020e+00, v34;
	(erf) = vpow2.f32 v28;
	v28 =	vpop (erf)  }
0x1ae: {  	v54 =	vmul.f32 $1.442695020e+00, v12;
	v12 =	vld [tilespmem:$0x1FF60];
	(erf) = vpow2.f32 v29;
	v27 =	vpop (erf)  }
0x1af: {  	v33 =	vmul.f32 $1.442695020e+00, v35;
	(erf) = vpow2.f32 v30;
	v30 =	vpop (erf)  }
0x1b0: {  	v35 =	vmul.f32 $1.442695020e+00, v37;
	(erf) = vpow2.f32 v31;
	v29 =	vpop (erf)  }
0x1b1: {  	v34 =	vmul.f32 $1.442695020e+00, v36;
	(erf) = vpow2.f32 v32;
	v32 =	vpop (erf)  }
0x1b2: {  	v36 =	vmul.f32 $1.442695020e+00, v38;
	(erf) = vpow2.f32 v33;
	v31 =	vpop (erf)  }
0x1b3: {  	v53 =	vmul.f32 $1.442695020e+00, v12;
	v12 =	vld [tilespmem:$0x1FF70];
	(erf) = vpow2.f32 v34;
	v37 =	vpop (erf)  }
0x1b4: {  	v6 =	vld [tilespmem:$0x1FF80];
	v38 =	vmul.f32 $1.442695020e+00, v39;
	(erf) = vpow2.f32 v35;
	v33 =	vpop (erf)  }
0x1b5: {  	v43 =	vmul.f32 $1.442695020e+00, v7;
	(erf) = vpow2.f32 v36;
	v40 =	vpop (erf)  }
0x1b6: {  	v39 =	vmul.f32 $1.442695020e+00, v45;
	(erf) = vpow2.f32 v38;
	v35 =	vpop (erf)  }
0x1b7: {  	v45 =	vmul.f32 $1.442695020e+00, v50;
	(erf) = vpow2.f32 v49;
	v48 =	vpop (erf)  }
0x1b8: {  	v51 =	vmul.f32 $1.442695020e+00, v12;
	(erf) = vpow2.f32 v41;
	v38 =	vpop (erf)  }
0x1b9: {  	v34 =	vmul.f32 $1.442695020e+00, v6;
	(erf) = vpow2.f32 v47;
	v50 =	vpop (erf)  }
0x1ba: {  	v36 =	vmul.f32 $1.442695020e+00, v4;
	(erf) = vpow2.f32 v1;
	v46 =	vpop (erf)  }
0x1bb: {  	v63 =	vimm.f32 $0.0e+00;
	v47 =	vmul.f32 $1.442695020e+00, v52;
	(erf) = vpow2.f32 v2;
	v41 =	vpop (erf)  }
0x1bc: {  	s23 =	simm.s32 $0x1;
	s21 =	simm.s32 $0x0;
	s20 =	sadd.s32 $0x1380, s20;
	[tilespmem:$0x1FF90] =	vst v63;
	v52 =	vmul.f32 $1.442695020e+00, v62;
	(erf) = vpow2.f32 v3;
	v49 =	vpop (erf)  }
.LBB2_5:
0x1bd: {  	(erf) = vpow2.f32 v57;
	v2 =	vpop (erf)  }
0x1be: {  	v1 =	vmul.f32 $1.442695020e+00, v10;
	(erf) = vpow2.f32 v59;
	v4 =	vpop (erf)  }
0x1bf: {  	v3 =	vmul.f32 $1.442695020e+00, v5;
	(erf) = vpow2.f32 v60;
	v6 =	vpop (erf)  }
0x1c0: {  	v5 =	vmul.f32 $1.442695020e+00, v11;
	(erf) = vpow2.f32 v61;
	v59 =	vpop (erf)  }
0x1c1: {  	v57 =	vmul.f32 $1.442695020e+00, v8;
	(erf) = vpow2.f32 v58;
	v58 =	vpop (erf)  }
0x1c2: {  	v0 =	vmul.f32 $1.442695020e+00, v9;
	(erf) = vpow2.f32 v56;
	v56 =	vpop (erf)  }
0x1c3: {  	v8 =	vadd.f32 $1.000000000e+00, v14;
	v10 =	vadd.f32 $1.000000000e+00, v16;
	(erf) = vpow2.f32 v55;
	v55 =	vpop (erf)  }
0x1c4: {  	v9 =	vadd.f32 $1.000000000e+00, v13;
	v12 =	vadd.f32 $1.000000000e+00, v18;
	(erf) = vpow2.f32 v54;
	v54 =	vpop (erf)  }
0x1c5: {  	v11 =	vadd.f32 $1.000000000e+00, v15;
	v14 =	vadd.f32 $1.000000000e+00, v20;
	(erf) = vpow2.f32 v0;
	v60 =	vpop (erf)  }
0x1c6: {  	v13 =	vadd.f32 $1.000000000e+00, v17;
	v16 =	vadd.f32 $1.000000000e+00, v22;
	(erf) = vpow2.f32 v53;
	v53 =	vpop (erf)  }
0x1c7: {  	v15 =	vadd.f32 $1.000000000e+00, v19;
	v18 =	vadd.f32 $1.000000000e+00, v24;
	(erf) = vpow2.f32 v57;
	v57 =	vpop (erf)  }
0x1c8: {  	v17 =	vadd.f32 $1.000000000e+00, v21;
	v20 =	vadd.f32 $1.000000000e+00, v26;
	(erf) = vpow2.f32 v51;
	v61 =	vpop (erf)  }
0x1c9: {  	v19 =	vadd.f32 $1.000000000e+00, v23;
	v22 =	vadd.f32 $1.000000000e+00, v28;
	(erf) = vpow2.f32 v5;
	v5 =	vpop (erf)  }
0x1ca: {  	v21 =	vadd.f32 $1.000000000e+00, v25;
	v24 =	vadd.f32 $1.000000000e+00, v30;
	(erf) = vpow2.f32 v3;
	v3 =	vpop (erf)  }
0x1cb: {  	v23 =	vadd.f32 $1.000000000e+00, v27;
	v26 =	vadd.f32 $1.000000000e+00, v32;
	(erf) = vpow2.f32 v44;
	v62 =	vpop (erf)  }
0x1cc: {  	v25 =	vadd.f32 $1.000000000e+00, v29;
	v28 =	vadd.f32 $1.000000000e+00, v37;
	(erf) = vpow2.f32 v1;
	v1 =	vpop (erf)  }
0x1cd: {  	v27 =	vadd.f32 $1.000000000e+00, v31;
	v30 =	vadd.f32 $1.000000000e+00, v40;
	(erf) = vpow2.f32 v34;
	v63 =	vpop (erf)  }
0x1ce: {  	v29 =	vadd.f32 $1.000000000e+00, v33;
	v32 =	vadd.f32 $1.000000000e+00, v48;
	v44 =	vpop (erf);
	(erf) = vpow2.f32 v52  }
0x1cf: {  	v31 =	vadd.f32 $1.000000000e+00, v35;
	v48 =	vadd.f32 $1.000000000e+00, v44;
	(erf) = vpow2.f32 v36;
	v52 =	vpop (erf)  }
0x1d0: {  	v33 =	vadd.f32 $1.000000000e+00, v38;
	v34 =	vadd.f32 $1.000000000e+00, v50;
	v50 =	vpop (erf);
	(erf) = vpow2.f32 v47  }
0x1d1: {  	v38 =	vadd.f32 $1.000000000e+00, v2;
	v51 =	vadd.f32 $1.000000000e+00, v50;
	(erf) = vrcp.f32 v48;
	v2 =	vpop (erf)  }
0x1d2: {  	v35 =	vadd.f32 $1.000000000e+00, v46;
	v40 =	vadd.f32 $1.000000000e+00, v4;
	v4 =	vpop (erf);
	(erf) = vpow2.f32 v43  }
0x1d3: {  	v36 =	vadd.f32 $1.000000000e+00, v41;
	v41 =	vadd.f32 $1.000000000e+00, v6;
	(erf) = vrcp.f32 v51;
	v6 =	vpop (erf)  }
0x1d4: {  	v44 =	vadd.f32 $1.000000000e+00, v58;
	v0 =	vadd.f32 $1.000000000e+00, v4;
	(erf) = vpow2.f32 v45;
	v58 =	vpop (erf)  }
0x1d5: {  	v37 =	vadd.f32 $1.000000000e+00, v49;
	v7 =	vadd.f32 $1.000000000e+00, v6;
	v4 =	vpop (erf)  }
0x1d6: {  	v46 =	vadd.f32 $1.000000000e+00, v55;
	v49 =	vadd.f32 $1.000000000e+00, v53;
	(erf) = vrcp.f32 v0;
	v6 =	vpop (erf)  }
0x1d7: {  	v43 =	vadd.f32 $1.000000000e+00, v59;
	v59 =	vadd.f32 $1.000000000e+00, v4;
	(erf) = vrcp.f32 v7;
	v55 =	vpop (erf)  }
0x1d8: {  	v53 =	vadd.f32 $1.000000000e+00, v62;
	v47 =	vadd.f32 $1.000000000e+00, v54;
	(erf) = vpow2.f32 v42;
	v4 =	vpop (erf)  }
0x1d9: {  	v51 =	vadd.f32 $1.000000000e+00, v5;
	v45 =	vadd.f32 $1.000000000e+00, v56;
	(erf) = vrcp.f32 v59;
	v5 =	vpop (erf)  }
0x1da: {  	v56 =	vadd.f32 $1.000000000e+00, v55;
	(erf) = vpow2.f32 v39;
	v39 =	vadd.f32 $1.000000000e+00, v3;
	v3 =	vpop (erf)  }
0x1db: {  	v48 =	vadd.f32 $1.000000000e+00, v60;
	v5 =	vadd.f32 $1.000000000e+00, v5;
	v59 =	vpop (erf)  }
0x1dc: {  	v50 =	vadd.f32 $1.000000000e+00, v61;
	(erf) = vrcp.f32 v56;
	v3 =	vmul.f32 $6.000000000e+01, v3;
	v60 =	vpop (erf)  }
0x1dd: {  	v42 =	vadd.f32 $1.000000000e+00, v57;
	v54 =	vadd.f32 $1.000000000e+00, v59;
	(erf) = vrcp.f32 v5;
	v61 =	vpop (erf)  }
0x1de: {  	v3 =	vsub.f32 $3.000000000e+01, v3;
	v62 =	vadd.f32 $1.000000000e+00, v61  }
0x1df: {  	v55 =	vadd.f32 $1.000000000e+00, v63;
	v5 =	vmul.f32 $6.000000000e+01, v60;
	v63 =	vpop (erf);
	(erf) = vrcp.f32 v54  }
0x1e0: {  	v61 =	vadd.f32 $1.000000000e+00, v4;
	v7 =	vmul.f32 $1.442695020e+00, v3;
	v54 =	vmul.f32 $6.000000000e+01, v63;
	v60 =	vpop (erf)  }
0x1e1: {  	v5 =	vsub.f32 $3.000000000e+01, v5;
	v57 =	vmul.f32 $6.000000000e+01, v60;
	(erf) = vrcp.f32 v62  }
0x1e2: {  	v1 =	vadd.f32 $1.000000000e+00, v1;
	v54 =	vsub.f32 $3.000000000e+01, v54;
	v62 =	vpop (erf);
	(erf) = vpow2.f32 v7  }
0x1e3: {  	v63 =	vmul.f32 $1.442695020e+00, v5;
	v57 =	vsub.f32 $3.000000000e+01, v57;
	v3 =	vpop (erf);
	(erf) = vrcp.f32 v61  }
0x1e4: {  	v56 =	vadd.f32 $1.000000000e+00, v62;
	v7 =	vmul.f32 $1.442695020e+00, v54;
	v3 =	vmul.f32 $6.000000000e+01, v3;
	v4 =	vpop (erf)  }
0x1e5: {  	(erf) = vpow2.f32 v63;
	v61 =	vmul.f32 $1.442695020e+00, v57;
	v5 =	vpop (erf);
	v4 =	vadd.f32 $1.000000000e+00, v4  }
0x1e6: {  	(erf) = vrcp.f32 v56;
	v60 =	vmul.f32 $6.000000000e+01, v5;
	v3 =	vsub.f32 $3.000000000e+01, v3;
	v62 =	vpop (erf)  }
0x1e7: {  	v6 =	vadd.f32 $1.000000000e+00, v6;
	(erf) = vpow2.f32 v7;
	v54 =	vmul.f32 $6.000000000e+01, v62  }
0x1e8: {  	(erf) = vrcp.f32 v4;
	v5 =	vpop (erf);
	v7 =	vmul.f32 $1.442695020e+00, v3;
	v4 =	vsub.f32 $3.000000000e+01, v60  }
0x1e9: {  	v63 =	vadd.f32 $1.000000000e+00, v58;
	(erf) = vpow2.f32 v61;
	v5 =	vmul.f32 $6.000000000e+01, v5  }
0x1ea: {  	(erf) = vrcp.f32 v6;
	v6 =	vsub.f32 $3.000000000e+01, v54;
	v0 =	vmul.f32 $1.442695020e+00, v4;
	v3 =	vpop (erf)  }
0x1eb: {  	(erf) = vpow2.f32 v7;
	v5 =	vsub.f32 $3.000000000e+01, v5;
	v3 =	vmul.f32 $6.000000000e+01, v3  }
0x1ec: {  	v2 =	vadd.f32 $1.000000000e+00, v2;
	v60 =	vpop (erf);
	(erf) = vrcp.f32 v63;
	v7 =	vmul.f32 $1.442695020e+00, v6  }
0x1ed: {  	v61 =	vadd.f32 $0.0e+00, v60;
	(erf) = vpow2.f32 v0;
	v4 =	vpop (erf);
	v57 =	vmul.f32 $1.442695020e+00, v5  }
0x1ee: {  	v52 =	vadd.f32 $1.000000000e+00, v52;
	v4 =	vmul.f32 $6.000000000e+01, v4;
	v62 =	vpop (erf);
	(erf) = vrcp.f32 v2  }
0x1ef: {  	v3 =	vsub.f32 $3.000000000e+01, v3;
	v63 =	vadd.f32 v62, v61;
	(erf) = vpow2.f32 v7;
	v6 =	vpop (erf)  }
0x1f0: {  	v4 =	vsub.f32 $3.000000000e+01, v4;
	v6 =	vmul.f32 $6.000000000e+01, v6;
	v58 =	vpop (erf);
	(erf) = vrcp.f32 v52  }
0x1f1: {  	v7 =	vmul.f32 $1.442695020e+00, v3;
	v2 =	vadd.f32 v58, v63;
	(erf) = vpow2.f32 v57;
	v5 =	vpop (erf)  }
0x1f2: {  	v6 =	vsub.f32 $3.000000000e+01, v6;
	v5 =	vmul.f32 $6.000000000e+01, v5;
	v59 =	vpop (erf);
	(erf) = vrcp.f32 v55  }
0x1f3: {  	v60 =	vmul.f32 $1.442695020e+00, v4;
	(erf) = vpow2.f32 v7;
	v3 =	vpop (erf)  }
0x1f4: {  	v2 =	vadd.f32 v59, v2;
	v3 =	vmul.f32 $6.000000000e+01, v3;
	v61 =	vpop (erf);
	(erf) = vrcp.f32 v1  }
0x1f5: {  	v5 =	vsub.f32 $3.000000000e+01, v5;
	v7 =	vmul.f32 $1.442695020e+00, v6;
	(erf) = vpow2.f32 v60;
	v4 =	vpop (erf)  }
0x1f6: {  	v62 =	vadd.f32 v61, v2;
	v4 =	vmul.f32 $6.000000000e+01, v4;
	v6 =	vpop (erf);
	(erf) = vrcp.f32 v53  }
0x1f7: {  	v3 =	vsub.f32 $3.000000000e+01, v3;
	v63 =	vmul.f32 $1.442695020e+00, v5;
	(erf) = vpow2.f32 v7;
	v52 =	vpop (erf)  }
0x1f8: {  	v1 =	vadd.f32 v6, v62;
	v2 =	vmul.f32 $6.000000000e+01, v52;
	v6 =	vpop (erf);
	(erf) = vrcp.f32 v39  }
0x1f9: {  	v4 =	vsub.f32 $3.000000000e+01, v4;
	v7 =	vmul.f32 $1.442695020e+00, v3;
	(erf) = vpow2.f32 v63;
	v5 =	vpop (erf)  }
0x1fa: {  	v1 =	vadd.f32 v6, v1;
	v5 =	vmul.f32 $6.000000000e+01, v5;
	v6 =	vpop (erf);
	(erf) = vrcp.f32 v51  }
0x1fb: {  	v2 =	vsub.f32 $3.000000000e+01, v2;
	v53 =	vmul.f32 $1.442695020e+00, v4;
	(erf) = vpow2.f32 v7;
	v3 =	vpop (erf)  }
0x1fc: {  	v1 =	vadd.f32 v6, v1;
	v3 =	vmul.f32 $6.000000000e+01, v3;
	v6 =	vpop (erf);
	(erf) = vrcp.f32 v50  }
0x1fd: {  	v5 =	vsub.f32 $3.000000000e+01, v5;
	v7 =	vmul.f32 $1.442695020e+00, v2;
	(erf) = vpow2.f32 v53;
	v4 =	vpop (erf)  }
0x1fe: {  	v1 =	vadd.f32 v6, v1;
	v4 =	vmul.f32 $6.000000000e+01, v4;
	v6 =	vpop (erf);
	(erf) = vrcp.f32 v42  }
0x1ff: {  	v3 =	vsub.f32 $3.000000000e+01, v3;
	v54 =	vmul.f32 $1.442695020e+00, v5;
	(erf) = vpow2.f32 v7;
	v55 =	vpop (erf)  }
0x200: {  	v1 =	vadd.f32 v6, v1;
	v2 =	vmul.f32 $6.000000000e+01, v55;
	v6 =	vpop (erf);
	(erf) = vrcp.f32 v49  }
0x201: {  	v4 =	vsub.f32 $3.000000000e+01, v4;
	v7 =	vmul.f32 $1.442695020e+00, v3;
	(erf) = vpow2.f32 v54;
	v5 =	vpop (erf)  }
0x202: {  	v1 =	vadd.f32 v6, v1;
	v5 =	vmul.f32 $6.000000000e+01, v5;
	v6 =	vpop (erf);
	(erf) = vrcp.f32 v48  }
0x203: {  	v2 =	vsub.f32 $3.000000000e+01, v2;
	v56 =	vmul.f32 $1.442695020e+00, v4;
	(erf) = vpow2.f32 v7;
	v3 =	vpop (erf)  }
0x204: {  	v1 =	vadd.f32 v6, v1;
	v3 =	vmul.f32 $6.000000000e+01, v3;
	v6 =	vpop (erf);
	(erf) = vrcp.f32 v47  }
0x205: {  	v5 =	vsub.f32 $3.000000000e+01, v5;
	v7 =	vmul.f32 $1.442695020e+00, v2;
	(erf) = vpow2.f32 v56;
	v4 =	vpop (erf)  }
0x206: {  	v1 =	vadd.f32 v6, v1;
	v4 =	vmul.f32 $6.000000000e+01, v4;
	v6 =	vpop (erf);
	(erf) = vrcp.f32 v46  }
0x207: {  	v3 =	vsub.f32 $3.000000000e+01, v3;
	v57 =	vmul.f32 $1.442695020e+00, v5;
	(erf) = vpow2.f32 v7;
	v58 =	vpop (erf)  }
0x208: {  	v1 =	vadd.f32 v6, v1;
	v2 =	vmul.f32 $6.000000000e+01, v58;
	v6 =	vpop (erf);
	(erf) = vrcp.f32 v45  }
0x209: {  	v4 =	vsub.f32 $3.000000000e+01, v4;
	v7 =	vmul.f32 $1.442695020e+00, v3;
	(erf) = vpow2.f32 v57;
	v5 =	vpop (erf)  }
0x20a: {  	v1 =	vadd.f32 v6, v1;
	v5 =	vmul.f32 $6.000000000e+01, v5;
	v6 =	vpop (erf);
	(erf) = vrcp.f32 v44  }
0x20b: {  	v2 =	vsub.f32 $3.000000000e+01, v2;
	v59 =	vmul.f32 $1.442695020e+00, v4;
	(erf) = vpow2.f32 v7;
	v3 =	vpop (erf)  }
0x20c: {  	v1 =	vadd.f32 v6, v1;
	v3 =	vmul.f32 $6.000000000e+01, v3;
	v6 =	vpop (erf);
	(erf) = vrcp.f32 v43  }
0x20d: {  	v5 =	vsub.f32 $3.000000000e+01, v5;
	v7 =	vmul.f32 $1.442695020e+00, v2;
	(erf) = vpow2.f32 v59;
	v4 =	vpop (erf)  }
0x20e: {  	v1 =	vadd.f32 v6, v1;
	v4 =	vmul.f32 $6.000000000e+01, v4;
	v6 =	vpop (erf);
	(erf) = vrcp.f32 v41  }
0x20f: {  	v3 =	vsub.f32 $3.000000000e+01, v3;
	v60 =	vmul.f32 $1.442695020e+00, v5;
	(erf) = vpow2.f32 v7;
	v61 =	vpop (erf)  }
0x210: {  	v1 =	vadd.f32 v6, v1;
	v2 =	vmul.f32 $6.000000000e+01, v61;
	v6 =	vpop (erf);
	(erf) = vrcp.f32 v40  }
0x211: {  	v4 =	vsub.f32 $3.000000000e+01, v4;
	v7 =	vmul.f32 $1.442695020e+00, v3;
	(erf) = vpow2.f32 v60;
	v5 =	vpop (erf)  }
0x212: {  	v1 =	vadd.f32 v6, v1;
	v5 =	vmul.f32 $6.000000000e+01, v5;
	v6 =	vpop (erf);
	(erf) = vrcp.f32 v38  }
0x213: {  	v2 =	vsub.f32 $3.000000000e+01, v2;
	v62 =	vmul.f32 $1.442695020e+00, v4;
	(erf) = vpow2.f32 v7;
	v3 =	vpop (erf)  }
0x214: {  	v1 =	vadd.f32 v6, v1;
	v3 =	vmul.f32 $6.000000000e+01, v3;
	v6 =	vpop (erf);
	(erf) = vrcp.f32 v37  }
0x215: {  	v5 =	vsub.f32 $3.000000000e+01, v5;
	v7 =	vmul.f32 $1.442695020e+00, v2;
	(erf) = vpow2.f32 v62;
	v4 =	vpop (erf)  }
0x216: {  	v1 =	vadd.f32 v6, v1;
	v4 =	vmul.f32 $6.000000000e+01, v4;
	v6 =	vpop (erf);
	(erf) = vrcp.f32 v36  }
0x217: {  	v3 =	vsub.f32 $3.000000000e+01, v3;
	v63 =	vmul.f32 $1.442695020e+00, v5;
	(erf) = vpow2.f32 v7;
	v36 =	vpop (erf)  }
0x218: {  	v1 =	vadd.f32 v6, v1;
	v2 =	vmul.f32 $6.000000000e+01, v36;
	v6 =	vpop (erf);
	(erf) = vrcp.f32 v35  }
0x219: {  	v4 =	vsub.f32 $3.000000000e+01, v4;
	v7 =	vmul.f32 $1.442695020e+00, v3;
	(erf) = vpow2.f32 v63;
	v5 =	vpop (erf)  }
0x21a: {  	v1 =	vadd.f32 v6, v1;
	v5 =	vmul.f32 $6.000000000e+01, v5;
	v6 =	vpop (erf);
	(erf) = vrcp.f32 v34  }
0x21b: {  	v2 =	vsub.f32 $3.000000000e+01, v2;
	v37 =	vmul.f32 $1.442695020e+00, v4;
	(erf) = vpow2.f32 v7;
	v3 =	vpop (erf)  }
0x21c: {  	v1 =	vadd.f32 v6, v1;
	v3 =	vmul.f32 $6.000000000e+01, v3;
	v6 =	vpop (erf);
	(erf) = vrcp.f32 v33  }
0x21d: {  	v5 =	vsub.f32 $3.000000000e+01, v5;
	v7 =	vmul.f32 $1.442695020e+00, v2;
	(erf) = vpow2.f32 v37;
	v4 =	vpop (erf)  }
0x21e: {  	v1 =	vadd.f32 v6, v1;
	v4 =	vmul.f32 $6.000000000e+01, v4;
	v6 =	vpop (erf);
	(erf) = vrcp.f32 v32  }
0x21f: {  	v3 =	vsub.f32 $3.000000000e+01, v3;
	v38 =	vmul.f32 $1.442695020e+00, v5;
	(erf) = vpow2.f32 v7;
	v39 =	vpop (erf)  }
0x220: {  	v1 =	vadd.f32 v6, v1;
	v2 =	vmul.f32 $6.000000000e+01, v39;
	v6 =	vpop (erf);
	(erf) = vrcp.f32 v31  }
0x221: {  	v4 =	vsub.f32 $3.000000000e+01, v4;
	v7 =	vmul.f32 $1.442695020e+00, v3;
	(erf) = vpow2.f32 v38;
	v5 =	vpop (erf)  }
0x222: {  	v1 =	vadd.f32 v6, v1;
	v5 =	vmul.f32 $6.000000000e+01, v5;
	v6 =	vpop (erf);
	(erf) = vrcp.f32 v30  }
0x223: {  	v2 =	vsub.f32 $3.000000000e+01, v2;
	v40 =	vmul.f32 $1.442695020e+00, v4;
	(erf) = vpow2.f32 v7;
	v3 =	vpop (erf)  }
0x224: {  	v1 =	vadd.f32 v6, v1;
	v3 =	vmul.f32 $6.000000000e+01, v3;
	v6 =	vpop (erf);
	(erf) = vrcp.f32 v29  }
0x225: {  	v5 =	vsub.f32 $3.000000000e+01, v5;
	v7 =	vmul.f32 $1.442695020e+00, v2;
	(erf) = vpow2.f32 v40;
	v4 =	vpop (erf)  }
0x226: {  	s22 =	sadd.s32 $0x400, s22;
	v1 =	vadd.f32 v6, v1;
	v4 =	vmul.f32 $6.000000000e+01, v4;
	v6 =	vpop (erf);
	(erf) = vrcp.f32 v28  }
0x227: {  	v3 =	vsub.f32 $3.000000000e+01, v3;
	v41 =	vmul.f32 $1.442695020e+00, v5;
	v28 =	vld [tilespmem:s22+$0x1F0];
	(erf) = vpow2.f32 v7;
	v42 =	vpop (erf)  }
0x228: {  	v1 =	vadd.f32 v6, v1;
	v2 =	vmul.f32 $6.000000000e+01, v42;
	v6 =	vpop (erf);
	(erf) = vrcp.f32 v27  }
0x229: {  	v4 =	vsub.f32 $3.000000000e+01, v4;
	v7 =	vmul.f32 $1.442695020e+00, v3;
	(erf) = vpow2.f32 v41;
	v5 =	vpop (erf)  }
0x22a: {  	v1 =	vadd.f32 v6, v1;
	v5 =	vmul.f32 $6.000000000e+01, v5;
	v6 =	vpop (erf);
	(erf) = vrcp.f32 v26  }
0x22b: {  	v2 =	vsub.f32 $3.000000000e+01, v2;
	v43 =	vmul.f32 $1.442695020e+00, v4;
	(erf) = vpow2.f32 v7;
	v3 =	vpop (erf)  }
0x22c: {  	v1 =	vadd.f32 v6, v1;
	v58 =	vmul.f32 $6.666667010e-02, v28;
	v3 =	vmul.f32 $6.000000000e+01, v3;
	v6 =	vpop (erf)  }
0x22d: {  	v40 =	vld [tilespmem:s22+$0xFFFFFFF0];
	v5 =	vsub.f32 $3.000000000e+01, v5;
	(erf) = vrcp.f32 v25;
	v7 =	vmul.f32 $1.442695020e+00, v2;
	v4 =	vpop (erf)  }
0x22e: {  	v1 =	vadd.f32 v6, v1;
	(erf) = vpow2.f32 v43;
	v4 =	vmul.f32 $6.000000000e+01, v4;
	v6 =	vpop (erf)  }
0x22f: {  	v43 =	vld [tilespmem:s22+$0xFFFFFFB0];
	v3 =	vsub.f32 $3.000000000e+01, v3;
	(erf) = vrcp.f32 v24;
	v44 =	vmul.f32 $1.442695020e+00, v5;
	v45 =	vpop (erf)  }
0x230: {  	(erf) = vpow2.f32 v7;
	v2 =	vmul.f32 $6.000000000e+01, v45  }
0x231: {  	v24 =	vld [tilespmem:s22+$0x1D0];
	v1 =	vadd.f32 v6, v1;
	v6 =	vpop (erf);
	(erf) = vrcp.f32 v23;
	v7 =	vmul.f32 $1.442695020e+00, v3  }
0x232: {  	v4 =	vsub.f32 $3.000000000e+01, v4;
	v45 =	vmul.f32 $6.666667010e-02, v40;
	(erf) = vpow2.f32 v44;
	v5 =	vpop (erf)  }
0x233: {  	v1 =	vadd.f32 v6, v1;
	v5 =	vmul.f32 $6.000000000e+01, v5;
	v6 =	vpop (erf);
	(erf) = vrcp.f32 v22  }
0x234: {  	v46 =	vmul.f32 $1.442695020e+00, v4;
	v40 =	vmul.f32 $6.666667010e-02, v43  }
0x235: {  	v2 =	vsub.f32 $3.000000000e+01, v2;
	v22 =	vld [tilespmem:s22+$0x1A0];
	v45 =	vmul.f32 $1.442695020e+00, v45;
	(erf) = vpow2.f32 v7;
	v3 =	vpop (erf)  }
0x236: {  	v1 =	vadd.f32 v6, v1;
	v24 =	vmul.f32 $6.666667010e-02, v24;
	v3 =	vmul.f32 $6.000000000e+01, v3;
	v6 =	vpop (erf)  }
0x237: {  	v39 =	vld [tilespmem:s22+$0xFFFFFFE0];
	v5 =	vsub.f32 $3.000000000e+01, v5;
	(erf) = vrcp.f32 v21;
	v7 =	vmul.f32 $1.442695020e+00, v2;
	v4 =	vpop (erf)  }
0x238: {  	v21 =	vld [tilespmem:s22+$0x1C0];
	(erf) = vpow2.f32 v46;
	v4 =	vmul.f32 $6.000000000e+01, v4  }
0x239: {  	v1 =	vadd.f32 v6, v1;
	v6 =	vpop (erf);
	(erf) = vrcp.f32 v20;
	v47 =	vmul.f32 $1.442695020e+00, v5  }
0x23a: {  	v3 =	vsub.f32 $3.000000000e+01, v3;
	(erf) = vpow2.f32 v7;
	v48 =	vpop (erf);
	v22 =	vmul.f32 $6.666667010e-02, v22  }
0x23b: {  	v20 =	vld [tilespmem:s22+$0x170];
	v1 =	vadd.f32 v6, v1;
	v2 =	vmul.f32 $6.000000000e+01, v48;
	v6 =	vpop (erf);
	(erf) = vrcp.f32 v19  }
0x23c: {  	v7 =	vmul.f32 $1.442695020e+00, v3;
	v48 =	vmul.f32 $6.666667010e-02, v39  }
0x23d: {  	v4 =	vsub.f32 $3.000000000e+01, v4;
	(erf) = vpow2.f32 v47;
	v5 =	vpop (erf);
	v21 =	vmul.f32 $6.666667010e-02, v21  }
0x23e: {  	v19 =	vld [tilespmem:s22+$0x180];
	v22 =	vmul.f32 $1.442695020e+00, v22;
	v5 =	vmul.f32 $6.000000000e+01, v5  }
0x23f: {  	v1 =	vadd.f32 v6, v1;
	v6 =	vpop (erf);
	(erf) = vrcp.f32 v18;
	v49 =	vmul.f32 $1.442695020e+00, v4  }
0x240: {  	v2 =	vsub.f32 $3.000000000e+01, v2;
	(erf) = vpow2.f32 v7;
	v3 =	vpop (erf);
	v46 =	vmul.f32 $6.666667010e-02, v20  }
0x241: {  	v18 =	vld [tilespmem:s22+$0x1B0];
	v21 =	vmul.f32 $1.442695020e+00, v21;
	v3 =	vmul.f32 $6.000000000e+01, v3  }
0x242: {  	v26 =	vld [tilespmem:s22+$0x130];
	v1 =	vadd.f32 v6, v1;
	v6 =	vpop (erf);
	(erf) = vrcp.f32 v17;
	v7 =	vmul.f32 $1.442695020e+00, v2  }
0x243: {  	v23 =	vld [tilespmem:s22+$0x150];
	v5 =	vsub.f32 $3.000000000e+01, v5;
	(erf) = vpow2.f32 v49;
	v4 =	vpop (erf);
	v19 =	vmul.f32 $6.666667010e-02, v19  }
0x244: {  	v17 =	vld [tilespmem:s22+$0x190];
	v1 =	vadd.f32 v6, v1;
	v4 =	vmul.f32 $6.000000000e+01, v4;
	v6 =	vpop (erf);
	(erf) = vrcp.f32 v16  }
0x245: {  	v47 =	vld [tilespmem:s22+$0xFFFFFF90];
	v50 =	vmul.f32 $1.442695020e+00, v5;
	(erf) = vpow2.f32 v7  }
0x246: {  	v3 =	vsub.f32 $3.000000000e+01, v3;
	v51 =	vpop (erf);
	v18 =	vmul.f32 $6.666667010e-02, v18;
	v19 =	vmul.f32 $1.442695020e+00, v19  }
0x247: {  	v1 =	vadd.f32 v6, v1;
	v2 =	vmul.f32 $6.000000000e+01, v51;
	v6 =	vpop (erf);
	(erf) = vrcp.f32 v15  }
0x248: {  	v7 =	vmul.f32 $1.442695020e+00, v3;
	v51 =	vmul.f32 $6.666667010e-02, v26  }
0x249: {  	v4 =	vsub.f32 $3.000000000e+01, v4;
	(erf) = vpow2.f32 v50;
	v17 =	vmul.f32 $6.666667010e-02, v17  }
0x24a: {  	v1 =	vadd.f32 v6, v1;
	v5 =	vpop (erf);
	v50 =	vmul.f32 $6.666667010e-02, v23;
	v23 =	vmul.f32 $6.666667010e-02, v47  }
0x24b: {  	v2 =	vsub.f32 $3.000000000e+01, v2;
	v5 =	vmul.f32 $6.000000000e+01, v5;
	v6 =	vpop (erf);
	(erf) = vrcp.f32 v14  }
0x24c: {  	v52 =	vmul.f32 $1.442695020e+00, v4;
	v1 =	vadd.f32 v6, v1;
	(erf) = vpow2.f32 v7;
	v3 =	vpop (erf)  }
0x24d: {  	v35 =	vld [tilespmem:s22+$0x50];
	v5 =	vsub.f32 $3.000000000e+01, v5;
	v3 =	vmul.f32 $6.000000000e+01, v3;
	v6 =	vpop (erf);
	(erf) = vrcp.f32 v13  }
0x24e: {  	v36 =	vld [tilespmem:s22+$0x40];
	v7 =	vmul.f32 $1.442695020e+00, v2;
	v1 =	vadd.f32 v6, v1;
	(erf) = vpow2.f32 v52;
	v4 =	vpop (erf)  }
0x24f: {  	v34 =	vld [tilespmem:s22+$0x90];
	v3 =	vsub.f32 $3.000000000e+01, v3;
	v4 =	vmul.f32 $6.000000000e+01, v4;
	v6 =	vpop (erf);
	(erf) = vrcp.f32 v12  }
0x250: {  	v33 =	vld [tilespmem:s22+$0xB0];
	v53 =	vmul.f32 $1.442695020e+00, v5;
	v1 =	vadd.f32 v6, v1;
	(erf) = vpow2.f32 v7;
	v54 =	vpop (erf)  }
0x251: {  	v37 =	vld [tilespmem:s22+$0x20];
	v4 =	vsub.f32 $3.000000000e+01, v4;
	v2 =	vmul.f32 $6.000000000e+01, v54;
	v6 =	vpop (erf);
	(erf) = vrcp.f32 v11  }
0x252: {  	v32 =	vld [tilespmem:s22+$0xD0];
	v7 =	vmul.f32 $1.442695020e+00, v3;
	v1 =	vadd.f32 v6, v1;
	(erf) = vpow2.f32 v53;
	v5 =	vpop (erf)  }
0x253: {  	v31 =	vld [tilespmem:s22+$0xF0];
	v2 =	vsub.f32 $3.000000000e+01, v2;
	v5 =	vmul.f32 $6.000000000e+01, v5;
	v6 =	vpop (erf);
	(erf) = vrcp.f32 v10  }
0x254: {  	v38 =	vld [tilespmem:s22+$0x10];
	v55 =	vmul.f32 $1.442695020e+00, v4;
	v1 =	vadd.f32 v6, v1;
	(erf) = vpow2.f32 v7;
	v3 =	vpop (erf)  }
0x255: {  	v30 =	vld [tilespmem:s22+$0x110];
	v5 =	vsub.f32 $3.000000000e+01, v5;
	v3 =	vmul.f32 $6.000000000e+01, v3;
	v6 =	vpop (erf);
	(erf) = vrcp.f32 v9  }
0x256: {  	v16 =	vld [tilespmem:s22+$0x160];
	v7 =	vmul.f32 $1.442695020e+00, v2;
	v1 =	vadd.f32 v6, v1;
	(erf) = vpow2.f32 v55;
	v4 =	vpop (erf)  }
0x257: {  	v29 =	vld [tilespmem:s22+$0x100];
	v3 =	vsub.f32 $3.000000000e+01, v3;
	v4 =	vmul.f32 $6.000000000e+01, v4;
	v6 =	vpop (erf);
	(erf) = vrcp.f32 v8  }
0x258: {  	v27 =	vld [tilespmem:s22+$0x1E0];
	v56 =	vmul.f32 $1.442695020e+00, v5;
	v1 =	vadd.f32 v6, v1;
	(erf) = vpow2.f32 v7;
	v57 =	vpop (erf)  }
0x259: {  	v42 =	vld [tilespmem:s22+$0xFFFFFFD0];
	v18 =	vmul.f32 $1.442695020e+00, v18;
	v4 =	vsub.f32 $3.000000000e+01, v4;
	v2 =	vmul.f32 $6.000000000e+01, v57;
	v13 =	vpop (erf)  }
0x25a: {  	v28 =	vld [tilespmem:s22+$0x30];
	v7 =	vmul.f32 $1.442695020e+00, v3;
	(erf) = vpow2.f32 v56;
	v1 =	vadd.f32 v13, v1;
	v5 =	vpop (erf)  }
0x25b: {  	v41 =	vld [tilespmem:s22+$0xFFFFFF60];
	v16 =	vmul.f32 $6.666667010e-02, v16;
	v2 =	vsub.f32 $3.000000000e+01, v2;
	v5 =	vmul.f32 $6.000000000e+01, v5;
	v14 =	vpop (erf)  }
0x25c: {  	v25 =	vld [tilespmem:s22+$0x120];
	v59 =	vmul.f32 $1.442695020e+00, v4;
	(erf) = vpow2.f32 v7;
	v1 =	vadd.f32 v14, v1;
	v3 =	vpop (erf)  }
0x25d: {  	v49 =	vld [tilespmem:s22+$0xFFFFFF50];
	v14 =	vmul.f32 $6.666667010e-02, v27;
	v5 =	vsub.f32 $3.000000000e+01, v5;
	v3 =	vmul.f32 $6.000000000e+01, v3;
	v27 =	vpop (erf)  }
0x25e: {  	v15 =	vld [tilespmem:s22+$0x140];
	v7 =	vmul.f32 $1.442695020e+00, v2;
	(erf) = vpow2.f32 v59;
	v1 =	vadd.f32 v27, v1;
	v4 =	vpop (erf)  }
0x25f: {  	v47 =	vld [tilespmem:s22+$0xFFFFFE80];
	v54 =	vmul.f32 $6.666667010e-02, v28;
	v3 =	vsub.f32 $3.000000000e+01, v3;
	v4 =	vmul.f32 $6.000000000e+01, v4;
	v60 =	vpop (erf)  }
0x260: {  	v12 =	vld [tilespmem:s22+$0xE0];
	v5 =	vmul.f32 $1.442695020e+00, v5;
	(erf) = vpow2.f32 v7;
	v1 =	vadd.f32 v60, v1;
	v61 =	vpop (erf)  }
0x261: {  	v11 =	vld [tilespmem:s22+$0xC0];
	v28 =	vmul.f32 $6.666667010e-02, v41;
	v4 =	vsub.f32 $3.000000000e+01, v4;
	v2 =	vmul.f32 $6.000000000e+01, v61;
	v62 =	vpop (erf)  }
0x262: {  	v41 =	vld [tilespmem:s22+$0xFFFFFE50];
	v3 =	vmul.f32 $1.442695020e+00, v3;
	(erf) = vpow2.f32 v5;
	v1 =	vadd.f32 v62, v1  }
0x263: {  	v17 =	vmul.f32 $1.442695020e+00, v17;
	v52 =	vmul.f32 $6.666667010e-02, v15;
	v10 =	vld [tilespmem:s22+$0xA0];
	v63 =	vpop (erf);
	v2 =	vsub.f32 $3.000000000e+01, v2  }
0x264: {  	v9 =	vld [tilespmem:s22+$0x80];
	v4 =	vmul.f32 $1.442695020e+00, v4;
	(erf) = vpow2.f32 v3;
	v1 =	vadd.f32 v63, v1  }
0x265: {  	v55 =	vmul.f32 $6.666667010e-02, v35;
	v35 =	vld [tilespmem:s22+$0xFFFFFED0];
	v0 =	vpop (erf);
	v2 =	vmul.f32 $1.442695020e+00, v2  }
0x266: {  	v16 =	vmul.f32 $1.442695020e+00, v16;
	v8 =	vld [tilespmem:s22+$0x70];
	(erf) = vpow2.f32 v4;
	v1 =	vadd.f32 v0, v1  }
0x267: {  	v47 =	vmul.f32 $6.666667010e-02, v47;
	v6 =	vld [tilespmem:s22+$0x60];
	v20 =	vpop (erf);
	(erf) = vpow2.f32 v2  }
0x268: {  	v56 =	vmul.f32 $6.666667010e-02, v30;
	v57 =	vmul.f32 $6.666667010e-02, v25;
	v30 =	vld [tilespmem:s22+$0xFFFFFF40];
	v1 =	vadd.f32 v20, v1  }
0x269: {  	v25 =	vmul.f32 $6.666667010e-02, v41;
	v13 =	vmul.f32 $6.666667010e-02, v36;
	v36 =	vld [tilespmem:s22+$0xFFFFFEB0];
	v15 =	vpop (erf)  }
0x26a: {  	v59 =	vmul.f32 $6.666667010e-02, v37;
	v37 =	vmul.f32 $6.666667010e-02, v49;
	v49 =	vld [tilespmem:s22+$0xFFFFFE60];
	v1 =	vadd.f32 v15, v1  }
0x26b: {  	v35 =	vmul.f32 $6.666667010e-02, v35;
	v27 =	vld [tilespmem:s22+$0x0];
	v7 =	vmul.f32 $6.666667010e-02, v12;
	v15 =	vpop (erf)  }
0x26c: {  	v12 =	vld [tilespmem:s22+$0xFFFFFF20];
	v60 =	vmul.f32 $6.666667010e-02, v34;
	v34 =	vmul.f32 $6.666667010e-02, v10;
	v1 =	vadd.f32 v15, v1  }
0x26d: {  	v10 =	vld [tilespmem:s22+$0xFFFFFF00];
	v63 =	vmul.f32 $6.666667010e-02, v33;
	v33 =	vmul.f32 $6.666667010e-02, v11;
	v11 =	vpop (erf)  }
0x26e: {  	[tilespmem:$0x1FEE0] =	vst v58;
	v58 =	vmul.f32 $6.666667010e-02, v8;
	v6 =	vmul.f32 $6.666667010e-02, v6;
	v5 =	vld [tilespmem:s22+$0xFFFFFFC0];
	v1 =	vadd.f32 v11, v1  }
0x26f: {  	v30 =	vmul.f32 $6.666667010e-02, v30;
	v61 =	vmul.f32 $6.666667010e-02, v31;
	v31 =	vld [tilespmem:s22+$0xFFFFFF10];
	v8 =	vpop (erf)  }
0x270: {  	v14 =	vmul.f32 $1.442695020e+00, v14;
	v62 =	vmul.f32 $6.666667010e-02, v29;
	v29 =	vld [tilespmem:s22+$0xFFFFFF30];
	v1 =	vadd.f32 v8, v1;
	v8 =	vpop (erf)  }
0x271: {  	v0 =	vmul.f32 $6.666667010e-02, v32;
	v32 =	vmul.f32 $6.666667010e-02, v9;
	v9 =	vld [tilespmem:s22+$0xFFFFFEF0];
	v8 =	vnsel vm8, $0x0, v8  }
0x272: {  	v36 =	vmul.f32 $6.666667010e-02, v36;
	v6 =	vmul.f32 $1.442695020e+00, v6;
	v11 =	vld [tilespmem:s22+$0xFFFFFEE0];
	v1 =	vadd.f32 v8, v1  }
0x273: {  	v7 =	vmul.f32 $1.442695020e+00, v7;
	v44 =	vmul.f32 $6.666667010e-02, v5;
	v5 =	vld [tilespmem:s22+$0xFFFFFE90]  }
0x274: {  	v49 =	vmul.f32 $6.666667010e-02, v49;
	v34 =	vmul.f32 $1.442695020e+00, v34;
	v8 =	vld [tilespmem:s22+$0xFFFFFEC0];
	(xrf2) =	vadd.scan.msk.f32 $0xffff, v1  }
0x275: {  	v3 =	vld [tilespmem:s22+$0xFFFFFFA0];
	v53 =	vmul.f32 $6.666667010e-02, v27;
	v43 =	vmul.f32 $6.666667010e-02, v31  }
0x276: {  	v4 =	vld [tilespmem:s22+$0xFFFFFF80];
	v31 =	vmul.f32 $6.666667010e-02, v10;
	v33 =	vmul.f32 $1.442695020e+00, v33  }
0x277: {  	[tilespmem:$0x1FF00] =	vst v35;
	v35 =	vmul.f32 $6.666667010e-02, v11;
	v11 =	vld [tilespmem:s22+$0xFFFFFE20];
	v1 =	vmul.f32 $6.666667010e-02, v9  }
0x278: {  	[tilespmem:$0x1FF10] =	vst v36;
	v39 =	vmul.f32 $6.666667010e-02, v29;
	v29 =	vmul.f32 $6.666667010e-02, v12;
	v9 =	vld [tilespmem:s22+$0xFFFFFE30]  }
0x279: {  	[tilespmem:$0x1FEF0] =	vst v1;
	v1 =	vmul.f32 $6.666667010e-02, v5;
	v36 =	vmul.f32 $6.666667010e-02, v8;
	v8 =	vld [tilespmem:s22+$0xFFFFFE10]  }
0x27a: {  	[tilespmem:$0x1FF30] =	vst v47;
	v47 =	vmov s21;
	v41 =	vld [tilespmem:$0x1FEE0];
	v20 =	vmul.f32 $6.666667010e-02, v42;
	v42 =	vmul.f32 $6.666667010e-02, v3  }
0x27b: {  	v2 =	vld [tilespmem:s22+$0xFFFFFF70];
	v0 =	vmul.f32 $1.442695020e+00, v0;
	v32 =	vmul.f32 $1.442695020e+00, v32;
	[tilespmem:$0x1FF20] =	vst v1;
	v1 =	vlaneseq.u32  }
0x27c: {  	v3 =	vmul.f32 $1.442695020e+00, v59;
	v26 =	vmul.f32 $6.666667010e-02, v4;
	vm9 =	veq.s32 v47, v1;
	v47 =	vld [tilespmem:$0x1FF90]  }
0x27d: {  	v15 =	vmul.f32 $6.666667010e-02, v38;
	v5 =	vmul.f32 $6.666667010e-02, v11  }
0x27e: {  	v11 =	vmul.f32 $6.666667010e-02, v9;
	v9 =	vmul.f32 $6.666667010e-02, v8;
	v10, _, _ =	vpop (xrf2)  }
0x27f: {  	v4 =	vld [tilespmem:s22+$0xFFFFFE70];
	v8 =	vmul.f32 $1.442695020e+00, v41;
	v10 =	vbroadcast v10, $0xF  }
0x280: {  	v27 =	vmul.f32 $6.666667010e-02, v2;
	v2 =	vmul.f32 $1.442695020e+00, v54  }
0x281: {  	(erf) = vpow2.f32 v8;
	v1 =	vsel vm9, v10, v47;
	v10 =	vmul.f32 $1.442695020e+00, v24  }
0x282: {  	v54 =	vmul.f32 $1.442695020e+00, v43;
	(erf) = vpow2.f32 v14  }
0x283: {  	v59 =	vmul.f32 $1.442695020e+00, v27;
	(erf) = vpow2.f32 v10  }
0x284: {  	[tilespmem:$0x1FF40] =	vst v49;
	v49 =	vmul.f32 $6.666667010e-02, v4;
	(erf) = vpow2.f32 v21  }
0x285: {  	v4 =	vmul.f32 $1.442695020e+00, v44;
	(erf) = vpow2.f32 v18  }
0x286: {  	v41 =	vmul.f32 $1.442695020e+00, v50;
	(erf) = vpow2.f32 v22  }
0x287: {  	v24 =	vmul.f32 $1.442695020e+00, v46;
	(erf) = vpow2.f32 v17  }
0x288: {  	v50 =	vmul.f32 $1.442695020e+00, v56;
	(erf) = vpow2.f32 v19  }
0x289: {  	v46 =	vmul.f32 $1.442695020e+00, v51;
	(erf) = vpow2.f32 v24  }
0x28a: {  	v47 =	vmul.f32 $1.442695020e+00, v52;
	(erf) = vpow2.f32 v16  }
0x28b: {  	v38 =	vld [tilespmem:s22+$0xFFFFFEA0];
	v51 =	vmul.f32 $1.442695020e+00, v57;
	v14 =	vpop (erf);
	(erf) = vpow2.f32 v41  }
0x28c: {  	[tilespmem:$0x1FF90] =	vst v1;
	v1 =	vmul.f32 $1.442695020e+00, v13;
	v13 =	vpop (erf);
	(erf) = vpow2.f32 v47  }
0x28d: {  	v56 =	vmul.f32 $1.442695020e+00, v62;
	v16 =	vpop (erf);
	(erf) = vpow2.f32 v46  }
0x28e: {  	v41 =	vmul.f32 $1.442695020e+00, v15;
	v15 =	vpop (erf);
	(erf) = vpow2.f32 v51  }
0x28f: {  	v52 =	vmul.f32 $1.442695020e+00, v61;
	v18 =	vpop (erf);
	(erf) = vpow2.f32 v50  }
0x290: {  	v38 =	vmul.f32 $6.666667010e-02, v38;
	v17 =	vpop (erf);
	(erf) = vpow2.f32 v56  }
0x291: {  	v50 =	vmul.f32 $1.442695020e+00, v20;
	v20 =	vpop (erf);
	(erf) = vpow2.f32 v52  }
0x292: {  	v62 =	vmul.f32 $1.442695020e+00, v58;
	v19 =	vpop (erf);
	(erf) = vpow2.f32 v7  }
0x293: {  	v8 =	vmul.f32 $1.442695020e+00, v63;
	v22 =	vpop (erf);
	(erf) = vpow2.f32 v0  }
0x294: {  	v10 =	vmul.f32 $1.442695020e+00, v60;
	v21 =	vpop (erf);
	(erf) = vpow2.f32 v33  }
0x295: {  	v58 =	vmul.f32 $1.442695020e+00, v30;
	v24 =	vpop (erf);
	(erf) = vpow2.f32 v8  }
0x296: {  	v0 =	vmul.f32 $1.442695020e+00, v23;
	v23 =	vpop (erf);
	(erf) = vpow2.f32 v34  }
0x297: {  	v57 =	vmul.f32 $1.442695020e+00, v26;
	v26 =	vpop (erf);
	(erf) = vpow2.f32 v10  }
0x298: {  	v63 =	vmul.f32 $1.442695020e+00, v55;
	v10 =	vmov v25;
	v25 =	vpop (erf);
	(erf) = vpow2.f32 v32  }
0x299: {  	v60 =	vmul.f32 $1.442695020e+00, v28;
	v28 =	vpop (erf);
	(erf) = vpow2.f32 v62  }
0x29a: {  	v55 =	vmul.f32 $1.442695020e+00, v29;
	v27 =	vpop (erf);
	(erf) = vpow2.f32 v6  }
0x29b: {  	v47 =	vmul.f32 $1.442695020e+00, v53;
	v30 =	vpop (erf);
	(erf) = vpow2.f32 v63  }
0x29c: {  	v53 =	vmul.f32 $1.442695020e+00, v31;
	v29 =	vpop (erf);
	(erf) = vpow2.f32 v1  }
0x29d: {  	v7 =	vmul.f32 $1.442695020e+00, v42;
	v42 =	vld [tilespmem:$0x1FEF0];
	v32 =	vpop (erf);
	(erf) = vpow2.f32 v2  }
0x29e: {  	v46 =	vmul.f32 $1.442695020e+00, v48;
	v48 =	vld [tilespmem:$0x1FF10];
	v31 =	vpop (erf);
	(erf) = vpow2.f32 v3  }
0x29f: {  	v61 =	vmul.f32 $1.442695020e+00, v37;
	v37 =	vpop (erf);
	(erf) = vpow2.f32 v41  }
0x2a0: {  	v12 =	vld [tilespmem:s22+$0xFFFFFE40];
	v44 =	vmul.f32 $1.442695020e+00, v35;
	v33 =	vpop (erf);
	(erf) = vpow2.f32 v47  }
0x2a1: {  	v52 =	vmul.f32 $1.442695020e+00, v40;
	v40 =	vpop (erf);
	(erf) = vpow2.f32 v45  }
0x2a2: {  	v43 =	vld [tilespmem:$0x1FF00];
	v51 =	vmul.f32 $1.442695020e+00, v42;
	v35 =	vpop (erf);
	(erf) = vpow2.f32 v46  }
0x2a3: {  	v42 =	vmul.f32 $1.442695020e+00, v48;
	v48 =	vpop (erf);
	(erf) = vpow2.f32 v50;
	v50 =	vld [tilespmem:$0x1FF20]  }
0x2a4: {  	v62 =	vld [tilespmem:$0x1FF30]  }
0x2a5: {  	v12 =	vmul.f32 $6.666667010e-02, v12  }
0x2a6: {  	p0 =	sne.s32 s23, $0xF;
	v56 =	vmul.f32 $1.442695020e+00, v39;
	v39 =	vmul.f32 $1.442695020e+00, v36;
	v63 =	vld [tilespmem:$0x1FF40]  }
.Ltmp1:
0x2a7: {  	v36 =	vmul.f32 $1.442695020e+00, v38;
	v34 =	vmul.f32 $1.442695020e+00, v43;
	v38 =	vpop (erf);
	(pc) =	sbr.rel @p0 .LBB2_5-.Ltmp1, $4  }
0x2a8: {  	(erf) = vpow2.f32 v4;
	v45 =	vmul.f32 $1.442695020e+00, v50;
	v50 =	vpop (erf)  }
0x2a9: {  	v43 =	vmul.f32 $1.442695020e+00, v62;
	(erf) = vpow2.f32 v52;
	v46 =	vpop (erf)  }
0x2aa: {  	v8 =	vmov v5;
	v47 =	vmul.f32 $1.442695020e+00, v49;
	(erf) = vpow2.f32 v7;
	v41 =	vpop (erf)  }
0x2ab: {  	s21 =	smov.u32 s23;
	s23 =	sadd.s32 $0x1, s23;
	v5 =	vmov v12;
	v52 =	vmul.f32 $1.442695020e+00, v63;
	(erf) = vpow2.f32 v0;
	v49 =	vpop (erf)  }
0x2ac: {  	(erf) = vpow2.f32 v57;
	v0 =	vpop (erf)  }
0x2ad: {  	(erf) = vpow2.f32 v59;
	v1 =	vpop (erf)  }
0x2ae: {  	(erf) = vpow2.f32 v60;
	v3 =	vpop (erf)  }
0x2af: {  	v4 =	vmul.f32 $1.442695020e+00, v5;
	(erf) = vpow2.f32 v61;
	v5 =	vpop (erf)  }
0x2b0: {  	(erf) = vpow2.f32 v58;
	v7 =	vpop (erf)  }
0x2b1: {  	(erf) = vpow2.f32 v56;
	v56 =	vpop (erf)  }
0x2b2: {  	v60 =	vmul.f32 $1.442695020e+00, v9;
	(erf) = vpow2.f32 v55;
	v55 =	vpop (erf)  }
0x2b3: {  	v6 =	vmul.f32 $1.442695020e+00, v11;
	(erf) = vpow2.f32 v54;
	v54 =	vpop (erf)  }
0x2b4: {  	v63 =	vmul.f32 $1.442695020e+00, v8;
	(erf) = vpow2.f32 v60;
	v58 =	vpop (erf)  }
0x2b5: {  	(erf) = vpow2.f32 v53;
	v53 =	vpop (erf)  }
0x2b6: {  	v2 =	vmul.f32 $1.442695020e+00, v10;
	(erf) = vpow2.f32 v63;
	v57 =	vpop (erf)  }
0x2b7: {  	v10 =	vadd.f32 $1.000000000e+00, v16;
	v11 =	vadd.f32 $1.000000000e+00, v15;
	(erf) = vpow2.f32 v51;
	v51 =	vpop (erf)  }
0x2b8: {  	v16 =	vadd.f32 $1.000000000e+00, v22;
	v15 =	vadd.f32 $1.000000000e+00, v19;
	(erf) = vpow2.f32 v6;
	v6 =	vpop (erf)  }
0x2b9: {  	v19 =	vadd.f32 $1.000000000e+00, v23;
	v22 =	vadd.f32 $1.000000000e+00, v28;
	(erf) = vpow2.f32 v4;
	v4 =	vpop (erf)  }
0x2ba: {  	v23 =	vadd.f32 $1.000000000e+00, v27;
	v28 =	vadd.f32 $1.000000000e+00, v37;
	(erf) = vpow2.f32 v44;
	v59 =	vpop (erf)  }
0x2bb: {  	v27 =	vadd.f32 $1.000000000e+00, v31;
	v37 =	vadd.f32 $1.000000000e+00, v49;
	(erf) = vpow2.f32 v2;
	v2 =	vpop (erf)  }
0x2bc: {  	v9 =	vadd.f32 $1.000000000e+00, v13;
	v13 =	vadd.f32 $1.000000000e+00, v17;
	v60 =	vpop (erf)  }
0x2bd: {  	v17 =	vadd.f32 $1.000000000e+00, v21;
	v21 =	vadd.f32 $1.000000000e+00, v25;
	(erf) = vpow2.f32 v34;
	v31 =	vpop (erf)  }
0x2be: {  	v25 =	vadd.f32 $1.000000000e+00, v29;
	v29 =	vadd.f32 $1.000000000e+00, v33;
	(erf) = vpow2.f32 v52;
	v52 =	vpop (erf)  }
0x2bf: {  	v33 =	vadd.f32 $1.000000000e+00, v38;
	v38 =	vadd.f32 $1.000000000e+00, v0;
	(erf) = vpow2.f32 v36;
	v62 =	vpop (erf)  }
0x2c0: {  	v34 =	vadd.f32 $1.000000000e+00, v50;
	v61 =	vadd.f32 $1.000000000e+00, v31;
	(erf) = vpow2.f32 v47;
	v50 =	vpop (erf)  }
0x2c1: {  	v36 =	vadd.f32 $1.000000000e+00, v41;
	v41 =	vadd.f32 $1.000000000e+00, v3;
	v49 =	vpop (erf)  }
0x2c2: {  	v63 =	vadd.f32 $1.000000000e+00, v62;
	(erf) = vrcp.f32 v61;
	v0 =	vpop (erf);
	v3 =	vadd.f32 $1.000000000e+00, v49  }
0x2c3: {  	v12 =	vadd.f32 $1.000000000e+00, v18;
	(erf) = vpow2.f32 v43;
	v0 =	vadd.f32 $1.000000000e+00, v0  }
0x2c4: {  	v18 =	vadd.f32 $1.000000000e+00, v24;
	v24 =	vadd.f32 $1.000000000e+00, v30;
	(erf) = vrcp.f32 v63;
	v61 =	vpop (erf)  }
0x2c5: {  	v30 =	vadd.f32 $1.000000000e+00, v40;
	v40 =	vadd.f32 $1.000000000e+00, v1;
	(erf) = vpow2.f32 v45;
	v1 =	vpop (erf)  }
0x2c6: {  	(erf) = vrcp.f32 v3;
	v3 =	vpop (erf)  }
0x2c7: {  	v1 =	vadd.f32 $1.000000000e+00, v1;
	(erf) = vrcp.f32 v0;
	v0 =	vpop (erf)  }
0x2c8: {  	v43 =	vadd.f32 $1.000000000e+00, v5;
	v5 =	vpop (erf)  }
0x2c9: {  	v44 =	vadd.f32 $1.000000000e+00, v7;
	(erf) = vpow2.f32 v42;
	v7 =	vpop (erf)  }
0x2ca: {  	v0 =	vadd.f32 $1.000000000e+00, v0;
	(erf) = vrcp.f32 v1;
	v7 =	vadd.f32 $1.000000000e+00, v7  }
0x2cb: {  	v1 =	vpop (erf);
	(erf) = vpow2.f32 v39  }
0x2cc: {  	v45 =	vadd.f32 $1.000000000e+00, v56;
	v56 =	vpop (erf);
	(erf) = vrcp.f32 v0;
	v0 =	vmul.f32 $6.000000000e+01, v1  }
0x2cd: {  	v8 =	vadd.f32 $1.000000000e+00, v14;
	v14 =	vadd.f32 $1.000000000e+00, v20;
	v1 =	vpop (erf)  }
0x2ce: {  	v20 =	vadd.f32 $1.000000000e+00, v26;
	(erf) = vrcp.f32 v7;
	v0 =	vsub.f32 $3.000000000e+01, v0;
	v7 =	vpop (erf)  }
0x2cf: {  	v26 =	vadd.f32 $1.000000000e+00, v32;
	v7 =	vadd.f32 $1.000000000e+00, v7  }
0x2d0: {  	v39 =	vadd.f32 $1.000000000e+00, v56;
	v1 =	vmul.f32 $6.000000000e+01, v1;
	v0 =	vmul.f32 $1.442695020e+00, v0  }
0x2d1: {  	v32 =	vadd.f32 $1.000000000e+00, v48;
	v48 =	vadd.f32 $1.000000000e+00, v58  }
0x2d2: {  	v5 =	vadd.f32 $1.000000000e+00, v5;
	(erf) = vrcp.f32 v39;
	v58 =	vpop (erf);
	v1 =	vsub.f32 $3.000000000e+01, v1  }
0x2d3: {  	v39 =	vmul.f32 $6.000000000e+01, v58;
	(erf) = vrcp.f32 v7;
	v7 =	vpop (erf)  }
0x2d4: {  	v1 =	vmul.f32 $1.442695020e+00, v1;
	(erf) = vpow2.f32 v0;
	v0 =	vpop (erf)  }
0x2d5: {  	v7 =	vmul.f32 $6.000000000e+01, v7;
	v0 =	vadd.f32 $1.000000000e+00, v0  }
0x2d6: {  	v3 =	vadd.f32 $1.000000000e+00, v3;
	v39 =	vsub.f32 $3.000000000e+01, v39;
	(erf) = vrcp.f32 v5;
	v5 =	vpop (erf)  }
0x2d7: {  	(erf) = vpow2.f32 v1;
	v5 =	vmul.f32 $6.000000000e+01, v5;
	v7 =	vsub.f32 $3.000000000e+01, v7  }
0x2d8: {  	v42 =	vadd.f32 $1.000000000e+00, v57;
	v39 =	vmul.f32 $1.442695020e+00, v39;
	v1 =	vpop (erf);
	(erf) = vrcp.f32 v0  }
0x2d9: {  	v1 =	vadd.f32 $1.000000000e+00, v1;
	v7 =	vmul.f32 $1.442695020e+00, v7;
	v5 =	vsub.f32 $3.000000000e+01, v5;
	v0 =	vpop (erf)  }
0x2da: {  	v57 =	vadd.f32 $1.000000000e+00, v59;
	(erf) = vpow2.f32 v39;
	v0 =	vmul.f32 $6.000000000e+01, v0  }
0x2db: {  	v59 =	vadd.f32 $1.000000000e+00, v60;
	(erf) = vrcp.f32 v1;
	v60 =	vpop (erf);
	v1 =	vmul.f32 $1.442695020e+00, v5  }
0x2dc: {  	(erf) = vpow2.f32 v7;
	v39 =	vmul.f32 $6.000000000e+01, v60;
	v0 =	vsub.f32 $3.000000000e+01, v0  }
0x2dd: {  	v2 =	vadd.f32 $1.000000000e+00, v2;
	(erf) = vrcp.f32 v3;
	v5 =	vpop (erf)  }
0x2de: {  	v5 =	vmul.f32 $6.000000000e+01, v5;
	v3 =	vsub.f32 $3.000000000e+01, v39;
	v0 =	vmul.f32 $1.442695020e+00, v0  }
0x2df: {  	v31 =	vadd.f32 $1.000000000e+00, v35;
	v7 =	vadd.f32 $1.000000000e+00, v61  }
0x2e0: {  	(erf) = vpow2.f32 v1;
	v1 =	vpop (erf);
	v5 =	vsub.f32 $3.000000000e+01, v5;
	v3 =	vmul.f32 $1.442695020e+00, v3  }
0x2e1: {  	v50 =	vadd.f32 $1.000000000e+00, v50;
	(erf) = vrcp.f32 v7;
	v1 =	vmul.f32 $6.000000000e+01, v1;
	v62 =	vpop (erf)  }
0x2e2: {  	v52 =	vadd.f32 $1.000000000e+00, v52;
	(erf) = vpow2.f32 v0;
	v5 =	vmul.f32 $1.442695020e+00, v5;
	v0 =	vpop (erf)  }
0x2e3: {  	v7 =	vadd.f32 $0.0e+00, v62;
	v1 =	vsub.f32 $3.000000000e+01, v1;
	(erf) = vrcp.f32 v50;
	v63 =	vpop (erf)  }
0x2e4: {  	v35 =	vadd.f32 $1.000000000e+00, v46;
	v0 =	vmul.f32 $6.000000000e+01, v0;
	(erf) = vpow2.f32 v3;
	v3 =	vpop (erf)  }
0x2e5: {  	v1 =	vmul.f32 $1.442695020e+00, v1;
	v7 =	vadd.f32 v63, v7;
	(erf) = vrcp.f32 v52;
	v50 =	vpop (erf)  }
0x2e6: {  	v0 =	vsub.f32 $3.000000000e+01, v0;
	v3 =	vmul.f32 $6.000000000e+01, v3;
	(erf) = vpow2.f32 v5;
	v5 =	vpop (erf)  }
0x2e7: {  	v7 =	vadd.f32 v50, v7;
	(erf) = vrcp.f32 v59;
	v5 =	vmul.f32 $6.000000000e+01, v5  }
0x2e8: {  	v3 =	vsub.f32 $3.000000000e+01, v3;
	v52 =	vpop (erf);
	v0 =	vmul.f32 $1.442695020e+00, v0;
	(erf) = vpow2.f32 v1  }
0x2e9: {  	v46 =	vadd.f32 $1.000000000e+00, v55;
	v7 =	vadd.f32 v52, v7;
	v1 =	vpop (erf);
	(erf) = vrcp.f32 v2  }
0x2ea: {  	v5 =	vsub.f32 $3.000000000e+01, v5;
	v1 =	vmul.f32 $6.000000000e+01, v1;
	v55 =	vpop (erf);
	v3 =	vmul.f32 $1.442695020e+00, v3  }
0x2eb: {  	v4 =	vadd.f32 $1.000000000e+00, v4;
	(erf) = vpow2.f32 v0;
	v2 =	vadd.f32 v55, v7  }
0x2ec: {  	v0 =	vpop (erf);
	v1 =	vsub.f32 $3.000000000e+01, v1;
	(erf) = vrcp.f32 v57;
	v5 =	vmul.f32 $1.442695020e+00, v5  }
0x2ed: {  	v6 =	vadd.f32 $1.000000000e+00, v6;
	v0 =	vmul.f32 $6.000000000e+01, v0;
	v7 =	vpop (erf);
	(erf) = vpow2.f32 v3  }
0x2ee: {  	v2 =	vadd.f32 v7, v2;
	v3 =	vpop (erf);
	(erf) = vrcp.f32 v4;
	v1 =	vmul.f32 $1.442695020e+00, v1  }
0x2ef: {  	v0 =	vsub.f32 $3.000000000e+01, v0;
	v3 =	vmul.f32 $6.000000000e+01, v3;
	v7 =	vpop (erf);
	(erf) = vpow2.f32 v5  }
0x2f0: {  	v51 =	vadd.f32 $1.000000000e+00, v51;
	v2 =	vadd.f32 v7, v2;
	v4 =	vpop (erf);
	(erf) = vrcp.f32 v6  }
0x2f1: {  	v3 =	vsub.f32 $3.000000000e+01, v3;
	v4 =	vmul.f32 $6.000000000e+01, v4;
	v5 =	vpop (erf);
	v0 =	vmul.f32 $1.442695020e+00, v0  }
0x2f2: {  	(erf) = vpow2.f32 v1;
	v2 =	vadd.f32 v5, v2  }
0x2f3: {  	v1 =	vpop (erf);
	(erf) = vrcp.f32 v51;
	v4 =	vsub.f32 $3.000000000e+01, v4;
	v3 =	vmul.f32 $1.442695020e+00, v3  }
0x2f4: {  	v49 =	vadd.f32 $1.000000000e+00, v53;
	v1 =	vmul.f32 $6.000000000e+01, v1;
	v5 =	vpop (erf);
	(erf) = vpow2.f32 v0  }
0x2f5: {  	v2 =	vadd.f32 v5, v2;
	v0 =	vpop (erf);
	(erf) = vrcp.f32 v42;
	v4 =	vmul.f32 $1.442695020e+00, v4  }
0x2f6: {  	v1 =	vsub.f32 $3.000000000e+01, v1;
	v0 =	vmul.f32 $6.000000000e+01, v0;
	v5 =	vpop (erf);
	(erf) = vpow2.f32 v3  }
0x2f7: {  	v2 =	vadd.f32 v5, v2;
	v3 =	vpop (erf);
	(erf) = vrcp.f32 v49  }
0x2f8: {  	v1 =	vmul.f32 $1.442695020e+00, v1;
	v0 =	vsub.f32 $3.000000000e+01, v0;
	v3 =	vmul.f32 $6.000000000e+01, v3;
	v5 =	vpop (erf)  }
0x2f9: {  	(erf) = vpow2.f32 v4;
	v4 =	vpop (erf)  }
0x2fa: {  	v3 =	vsub.f32 $3.000000000e+01, v3;
	v4 =	vmul.f32 $6.000000000e+01, v4;
	v0 =	vmul.f32 $1.442695020e+00, v0  }
0x2fb: {  	v47 =	vadd.f32 $1.000000000e+00, v54;
	v2 =	vadd.f32 v5, v2;
	(erf) = vrcp.f32 v48;
	v5 =	vpop (erf)  }
0x2fc: {  	(erf) = vpow2.f32 v1;
	v1 =	vpop (erf);
	v4 =	vsub.f32 $3.000000000e+01, v4;
	v3 =	vmul.f32 $1.442695020e+00, v3  }
0x2fd: {  	v2 =	vadd.f32 v5, v2;
	(erf) = vrcp.f32 v47;
	v1 =	vmul.f32 $6.000000000e+01, v1;
	v5 =	vpop (erf)  }
0x2fe: {  	(erf) = vpow2.f32 v0;
	v0 =	vpop (erf);
	v4 =	vmul.f32 $1.442695020e+00, v4  }
0x2ff: {  	v2 =	vadd.f32 v5, v2;
	v1 =	vsub.f32 $3.000000000e+01, v1;
	(erf) = vrcp.f32 v46;
	v5 =	vpop (erf)  }
0x300: {  	v0 =	vmul.f32 $6.000000000e+01, v0;
	(erf) = vpow2.f32 v3;
	v3 =	vpop (erf)  }
0x301: {  	v2 =	vadd.f32 v5, v2;
	(erf) = vrcp.f32 v45;
	v1 =	vmul.f32 $1.442695020e+00, v1;
	v5 =	vpop (erf)  }
0x302: {  	v0 =	vsub.f32 $3.000000000e+01, v0;
	v3 =	vmul.f32 $6.000000000e+01, v3;
	(erf) = vpow2.f32 v4;
	v4 =	vpop (erf)  }
0x303: {  	v2 =	vadd.f32 v5, v2;
	(erf) = vrcp.f32 v44;
	v4 =	vmul.f32 $6.000000000e+01, v4  }
0x304: {  	v3 =	vsub.f32 $3.000000000e+01, v3;
	v5 =	vpop (erf);
	v0 =	vmul.f32 $1.442695020e+00, v0;
	(erf) = vpow2.f32 v1  }
0x305: {  	v2 =	vadd.f32 v5, v2;
	v1 =	vpop (erf);
	(erf) = vrcp.f32 v43  }
0x306: {  	v4 =	vsub.f32 $3.000000000e+01, v4;
	v1 =	vmul.f32 $6.000000000e+01, v1;
	v5 =	vpop (erf);
	v3 =	vmul.f32 $1.442695020e+00, v3  }
0x307: {  	(erf) = vpow2.f32 v0;
	v2 =	vadd.f32 v5, v2  }
0x308: {  	v0 =	vpop (erf);
	v1 =	vsub.f32 $3.000000000e+01, v1;
	(erf) = vrcp.f32 v41;
	v4 =	vmul.f32 $1.442695020e+00, v4  }
0x309: {  	v0 =	vmul.f32 $6.000000000e+01, v0;
	v5 =	vpop (erf);
	(erf) = vpow2.f32 v3  }
0x30a: {  	v2 =	vadd.f32 v5, v2;
	v3 =	vpop (erf);
	(erf) = vrcp.f32 v40;
	v1 =	vmul.f32 $1.442695020e+00, v1  }
0x30b: {  	v0 =	vsub.f32 $3.000000000e+01, v0;
	v3 =	vmul.f32 $6.000000000e+01, v3;
	v5 =	vpop (erf);
	(erf) = vpow2.f32 v4  }
0x30c: {  	v2 =	vadd.f32 v5, v2;
	v4 =	vpop (erf);
	(erf) = vrcp.f32 v38  }
0x30d: {  	v3 =	vsub.f32 $3.000000000e+01, v3;
	v4 =	vmul.f32 $6.000000000e+01, v4;
	v5 =	vpop (erf);
	v0 =	vmul.f32 $1.442695020e+00, v0  }
0x30e: {  	(erf) = vpow2.f32 v1;
	v2 =	vadd.f32 v5, v2  }
0x30f: {  	v1 =	vpop (erf);
	(erf) = vrcp.f32 v37;
	v4 =	vsub.f32 $3.000000000e+01, v4;
	v3 =	vmul.f32 $1.442695020e+00, v3  }
0x310: {  	v1 =	vmul.f32 $6.000000000e+01, v1;
	v5 =	vpop (erf);
	(erf) = vpow2.f32 v0  }
0x311: {  	v2 =	vadd.f32 v5, v2;
	v0 =	vpop (erf);
	(erf) = vrcp.f32 v36;
	v4 =	vmul.f32 $1.442695020e+00, v4  }
0x312: {  	v1 =	vsub.f32 $3.000000000e+01, v1;
	v0 =	vmul.f32 $6.000000000e+01, v0;
	v5 =	vpop (erf);
	(erf) = vpow2.f32 v3  }
0x313: {  	v2 =	vadd.f32 v5, v2;
	v3 =	vpop (erf);
	(erf) = vrcp.f32 v35  }
0x314: {  	v1 =	vmul.f32 $1.442695020e+00, v1;
	v0 =	vsub.f32 $3.000000000e+01, v0;
	v3 =	vmul.f32 $6.000000000e+01, v3;
	v5 =	vpop (erf)  }
0x315: {  	(erf) = vpow2.f32 v4;
	v4 =	vpop (erf)  }
0x316: {  	v3 =	vsub.f32 $3.000000000e+01, v3;
	v4 =	vmul.f32 $6.000000000e+01, v4;
	v0 =	vmul.f32 $1.442695020e+00, v0  }
0x317: {  	v2 =	vadd.f32 v5, v2;
	(erf) = vrcp.f32 v34;
	v5 =	vpop (erf)  }
0x318: {  	(erf) = vpow2.f32 v1;
	v1 =	vpop (erf);
	v4 =	vsub.f32 $3.000000000e+01, v4;
	v3 =	vmul.f32 $1.442695020e+00, v3  }
0x319: {  	v2 =	vadd.f32 v5, v2;
	(erf) = vrcp.f32 v33;
	v1 =	vmul.f32 $6.000000000e+01, v1;
	v5 =	vpop (erf)  }
0x31a: {  	(erf) = vpow2.f32 v0;
	v0 =	vpop (erf);
	v4 =	vmul.f32 $1.442695020e+00, v4  }
0x31b: {  	v2 =	vadd.f32 v5, v2;
	v1 =	vsub.f32 $3.000000000e+01, v1;
	(erf) = vrcp.f32 v32;
	v5 =	vpop (erf)  }
0x31c: {  	v0 =	vmul.f32 $6.000000000e+01, v0;
	(erf) = vpow2.f32 v3;
	v3 =	vpop (erf)  }
0x31d: {  	v2 =	vadd.f32 v5, v2;
	(erf) = vrcp.f32 v31;
	v1 =	vmul.f32 $1.442695020e+00, v1;
	v5 =	vpop (erf)  }
0x31e: {  	v0 =	vsub.f32 $3.000000000e+01, v0;
	v3 =	vmul.f32 $6.000000000e+01, v3;
	(erf) = vpow2.f32 v4;
	v4 =	vpop (erf)  }
0x31f: {  	v2 =	vadd.f32 v5, v2;
	(erf) = vrcp.f32 v30;
	v4 =	vmul.f32 $6.000000000e+01, v4  }
0x320: {  	v3 =	vsub.f32 $3.000000000e+01, v3;
	v5 =	vpop (erf);
	v0 =	vmul.f32 $1.442695020e+00, v0;
	(erf) = vpow2.f32 v1  }
0x321: {  	v2 =	vadd.f32 v5, v2;
	v1 =	vpop (erf);
	(erf) = vrcp.f32 v29  }
0x322: {  	v4 =	vsub.f32 $3.000000000e+01, v4;
	v1 =	vmul.f32 $6.000000000e+01, v1;
	v5 =	vpop (erf);
	v3 =	vmul.f32 $1.442695020e+00, v3  }
0x323: {  	(erf) = vpow2.f32 v0;
	v2 =	vadd.f32 v5, v2  }
0x324: {  	v0 =	vpop (erf);
	v1 =	vsub.f32 $3.000000000e+01, v1;
	(erf) = vrcp.f32 v28;
	v4 =	vmul.f32 $1.442695020e+00, v4  }
0x325: {  	v0 =	vmul.f32 $6.000000000e+01, v0;
	v5 =	vpop (erf);
	(erf) = vpow2.f32 v3  }
0x326: {  	v2 =	vadd.f32 v5, v2;
	v3 =	vpop (erf);
	(erf) = vrcp.f32 v27;
	v1 =	vmul.f32 $1.442695020e+00, v1  }
0x327: {  	v0 =	vsub.f32 $3.000000000e+01, v0;
	v3 =	vmul.f32 $6.000000000e+01, v3;
	v5 =	vpop (erf);
	(erf) = vpow2.f32 v4  }
0x328: {  	v2 =	vadd.f32 v5, v2;
	v4 =	vpop (erf);
	(erf) = vrcp.f32 v26  }
0x329: {  	v3 =	vsub.f32 $3.000000000e+01, v3;
	v4 =	vmul.f32 $6.000000000e+01, v4;
	v5 =	vpop (erf);
	v0 =	vmul.f32 $1.442695020e+00, v0  }
0x32a: {  	(erf) = vpow2.f32 v1;
	v2 =	vadd.f32 v5, v2  }
0x32b: {  	v1 =	vpop (erf);
	(erf) = vrcp.f32 v25;
	v4 =	vsub.f32 $3.000000000e+01, v4;
	v3 =	vmul.f32 $1.442695020e+00, v3  }
0x32c: {  	v1 =	vmul.f32 $6.000000000e+01, v1;
	v5 =	vpop (erf);
	(erf) = vpow2.f32 v0  }
0x32d: {  	v2 =	vadd.f32 v5, v2;
	v0 =	vpop (erf);
	(erf) = vrcp.f32 v24;
	v4 =	vmul.f32 $1.442695020e+00, v4  }
0x32e: {  	v1 =	vsub.f32 $3.000000000e+01, v1;
	v0 =	vmul.f32 $6.000000000e+01, v0;
	v5 =	vpop (erf);
	(erf) = vpow2.f32 v3  }
0x32f: {  	v2 =	vadd.f32 v5, v2;
	v3 =	vpop (erf);
	(erf) = vrcp.f32 v23  }
0x330: {  	v1 =	vmul.f32 $1.442695020e+00, v1;
	v0 =	vsub.f32 $3.000000000e+01, v0;
	v3 =	vmul.f32 $6.000000000e+01, v3;
	v5 =	vpop (erf)  }
0x331: {  	(erf) = vpow2.f32 v4;
	v4 =	vpop (erf)  }
0x332: {  	v3 =	vsub.f32 $3.000000000e+01, v3;
	v4 =	vmul.f32 $6.000000000e+01, v4;
	v0 =	vmul.f32 $1.442695020e+00, v0  }
0x333: {  	v2 =	vadd.f32 v5, v2;
	(erf) = vrcp.f32 v22;
	v5 =	vpop (erf)  }
0x334: {  	(erf) = vpow2.f32 v1;
	v1 =	vpop (erf);
	v4 =	vsub.f32 $3.000000000e+01, v4;
	v3 =	vmul.f32 $1.442695020e+00, v3  }
0x335: {  	v2 =	vadd.f32 v5, v2;
	(erf) = vrcp.f32 v21;
	v1 =	vmul.f32 $6.000000000e+01, v1;
	v5 =	vpop (erf)  }
0x336: {  	(erf) = vpow2.f32 v0;
	v0 =	vpop (erf);
	v4 =	vmul.f32 $1.442695020e+00, v4  }
0x337: {  	v2 =	vadd.f32 v5, v2;
	v1 =	vsub.f32 $3.000000000e+01, v1;
	(erf) = vrcp.f32 v20;
	v5 =	vpop (erf)  }
0x338: {  	v0 =	vmul.f32 $6.000000000e+01, v0;
	(erf) = vpow2.f32 v3;
	v3 =	vpop (erf)  }
0x339: {  	v2 =	vadd.f32 v5, v2;
	(erf) = vrcp.f32 v19;
	v1 =	vmul.f32 $1.442695020e+00, v1;
	v5 =	vpop (erf)  }
0x33a: {  	v0 =	vsub.f32 $3.000000000e+01, v0;
	v3 =	vmul.f32 $6.000000000e+01, v3;
	(erf) = vpow2.f32 v4;
	v4 =	vpop (erf)  }
0x33b: {  	v2 =	vadd.f32 v5, v2;
	(erf) = vrcp.f32 v18;
	v4 =	vmul.f32 $6.000000000e+01, v4  }
0x33c: {  	v3 =	vsub.f32 $3.000000000e+01, v3;
	v5 =	vpop (erf);
	v0 =	vmul.f32 $1.442695020e+00, v0;
	(erf) = vpow2.f32 v1  }
0x33d: {  	v2 =	vadd.f32 v5, v2;
	v1 =	vpop (erf);
	(erf) = vrcp.f32 v17  }
0x33e: {  	v4 =	vsub.f32 $3.000000000e+01, v4;
	v1 =	vmul.f32 $6.000000000e+01, v1;
	v5 =	vpop (erf);
	v3 =	vmul.f32 $1.442695020e+00, v3  }
0x33f: {  	(erf) = vpow2.f32 v0;
	v2 =	vadd.f32 v5, v2  }
0x340: {  	v0 =	vpop (erf);
	v1 =	vsub.f32 $3.000000000e+01, v1;
	(erf) = vrcp.f32 v16;
	v4 =	vmul.f32 $1.442695020e+00, v4  }
0x341: {  	v0 =	vmul.f32 $6.000000000e+01, v0;
	v5 =	vpop (erf);
	(erf) = vpow2.f32 v3  }
0x342: {  	v2 =	vadd.f32 v5, v2;
	v3 =	vpop (erf);
	(erf) = vrcp.f32 v15;
	v1 =	vmul.f32 $1.442695020e+00, v1  }
0x343: {  	v0 =	vsub.f32 $3.000000000e+01, v0;
	v3 =	vmul.f32 $6.000000000e+01, v3;
	v5 =	vpop (erf);
	(erf) = vpow2.f32 v4  }
0x344: {  	v2 =	vadd.f32 v5, v2;
	v4 =	vpop (erf);
	(erf) = vrcp.f32 v14  }
0x345: {  	v3 =	vsub.f32 $3.000000000e+01, v3;
	v4 =	vmul.f32 $6.000000000e+01, v4;
	v5 =	vpop (erf);
	v0 =	vmul.f32 $1.442695020e+00, v0  }
0x346: {  	(erf) = vpow2.f32 v1;
	v2 =	vadd.f32 v5, v2  }
0x347: {  	v1 =	vpop (erf);
	(erf) = vrcp.f32 v13;
	v4 =	vsub.f32 $3.000000000e+01, v4;
	v3 =	vmul.f32 $1.442695020e+00, v3  }
0x348: {  	v1 =	vmul.f32 $6.000000000e+01, v1;
	v5 =	vpop (erf);
	(erf) = vpow2.f32 v0  }
0x349: {  	v2 =	vadd.f32 v5, v2;
	v0 =	vpop (erf);
	(erf) = vrcp.f32 v12;
	v4 =	vmul.f32 $1.442695020e+00, v4  }
0x34a: {  	v1 =	vsub.f32 $3.000000000e+01, v1;
	v0 =	vmul.f32 $6.000000000e+01, v0;
	v5 =	vpop (erf);
	(erf) = vpow2.f32 v3  }
0x34b: {  	v2 =	vadd.f32 v5, v2;
	v3 =	vpop (erf);
	(erf) = vrcp.f32 v11  }
0x34c: {  	v1 =	vmul.f32 $1.442695020e+00, v1;
	v0 =	vsub.f32 $3.000000000e+01, v0;
	v3 =	vmul.f32 $6.000000000e+01, v3;
	v5 =	vpop (erf)  }
0x34d: {  	(erf) = vpow2.f32 v4;
	v2 =	vadd.f32 v5, v2  }
0x34e: {  	v4 =	vpop (erf);
	(erf) = vrcp.f32 v10;
	v3 =	vsub.f32 $3.000000000e+01, v3;
	v0 =	vmul.f32 $1.442695020e+00, v0  }
0x34f: {  	v4 =	vmul.f32 $6.000000000e+01, v4;
	v5 =	vpop (erf);
	(erf) = vpow2.f32 v1  }
0x350: {  	v2 =	vadd.f32 v5, v2;
	v1 =	vpop (erf);
	(erf) = vrcp.f32 v9;
	v3 =	vmul.f32 $1.442695020e+00, v3  }
0x351: {  	v4 =	vsub.f32 $3.000000000e+01, v4;
	v1 =	vmul.f32 $6.000000000e+01, v1;
	v5 =	vpop (erf);
	(erf) = vpow2.f32 v0  }
0x352: {  	v2 =	vadd.f32 v5, v2;
	v0 =	vpop (erf);
	(erf) = vrcp.f32 v8  }
0x353: {  	v1 =	vsub.f32 $3.000000000e+01, v1;
	v4 =	vmul.f32 $1.442695020e+00, v4;
	v0 =	vmul.f32 $6.000000000e+01, v0;
	v5 =	vpop (erf)  }
0x354: {  	(erf) = vpow2.f32 v3;
	v3 =	vpop (erf)  }
0x355: {  	v1 =	vmul.f32 $1.442695020e+00, v1;
	v0 =	vsub.f32 $3.000000000e+01, v0;
	v3 =	vmul.f32 $6.000000000e+01, v3  }
0x356: {  	v2 =	vadd.f32 v5, v2;
	v5 =	vpop (erf)  }
0x357: {  	(erf) = vpow2.f32 v4;
	v4 =	vpop (erf);
	v3 =	vsub.f32 $3.000000000e+01, v3;
	v0 =	vmul.f32 $1.442695020e+00, v0  }
0x358: {  	v2 =	vadd.f32 v5, v2;
	v4 =	vmul.f32 $6.000000000e+01, v4;
	v5 =	vpop (erf)  }
0x359: {  	(erf) = vpow2.f32 v1;
	v1 =	vpop (erf);
	v3 =	vmul.f32 $1.442695020e+00, v3  }
0x35a: {  	v2 =	vadd.f32 v5, v2;
	v5 =	vpop (erf)  }
0x35b: {  	v4 =	vsub.f32 $3.000000000e+01, v4;
	(erf) = vpow2.f32 v0;
	v0 =	vpop (erf)  }
0x35c: {  	v1 =	vmul.f32 $6.000000000e+01, v1;
	v2 =	vadd.f32 v5, v2;
	v5 =	vpop (erf)  }
0x35d: {  	v4 =	vmul.f32 $1.442695020e+00, v4;
	(erf) = vpow2.f32 v3;
	v3 =	vpop (erf)  }
0x35e: {  	v0 =	vmul.f32 $6.000000000e+01, v0;
	v3 =	vmul.f32 $6.000000000e+01, v3  }
0x35f: {  	v1 =	vsub.f32 $3.000000000e+01, v1;
	v2 =	vadd.f32 v5, v2  }
0x360: {  	v0 =	vsub.f32 $3.000000000e+01, v0;
	v5 =	vpop (erf);
	v3 =	vsub.f32 $3.000000000e+01, v3  }
0x361: {  	v1 =	vmul.f32 $1.442695020e+00, v1;
	(erf) = vpow2.f32 v4;
	v2 =	vadd.f32 v5, v2  }
0x362: {  	v4 =	vpop (erf);
	v0 =	vmul.f32 $1.442695020e+00, v0  }
0x363: {  	(erf) = vpow2.f32 v1;
	v2 =	vadd.f32 v4, v2  }
0x364: {  	v1 =	vmul.f32 $1.442695020e+00, v3;
	v3 =	vpop (erf)  }
0x365: {  	(erf) = vpow2.f32 v0;
	v2 =	vadd.f32 v3, v2  }
0x366: {  	(erf) = vpow2.f32 v1;
	v0 =	vpop (erf)  }
0x367: {  	v0 =	vadd.f32 v0, v2  }
0x368: {  	v1 =	vpop (erf)  }
0x369: {  	v0 =	vadd.f32 v1, v0  }
0x36a: {  	v1 =	vpop (erf)  }
0x36b: {  	v0 =	vadd.f32 v1, v0  }
0x36c: {  	v1 =	vpop (erf)  }
0x36d: {  	v0 =	vadd.f32 v1, v0  }
0x36e: {  	v1 =	vpop (erf)  }
0x36f: {  	v0 =	vadd.f32 v1, v0;
	v1 =	vpop (erf)  }
0x370: {  	v1 =	vnsel vm8, $0x0, v1  }
0x371: {  	v0 =	vadd.f32 v1, v0;
	_ =	sdelay $0x1  }
0x372: {  	(xrf2) =	vadd.scan.msk.f32 $0xffff, v0  }
0x373: {  	v2 =	vld [tilespmem:$0x1FFB0]  }
0x374: {  	v0 =	vld [tilespmem:s19+$0x690];
	_ =	sdelay $0x4  }
0x375: {  	v3 =	vlaneseq.u32;
	v0 =	vadd.s32 v2, v0;
	v2 =	vmov s21  }
0x376: {  	vm9 =	veq.s32 v2, v3;
	v2 =	vld [tilespmem:$0x1FF90];
	_ =	sdelay $0x1  }
0x377: {  	v1, _, _ =	vpop (xrf2)  }
0x378: {  	v1 =	vbroadcast v1, $0xF;
	_ =	sdelay $0x1  }
0x379: {  	v1 =	vsel vm9, v1, v2  }
0x37a: {  	[tilespmem:s19+$0x11380] =	vst v1  }
0x37b: {  	v0 =	vld.idx.msk [tilespmem:v0+s20+$0x0], $0xffff;
	_ =	sdelay $0x4  }
0x37c: {  	v0 =	vmul.f32 $6.666667010e-02, v0;
	_ =	sdelay $0x1  }
0x37d: {  	v0 =	vmul.f32 $1.442695020e+00, v0;
	_ =	sdelay $0x1  }
0x37e: {  	(erf) = vpow2.f32 v0;
	_ =	sdelay $0x8  }
0x37f: {  	v0 =	vpop (erf)  }
0x380: {  	v0 =	vadd.f32 $1.000000000e+00, v0;
	_ =	sdelay $0x1  }
0x381: {  	(erf) = vrcp.f32 v0;
	_ =	sdelay $0x8  }
0x382: {  	v0 =	vpop (erf)  }
0x383: {  	v59 =	vmov s20;
	v0 =	vmul.f32 $-6.000000000e+01, v0;
	_ =	sdelay $0x1  }
0x384: {  	v0 =	vadd.f32 $3.000000000e+01, v0;
	_ =	sdelay $0x1  }
0x385: {  	s30 =	simm.s32 $0x0;
	[tilespmem:s19+$0x11A10] =	vst v0  }
0x386: {  	v0 =	vld.idx.msk [tilespmem:v59+s30+$0x43E0 ss:$0x1], $0xffff  }
0x387: {  	v1 =	vld.idx.msk [tilespmem:v59+s30+$0x43D0 ss:$0x1], $0xffff  }
0x388: {  	v2 =	vld.idx.msk [tilespmem:v59+s30+$0x43C0 ss:$0x1], $0xffff  }
0x389: {  	v3 =	vld.idx.msk [tilespmem:v59+s30+$0x43B0 ss:$0x1], $0xffff  }
0x38a: {  	v4 =	vld.idx.msk [tilespmem:v59+s30+$0x43A0 ss:$0x1], $0xffff  }
0x38b: {  	v5 =	vld.idx.msk [tilespmem:v59+s30+$0x4390 ss:$0x1], $0xffff  }
0x38c: {  	v6 =	vld.idx.msk [tilespmem:v59+s30+$0x4380 ss:$0x1], $0xffff  }
0x38d: {  	v8 =	vld.idx.msk [tilespmem:v59+s30+$0x4370 ss:$0x1], $0xffff  }
0x38e: {  	v9 =	vld.idx.msk [tilespmem:v59+s30+$0x4360 ss:$0x1], $0xffff  }
0x38f: {  	v10 =	vld.idx.msk [tilespmem:v59+s30+$0x4350 ss:$0x1], $0xffff  }
0x390: {  	v11 =	vld.idx.msk [tilespmem:v59+s30+$0x4340 ss:$0x1], $0xffff  }
0x391: {  	v12 =	vld.idx.msk [tilespmem:v59+s30+$0x4330 ss:$0x1], $0xffff  }
0x392: {  	v13 =	vld.idx.msk [tilespmem:v59+s30+$0x4320 ss:$0x1], $0xffff  }
0x393: {  	v14 =	vld.idx.msk [tilespmem:v59+s30+$0x4310 ss:$0x1], $0xffff  }
0x394: {  	v15 =	vld.idx.msk [tilespmem:v59+s30+$0x4300 ss:$0x1], $0xffff  }
0x395: {  	v16 =	vld.idx.msk [tilespmem:v59+s30+$0x42F0 ss:$0x1], $0xffff  }
0x396: {  	v17 =	vld.idx.msk [tilespmem:v59+s30+$0x42E0 ss:$0x1], $0xffff  }
0x397: {  	v18 =	vld.idx.msk [tilespmem:v59+s30+$0x42D0 ss:$0x1], $0xffff  }
0x398: {  	v19 =	vld.idx.msk [tilespmem:v59+s30+$0x42C0 ss:$0x1], $0xffff  }
0x399: {  	v20 =	vld.idx.msk [tilespmem:v59+s30+$0x42B0 ss:$0x1], $0xffff  }
0x39a: {  	v21 =	vld.idx.msk [tilespmem:v59+s30+$0x42A0 ss:$0x1], $0xffff  }
0x39b: {  	v22 =	vld.idx.msk [tilespmem:v59+s30+$0x4290 ss:$0x1], $0xffff  }
0x39c: {  	v23 =	vld.idx.msk [tilespmem:v59+s30+$0x4280 ss:$0x1], $0xffff  }
0x39d: {  	v24 =	vld.idx.msk [tilespmem:v59+s30+$0x4270 ss:$0x1], $0xffff;
	v0 =	vmul.f32 $6.666667010e-02, v0  }
0x39e: {  	v25 =	vld.idx.msk [tilespmem:v59+s30+$0x4260 ss:$0x1], $0xffff;
	v1 =	vmul.f32 $6.666667010e-02, v1;
	v2 =	vmul.f32 $6.666667010e-02, v2  }
0x39f: {  	v26 =	vld.idx.msk [tilespmem:v59+s30+$0x4250 ss:$0x1], $0xffff;
	v3 =	vmul.f32 $6.666667010e-02, v3;
	v5 =	vmul.f32 $6.666667010e-02, v5  }
0x3a0: {  	v27 =	vld.idx.msk [tilespmem:v59+s30+$0x4240 ss:$0x1], $0xffff;
	v4 =	vmul.f32 $6.666667010e-02, v4;
	v6 =	vmul.f32 $6.666667010e-02, v6  }
0x3a1: {  	v28 =	vld.idx.msk [tilespmem:v59+s30+$0x4230 ss:$0x1], $0xffff;
	v8 =	vmul.f32 $6.666667010e-02, v8;
	v35 =	vmul.f32 $6.666667010e-02, v9  }
0x3a2: {  	v29 =	vld.idx.msk [tilespmem:v59+s30+$0x4220 ss:$0x1], $0xffff;
	v37 =	vmul.f32 $6.666667010e-02, v11;
	v38 =	vmul.f32 $6.666667010e-02, v10  }
0x3a3: {  	v30 =	vld.idx.msk [tilespmem:v59+s30+$0x4210 ss:$0x1], $0xffff;
	v39 =	vmul.f32 $6.666667010e-02, v13;
	v40 =	vmul.f32 $6.666667010e-02, v12  }
0x3a4: {  	v31 =	vld.idx.msk [tilespmem:v59+s30+$0x4200 ss:$0x1], $0xffff;
	v42 =	vmul.f32 $6.666667010e-02, v15;
	v43 =	vmul.f32 $6.666667010e-02, v14  }
0x3a5: {  	v56 =	vld.idx.msk [tilespmem:v59+s30+$0x41F0 ss:$0x1], $0xffff;
	v17 =	vmul.f32 $6.666667010e-02, v17;
	v16 =	vmul.f32 $6.666667010e-02, v16  }
0x3a6: {  	v57 =	vld.idx.msk [tilespmem:v59+s30+$0x41E0 ss:$0x1], $0xffff;
	v19 =	vmul.f32 $6.666667010e-02, v19;
	v18 =	vmul.f32 $6.666667010e-02, v18  }
0x3a7: {  	v58 =	vld.idx.msk [tilespmem:v59+s30+$0x41D0 ss:$0x1], $0xffff;
	v21 =	vmul.f32 $6.666667010e-02, v21;
	v20 =	vmul.f32 $6.666667010e-02, v20  }
0x3a8: {  	v60 =	vld.idx.msk [tilespmem:v59+s30+$0x4150 ss:$0x1], $0xffff;
	v23 =	vmul.f32 $6.666667010e-02, v23;
	v22 =	vmul.f32 $6.666667010e-02, v22  }
0x3a9: {  	v61 =	vld.idx.msk [tilespmem:v59+s30+$0x4140 ss:$0x1], $0xffff;
	v25 =	vmul.f32 $6.666667010e-02, v25;
	v24 =	vmul.f32 $6.666667010e-02, v24  }
0x3aa: {  	v62 =	vld.idx.msk [tilespmem:v59+s30+$0x4130 ss:$0x1], $0xffff;
	v27 =	vmul.f32 $6.666667010e-02, v27;
	v26 =	vmul.f32 $6.666667010e-02, v26  }
0x3ab: {  	v29 =	vmul.f32 $6.666667010e-02, v29;
	v28 =	vmul.f32 $6.666667010e-02, v28  }
0x3ac: {  	v63 =	vld.idx.msk [tilespmem:v59+s30+$0x4120 ss:$0x1], $0xffff;
	v31 =	vmul.f32 $6.666667010e-02, v31;
	v30 =	vmul.f32 $6.666667010e-02, v30  }
0x3ad: {  	v9 =	vld.idx.msk [tilespmem:v59+s30+$0x41C0 ss:$0x1], $0xffff;
	v33 =	vmul.f32 $6.666667010e-02, v57;
	v32 =	vmul.f32 $6.666667010e-02, v56  }
0x3ae: {  	v10 =	vld.idx.msk [tilespmem:v59+s30+$0x41B0 ss:$0x1], $0xffff;
	v34 =	vmul.f32 $6.666667010e-02, v58;
	v55 =	vmul.f32 $6.666667010e-02, v61  }
0x3af: {  	v11 =	vld.idx.msk [tilespmem:v59+s30+$0x41A0 ss:$0x1], $0xffff;
	v52 =	vmul.f32 $6.666667010e-02, v60;
	v44 =	vmul.f32 $6.666667010e-02, v62  }
0x3b0: {  	v12 =	vld.idx.msk [tilespmem:v59+s30+$0x4190 ss:$0x1], $0xffff;
	v0 =	vmul.f32 $1.442695020e+00, v0;
	v1 =	vmul.f32 $1.442695020e+00, v1  }
0x3b1: {  	v13 =	vld.idx.msk [tilespmem:v59+s30+$0x4180 ss:$0x1], $0xffff;
	v2 =	vmul.f32 $1.442695020e+00, v2;
	v3 =	vmul.f32 $1.442695020e+00, v3  }
0x3b2: {  	v14 =	vld.idx.msk [tilespmem:v59+s30+$0x4170 ss:$0x1], $0xffff;
	v4 =	vmul.f32 $1.442695020e+00, v4;
	v5 =	vmul.f32 $1.442695020e+00, v5  }
0x3b3: {  	v15 =	vld.idx.msk [tilespmem:v59+s30+$0x4160 ss:$0x1], $0xffff;
	v6 =	vmul.f32 $1.442695020e+00, v6;
	v56 =	vmul.f32 $1.442695020e+00, v43  }
0x3b4: {  	v57 =	vld.idx.msk [tilespmem:v59+s30+$0x4110 ss:$0x1], $0xffff;
	v17 =	vmul.f32 $1.442695020e+00, v17;
	v16 =	vmul.f32 $1.442695020e+00, v16  }
0x3b5: {  	v58 =	vld.idx.msk [tilespmem:v59+s30+$0x40C0 ss:$0x1], $0xffff;
	v19 =	vmul.f32 $1.442695020e+00, v19;
	(erf) = vpow2.f32 v0  }
0x3b6: {  	v60 =	vld.idx.msk [tilespmem:v59+s30+$0x40B0 ss:$0x1], $0xffff;
	v47 =	vmul.f32 $6.666667010e-02, v9;
	v7 =	vmul.f32 $6.666667010e-02, v11  }
0x3b7: {  	v61 =	vld.idx.msk [tilespmem:v59+s30+$0x40A0 ss:$0x1], $0xffff;
	v49 =	vmul.f32 $6.666667010e-02, v10;
	v50 =	vmul.f32 $6.666667010e-02, v13  }
0x3b8: {  	v11 =	vld.idx.msk [tilespmem:v59+s30+$0x40E0 ss:$0x1], $0xffff;
	v51 =	vmul.f32 $6.666667010e-02, v12;
	v48 =	vmul.f32 $6.666667010e-02, v15  }
0x3b9: {  	v62 =	vld.idx.msk [tilespmem:v59+s30+$0x4080 ss:$0x1], $0xffff;
	v54 =	vmul.f32 $6.666667010e-02, v14;
	(erf) = vpow2.f32 v1  }
0x3ba: {  	v9 =	vld.idx.msk [tilespmem:v59+s30+$0x4100 ss:$0x1], $0xffff;
	v15 =	vmul.f32 $6.666667010e-02, v63;
	(erf) = vpow2.f32 v2  }
0x3bb: {  	v14 =	vld.idx.msk [tilespmem:v59+s30+$0x40D0 ss:$0x1], $0xffff;
	v45 =	vmul.f32 $6.666667010e-02, v57;
	(erf) = vpow2.f32 v3  }
0x3bc: {  	v36 =	vmul.f32 $6.666667010e-02, v61;
	(erf) = vpow2.f32 v4;
	v4 =	vld.idx.msk [tilespmem:v59+s30+$0x4020 ss:$0x1], $0xffff  }
0x3bd: {  	(erf) = vpow2.f32 v5;
	v10 =	vmul.f32 $6.666667010e-02, v11;
	v11 =	vld.idx.msk [tilespmem:v59+s30+$0x4090 ss:$0x1], $0xffff  }
0x3be: {  	v41 =	vmul.f32 $6.666667010e-02, v60;
	(erf) = vpow2.f32 v6;
	v6 =	vld.idx.msk [tilespmem:v59+s30+$0x4000 ss:$0x1], $0xffff  }
0x3bf: {  	v46 =	vmul.f32 $6.666667010e-02, v62;
	v60 =	vmul.f32 $1.442695020e+00, v37  }
0x3c0: {  	v61 =	vmul.f32 $1.442695020e+00, v39;
	v62 =	vmul.f32 $1.442695020e+00, v40;
	v5 =	vld.idx.msk [tilespmem:v59+s30+$0x4010 ss:$0x1], $0xffff  }
0x3c1: {  	v63 =	vld.idx.msk [tilespmem:v59+s30+$0x4070 ss:$0x1], $0xffff;
	v12 =	vmul.f32 $6.666667010e-02, v9;
	v9 =	vmul.f32 $6.666667010e-02, v58  }
0x3c2: {  	v57 =	vmul.f32 $6.666667010e-02, v14;
	v14 =	vmul.f32 $6.666667010e-02, v4  }
0x3c3: {  	v58 =	vmul.f32 $6.666667010e-02, v11;
	v4 =	vmul.f32 $6.666667010e-02, v6  }
0x3c4: {  	v6 =	vmul.f32 $1.442695020e+00, v8;
	v8 =	vmul.f32 $1.442695020e+00, v38  }
0x3c5: {  	v11 =	vmul.f32 $6.666667010e-02, v5;
	v5 =	vmul.f32 $1.442695020e+00, v35  }
0x3c6: {  	v53 =	vmul.f32 $6.666667010e-02, v63;
	(erf) = vpow2.f32 v6  }
0x3c7: {  	v6 =	vmul.f32 $1.442695020e+00, v22;
	(erf) = vpow2.f32 v5  }
0x3c8: {  	v22 =	vmul.f32 $1.442695020e+00, v24;
	(erf) = vpow2.f32 v8;
	v8 =	vpop (erf)  }
0x3c9: {  	v5 =	vmul.f32 $1.442695020e+00, v23;
	(erf) = vpow2.f32 v60;
	v23 =	vpop (erf)  }
0x3ca: {  	v0 =	vld.idx.msk [tilespmem:v59+s30+$0x4060 ss:$0x1], $0xffff;
	v24 =	vmul.f32 $1.442695020e+00, v25;
	(erf) = vpow2.f32 v62;
	v25 =	vpop (erf)  }
0x3cb: {  	v13 =	vld.idx.msk [tilespmem:v59+s30+$0x40F0 ss:$0x1], $0xffff;
	v63 =	vmul.f32 $1.442695020e+00, v42;
	(erf) = vpow2.f32 v61;
	v35 =	vpop (erf)  }
0x3cc: {  	v18 =	vmul.f32 $1.442695020e+00, v18;
	v1 =	vld.idx.msk [tilespmem:v59+s30+$0x4050 ss:$0x1], $0xffff;
	(erf) = vpow2.f32 v56;
	v37 =	vpop (erf)  }
0x3cd: {  	v20 =	vmul.f32 $1.442695020e+00, v20;
	v2 =	vld.idx.msk [tilespmem:v59+s30+$0x4040 ss:$0x1], $0xffff;
	(erf) = vpow2.f32 v63;
	v38 =	vpop (erf)  }
0x3ce: {  	v21 =	vmul.f32 $1.442695020e+00, v21;
	v3 =	vld.idx.msk [tilespmem:v59+s30+$0x4030 ss:$0x1], $0xffff;
	(erf) = vpow2.f32 v16  }
0x3cf: {  	v26 =	vmul.f32 $1.442695020e+00, v26;
	v27 =	vmul.f32 $1.442695020e+00, v27;
	v16 =	vpop (erf)  }
0x3d0: {  	v28 =	vmul.f32 $1.442695020e+00, v28;
	(erf) = vpow2.f32 v17;
	v17 =	vpop (erf)  }
0x3d1: {  	v29 =	vmul.f32 $1.442695020e+00, v29;
	(erf) = vpow2.f32 v18;
	v18 =	vpop (erf)  }
0x3d2: {  	v30 =	vmul.f32 $1.442695020e+00, v30;
	(erf) = vpow2.f32 v19;
	v19 =	vpop (erf)  }
0x3d3: {  	v31 =	vmul.f32 $1.442695020e+00, v31;
	(erf) = vpow2.f32 v20;
	v20 =	vpop (erf)  }
0x3d4: {  	v32 =	vmul.f32 $1.442695020e+00, v32;
	(erf) = vpow2.f32 v21;
	v21 =	vpop (erf)  }
0x3d5: {  	v33 =	vmul.f32 $1.442695020e+00, v33;
	(erf) = vpow2.f32 v6;
	v6 =	vpop (erf)  }
0x3d6: {  	v34 =	vmul.f32 $1.442695020e+00, v34;
	(erf) = vpow2.f32 v5;
	v5 =	vpop (erf)  }
0x3d7: {  	v44 =	vmul.f32 $1.442695020e+00, v44;
	(erf) = vpow2.f32 v22;
	v22 =	vpop (erf)  }
0x3d8: {  	v60 =	vmul.f32 $1.442695020e+00, v47;
	(erf) = vpow2.f32 v24;
	v47 =	vpop (erf)  }
0x3d9: {  	v15 =	vmul.f32 $1.442695020e+00, v15;
	(erf) = vpow2.f32 v26;
	v26 =	vpop (erf)  }
0x3da: {  	v45 =	vmul.f32 $1.442695020e+00, v45;
	(erf) = vpow2.f32 v27;
	v27 =	vpop (erf)  }
0x3db: {  	v0 =	vmul.f32 $6.666667010e-02, v0;
	(erf) = vpow2.f32 v28;
	v28 =	vpop (erf)  }
0x3dc: {  	v13 =	vmul.f32 $6.666667010e-02, v13;
	(erf) = vpow2.f32 v29;
	v29 =	vpop (erf)  }
0x3dd: {  	v1 =	vmul.f32 $6.666667010e-02, v1;
	(erf) = vpow2.f32 v30;
	v30 =	vpop (erf)  }
0x3de: {  	v62 =	vmul.f32 $1.442695020e+00, v7;
	(erf) = vpow2.f32 v31;
	v31 =	vpop (erf)  }
0x3df: {  	v7 =	vmul.f32 $1.442695020e+00, v54;
	(erf) = vpow2.f32 v32;
	v32 =	vpop (erf)  }
0x3e0: {  	v54 =	vmul.f32 $1.442695020e+00, v57;
	(erf) = vpow2.f32 v33;
	v33 =	vpop (erf)  }
0x3e1: {  	v61 =	vmul.f32 $1.442695020e+00, v49;
	(erf) = vpow2.f32 v34;
	v34 =	vpop (erf)  }
0x3e2: {  	v49 =	vmul.f32 $1.442695020e+00, v48;
	(erf) = vpow2.f32 v60;
	v39 =	vpop (erf)  }
0x3e3: {  	v63 =	vmul.f32 $1.442695020e+00, v51;
	(erf) = vpow2.f32 v61;
	v40 =	vpop (erf)  }
0x3e4: {  	v24 =	vmul.f32 $1.442695020e+00, v50;
	(erf) = vpow2.f32 v62;
	v42 =	vpop (erf)  }
0x3e5: {  	v50 =	vmul.f32 $1.442695020e+00, v52;
	(erf) = vpow2.f32 v63;
	v43 =	vpop (erf)  }
0x3e6: {  	v51 =	vmul.f32 $1.442695020e+00, v55;
	(erf) = vpow2.f32 v24;
	v57 =	vpop (erf)  }
0x3e7: {  	v2 =	vmul.f32 $6.666667010e-02, v2;
	(erf) = vpow2.f32 v7;
	v63 =	vpop (erf)  }
0x3e8: {  	v0 =	vmul.f32 $1.442695020e+00, v0;
	(erf) = vpow2.f32 v49;
	v56 =	vpop (erf)  }
0x3e9: {  	v3 =	vmul.f32 $6.666667010e-02, v3;
	(erf) = vpow2.f32 v50;
	v50 =	vpop (erf)  }
0x3ea: {  	v12 =	vmul.f32 $1.442695020e+00, v12;
	(erf) = vpow2.f32 v51;
	v51 =	vpop (erf)  }
0x3eb: {  	v4 =	vmul.f32 $1.442695020e+00, v4;
	(erf) = vpow2.f32 v44;
	v44 =	vpop (erf)  }
0x3ec: {  	v13 =	vmul.f32 $1.442695020e+00, v13;
	(erf) = vpow2.f32 v15;
	v60 =	vpop (erf)  }
0x3ed: {  	v48 =	vmul.f32 $1.442695020e+00, v10;
	(erf) = vpow2.f32 v45;
	v45 =	vpop (erf)  }
0x3ee: {  	v24 =	vmul.f32 $1.442695020e+00, v14;
	(erf) = vpow2.f32 v12;
	v61 =	vpop (erf)  }
0x3ef: {  	v14 =	vmul.f32 $1.442695020e+00, v11;
	(erf) = vpow2.f32 v4;
	v4 =	vpop (erf)  }
0x3f0: {  	v3 =	vmul.f32 $1.442695020e+00, v3;
	(erf) = vpow2.f32 v13;
	v62 =	vpop (erf)  }
0x3f1: {  	v1 =	vmul.f32 $1.442695020e+00, v1;
	(erf) = vpow2.f32 v14;
	v7 =	vpop (erf)  }
0x3f2: {  	v2 =	vmul.f32 $1.442695020e+00, v2;
	(erf) = vpow2.f32 v48;
	v48 =	vpop (erf)  }
0x3f3: {  	v55 =	vmul.f32 $1.442695020e+00, v9;
	v9 =	vadd.f32 $1.000000000e+00, v23;
	(erf) = vpow2.f32 v24;
	v23 =	vpop (erf)  }
0x3f4: {  	v52 =	vmul.f32 $1.442695020e+00, v58;
	(erf) = vpow2.f32 v3;
	v3 =	vpop (erf)  }
0x3f5: {  	v58 =	vmul.f32 $1.442695020e+00, v46;
	v15 =	vadd.f32 $1.000000000e+00, v17;
	v17 =	vadd.f32 $1.000000000e+00, v19;
	v46 =	vpop (erf)  }
0x3f6: {  	v19 =	vadd.f32 $1.000000000e+00, v21;
	v21 =	vadd.f32 $1.000000000e+00, v5;
	(erf) = vpow2.f32 v54;
	v5 =	vpop (erf)  }
0x3f7: {  	v14 =	vadd.f32 $1.000000000e+00, v16;
	v16 =	vadd.f32 $1.000000000e+00, v18;
	(erf) = vpow2.f32 v2;
	v49 =	vpop (erf)  }
0x3f8: {  	v18 =	vadd.f32 $1.000000000e+00, v20;
	v20 =	vadd.f32 $1.000000000e+00, v6;
	(erf) = vpow2.f32 v55;
	v6 =	vpop (erf)  }
0x3f9: {  	v10 =	vadd.f32 $1.000000000e+00, v25;
	(erf) = vpow2.f32 v1;
	v1 =	vadd.f32 $1.000000000e+00, v6;
	v6 =	vpop (erf)  }
0x3fa: {  	v25 =	vadd.f32 $1.000000000e+00, v27;
	v27 =	vadd.f32 $1.000000000e+00, v29;
	(erf) = vpow2.f32 v52;
	v54 =	vpop (erf)  }
0x3fb: {  	v29 =	vadd.f32 $1.000000000e+00, v31;
	(erf) = vpow2.f32 v0;
	v0 =	vadd.f32 $1.000000000e+00, v54  }
0x3fc: {  	v53 =	vmul.f32 $1.442695020e+00, v53;
	v31 =	vadd.f32 $1.000000000e+00, v33;
	v33 =	vadd.f32 $1.000000000e+00, v39  }
0x3fd: {  	v11 =	vadd.f32 $1.000000000e+00, v35;
	v35 =	vadd.f32 $1.000000000e+00, v42;
	(erf) = vrcp.f32 v1;
	v1 =	vpop (erf)  }
0x3fe: {  	v42 =	vadd.f32 $1.000000000e+00, v44;
	v12 =	vadd.f32 $1.000000000e+00, v37;
	(erf) = vpow2.f32 v53;
	v55 =	vpop (erf)  }
0x3ff: {  	v37 =	vadd.f32 $1.000000000e+00, v57;
	v44 =	vadd.f32 $1.000000000e+00, v45;
	(erf) = vrcp.f32 v0;
	v0 =	vpop (erf)  }
0x400: {  	v13 =	vadd.f32 $1.000000000e+00, v38;
	v0 =	vadd.f32 $1.000000000e+00, v0  }
0x401: {  	v38 =	vadd.f32 $1.000000000e+00, v63;
	v63 =	vmul.f32 $1.442695020e+00, v41;
	v39 =	vadd.f32 $1.000000000e+00, v55;
	v53 =	vpop (erf)  }
0x402: {  	v41 =	vadd.f32 $1.000000000e+00, v51;
	v24 =	vadd.f32 $1.000000000e+00, v26;
	(erf) = vpow2.f32 v58;
	v58 =	vpop (erf)  }
0x403: {  	v2 =	vadd.f32 $1.000000000e+00, v47;
	v47 =	vmul.f32 $1.442695020e+00, v36;
	(erf) = vrcp.f32 v39;
	v54 =	vpop (erf)  }
0x404: {  	v26 =	vadd.f32 $1.000000000e+00, v28;
	(erf) = vrcp.f32 v0;
	v57 =	vadd.f32 $1.000000000e+00, v58;
	v0 =	vpop (erf)  }
0x405: {  	v28 =	vadd.f32 $1.000000000e+00, v30;
	v30 =	vadd.f32 $1.000000000e+00, v32;
	(erf) = vpow2.f32 v47;
	v51 =	vpop (erf)  }
0x406: {  	v32 =	vadd.f32 $1.000000000e+00, v34;
	(erf) = vrcp.f32 v57;
	v0 =	vadd.f32 $1.000000000e+00, v0;
	v58 =	vpop (erf)  }
0x407: {  	v34 =	vadd.f32 $1.000000000e+00, v40;
	v40 =	vadd.f32 $1.000000000e+00, v50;
	(erf) = vpow2.f32 v63;
	v50 =	vpop (erf)  }
0x408: {  	v36 =	vadd.f32 $1.000000000e+00, v43;
	(erf) = vrcp.f32 v0;
	v0 =	vmul.f32 $6.000000000e+01, v50  }
0x409: {  	v43 =	vadd.f32 $1.000000000e+00, v60;
	v47 =	vadd.f32 $1.000000000e+00, v4;
	v60 =	vpop (erf)  }
0x40a: {  	v4 =	vadd.f32 $1.000000000e+00, v60;
	v0 =	vsub.f32 $3.000000000e+01, v0  }
0x40b: {  	v45 =	vadd.f32 $1.000000000e+00, v61;
	v63 =	vadd.f32 $1.000000000e+00, v58;
	v61 =	vpop (erf)  }
0x40c: {  	v57 =	vadd.f32 $1.000000000e+00, v62;
	v62 =	vpop (erf);
	v0 =	vmul.f32 $1.442695020e+00, v0  }
0x40d: {  	(erf) = vrcp.f32 v63;
	v55 =	vadd.f32 $1.000000000e+00, v62  }
0x40e: {  	v50 =	vmul.f32 $6.000000000e+01, v61;
	(erf) = vrcp.f32 v4;
	v4 =	vpop (erf)  }
0x40f: {  	(erf) = vrcp.f32 v55;
	v63 =	vpop (erf);
	v4 =	vmul.f32 $6.000000000e+01, v4  }
0x410: {  	v51 =	vadd.f32 $1.000000000e+00, v51;
	v50 =	vsub.f32 $3.000000000e+01, v50;
	(erf) = vpow2.f32 v0;
	v0 =	vpop (erf)  }
0x411: {  	v4 =	vsub.f32 $3.000000000e+01, v4;
	v0 =	vadd.f32 $1.000000000e+00, v0  }
0x412: {  	v50 =	vmul.f32 $1.442695020e+00, v50;
	v55 =	vmul.f32 $6.000000000e+01, v63  }
0x413: {  	v39 =	vadd.f32 $1.000000000e+00, v56;
	(erf) = vrcp.f32 v51;
	v56 =	vpop (erf);
	v4 =	vmul.f32 $1.442695020e+00, v4  }
0x414: {  	(erf) = vpow2.f32 v50;
	v58 =	vpop (erf)  }
0x415: {  	v55 =	vsub.f32 $3.000000000e+01, v55;
	v51 =	vmul.f32 $6.000000000e+01, v56;
	(erf) = vrcp.f32 v0;
	v0 =	vpop (erf)  }
0x416: {  	v54 =	vadd.f32 $1.000000000e+00, v54;
	v50 =	vadd.f32 $1.000000000e+00, v58;
	v0 =	vmul.f32 $6.000000000e+01, v0  }
0x417: {  	v55 =	vmul.f32 $1.442695020e+00, v55;
	v51 =	vsub.f32 $3.000000000e+01, v51;
	(erf) = vpow2.f32 v4;
	v4 =	vpop (erf)  }
0x418: {  	(erf) = vrcp.f32 v50;
	v4 =	vmul.f32 $6.000000000e+01, v4;
	v0 =	vsub.f32 $3.000000000e+01, v0  }
0x419: {  	v53 =	vadd.f32 $1.000000000e+00, v53;
	v60 =	vmul.f32 $1.442695020e+00, v51;
	(erf) = vpow2.f32 v55  }
0x41a: {  	v61 =	vpop (erf);
	(erf) = vrcp.f32 v54;
	v4 =	vsub.f32 $3.000000000e+01, v4;
	v0 =	vmul.f32 $1.442695020e+00, v0  }
0x41b: {  	v51 =	vmul.f32 $6.000000000e+01, v61;
	(erf) = vpow2.f32 v60  }
0x41c: {  	v1 =	vadd.f32 $1.000000000e+00, v1;
	v62 =	vpop (erf);
	(erf) = vrcp.f32 v53;
	v4 =	vmul.f32 $1.442695020e+00, v4  }
0x41d: {  	v50 =	vmul.f32 $6.000000000e+01, v62;
	v63 =	vpop (erf);
	(erf) = vpow2.f32 v0  }
0x41e: {  	v6 =	vadd.f32 $1.000000000e+00, v6;
	v51 =	vsub.f32 $3.000000000e+01, v51;
	v0 =	vpop (erf);
	(erf) = vrcp.f32 v1  }
0x41f: {  	v1 =	vsub.f32 $3.000000000e+01, v50;
	v0 =	vmul.f32 $6.000000000e+01, v0;
	v53 =	vpop (erf);
	(erf) = vpow2.f32 v4  }
0x420: {  	v49 =	vadd.f32 $1.000000000e+00, v49;
	v58 =	vmul.f32 $1.442695020e+00, v51;
	v4 =	vpop (erf);
	(erf) = vrcp.f32 v6  }
0x421: {  	v1 =	vmul.f32 $1.442695020e+00, v1;
	v4 =	vmul.f32 $6.000000000e+01, v4;
	v0 =	vsub.f32 $3.000000000e+01, v0  }
0x422: {  	v5 =	vadd.f32 $1.000000000e+00, v5;
	v60 =	vpop (erf);
	(erf) = vpow2.f32 v58  }
0x423: {  	v6 =	vpop (erf);
	(erf) = vrcp.f32 v49;
	v4 =	vsub.f32 $3.000000000e+01, v4;
	v0 =	vmul.f32 $1.442695020e+00, v0  }
0x424: {  	v46 =	vadd.f32 $1.000000000e+00, v46;
	v6 =	vmul.f32 $6.000000000e+01, v6;
	v61 =	vpop (erf);
	(erf) = vpow2.f32 v1  }
0x425: {  	v62 =	vadd.f32 $0.0e+00, v63;
	v1 =	vpop (erf);
	(erf) = vrcp.f32 v5;
	v4 =	vmul.f32 $1.442695020e+00, v4  }
0x426: {  	v3 =	vadd.f32 $1.000000000e+00, v3;
	v1 =	vmul.f32 $6.000000000e+01, v1;
	v63 =	vpop (erf);
	(erf) = vpow2.f32 v0  }
0x427: {  	v5 =	vsub.f32 $3.000000000e+01, v6;
	v6 =	vadd.f32 v53, v62;
	v0 =	vpop (erf);
	(erf) = vrcp.f32 v46  }
0x428: {  	v1 =	vsub.f32 $3.000000000e+01, v1;
	v0 =	vmul.f32 $6.000000000e+01, v0;
	v53 =	vpop (erf);
	(erf) = vpow2.f32 v4  }
0x429: {  	v5 =	vmul.f32 $1.442695020e+00, v5;
	v6 =	vadd.f32 v60, v6;
	v4 =	vpop (erf);
	(erf) = vrcp.f32 v3  }
0x42a: {  	v1 =	vmul.f32 $1.442695020e+00, v1;
	v4 =	vmul.f32 $6.000000000e+01, v4;
	v55 =	vpop (erf);
	v0 =	vsub.f32 $3.000000000e+01, v0  }
0x42b: {  	v23 =	vadd.f32 $1.000000000e+00, v23;
	v52 =	vadd.f32 $1.000000000e+00, v7;
	(erf) = vpow2.f32 v5;
	v3 =	vpop (erf)  }
0x42c: {  	v3 =	vmul.f32 $6.000000000e+01, v3;
	v4 =	vsub.f32 $3.000000000e+01, v4;
	v0 =	vmul.f32 $1.442695020e+00, v0  }
0x42d: {  	v7 =	vadd.f32 $1.000000000e+00, v48;
	v5 =	vadd.f32 v61, v6;
	(erf) = vrcp.f32 v23;
	v6 =	vpop (erf)  }
0x42e: {  	(erf) = vpow2.f32 v1;
	v1 =	vpop (erf);
	v3 =	vsub.f32 $3.000000000e+01, v3;
	v4 =	vmul.f32 $1.442695020e+00, v4  }
0x42f: {  	v5 =	vadd.f32 v63, v5;
	(erf) = vrcp.f32 v7;
	v1 =	vmul.f32 $6.000000000e+01, v1;
	v23 =	vpop (erf)  }
0x430: {  	(erf) = vpow2.f32 v0;
	v0 =	vpop (erf);
	v3 =	vmul.f32 $1.442695020e+00, v3  }
0x431: {  	v5 =	vadd.f32 v53, v5;
	(erf) = vrcp.f32 v52;
	v1 =	vsub.f32 $3.000000000e+01, v1;
	v56 =	vpop (erf)  }
0x432: {  	v0 =	vmul.f32 $6.000000000e+01, v0;
	(erf) = vpow2.f32 v4;
	v4 =	vpop (erf)  }
0x433: {  	v5 =	vadd.f32 v55, v5;
	(erf) = vrcp.f32 v57;
	v1 =	vmul.f32 $1.442695020e+00, v1;
	v58 =	vpop (erf)  }
0x434: {  	v4 =	vmul.f32 $6.000000000e+01, v4;
	v0 =	vsub.f32 $3.000000000e+01, v0;
	(erf) = vpow2.f32 v3;
	v3 =	vpop (erf)  }
0x435: {  	v5 =	vadd.f32 v6, v5;
	(erf) = vrcp.f32 v47;
	v3 =	vmul.f32 $6.000000000e+01, v3  }
0x436: {  	v6 =	vpop (erf);
	v4 =	vsub.f32 $3.000000000e+01, v4;
	v0 =	vmul.f32 $1.442695020e+00, v0;
	(erf) = vpow2.f32 v1  }
0x437: {  	v1 =	vpop (erf);
	(erf) = vrcp.f32 v45  }
0x438: {  	v1 =	vmul.f32 $6.000000000e+01, v1;
	v3 =	vsub.f32 $3.000000000e+01, v3;
	v4 =	vmul.f32 $1.442695020e+00, v4  }
0x439: {  	v5 =	vadd.f32 v23, v5;
	v23 =	vpop (erf);
	(erf) = vpow2.f32 v0  }
0x43a: {  	v0 =	vpop (erf);
	(erf) = vrcp.f32 v44;
	v1 =	vsub.f32 $3.000000000e+01, v1;
	v3 =	vmul.f32 $1.442695020e+00, v3  }
0x43b: {  	v0 =	vmul.f32 $6.000000000e+01, v0;
	v60 =	vpop (erf);
	(erf) = vpow2.f32 v4  }
0x43c: {  	v5 =	vadd.f32 v56, v5;
	v4 =	vpop (erf);
	(erf) = vrcp.f32 v43;
	v1 =	vmul.f32 $1.442695020e+00, v1  }
0x43d: {  	v4 =	vmul.f32 $6.000000000e+01, v4;
	v61 =	vpop (erf);
	v0 =	vsub.f32 $3.000000000e+01, v0;
	(erf) = vpow2.f32 v3  }
0x43e: {  	v5 =	vadd.f32 v58, v5;
	v3 =	vpop (erf);
	(erf) = vrcp.f32 v42  }
0x43f: {  	v3 =	vmul.f32 $6.000000000e+01, v3;
	v4 =	vsub.f32 $3.000000000e+01, v4;
	v0 =	vmul.f32 $1.442695020e+00, v0  }
0x440: {  	v5 =	vadd.f32 v6, v5;
	v6 =	vpop (erf);
	(erf) = vpow2.f32 v1  }
0x441: {  	v1 =	vpop (erf);
	(erf) = vrcp.f32 v41;
	v3 =	vsub.f32 $3.000000000e+01, v3;
	v4 =	vmul.f32 $1.442695020e+00, v4  }
0x442: {  	v5 =	vadd.f32 v23, v5;
	v1 =	vmul.f32 $6.000000000e+01, v1;
	v23 =	vpop (erf);
	(erf) = vpow2.f32 v0  }
0x443: {  	v0 =	vpop (erf);
	(erf) = vrcp.f32 v40;
	v3 =	vmul.f32 $1.442695020e+00, v3  }
0x444: {  	v1 =	vsub.f32 $3.000000000e+01, v1;
	v0 =	vmul.f32 $6.000000000e+01, v0;
	v62 =	vpop (erf);
	(erf) = vpow2.f32 v4  }
0x445: {  	v5 =	vadd.f32 v60, v5;
	v4 =	vpop (erf);
	(erf) = vrcp.f32 v39  }
0x446: {  	v1 =	vmul.f32 $1.442695020e+00, v1;
	v4 =	vmul.f32 $6.000000000e+01, v4;
	v63 =	vpop (erf);
	v0 =	vsub.f32 $3.000000000e+01, v0  }
0x447: {  	v5 =	vadd.f32 v61, v5;
	(erf) = vpow2.f32 v3;
	v3 =	vpop (erf)  }
0x448: {  	v3 =	vmul.f32 $6.000000000e+01, v3;
	v4 =	vsub.f32 $3.000000000e+01, v4;
	v0 =	vmul.f32 $1.442695020e+00, v0  }
0x449: {  	v5 =	vadd.f32 v6, v5;
	(erf) = vrcp.f32 v38;
	v6 =	vpop (erf)  }
0x44a: {  	(erf) = vpow2.f32 v1;
	v1 =	vpop (erf);
	v3 =	vsub.f32 $3.000000000e+01, v3;
	v4 =	vmul.f32 $1.442695020e+00, v4  }
0x44b: {  	v5 =	vadd.f32 v23, v5;
	(erf) = vrcp.f32 v37;
	v1 =	vmul.f32 $6.000000000e+01, v1;
	v23 =	vpop (erf)  }
0x44c: {  	(erf) = vpow2.f32 v0;
	v0 =	vpop (erf);
	v3 =	vmul.f32 $1.442695020e+00, v3  }
0x44d: {  	s31 =	simm.s32 $0x400;
	v5 =	vadd.f32 v62, v5;
	(erf) = vrcp.f32 v36;
	v1 =	vsub.f32 $3.000000000e+01, v1;
	v42 =	vpop (erf)  }
0x44e: {  	v51 =	vld.idx.msk [tilespmem:v59+s31+$0x4230 ss:$0x1], $0xffff;
	v0 =	vmul.f32 $6.000000000e+01, v0;
	(erf) = vpow2.f32 v4;
	v4 =	vpop (erf)  }
0x44f: {  	v5 =	vadd.f32 v63, v5;
	(erf) = vrcp.f32 v35;
	v1 =	vmul.f32 $1.442695020e+00, v1;
	v43 =	vpop (erf)  }
0x450: {  	v49 =	vld.idx.msk [tilespmem:v59+s31+$0x4250 ss:$0x1], $0xffff;
	v4 =	vmul.f32 $6.000000000e+01, v4;
	v0 =	vsub.f32 $3.000000000e+01, v0;
	(erf) = vpow2.f32 v3;
	v3 =	vpop (erf)  }
0x451: {  	v5 =	vadd.f32 v6, v5;
	(erf) = vrcp.f32 v34;
	v3 =	vmul.f32 $6.000000000e+01, v3  }
0x452: {  	v6 =	vpop (erf);
	v4 =	vsub.f32 $3.000000000e+01, v4;
	v0 =	vmul.f32 $1.442695020e+00, v0;
	(erf) = vpow2.f32 v1  }
0x453: {  	v57 =	vmul.f32 $6.666667010e-02, v51;
	v5 =	vadd.f32 v23, v5;
	v1 =	vpop (erf);
	(erf) = vrcp.f32 v33  }
0x454: {  	v1 =	vmul.f32 $6.000000000e+01, v1;
	v3 =	vsub.f32 $3.000000000e+01, v3;
	v4 =	vmul.f32 $1.442695020e+00, v4  }
0x455: {  	v47 =	vld.idx.msk [tilespmem:v59+s31+$0x4290 ss:$0x1], $0xffff;
	v35 =	vmul.f32 $6.666667010e-02, v49;
	v5 =	vadd.f32 v42, v5;
	v23 =	vpop (erf);
	(erf) = vpow2.f32 v0  }
0x456: {  	v0 =	vpop (erf);
	(erf) = vrcp.f32 v32;
	v1 =	vsub.f32 $3.000000000e+01, v1;
	v3 =	vmul.f32 $1.442695020e+00, v3  }
0x457: {  	v52 =	vld.idx.msk [tilespmem:v59+s31+$0x4220 ss:$0x1], $0xffff;
	v0 =	vmul.f32 $6.000000000e+01, v0;
	v44 =	vpop (erf);
	(erf) = vpow2.f32 v4  }
0x458: {  	v5 =	vadd.f32 v43, v5;
	v4 =	vpop (erf);
	(erf) = vrcp.f32 v31;
	v1 =	vmul.f32 $1.442695020e+00, v1  }
0x459: {  	v4 =	vmul.f32 $6.000000000e+01, v4;
	v45 =	vpop (erf);
	v0 =	vsub.f32 $3.000000000e+01, v0;
	(erf) = vpow2.f32 v3  }
0x45a: {  	v33 =	vmul.f32 $6.666667010e-02, v47;
	v5 =	vadd.f32 v6, v5;
	v3 =	vpop (erf);
	(erf) = vrcp.f32 v30  }
0x45b: {  	v3 =	vmul.f32 $6.000000000e+01, v3;
	v4 =	vsub.f32 $3.000000000e+01, v4;
	v0 =	vmul.f32 $1.442695020e+00, v0  }
0x45c: {  	v34 =	vld.idx.msk [tilespmem:v59+s31+$0x4130 ss:$0x1], $0xffff;
	v5 =	vadd.f32 v23, v5;
	v32 =	vmul.f32 $6.666667010e-02, v52;
	v6 =	vpop (erf);
	(erf) = vpow2.f32 v1  }
0x45d: {  	v1 =	vpop (erf);
	(erf) = vrcp.f32 v29;
	v3 =	vsub.f32 $3.000000000e+01, v3;
	v4 =	vmul.f32 $1.442695020e+00, v4  }
0x45e: {  	v31 =	vld.idx.msk [tilespmem:v59+s31+$0x42B0 ss:$0x1], $0xffff;
	v1 =	vmul.f32 $6.000000000e+01, v1;
	v23 =	vpop (erf);
	(erf) = vpow2.f32 v0  }
0x45f: {  	v5 =	vadd.f32 v44, v5;
	v0 =	vpop (erf);
	(erf) = vrcp.f32 v28;
	v3 =	vmul.f32 $1.442695020e+00, v3  }
0x460: {  	v1 =	vsub.f32 $3.000000000e+01, v1;
	v0 =	vmul.f32 $6.000000000e+01, v0;
	v29 =	vpop (erf);
	(erf) = vpow2.f32 v4  }
0x461: {  	v52 =	vmul.f32 $6.666667010e-02, v34;
	v5 =	vadd.f32 v45, v5;
	v4 =	vpop (erf);
	(erf) = vrcp.f32 v27  }
0x462: {  	v1 =	vmul.f32 $1.442695020e+00, v1;
	v4 =	vmul.f32 $6.000000000e+01, v4;
	v0 =	vsub.f32 $3.000000000e+01, v0  }
0x463: {  	v5 =	vadd.f32 v6, v5;
	v31 =	vmul.f32 $6.666667010e-02, v31;
	v28 =	vpop (erf);
	(erf) = vpow2.f32 v3  }
0x464: {  	v3 =	vpop (erf);
	(erf) = vrcp.f32 v26;
	v4 =	vsub.f32 $3.000000000e+01, v4;
	v0 =	vmul.f32 $1.442695020e+00, v0  }
0x465: {  	v3 =	vmul.f32 $6.000000000e+01, v3;
	v6 =	vpop (erf);
	(erf) = vpow2.f32 v1  }
0x466: {  	v5 =	vadd.f32 v23, v5;
	v1 =	vpop (erf);
	(erf) = vrcp.f32 v25;
	v4 =	vmul.f32 $1.442695020e+00, v4  }
0x467: {  	v22 =	vadd.f32 $1.000000000e+00, v22;
	v44 =	vld.idx.msk [tilespmem:v59+s31+$0x40F0 ss:$0x1], $0xffff;
	v1 =	vmul.f32 $6.000000000e+01, v1;
	v23 =	vpop (erf);
	(erf) = vpow2.f32 v0  }
0x468: {  	v5 =	vadd.f32 v29, v5;
	v3 =	vsub.f32 $3.000000000e+01, v3;
	v0 =	vpop (erf);
	(erf) = vrcp.f32 v24  }
0x469: {  	v29 =	vld.idx.msk [tilespmem:v59+s31+$0x42D0 ss:$0x1], $0xffff;
	v1 =	vsub.f32 $3.000000000e+01, v1;
	v0 =	vmul.f32 $6.000000000e+01, v0;
	v25 =	vpop (erf);
	(erf) = vpow2.f32 v4  }
0x46a: {  	v5 =	vadd.f32 v28, v5;
	v3 =	vmul.f32 $1.442695020e+00, v3;
	v4 =	vpop (erf);
	(erf) = vrcp.f32 v2  }
0x46b: {  	v1 =	vmul.f32 $1.442695020e+00, v1;
	v4 =	vmul.f32 $6.000000000e+01, v4;
	v24 =	vpop (erf);
	v0 =	vsub.f32 $3.000000000e+01, v0  }
0x46c: {  	v34 =	vmul.f32 $6.666667010e-02, v44;
	(erf) = vpow2.f32 v3;
	v3 =	vadd.f32 v6, v5;
	v2 =	vpop (erf)  }
0x46d: {  	v2 =	vmul.f32 $6.000000000e+01, v2;
	v4 =	vsub.f32 $3.000000000e+01, v4;
	v0 =	vmul.f32 $1.442695020e+00, v0  }
0x46e: {  	v29 =	vmul.f32 $6.666667010e-02, v29;
	(erf) = vrcp.f32 v22;
	v5 =	vpop (erf);
	v3 =	vadd.f32 v23, v3  }
0x46f: {  	(erf) = vpow2.f32 v1;
	v1 =	vpop (erf);
	v2 =	vsub.f32 $3.000000000e+01, v2;
	v4 =	vmul.f32 $1.442695020e+00, v4  }
0x470: {  	(erf) = vrcp.f32 v21;
	v1 =	vmul.f32 $6.000000000e+01, v1;
	v6 =	vpop (erf);
	v3 =	vadd.f32 v25, v3  }
0x471: {  	(erf) = vpow2.f32 v0;
	v0 =	vpop (erf);
	v2 =	vmul.f32 $1.442695020e+00, v2  }
0x472: {  	(erf) = vrcp.f32 v20;
	v1 =	vsub.f32 $3.000000000e+01, v1;
	v3 =	vadd.f32 v24, v3;
	v21 =	vpop (erf)  }
0x473: {  	v22 =	vld.idx.msk [tilespmem:v59+s31+$0x43B0 ss:$0x1], $0xffff;
	v0 =	vmul.f32 $6.000000000e+01, v0;
	(erf) = vpow2.f32 v4;
	v4 =	vpop (erf)  }
0x474: {  	(erf) = vrcp.f32 v19;
	v1 =	vmul.f32 $1.442695020e+00, v1;
	v3 =	vadd.f32 v5, v3;
	v20 =	vpop (erf)  }
0x475: {  	v4 =	vmul.f32 $6.000000000e+01, v4;
	v0 =	vsub.f32 $3.000000000e+01, v0;
	(erf) = vpow2.f32 v2;
	v2 =	vpop (erf)  }
0x476: {  	(erf) = vrcp.f32 v18;
	v3 =	vadd.f32 v6, v3;
	v2 =	vmul.f32 $6.000000000e+01, v2  }
0x477: {  	v5 =	vpop (erf);
	v4 =	vsub.f32 $3.000000000e+01, v4;
	v0 =	vmul.f32 $1.442695020e+00, v0;
	(erf) = vpow2.f32 v1  }
0x478: {  	v22 =	vmul.f32 $6.666667010e-02, v22;
	v19 =	vld.idx.msk [tilespmem:v59+s31+$0x43C0 ss:$0x1], $0xffff;
	v1 =	vpop (erf);
	(erf) = vrcp.f32 v17  }
0x479: {  	v3 =	vadd.f32 v21, v3;
	v2 =	vsub.f32 $3.000000000e+01, v2;
	v4 =	vmul.f32 $1.442695020e+00, v4  }
0x47a: {  	v1 =	vmul.f32 $6.000000000e+01, v1;
	v18 =	vpop (erf);
	(erf) = vpow2.f32 v0  }
0x47b: {  	v3 =	vadd.f32 v20, v3;
	v0 =	vpop (erf);
	(erf) = vrcp.f32 v16;
	v2 =	vmul.f32 $1.442695020e+00, v2  }
0x47c: {  	v1 =	vsub.f32 $3.000000000e+01, v1;
	v16 =	vld.idx.msk [tilespmem:v59+s31+$0x43A0 ss:$0x1], $0xffff;
	v0 =	vmul.f32 $6.000000000e+01, v0;
	v21 =	vpop (erf);
	(erf) = vpow2.f32 v4  }
0x47d: {  	v19 =	vmul.f32 $6.666667010e-02, v19;
	v3 =	vadd.f32 v5, v3;
	v5 =	vld.idx.msk [tilespmem:v59+s31+$0x4380 ss:$0x1], $0xffff;
	v4 =	vpop (erf);
	(erf) = vrcp.f32 v15  }
0x47e: {  	v1 =	vmul.f32 $1.442695020e+00, v1;
	v20 =	vpop (erf);
	v0 =	vsub.f32 $3.000000000e+01, v0;
	(erf) = vpow2.f32 v2  }
0x47f: {  	v15 =	vld.idx.msk [tilespmem:v59+s31+$0x4390 ss:$0x1], $0xffff;
	v4 =	vmul.f32 $6.000000000e+01, v4;
	v2 =	vpop (erf);
	(erf) = vrcp.f32 v14  }
0x480: {  	v3 =	vadd.f32 v18, v3;
	v18 =	vld.idx.msk [tilespmem:v59+s31+$0x4360 ss:$0x1], $0xffff;
	v2 =	vmul.f32 $6.000000000e+01, v2;
	v0 =	vmul.f32 $1.442695020e+00, v0  }
0x481: {  	v23 =	vpop (erf);
	v4 =	vsub.f32 $3.000000000e+01, v4;
	(erf) = vpow2.f32 v1;
	v16 =	vmul.f32 $6.666667010e-02, v16  }
0x482: {  	v3 =	vadd.f32 v21, v3;
	v1 =	vpop (erf);
	(erf) = vrcp.f32 v13;
	v5 =	vmul.f32 $6.666667010e-02, v5  }
0x483: {  	v1 =	vmul.f32 $6.000000000e+01, v1;
	v2 =	vsub.f32 $3.000000000e+01, v2;
	v4 =	vmul.f32 $1.442695020e+00, v4  }
0x484: {  	v24 =	vpop (erf);
	(erf) = vpow2.f32 v0;
	v3 =	vadd.f32 v20, v3;
	v15 =	vmul.f32 $6.666667010e-02, v15  }
0x485: {  	v16 =	vmul.f32 $1.442695020e+00, v16;
	v18 =	vmul.f32 $6.666667010e-02, v18  }
0x486: {  	v0 =	vpop (erf);
	v1 =	vsub.f32 $3.000000000e+01, v1;
	v2 =	vmul.f32 $1.442695020e+00, v2;
	v3 =	vadd.f32 v23, v3  }
0x487: {  	(erf) = vrcp.f32 v12;
	v0 =	vmul.f32 $6.000000000e+01, v0;
	v25 =	vpop (erf)  }
0x488: {  	(erf) = vpow2.f32 v4;
	v4 =	vpop (erf);
	v1 =	vmul.f32 $1.442695020e+00, v1;
	v3 =	vadd.f32 v24, v3  }
0x489: {  	v5 =	vmul.f32 $1.442695020e+00, v5;
	(erf) = vrcp.f32 v11;
	v26 =	vpop (erf);
	v0 =	vsub.f32 $3.000000000e+01, v0  }
0x48a: {  	v4 =	vmul.f32 $6.000000000e+01, v4;
	(erf) = vpow2.f32 v2;
	v2 =	vpop (erf);
	v3 =	vadd.f32 v25, v3  }
0x48b: {  	v8 =	vadd.f32 $1.000000000e+00, v8;
	(erf) = vrcp.f32 v10;
	v27 =	vpop (erf);
	v0 =	vmul.f32 $1.442695020e+00, v0  }
0x48c: {  	v2 =	vmul.f32 $6.000000000e+01, v2;
	(erf) = vpow2.f32 v1;
	v1 =	vpop (erf);
	v3 =	vadd.f32 v26, v3  }
0x48d: {  	v4 =	vsub.f32 $3.000000000e+01, v4;
	(erf) = vrcp.f32 v9;
	v1 =	vmul.f32 $6.000000000e+01, v1  }
0x48e: {  	v14 =	vld.idx.msk [tilespmem:v59+s31+$0x4370 ss:$0x1], $0xffff;
	v28 =	vpop (erf);
	v2 =	vsub.f32 $3.000000000e+01, v2;
	(erf) = vpow2.f32 v0;
	v3 =	vadd.f32 v27, v3  }
0x48f: {  	v4 =	vmul.f32 $1.442695020e+00, v4;
	(erf) = vrcp.f32 v8;
	v0 =	vpop (erf);
	v1 =	vsub.f32 $3.000000000e+01, v1  }
0x490: {  	v6 =	vld.idx.msk [tilespmem:v59+s31+$0x43E0 ss:$0x1], $0xffff;
	v2 =	vmul.f32 $1.442695020e+00, v2;
	v30 =	vpop (erf);
	v0 =	vmul.f32 $6.000000000e+01, v0;
	v3 =	vadd.f32 v28, v3  }
0x491: {  	v48 =	vld.idx.msk [tilespmem:v59+s31+$0x4270 ss:$0x1], $0xffff;
	(erf) = vpow2.f32 v4;
	v8 =	vpop (erf);
	v1 =	vmul.f32 $1.442695020e+00, v1  }
0x492: {  	v17 =	vld.idx.msk [tilespmem:v59+s31+$0x43D0 ss:$0x1], $0xffff;
	v4 =	vmul.f32 $6.000000000e+01, v8;
	v0 =	vsub.f32 $3.000000000e+01, v0;
	v3 =	vadd.f32 v30, v3  }
0x493: {  	v21 =	vld.idx.msk [tilespmem:v59+s31+$0x4340 ss:$0x1], $0xffff;
	v14 =	vmul.f32 $6.666667010e-02, v14;
	(erf) = vpow2.f32 v2;
	v46 =	vpop (erf)  }
0x494: {  	v13 =	vld.idx.msk [tilespmem:v59+s31+$0x4350 ss:$0x1], $0xffff;
	v2 =	vpop (erf);
	v4 =	vsub.f32 $3.000000000e+01, v4;
	v0 =	vmul.f32 $1.442695020e+00, v0;
	v3 =	vadd.f32 v46, v3  }
0x495: {  	v51 =	vld.idx.msk [tilespmem:v59+s31+$0x40E0 ss:$0x1], $0xffff;
	v8 =	vmul.f32 $6.666667010e-02, v6;
	v2 =	vmul.f32 $6.000000000e+01, v2;
	v6 =	vpop (erf)  }
0x496: {  	v12 =	vld.idx.msk [tilespmem:v59+s31+$0x4330 ss:$0x1], $0xffff;
	(erf) = vpow2.f32 v1;
	v1 =	vpop (erf);
	v4 =	vmul.f32 $1.442695020e+00, v4;
	v3 =	vadd.f32 v6, v3  }
0x497: {  	v63 =	vld.idx.msk [tilespmem:v59+s31+$0x4100 ss:$0x1], $0xffff;
	v9 =	vmul.f32 $6.666667010e-02, v17;
	v1 =	vmul.f32 $6.000000000e+01, v1;
	v17 =	vpop (erf);
	v2 =	vsub.f32 $3.000000000e+01, v2  }
0x498: {  	v21 =	vmul.f32 $6.666667010e-02, v21;
	v11 =	vld.idx.msk [tilespmem:v59+s31+$0x4310 ss:$0x1], $0xffff;
	(erf) = vpow2.f32 v0;
	v0 =	vpop (erf);
	v3 =	vadd.f32 v17, v3  }
0x499: {  	v20 =	vld.idx.msk [tilespmem:v59+s31+$0x4320 ss:$0x1], $0xffff;
	v36 =	vmul.f32 $6.666667010e-02, v13;
	v1 =	vsub.f32 $3.000000000e+01, v1;
	v2 =	vmul.f32 $1.442695020e+00, v2;
	v50 =	vpop (erf)  }
0x49a: {  	v23 =	vld.idx.msk [tilespmem:v59+s31+$0x4300 ss:$0x1], $0xffff;
	(erf) = vpow2.f32 v4;
	v0 =	vmul.f32 $6.000000000e+01, v0;
	v4 =	vpop (erf);
	v3 =	vadd.f32 v50, v3  }
0x49b: {  	v24 =	vld.idx.msk [tilespmem:v59+s31+$0x42E0 ss:$0x1], $0xffff;
	v40 =	vmul.f32 $6.666667010e-02, v12;
	v1 =	vmul.f32 $1.442695020e+00, v1;
	v13 =	vpop (erf)  }
0x49c: {  	v10 =	vld.idx.msk [tilespmem:v59+s31+$0x42F0 ss:$0x1], $0xffff;
	(erf) = vpow2.f32 v2;
	v0 =	vsub.f32 $3.000000000e+01, v0;
	v3 =	vadd.f32 v13, v3  }
0x49d: {  	v25 =	vld.idx.msk [tilespmem:v59+s31+$0x42C0 ss:$0x1], $0xffff;
	v41 =	vmul.f32 $6.666667010e-02, v11;
	v4 =	vmul.f32 $6.000000000e+01, v4;
	v11 =	vpop (erf)  }
0x49e: {  	v12 =	vld.idx.msk [tilespmem:v59+s31+$0x4190 ss:$0x1], $0xffff;
	(erf) = vpow2.f32 v1;
	v0 =	vmul.f32 $1.442695020e+00, v0;
	v3 =	vadd.f32 v11, v3  }
0x49f: {  	v14 =	vmul.f32 $1.442695020e+00, v14;
	v20 =	vmul.f32 $6.666667010e-02, v20;
	v17 =	vld.idx.msk [tilespmem:v59+s31+$0x41D0 ss:$0x1], $0xffff;
	v4 =	vsub.f32 $3.000000000e+01, v4;
	v11 =	vpop (erf)  }
0x4a0: {  	v23 =	vmul.f32 $6.666667010e-02, v23;
	v2 =	vld.idx.msk [tilespmem:v59+s31+$0x4200 ss:$0x1], $0xffff;
	(erf) = vpow2.f32 v0;
	v3 =	vadd.f32 v11, v3  }
0x4a1: {  	v24 =	vmul.f32 $6.666667010e-02, v24;
	v13 =	vld.idx.msk [tilespmem:v59+s31+$0x4180 ss:$0x1], $0xffff;
	v4 =	vmul.f32 $1.442695020e+00, v4;
	v54 =	vpop (erf)  }
0x4a2: {  	v26 =	vld.idx.msk [tilespmem:v59+s31+$0x42A0 ss:$0x1], $0xffff;
	v9 =	vmul.f32 $1.442695020e+00, v9;
	v42 =	vmul.f32 $6.666667010e-02, v10;
	v3 =	vadd.f32 v54, v3  }
0x4a3: {  	v27 =	vld.idx.msk [tilespmem:v59+s31+$0x4280 ss:$0x1], $0xffff;
	v25 =	vmul.f32 $6.666667010e-02, v25;
	(erf) = vpow2.f32 v4;
	v55 =	vpop (erf)  }
0x4a4: {  	v10 =	vld.idx.msk [tilespmem:v59+s31+$0x4170 ss:$0x1], $0xffff;
	v58 =	vmul.f32 $6.666667010e-02, v12;
	v46 =	vmul.f32 $6.666667010e-02, v48;
	v3 =	vadd.f32 v55, v3  }
0x4a5: {  	v8 =	vmul.f32 $1.442695020e+00, v8;
	v50 =	vmul.f32 $6.666667010e-02, v17;
	v11 =	vld.idx.msk [tilespmem:v59+s31+$0x4150 ss:$0x1], $0xffff;
	v62 =	vpop (erf)  }
0x4a6: {  	v56 =	vmul.f32 $6.666667010e-02, v2;
	v48 =	vmul.f32 $6.666667010e-02, v13;
	v13 =	vld.idx.msk [tilespmem:v59+s31+$0x40C0 ss:$0x1], $0xffff;
	v3 =	vadd.f32 v62, v3  }
0x4a7: {  	v2 =	vmul.f32 $6.666667010e-02, v63;
	(erf) = vpow2.f32 v8;
	v8 =	vld.idx.msk [tilespmem:v59+s31+$0x4060 ss:$0x1], $0xffff;
	v17 =	vpop (erf)  }
0x4a8: {  	v26 =	vmul.f32 $6.666667010e-02, v26;
	v27 =	vmul.f32 $6.666667010e-02, v27;
	v3 =	vadd.f32 v17, v3;
	v17 =	vld.idx.msk [tilespmem:v59+s31+$0x40D0 ss:$0x1], $0xffff  }
0x4a9: {  	[tilespmem:$0x1FE70] =	vst v2;
	v2 =	vmul.f32 $6.666667010e-02, v51;
	v54 =	vmul.f32 $6.666667010e-02, v10;
	v12 =	vpop (erf)  }
0x4aa: {  	(erf) = vpow2.f32 v9;
	v55 =	vmul.f32 $6.666667010e-02, v11;
	v3 =	vadd.f32 v12, v3;
	v12 =	vld.idx.msk [tilespmem:v59+s31+$0x40A0 ss:$0x1], $0xffff  }
0x4ab: {  	[tilespmem:$0x1FE80] =	vst v2;
	v9 =	vld.idx.msk [tilespmem:v59+s31+$0x4050 ss:$0x1], $0xffff;
	v2 =	vmul.f32 $6.666667010e-02, v13;
	v13 =	vmul.f32 $1.442695020e+00, v19  }
0x4ac: {  	v11 =	vld.idx.msk [tilespmem:v59+s31+$0x40B0 ss:$0x1], $0xffff;
	v7 =	vmul.f32 $6.666667010e-02, v8;
	v8 =	vmul.f32 $1.442695020e+00, v21;
	v10 =	vpop (erf)  }
0x4ad: {  	v19 =	vld.idx.msk [tilespmem:v59+s31+$0x4040 ss:$0x1], $0xffff;
	[tilespmem:$0x1FEA0] =	vst v2;
	v10 =	vnsel vm8, $0x0, v10;
	v2 =	vmul.f32 $6.666667010e-02, v17;
	v17 =	vmul.f32 $1.442695020e+00, v22  }
0x4ae: {  	(erf) = vpow2.f32 v13;
	v13 =	vmul.f32 $1.442695020e+00, v15;
	v3 =	vadd.f32 v10, v3;
	v10 =	vld.idx.msk [tilespmem:v59+s31+$0x4090 ss:$0x1], $0xffff  }
0x4af: {  	[tilespmem:$0x1FE90] =	vst v2;
	v2 =	vmul.f32 $6.666667010e-02, v12;
	v12 =	vld.idx.msk [tilespmem:v59+s31+$0x4080 ss:$0x1], $0xffff;
	(erf) = vpow2.f32 v17  }
0x4b0: {  	v21 =	vmul.f32 $1.442695020e+00, v41;
	(xrf2) =	vadd.scan.msk.f32 $0xffff, v3;
	(erf) = vpow2.f32 v16;
	v16 =	vld.idx.msk [tilespmem:v59+s31+$0x4020 ss:$0x1], $0xffff  }
0x4b1: {  	[tilespmem:$0x1FEC0] =	vst v2;
	v2 =	vmul.f32 $6.666667010e-02, v11;
	v11 =	vld.idx.msk [tilespmem:v59+s31+$0x4070 ss:$0x1], $0xffff;
	(erf) = vpow2.f32 v13  }
0x4b2: {  	v3 =	vmul.f32 $6.666667010e-02, v9;
	(erf) = vpow2.f32 v5;
	v5 =	vld.idx.msk [tilespmem:v59+s31+$0x4000 ss:$0x1], $0xffff  }
0x4b3: {  	v17 =	vld.idx.msk [tilespmem:v59+s31+$0x4030 ss:$0x1], $0xffff;
	v37 =	vmul.f32 $6.666667010e-02, v10;
	(erf) = vpow2.f32 v14  }
0x4b4: {  	v14 =	vmul.f32 $6.666667010e-02, v19;
	v19 =	vmul.f32 $1.442695020e+00, v40  }
0x4b5: {  	v51 =	vmul.f32 $6.666667010e-02, v12;
	v12 =	vmul.f32 $6.666667010e-02, v16  }
0x4b6: {  	v16 =	vmul.f32 $1.442695020e+00, v36;
	v49 =	vmul.f32 $6.666667010e-02, v11  }
0x4b7: {  	v22 =	vld.idx.msk [tilespmem:v59+s31+$0x4010 ss:$0x1], $0xffff;
	v9 =	vmul.f32 $6.666667010e-02, v5;
	v5 =	vmul.f32 $1.442695020e+00, v18  }
0x4b8: {  	v11 =	vmul.f32 $6.666667010e-02, v17;
	v18 =	vmul.f32 $1.442695020e+00, v20  }
0x4b9: {  	v20 =	vmul.f32 $1.442695020e+00, v23;
	(erf) = vpow2.f32 v5  }
0x4ba: {  	v23 =	vmul.f32 $1.442695020e+00, v42;
	v10, _, _ =	vpop (xrf2);
	(erf) = vpow2.f32 v16  }
0x4bb: {  	v17 =	vpop (erf);
	v44 =	vbroadcast v10, $0xF;
	(erf) = vpow2.f32 v8  }
0x4bc: {  	v28 =	vld.idx.msk [tilespmem:v59+s31+$0x4260 ss:$0x1], $0xffff;
	v10 =	vmul.f32 $6.666667010e-02, v22;
	v16 =	vpop (erf);
	(erf) = vpow2.f32 v19  }
0x4bd: {  	v22 =	vmul.f32 $1.442695020e+00, v24;
	v19 =	vpop (erf);
	(erf) = vpow2.f32 v18  }
0x4be: {  	v30 =	vld.idx.msk [tilespmem:v59+s31+$0x4240 ss:$0x1], $0xffff;
	v24 =	vmul.f32 $1.442695020e+00, v25;
	v18 =	vpop (erf);
	(erf) = vpow2.f32 v21  }
0x4bf: {  	v25 =	vmul.f32 $1.442695020e+00, v29;
	v21 =	vpop (erf);
	(erf) = vpow2.f32 v20  }
0x4c0: {  	v26 =	vmul.f32 $1.442695020e+00, v26;
	v20 =	vpop (erf);
	(erf) = vpow2.f32 v23  }
0x4c1: {  	v28 =	vmul.f32 $6.666667010e-02, v28;
	v23 =	vpop (erf);
	(erf) = vpow2.f32 v22  }
0x4c2: {  	v29 =	vmul.f32 $1.442695020e+00, v31;
	v22 =	vpop (erf);
	(erf) = vpow2.f32 v25  }
0x4c3: {  	v30 =	vmul.f32 $6.666667010e-02, v30;
	v25 =	vpop (erf);
	(erf) = vpow2.f32 v24  }
0x4c4: {  	v31 =	vmul.f32 $1.442695020e+00, v33;
	v24 =	vpop (erf);
	(erf) = vpow2.f32 v29  }
0x4c5: {  	v33 =	vmul.f32 $1.442695020e+00, v27;
	v27 =	vpop (erf);
	(erf) = vpow2.f32 v26  }
0x4c6: {  	v36 =	vmul.f32 $1.442695020e+00, v46;
	v26 =	vpop (erf);
	(erf) = vpow2.f32 v31  }
0x4c7: {  	v40 =	vmul.f32 $1.442695020e+00, v28;
	v29 =	vpop (erf);
	(erf) = vpow2.f32 v33  }
0x4c8: {  	v35 =	vmul.f32 $1.442695020e+00, v35;
	v28 =	vpop (erf);
	(erf) = vpow2.f32 v36  }
0x4c9: {  	v41 =	vmul.f32 $1.442695020e+00, v30;
	v31 =	vpop (erf);
	(erf) = vpow2.f32 v40  }
0x4ca: {  	v46 =	vmul.f32 $1.442695020e+00, v57;
	v30 =	vpop (erf);
	(erf) = vpow2.f32 v35  }
0x4cb: {  	v5 =	vmul.f32 $1.442695020e+00, v32;
	v33 =	vpop (erf);
	(erf) = vpow2.f32 v41  }
0x4cc: {  	v53 =	vld.idx.msk [tilespmem:v59+s31+$0x4210 ss:$0x1], $0xffff;
	v32 =	vpop (erf);
	(erf) = vpow2.f32 v46  }
0x4cd: {  	(erf) = vpow2.f32 v5;
	v5 =	vld [tilespmem:$0x1FE80]  }
0x4ce: {  	v60 =	vld.idx.msk [tilespmem:v59+s31+$0x4120 ss:$0x1], $0xffff  }
0x4cf: {  	v39 =	vld.idx.msk [tilespmem:v59+s31+$0x41A0 ss:$0x1], $0xffff  }
0x4d0: {  	v43 =	vld.idx.msk [tilespmem:v59+s31+$0x4160 ss:$0x1], $0xffff  }
0x4d1: {  	v38 =	vmul.f32 $6.666667010e-02, v53;
	v6 =	vld.idx.msk [tilespmem:v59+s31+$0x41F0 ss:$0x1], $0xffff  }
0x4d2: {  	v8 =	vmul.f32 $1.442695020e+00, v50;
	v50 =	vmul.f32 $1.442695020e+00, v5;
	v5 =	vld [tilespmem:$0x1FE90]  }
0x4d3: {  	v45 =	vld.idx.msk [tilespmem:v59+s31+$0x4140 ss:$0x1], $0xffff  }
0x4d4: {  	v38 =	vmul.f32 $1.442695020e+00, v38;
	v1 =	vld.idx.msk [tilespmem:v59+s31+$0x41E0 ss:$0x1], $0xffff  }
0x4d5: {  	v39 =	vmul.f32 $6.666667010e-02, v39;
	v47 =	vmul.f32 $6.666667010e-02, v60;
	v0 =	vld.idx.msk [tilespmem:v59+s31+$0x41C0 ss:$0x1], $0xffff  }
0x4d6: {  	v43 =	vmul.f32 $6.666667010e-02, v43;
	v6 =	vmul.f32 $6.666667010e-02, v6  }
0x4d7: {  	[tilespmem:$0x1FEB0] =	vst v2;
	v2 =	vmul.f32 $1.442695020e+00, v39;
	v39 =	vmul.f32 $1.442695020e+00, v5;
	v5 =	vld [tilespmem:$0x1FEA0]  }
0x4d8: {  	v61 =	vld.idx.msk [tilespmem:v59+s31+$0x4110 ss:$0x1], $0xffff;
	v52 =	vmul.f32 $1.442695020e+00, v52;
	v60 =	vmul.f32 $1.442695020e+00, v43  }
0x4d9: {  	v45 =	vmul.f32 $6.666667010e-02, v45;
	v6 =	vmul.f32 $1.442695020e+00, v6;
	v4 =	vld.idx.msk [tilespmem:v59+s31+$0x41B0 ss:$0x1], $0xffff  }
0x4da: {  	v1 =	vmul.f32 $6.666667010e-02, v1;
	v0 =	vmul.f32 $6.666667010e-02, v0  }
0x4db: {  	v57 =	vmul.f32 $1.442695020e+00, v58;
	v58 =	vmul.f32 $1.442695020e+00, v48  }
0x4dc: {  	v48 =	vmul.f32 $1.442695020e+00, v34;
	v34 =	vmul.f32 $1.442695020e+00, v5;
	v5 =	vld [tilespmem:$0x1FEB0]  }
0x4dd: {  	v63 =	vmul.f32 $6.666667010e-02, v61;
	v1 =	vmul.f32 $1.442695020e+00, v1;
	v15 =	vld [tilespmem:$0x1FE70]  }
0x4de: {  	v4 =	vmul.f32 $6.666667010e-02, v4;
	v0 =	vmul.f32 $1.442695020e+00, v0  }
0x4df: {  	v62 =	vmul.f32 $1.442695020e+00, v45;
	v61 =	vmul.f32 $1.442695020e+00, v55  }
0x4e0: {  	v55 =	vmul.f32 $1.442695020e+00, v47;
	v4 =	vmul.f32 $1.442695020e+00, v4;
	v36 =	vpop (erf)  }
0x4e1: {  	v13 =	vmul.f32 $1.442695020e+00, v56;
	v35 =	vpop (erf);
	v40 =	vmul.f32 $1.442695020e+00, v5;
	v5 =	vld [tilespmem:$0x1FEC0]  }
0x4e2: {  	v53 =	vmul.f32 $1.442695020e+00, v15;
	(erf) = vpow2.f32 v38;
	v41 =	vpop (erf)  }
0x4e3: {  	v56 =	vmul.f32 $1.442695020e+00, v54;
	(erf) = vpow2.f32 v13;
	v38 =	vpop (erf)  }
0x4e4: {  	s20 =	simm.s32 $0x0;
	v54 =	vmul.f32 $1.442695020e+00, v63;
	(erf) = vpow2.f32 v6;
	v45 =	vpop (erf)  }
0x4e5: {  	v37 =	vmul.f32 $1.442695020e+00, v37;
	(erf) = vpow2.f32 v1;
	v42 =	vpop (erf);
	v1 =	vmov s20  }
0x4e6: {  	(erf) = vpow2.f32 v8;
	v63 =	vpop (erf);
	v43 =	vmul.f32 $1.442695020e+00, v5;
	v5 =	vlaneseq.u32  }
0x4e7: {  	(erf) = vpow2.f32 v0;
	v47 =	vpop (erf);
	v0 =	vimm.f32 $0.0e+00;
	vm9 =	veq.s32 v1, v5  }
0x4e8: {  	v46 =	vmul.f32 $1.442695020e+00, v51;
	(erf) = vpow2.f32 v4;
	v51 =	vpop (erf);
	v0 =	vsel vm9, v44, v0  }
0x4e9: {  	s21 =	simm.s32 $0x2000;
	s19 =	sor.u32 $0x10, s19;
	(erf) = vpow2.f32 v2;
	v44 =	vmul.f32 $1.442695020e+00, v49;
	v49 =	vpop (erf);
	[tilespmem:$0x1FED0] =	vst v0  }
.LBB2_7:
0x4ea: {  	(erf) = vpow2.f32 v57;
	v1 =	vpop (erf)  }
0x4eb: {  	v2 =	vmul.f32 $1.442695020e+00, v3;
	(erf) = vpow2.f32 v58;
	v3 =	vpop (erf)  }
0x4ec: {  	(erf) = vpow2.f32 v56;
	v5 =	vpop (erf)  }
0x4ed: {  	v0 =	vmul.f32 $1.442695020e+00, v7;
	(erf) = vpow2.f32 v60;
	v57 =	vpop (erf)  }
0x4ee: {  	v4 =	vmul.f32 $1.442695020e+00, v14;
	(erf) = vpow2.f32 v61;
	v56 =	vpop (erf)  }
0x4ef: {  	v13 =	vadd.f32 $1.000000000e+00, v21;
	v15 =	vadd.f32 $1.000000000e+00, v23;
	(erf) = vpow2.f32 v62;
	v61 =	vpop (erf)  }
0x4f0: {  	v14 =	vadd.f32 $1.000000000e+00, v20;
	v62 =	vmul.f32 $1.442695020e+00, v9;
	(erf) = vpow2.f32 v52;
	v52 =	vpop (erf)  }
0x4f1: {  	v21 =	vadd.f32 $1.000000000e+00, v29;
	v20 =	vadd.f32 $1.000000000e+00, v26;
	(erf) = vpow2.f32 v55;
	v55 =	vpop (erf)  }
0x4f2: {  	v23 =	vadd.f32 $1.000000000e+00, v31;
	v60 =	vmul.f32 $1.442695020e+00, v10;
	(erf) = vpow2.f32 v54;
	v54 =	vpop (erf)  }
0x4f3: {  	v26 =	vadd.f32 $1.000000000e+00, v32;
	v29 =	vadd.f32 $1.000000000e+00, v41;
	(erf) = vpow2.f32 v53;
	v53 =	vpop (erf)  }
0x4f4: {  	v31 =	vadd.f32 $1.000000000e+00, v45;
	v58 =	vmul.f32 $1.442695020e+00, v12;
	(erf) = vpow2.f32 v62;
	v62 =	vpop (erf)  }
0x4f5: {  	v32 =	vadd.f32 $1.000000000e+00, v42;
	v6 =	vmul.f32 $1.442695020e+00, v11;
	(erf) = vpow2.f32 v48;
	v48 =	vpop (erf)  }
0x4f6: {  	v12 =	vadd.f32 $1.000000000e+00, v18;
	v18 =	vadd.f32 $1.000000000e+00, v24;
	(erf) = vpow2.f32 v60;
	v60 =	vpop (erf)  }
0x4f7: {  	v24 =	vadd.f32 $1.000000000e+00, v30;
	v30 =	vadd.f32 $1.000000000e+00, v38;
	(erf) = vpow2.f32 v50;
	v7 =	vpop (erf)  }
0x4f8: {  	v1 =	vadd.f32 $1.000000000e+00, v1;
	v38 =	vadd.f32 $1.000000000e+00, v3;
	(erf) = vpow2.f32 v58;
	v58 =	vpop (erf)  }
0x4f9: {  	v10 =	vadd.f32 $1.000000000e+00, v16;
	v16 =	vadd.f32 $1.000000000e+00, v22;
	(erf) = vpow2.f32 v6;
	v6 =	vpop (erf)  }
0x4fa: {  	v22 =	vadd.f32 $1.000000000e+00, v28;
	v28 =	vadd.f32 $1.000000000e+00, v35;
	(erf) = vpow2.f32 v39;
	v8 =	vpop (erf)  }
0x4fb: {  	v35 =	vadd.f32 $1.000000000e+00, v51;
	v11 =	vadd.f32 $1.000000000e+00, v19;
	(erf) = vpow2.f32 v4;
	v4 =	vpop (erf)  }
0x4fc: {  	v19 =	vadd.f32 $1.000000000e+00, v27;
	v27 =	vadd.f32 $1.000000000e+00, v36;
	(erf) = vpow2.f32 v34;
	v36 =	vpop (erf)  }
0x4fd: {  	v41 =	vadd.f32 $1.000000000e+00, v57;
	v9 =	vadd.f32 $1.000000000e+00, v17;
	v50 =	vpop (erf);
	(erf) = vpow2.f32 v2  }
0x4fe: {  	v17 =	vadd.f32 $1.000000000e+00, v25;
	v51 =	vadd.f32 $1.000000000e+00, v50;
	(erf) = vpow2.f32 v37;
	v37 =	vpop (erf)  }
0x4ff: {  	v25 =	vadd.f32 $1.000000000e+00, v33;
	v33 =	vadd.f32 $1.000000000e+00, v63;
	v3 =	vpop (erf);
	(erf) = vpow2.f32 v0  }
0x500: {  	v42 =	vadd.f32 $1.000000000e+00, v56;
	v63 =	vadd.f32 $1.000000000e+00, v3;
	(erf) = vrcp.f32 v51;
	v3 =	vpop (erf)  }
0x501: {  	v45 =	vadd.f32 $1.000000000e+00, v52;
	v39 =	vadd.f32 $1.000000000e+00, v5;
	v5 =	vpop (erf);
	(erf) = vpow2.f32 v44  }
0x502: {  	v56 =	vadd.f32 $1.000000000e+00, v53;
	v57 =	vadd.f32 $1.000000000e+00, v5;
	(erf) = vrcp.f32 v63;
	v0 =	vpop (erf)  }
0x503: {  	v8 =	vadd.f32 $1.000000000e+00, v8;
	v63 =	vadd.f32 $1.000000000e+00, v0;
	(erf) = vpow2.f32 v46;
	v52 =	vpop (erf)  }
0x504: {  	v34 =	vadd.f32 $1.000000000e+00, v47;
	v47 =	vadd.f32 $1.000000000e+00, v54;
	(erf) = vrcp.f32 v57;
	v5 =	vpop (erf)  }
0x505: {  	v2 =	vadd.f32 $1.000000000e+00, v49;
	v49 =	vadd.f32 $1.000000000e+00, v62;
	(erf) = vrcp.f32 v63;
	v0 =	vpop (erf)  }
0x506: {  	v44 =	vadd.f32 $1.000000000e+00, v61;
	v61 =	vadd.f32 $1.000000000e+00, v5;
	v62 =	vpop (erf)  }
0x507: {  	v4 =	vadd.f32 $1.000000000e+00, v4;
	v36 =	vadd.f32 $1.000000000e+00, v36;
	(erf) = vpow2.f32 v43;
	v5 =	vpop (erf)  }
0x508: {  	v50 =	vadd.f32 $1.000000000e+00, v48;
	v43 =	vadd.f32 $1.000000000e+00, v60;
	(erf) = vrcp.f32 v61;
	v60 =	vpop (erf)  }
0x509: {  	v63 =	vadd.f32 $1.000000000e+00, v62;
	(erf) = vpow2.f32 v40;
	v40 =	vadd.f32 $1.000000000e+00, v6;
	v6 =	vpop (erf)  }
0x50a: {  	v48 =	vadd.f32 $1.000000000e+00, v58;
	v54 =	vadd.f32 $1.000000000e+00, v60;
	v6 =	vmul.f32 $6.000000000e+01, v6;
	v61 =	vpop (erf)  }
0x50b: {  	v37 =	vadd.f32 $1.000000000e+00, v37;
	(erf) = vrcp.f32 v63;
	v53 =	vadd.f32 $1.000000000e+00, v61;
	v62 =	vpop (erf)  }
0x50c: {  	(erf) = vrcp.f32 v54;
	v6 =	vsub.f32 $3.000000000e+01, v6;
	v63 =	vmul.f32 $6.000000000e+01, v62;
	v60 =	vpop (erf)  }
0x50d: {  	v51 =	vadd.f32 $1.000000000e+00, v7;
	v7 =	vadd.f32 $1.000000000e+00, v60;
	v61 =	vpop (erf)  }
0x50e: {  	(erf) = vrcp.f32 v53;
	v58 =	vmul.f32 $1.442695020e+00, v6;
	v53 =	vsub.f32 $3.000000000e+01, v63;
	v62 =	vpop (erf)  }
0x50f: {  	v46 =	vadd.f32 $1.000000000e+00, v55;
	v54 =	vmul.f32 $6.000000000e+01, v61;
	v57 =	vmul.f32 $6.000000000e+01, v62  }
0x510: {  	v60 =	vadd.f32 $1.000000000e+00, v5;
	(erf) = vrcp.f32 v7;
	v63 =	vpop (erf);
	v7 =	vmul.f32 $1.442695020e+00, v53  }
0x511: {  	v54 =	vsub.f32 $3.000000000e+01, v54;
	(erf) = vpow2.f32 v58;
	v6 =	vpop (erf);
	v55 =	vadd.f32 $1.000000000e+00, v63  }
0x512: {  	(erf) = vrcp.f32 v60;
	v57 =	vsub.f32 $3.000000000e+01, v57;
	v6 =	vmul.f32 $6.000000000e+01, v6  }
0x513: {  	v3 =	vadd.f32 $1.000000000e+00, v3;
	v5 =	vpop (erf);
	v61 =	vmul.f32 $1.442695020e+00, v54;
	(erf) = vpow2.f32 v7  }
0x514: {  	v62 =	vpop (erf);
	v5 =	vadd.f32 $1.000000000e+00, v5;
	(erf) = vrcp.f32 v55;
	v63 =	vmul.f32 $1.442695020e+00, v57  }
0x515: {  	v7 =	vmul.f32 $6.000000000e+01, v62;
	v6 =	vsub.f32 $3.000000000e+01, v6;
	(erf) = vpow2.f32 v61;
	v60 =	vpop (erf)  }
0x516: {  	v0 =	vadd.f32 $1.000000000e+00, v0;
	v54 =	vmul.f32 $6.000000000e+01, v60;
	(erf) = vrcp.f32 v5  }
0x517: {  	v61 =	vmul.f32 $1.442695020e+00, v6;
	v6 =	vsub.f32 $3.000000000e+01, v7;
	(erf) = vpow2.f32 v63;
	v62 =	vpop (erf)  }
0x518: {  	v63 =	vadd.f32 $1.000000000e+00, v52;
	v53 =	vmul.f32 $6.000000000e+01, v62;
	(erf) = vrcp.f32 v0  }
0x519: {  	v7 =	vmul.f32 $1.442695020e+00, v6;
	v6 =	vsub.f32 $3.000000000e+01, v54;
	(erf) = vpow2.f32 v61;
	v5 =	vpop (erf)  }
0x51a: {  	v53 =	vsub.f32 $3.000000000e+01, v53;
	v5 =	vmul.f32 $6.000000000e+01, v5;
	v58 =	vpop (erf);
	(erf) = vrcp.f32 v63  }
0x51b: {  	v60 =	vadd.f32 $0.0e+00, v58;
	v61 =	vmul.f32 $1.442695020e+00, v6;
	(erf) = vpow2.f32 v7;
	v0 =	vpop (erf)  }
0x51c: {  	v5 =	vsub.f32 $3.000000000e+01, v5;
	v0 =	vmul.f32 $6.000000000e+01, v0;
	v62 =	vpop (erf);
	(erf) = vrcp.f32 v3  }
0x51d: {  	v7 =	vmul.f32 $1.442695020e+00, v53;
	v3 =	vadd.f32 v62, v60;
	(erf) = vpow2.f32 v61;
	v6 =	vpop (erf)  }
0x51e: {  	v0 =	vsub.f32 $3.000000000e+01, v0;
	v6 =	vmul.f32 $6.000000000e+01, v6;
	v63 =	vpop (erf);
	(erf) = vrcp.f32 v37  }
0x51f: {  	v57 =	vmul.f32 $1.442695020e+00, v5;
	v3 =	vadd.f32 v63, v3;
	(erf) = vpow2.f32 v7;
	v58 =	vpop (erf)  }
0x520: {  	v6 =	vsub.f32 $3.000000000e+01, v6;
	v7 =	vmul.f32 $6.000000000e+01, v58;
	v60 =	vpop (erf);
	(erf) = vrcp.f32 v36  }
0x521: {  	v61 =	vmul.f32 $1.442695020e+00, v0;
	v3 =	vadd.f32 v60, v3;
	(erf) = vpow2.f32 v57;
	v5 =	vpop (erf)  }
0x522: {  	v62 =	vsub.f32 $3.000000000e+01, v7;
	v5 =	vmul.f32 $6.000000000e+01, v5;
	v63 =	vpop (erf);
	(erf) = vrcp.f32 v4  }
0x523: {  	v7 =	vmul.f32 $1.442695020e+00, v6;
	v3 =	vadd.f32 v63, v3;
	(erf) = vpow2.f32 v61;
	v0 =	vpop (erf)  }
0x524: {  	v5 =	vsub.f32 $3.000000000e+01, v5;
	v0 =	vmul.f32 $6.000000000e+01, v0;
	v6 =	vpop (erf);
	(erf) = vrcp.f32 v8  }
0x525: {  	v36 =	vmul.f32 $1.442695020e+00, v62;
	v3 =	vadd.f32 v6, v3;
	(erf) = vpow2.f32 v7;
	v4 =	vpop (erf)  }
0x526: {  	v0 =	vsub.f32 $3.000000000e+01, v0;
	v4 =	vmul.f32 $6.000000000e+01, v4;
	v8 =	vpop (erf);
	(erf) = vrcp.f32 v40  }
0x527: {  	v7 =	vmul.f32 $1.442695020e+00, v5;
	v3 =	vadd.f32 v8, v3;
	(erf) = vpow2.f32 v36;
	v6 =	vpop (erf)  }
0x528: {  	v4 =	vsub.f32 $3.000000000e+01, v4;
	v6 =	vmul.f32 $6.000000000e+01, v6;
	v8 =	vpop (erf);
	(erf) = vrcp.f32 v48  }
0x529: {  	v48 =	vmul.f32 $1.442695020e+00, v0;
	v3 =	vadd.f32 v8, v3;
	(erf) = vpow2.f32 v7;
	v5 =	vpop (erf)  }
0x52a: {  	v6 =	vsub.f32 $3.000000000e+01, v6;
	v5 =	vmul.f32 $6.000000000e+01, v5;
	v8 =	vpop (erf);
	(erf) = vrcp.f32 v51  }
0x52b: {  	v7 =	vmul.f32 $1.442695020e+00, v4;
	v3 =	vadd.f32 v8, v3;
	(erf) = vpow2.f32 v48;
	v0 =	vpop (erf)  }
0x52c: {  	v5 =	vsub.f32 $3.000000000e+01, v5;
	v0 =	vmul.f32 $6.000000000e+01, v0;
	v8 =	vpop (erf);
	(erf) = vrcp.f32 v43  }
0x52d: {  	v51 =	vmul.f32 $1.442695020e+00, v6;
	v3 =	vadd.f32 v8, v3;
	(erf) = vpow2.f32 v7;
	v4 =	vpop (erf)  }
0x52e: {  	v0 =	vsub.f32 $3.000000000e+01, v0;
	v4 =	vmul.f32 $6.000000000e+01, v4;
	v8 =	vpop (erf);
	(erf) = vrcp.f32 v50  }
0x52f: {  	v7 =	vmul.f32 $1.442695020e+00, v5;
	v3 =	vadd.f32 v8, v3;
	(erf) = vpow2.f32 v51;
	v6 =	vpop (erf)  }
0x530: {  	v4 =	vsub.f32 $3.000000000e+01, v4;
	v6 =	vmul.f32 $6.000000000e+01, v6;
	v8 =	vpop (erf);
	(erf) = vrcp.f32 v49  }
0x531: {  	v52 =	vmul.f32 $1.442695020e+00, v0;
	v3 =	vadd.f32 v8, v3;
	(erf) = vpow2.f32 v7;
	v5 =	vpop (erf)  }
0x532: {  	v6 =	vsub.f32 $3.000000000e+01, v6;
	v5 =	vmul.f32 $6.000000000e+01, v5;
	v8 =	vpop (erf);
	(erf) = vrcp.f32 v56  }
0x533: {  	v7 =	vmul.f32 $1.442695020e+00, v4;
	v3 =	vadd.f32 v8, v3;
	(erf) = vpow2.f32 v52;
	v0 =	vpop (erf)  }
0x534: {  	v5 =	vsub.f32 $3.000000000e+01, v5;
	v0 =	vmul.f32 $6.000000000e+01, v0;
	v8 =	vpop (erf);
	(erf) = vrcp.f32 v47  }
0x535: {  	v53 =	vmul.f32 $1.442695020e+00, v6;
	v3 =	vadd.f32 v8, v3;
	(erf) = vpow2.f32 v7;
	v4 =	vpop (erf)  }
0x536: {  	v0 =	vsub.f32 $3.000000000e+01, v0;
	v4 =	vmul.f32 $6.000000000e+01, v4;
	v8 =	vpop (erf);
	(erf) = vrcp.f32 v46  }
0x537: {  	v7 =	vmul.f32 $1.442695020e+00, v5;
	v3 =	vadd.f32 v8, v3;
	(erf) = vpow2.f32 v53;
	v6 =	vpop (erf)  }
0x538: {  	v4 =	vsub.f32 $3.000000000e+01, v4;
	v6 =	vmul.f32 $6.000000000e+01, v6;
	v8 =	vpop (erf);
	(erf) = vrcp.f32 v45  }
0x539: {  	v54 =	vmul.f32 $1.442695020e+00, v0;
	v3 =	vadd.f32 v8, v3;
	(erf) = vpow2.f32 v7;
	v5 =	vpop (erf)  }
0x53a: {  	v6 =	vsub.f32 $3.000000000e+01, v6;
	v5 =	vmul.f32 $6.000000000e+01, v5;
	v8 =	vpop (erf);
	(erf) = vrcp.f32 v44  }
0x53b: {  	v7 =	vmul.f32 $1.442695020e+00, v4;
	v3 =	vadd.f32 v8, v3;
	(erf) = vpow2.f32 v54;
	v0 =	vpop (erf)  }
0x53c: {  	v5 =	vsub.f32 $3.000000000e+01, v5;
	v0 =	vmul.f32 $6.000000000e+01, v0;
	v8 =	vpop (erf);
	(erf) = vrcp.f32 v42  }
0x53d: {  	v55 =	vmul.f32 $1.442695020e+00, v6;
	v3 =	vadd.f32 v8, v3;
	(erf) = vpow2.f32 v7;
	v4 =	vpop (erf)  }
0x53e: {  	v0 =	vsub.f32 $3.000000000e+01, v0;
	v4 =	vmul.f32 $6.000000000e+01, v4;
	v8 =	vpop (erf);
	(erf) = vrcp.f32 v41  }
0x53f: {  	v7 =	vmul.f32 $1.442695020e+00, v5;
	v3 =	vadd.f32 v8, v3;
	(erf) = vpow2.f32 v55;
	v6 =	vpop (erf)  }
0x540: {  	v4 =	vsub.f32 $3.000000000e+01, v4;
	v6 =	vmul.f32 $6.000000000e+01, v6;
	v8 =	vpop (erf);
	(erf) = vrcp.f32 v39  }
0x541: {  	v56 =	vmul.f32 $1.442695020e+00, v0;
	v3 =	vadd.f32 v8, v3;
	(erf) = vpow2.f32 v7;
	v5 =	vpop (erf)  }
0x542: {  	v6 =	vsub.f32 $3.000000000e+01, v6;
	v5 =	vmul.f32 $6.000000000e+01, v5;
	v8 =	vpop (erf);
	(erf) = vrcp.f32 v38  }
0x543: {  	v7 =	vmul.f32 $1.442695020e+00, v4;
	v3 =	vadd.f32 v8, v3;
	(erf) = vpow2.f32 v56;
	v0 =	vpop (erf)  }
0x544: {  	v5 =	vsub.f32 $3.000000000e+01, v5;
	v0 =	vmul.f32 $6.000000000e+01, v0;
	v8 =	vpop (erf);
	(erf) = vrcp.f32 v1  }
0x545: {  	v1 =	vadd.f32 v8, v3;
	v8 =	vmul.f32 $1.442695020e+00, v6;
	(erf) = vpow2.f32 v7;
	v4 =	vpop (erf)  }
0x546: {  	v0 =	vsub.f32 $3.000000000e+01, v0;
	v4 =	vmul.f32 $6.000000000e+01, v4;
	v6 =	vpop (erf);
	(erf) = vrcp.f32 v2  }
0x547: {  	v1 =	vadd.f32 v6, v1;
	v6 =	vmul.f32 $1.442695020e+00, v5;
	(erf) = vpow2.f32 v8;
	v3 =	vpop (erf)  }
0x548: {  	v4 =	vsub.f32 $3.000000000e+01, v4;
	v3 =	vmul.f32 $6.000000000e+01, v3;
	v5 =	vpop (erf);
	(erf) = vrcp.f32 v35  }
0x549: {  	v7 =	vmul.f32 $1.442695020e+00, v0;
	v1 =	vadd.f32 v5, v1;
	(erf) = vpow2.f32 v6;
	v2 =	vpop (erf)  }
0x54a: {  	v3 =	vsub.f32 $3.000000000e+01, v3;
	v2 =	vmul.f32 $6.000000000e+01, v2;
	v5 =	vpop (erf);
	(erf) = vrcp.f32 v34  }
0x54b: {  	v6 =	vmul.f32 $1.442695020e+00, v4;
	v1 =	vadd.f32 v5, v1;
	(erf) = vpow2.f32 v7;
	v0 =	vpop (erf)  }
0x54c: {  	v2 =	vsub.f32 $3.000000000e+01, v2;
	v0 =	vmul.f32 $6.000000000e+01, v0;
	v5 =	vpop (erf);
	(erf) = vrcp.f32 v33  }
0x54d: {  	v7 =	vmul.f32 $1.442695020e+00, v3;
	v1 =	vadd.f32 v5, v1;
	(erf) = vpow2.f32 v6;
	v4 =	vpop (erf)  }
0x54e: {  	v0 =	vsub.f32 $3.000000000e+01, v0;
	v4 =	vmul.f32 $6.000000000e+01, v4;
	v5 =	vpop (erf);
	(erf) = vrcp.f32 v32  }
0x54f: {  	v6 =	vmul.f32 $1.442695020e+00, v2;
	v1 =	vadd.f32 v5, v1;
	(erf) = vpow2.f32 v7;
	v3 =	vpop (erf)  }
0x550: {  	v4 =	vsub.f32 $3.000000000e+01, v4;
	v3 =	vmul.f32 $6.000000000e+01, v3;
	v5 =	vpop (erf);
	(erf) = vrcp.f32 v31  }
0x551: {  	v7 =	vmul.f32 $1.442695020e+00, v0;
	v1 =	vadd.f32 v5, v1;
	(erf) = vpow2.f32 v6;
	v2 =	vpop (erf)  }
0x552: {  	v3 =	vsub.f32 $3.000000000e+01, v3;
	v2 =	vmul.f32 $6.000000000e+01, v2;
	v5 =	vpop (erf);
	(erf) = vrcp.f32 v30  }
0x553: {  	v6 =	vmul.f32 $1.442695020e+00, v4;
	v1 =	vadd.f32 v5, v1;
	(erf) = vpow2.f32 v7;
	v0 =	vpop (erf)  }
0x554: {  	v2 =	vsub.f32 $3.000000000e+01, v2;
	v0 =	vmul.f32 $6.000000000e+01, v0;
	v5 =	vpop (erf);
	(erf) = vrcp.f32 v29  }
0x555: {  	v7 =	vmul.f32 $1.442695020e+00, v3;
	v1 =	vadd.f32 v5, v1;
	(erf) = vpow2.f32 v6;
	v4 =	vpop (erf)  }
0x556: {  	v0 =	vsub.f32 $3.000000000e+01, v0;
	v4 =	vmul.f32 $6.000000000e+01, v4;
	v5 =	vpop (erf);
	(erf) = vrcp.f32 v28  }
0x557: {  	v6 =	vmul.f32 $1.442695020e+00, v2;
	v1 =	vadd.f32 v5, v1;
	(erf) = vpow2.f32 v7;
	v3 =	vpop (erf)  }
0x558: {  	v4 =	vsub.f32 $3.000000000e+01, v4;
	v3 =	vmul.f32 $6.000000000e+01, v3;
	v5 =	vpop (erf);
	(erf) = vrcp.f32 v27  }
0x559: {  	v7 =	vmul.f32 $1.442695020e+00, v0;
	v1 =	vadd.f32 v5, v1;
	(erf) = vpow2.f32 v6;
	v2 =	vpop (erf)  }
0x55a: {  	v3 =	vsub.f32 $3.000000000e+01, v3;
	v2 =	vmul.f32 $6.000000000e+01, v2;
	v5 =	vpop (erf);
	(erf) = vrcp.f32 v26  }
0x55b: {  	v6 =	vmul.f32 $1.442695020e+00, v4;
	v1 =	vadd.f32 v5, v1;
	(erf) = vpow2.f32 v7;
	v0 =	vpop (erf)  }
0x55c: {  	v2 =	vsub.f32 $3.000000000e+01, v2;
	v0 =	vmul.f32 $6.000000000e+01, v0;
	v5 =	vpop (erf);
	(erf) = vrcp.f32 v25  }
0x55d: {  	v7 =	vmul.f32 $1.442695020e+00, v3;
	v1 =	vadd.f32 v5, v1;
	(erf) = vpow2.f32 v6;
	v4 =	vpop (erf)  }
0x55e: {  	v0 =	vsub.f32 $3.000000000e+01, v0;
	v4 =	vmul.f32 $6.000000000e+01, v4;
	v5 =	vpop (erf);
	(erf) = vrcp.f32 v24  }
0x55f: {  	v6 =	vmul.f32 $1.442695020e+00, v2;
	v1 =	vadd.f32 v5, v1;
	(erf) = vpow2.f32 v7;
	v3 =	vpop (erf)  }
0x560: {  	v4 =	vsub.f32 $3.000000000e+01, v4;
	v3 =	vmul.f32 $6.000000000e+01, v3;
	v5 =	vpop (erf);
	(erf) = vrcp.f32 v23  }
0x561: {  	v7 =	vmul.f32 $1.442695020e+00, v0;
	v1 =	vadd.f32 v5, v1;
	(erf) = vpow2.f32 v6;
	v2 =	vpop (erf)  }
0x562: {  	v3 =	vsub.f32 $3.000000000e+01, v3;
	v2 =	vmul.f32 $6.000000000e+01, v2;
	v5 =	vpop (erf);
	(erf) = vrcp.f32 v22  }
0x563: {  	v6 =	vmul.f32 $1.442695020e+00, v4;
	v1 =	vadd.f32 v5, v1;
	(erf) = vpow2.f32 v7;
	v0 =	vpop (erf)  }
0x564: {  	v2 =	vsub.f32 $3.000000000e+01, v2;
	v0 =	vmul.f32 $6.000000000e+01, v0;
	v5 =	vpop (erf);
	(erf) = vrcp.f32 v21  }
0x565: {  	v7 =	vmul.f32 $1.442695020e+00, v3;
	v1 =	vadd.f32 v5, v1;
	(erf) = vpow2.f32 v6;
	v4 =	vpop (erf)  }
0x566: {  	v0 =	vsub.f32 $3.000000000e+01, v0;
	v4 =	vmul.f32 $6.000000000e+01, v4;
	v5 =	vpop (erf);
	(erf) = vrcp.f32 v20  }
0x567: {  	v6 =	vmul.f32 $1.442695020e+00, v2;
	v1 =	vadd.f32 v5, v1;
	(erf) = vpow2.f32 v7;
	v3 =	vpop (erf)  }
0x568: {  	v4 =	vsub.f32 $3.000000000e+01, v4;
	v3 =	vmul.f32 $6.000000000e+01, v3;
	v5 =	vpop (erf);
	(erf) = vrcp.f32 v19  }
0x569: {  	v7 =	vmul.f32 $1.442695020e+00, v0;
	v1 =	vadd.f32 v5, v1;
	(erf) = vpow2.f32 v6;
	v2 =	vpop (erf)  }
0x56a: {  	v3 =	vsub.f32 $3.000000000e+01, v3;
	v2 =	vmul.f32 $6.000000000e+01, v2;
	v5 =	vpop (erf);
	(erf) = vrcp.f32 v18  }
0x56b: {  	v6 =	vmul.f32 $1.442695020e+00, v4;
	v1 =	vadd.f32 v5, v1;
	(erf) = vpow2.f32 v7;
	v0 =	vpop (erf)  }
0x56c: {  	v2 =	vsub.f32 $3.000000000e+01, v2;
	v0 =	vmul.f32 $6.000000000e+01, v0;
	v5 =	vpop (erf);
	(erf) = vrcp.f32 v17  }
0x56d: {  	v7 =	vmul.f32 $1.442695020e+00, v3;
	v1 =	vadd.f32 v5, v1;
	(erf) = vpow2.f32 v6;
	v4 =	vpop (erf)  }
0x56e: {  	v0 =	vsub.f32 $3.000000000e+01, v0;
	v4 =	vmul.f32 $6.000000000e+01, v4;
	v5 =	vpop (erf);
	(erf) = vrcp.f32 v16  }
0x56f: {  	v6 =	vmul.f32 $1.442695020e+00, v2;
	v1 =	vadd.f32 v5, v1;
	(erf) = vpow2.f32 v7;
	v3 =	vpop (erf)  }
0x570: {  	v4 =	vsub.f32 $3.000000000e+01, v4;
	v3 =	vmul.f32 $6.000000000e+01, v3;
	v5 =	vpop (erf);
	(erf) = vrcp.f32 v15  }
0x571: {  	v7 =	vmul.f32 $1.442695020e+00, v0;
	v1 =	vadd.f32 v5, v1;
	(erf) = vpow2.f32 v6;
	v2 =	vpop (erf)  }
0x572: {  	v3 =	vsub.f32 $3.000000000e+01, v3;
	v2 =	vmul.f32 $6.000000000e+01, v2;
	v5 =	vpop (erf);
	(erf) = vrcp.f32 v14  }
0x573: {  	v6 =	vmul.f32 $1.442695020e+00, v4;
	v1 =	vadd.f32 v5, v1;
	(erf) = vpow2.f32 v7;
	v0 =	vpop (erf)  }
0x574: {  	v2 =	vsub.f32 $3.000000000e+01, v2;
	v0 =	vmul.f32 $6.000000000e+01, v0;
	v5 =	vpop (erf);
	(erf) = vrcp.f32 v13  }
0x575: {  	v7 =	vmul.f32 $1.442695020e+00, v3;
	v1 =	vadd.f32 v5, v1;
	(erf) = vpow2.f32 v6;
	v4 =	vpop (erf)  }
0x576: {  	v0 =	vsub.f32 $3.000000000e+01, v0;
	v4 =	vmul.f32 $6.000000000e+01, v4;
	v5 =	vpop (erf);
	(erf) = vrcp.f32 v12  }
0x577: {  	s22 =	sshra.s32 s21, $0x2;
	v6 =	vmul.f32 $1.442695020e+00, v2;
	v1 =	vadd.f32 v5, v1;
	(erf) = vpow2.f32 v7;
	v3 =	vpop (erf)  }
0x578: {  	v63 =	vld.idx.msk [tilespmem:v59+s22+$0x4070 ss:$0x1], $0xffff;
	v4 =	vsub.f32 $3.000000000e+01, v4;
	v3 =	vmul.f32 $6.000000000e+01, v3;
	v5 =	vpop (erf);
	(erf) = vrcp.f32 v11  }
0x579: {  	v40 =	vld.idx.msk [tilespmem:v59+s22+$0x4210 ss:$0x1], $0xffff;
	v7 =	vmul.f32 $1.442695020e+00, v0;
	v1 =	vadd.f32 v5, v1;
	(erf) = vpow2.f32 v6;
	v2 =	vpop (erf)  }
0x57a: {  	v43 =	vld.idx.msk [tilespmem:v59+s22+$0x4190 ss:$0x1], $0xffff;
	v3 =	vsub.f32 $3.000000000e+01, v3;
	v2 =	vmul.f32 $6.000000000e+01, v2;
	v5 =	vpop (erf);
	(erf) = vrcp.f32 v10  }
0x57b: {  	v29 =	vld.idx.msk [tilespmem:v59+s22+$0x43E0 ss:$0x1], $0xffff;
	v8 =	vmul.f32 $1.442695020e+00, v4;
	v1 =	vadd.f32 v5, v1;
	(erf) = vpow2.f32 v7;
	v0 =	vpop (erf)  }
0x57c: {  	v41 =	vld.idx.msk [tilespmem:v59+s22+$0x4140 ss:$0x1], $0xffff;
	v2 =	vsub.f32 $3.000000000e+01, v2;
	v0 =	vmul.f32 $6.000000000e+01, v0;
	v5 =	vpop (erf);
	(erf) = vrcp.f32 v9  }
0x57d: {  	v35 =	vld.idx.msk [tilespmem:v59+s22+$0x4260 ss:$0x1], $0xffff;
	v7 =	vmul.f32 $1.442695020e+00, v3;
	v1 =	vadd.f32 v5, v1;
	(erf) = vpow2.f32 v8;
	v4 =	vpop (erf)  }
0x57e: {  	v34 =	vld.idx.msk [tilespmem:v59+s22+$0x4280 ss:$0x1], $0xffff;
	v0 =	vsub.f32 $3.000000000e+01, v0;
	v4 =	vmul.f32 $6.000000000e+01, v4;
	v6 =	vpop (erf)  }
0x57f: {  	v28 =	vld.idx.msk [tilespmem:v59+s22+$0x4320 ss:$0x1], $0xffff;
	v13 =	vmul.f32 $1.442695020e+00, v2;
	(erf) = vpow2.f32 v7;
	v1 =	vadd.f32 v6, v1;
	v3 =	vpop (erf)  }
0x580: {  	v27 =	vld.idx.msk [tilespmem:v59+s22+$0x43C0 ss:$0x1], $0xffff;
	v7 =	vmul.f32 $6.666667010e-02, v29;
	v4 =	vsub.f32 $3.000000000e+01, v4;
	v3 =	vmul.f32 $6.000000000e+01, v3;
	v29 =	vpop (erf)  }
0x581: {  	v24 =	vld.idx.msk [tilespmem:v59+s22+$0x43D0 ss:$0x1], $0xffff;
	v16 =	vmul.f32 $1.442695020e+00, v0;
	(erf) = vpow2.f32 v13;
	v1 =	vadd.f32 v29, v1;
	v2 =	vpop (erf)  }
0x582: {  	v23 =	vld.idx.msk [tilespmem:v59+s22+$0x4390 ss:$0x1], $0xffff;
	v3 =	vsub.f32 $3.000000000e+01, v3;
	v2 =	vmul.f32 $6.000000000e+01, v2;
	v57 =	vpop (erf)  }
0x583: {  	v22 =	vld.idx.msk [tilespmem:v59+s22+$0x43B0 ss:$0x1], $0xffff;
	v13 =	vmul.f32 $1.442695020e+00, v4;
	(erf) = vpow2.f32 v16;
	v1 =	vadd.f32 v57, v1;
	v0 =	vpop (erf)  }
0x584: {  	v21 =	vld.idx.msk [tilespmem:v59+s22+$0x4360 ss:$0x1], $0xffff;
	v2 =	vsub.f32 $3.000000000e+01, v2;
	v0 =	vmul.f32 $6.000000000e+01, v0;
	v58 =	vpop (erf)  }
0x585: {  	v20 =	vld.idx.msk [tilespmem:v59+s22+$0x43A0 ss:$0x1], $0xffff;
	v3 =	vmul.f32 $1.442695020e+00, v3;
	(erf) = vpow2.f32 v13;
	v1 =	vadd.f32 v58, v1;
	v4 =	vpop (erf)  }
0x586: {  	v19 =	vld.idx.msk [tilespmem:v59+s22+$0x4380 ss:$0x1], $0xffff;
	v0 =	vsub.f32 $3.000000000e+01, v0;
	v4 =	vmul.f32 $6.000000000e+01, v4;
	v60 =	vpop (erf)  }
0x587: {  	v18 =	vld.idx.msk [tilespmem:v59+s22+$0x4370 ss:$0x1], $0xffff;
	v2 =	vmul.f32 $1.442695020e+00, v2;
	(erf) = vpow2.f32 v3;
	v1 =	vadd.f32 v60, v1  }
0x588: {  	v17 =	vld.idx.msk [tilespmem:v59+s22+$0x4350 ss:$0x1], $0xffff;
	v61 =	vpop (erf);
	v4 =	vsub.f32 $3.000000000e+01, v4  }
0x589: {  	v15 =	vld.idx.msk [tilespmem:v59+s22+$0x4310 ss:$0x1], $0xffff;
	v0 =	vmul.f32 $1.442695020e+00, v0;
	(erf) = vpow2.f32 v2;
	v1 =	vadd.f32 v61, v1  }
0x58a: {  	v10 =	vld.idx.msk [tilespmem:v59+s22+$0x4270 ss:$0x1], $0xffff;
	v62 =	vpop (erf);
	v4 =	vmul.f32 $1.442695020e+00, v4  }
0x58b: {  	v14 =	vld.idx.msk [tilespmem:v59+s22+$0x42F0 ss:$0x1], $0xffff;
	(erf) = vpow2.f32 v0;
	v1 =	vadd.f32 v62, v1  }
0x58c: {  	v47 =	vmul.f32 $6.666667010e-02, v21;
	v12 =	vld.idx.msk [tilespmem:v59+s22+$0x42B0 ss:$0x1], $0xffff;
	v21 =	vpop (erf);
	(erf) = vpow2.f32 v4  }
0x58d: {  	v11 =	vld.idx.msk [tilespmem:v59+s22+$0x4290 ss:$0x1], $0xffff;
	[tilespmem:$0x1FDB0] =	vst v7;
	v7 =	vmul.f32 $6.666667010e-02, v24;
	v24 =	vmul.f32 $6.666667010e-02, v20;
	v1 =	vadd.f32 v21, v1  }
0x58e: {  	v9 =	vld.idx.msk [tilespmem:v59+s22+$0x4250 ss:$0x1], $0xffff;
	v20 =	vmul.f32 $6.666667010e-02, v17;
	v17 =	vmul.f32 $6.666667010e-02, v35;
	v21 =	vpop (erf)  }
0x58f: {  	v5 =	vld.idx.msk [tilespmem:v59+s22+$0x4240 ss:$0x1], $0xffff;
	v35 =	vmul.f32 $6.666667010e-02, v10;
	[tilespmem:$0x1FDD0] =	vst v7;
	v7 =	vmul.f32 $6.666667010e-02, v27;
	v1 =	vadd.f32 v21, v1  }
0x590: {  	v8 =	vld.idx.msk [tilespmem:v59+s22+$0x4230 ss:$0x1], $0xffff;
	v27 =	vmul.f32 $6.666667010e-02, v23;
	v16 =	vmul.f32 $6.666667010e-02, v14;
	v14 =	vpop (erf)  }
0x591: {  	v6 =	vld.idx.msk [tilespmem:v59+s22+$0x4220 ss:$0x1], $0xffff;
	v23 =	vmul.f32 $6.666667010e-02, v19;
	v19 =	vmul.f32 $6.666667010e-02, v28;
	v1 =	vadd.f32 v14, v1  }
0x592: {  	v38 =	vld.idx.msk [tilespmem:v59+s22+$0x41F0 ss:$0x1], $0xffff;
	v28 =	vmul.f32 $6.666667010e-02, v12;
	[tilespmem:$0x1FDC0] =	vst v7;
	v7 =	vmul.f32 $6.666667010e-02, v22;
	v12 =	vpop (erf)  }
0x593: {  	v22 =	vmul.f32 $6.666667010e-02, v18;
	v58 =	vmul.f32 $6.666667010e-02, v15;
	v15 =	vld.idx.msk [tilespmem:v59+s22+$0x4120 ss:$0x1], $0xffff;
	v1 =	vadd.f32 v12, v1  }
0x594: {  	v61 =	vmul.f32 $6.666667010e-02, v34;
	v34 =	vmul.f32 $6.666667010e-02, v11;
	v11 =	vld.idx.msk [tilespmem:v59+s22+$0x40E0 ss:$0x1], $0xffff;
	v10 =	vpop (erf)  }
0x595: {  	v18 =	vmul.f32 $6.666667010e-02, v5;
	v5 =	vmul.f32 $6.666667010e-02, v9;
	v0 =	vld.idx.msk [tilespmem:v59+s22+$0x4090 ss:$0x1], $0xffff;
	v1 =	vadd.f32 v10, v1;
	v9 =	vpop (erf)  }
0x596: {  	v55 =	vmul.f32 $6.666667010e-02, v6;
	v6 =	vmul.f32 $6.666667010e-02, v8;
	v10 =	vld.idx.msk [tilespmem:v59+s22+$0x40C0 ss:$0x1], $0xffff;
	v8 =	vnsel vm8, $0x0, v9  }
0x597: {  	v46 =	vld.idx.msk [tilespmem:v59+s22+$0x41D0 ss:$0x1], $0xffff;
	v1 =	vadd.f32 v8, v1  }
0x598: {  	v54 =	vmul.f32 $6.666667010e-02, v38;
	v12 =	vld.idx.msk [tilespmem:v59+s22+$0x40D0 ss:$0x1], $0xffff  }
0x599: {  	v60 =	vmul.f32 $6.666667010e-02, v40;
	v40 =	vld.idx.msk [tilespmem:v59+s22+$0x40A0 ss:$0x1], $0xffff;
	(xrf2) =	vadd.scan.msk.f32 $0xffff, v1;
	v1 =	vmul.f32 $6.666667010e-02, v11  }
0x59a: {  	v38 =	vmul.f32 $6.666667010e-02, v41;
	v0 =	vmul.f32 $6.666667010e-02, v0;
	v9 =	vld.idx.msk [tilespmem:v59+s22+$0x40B0 ss:$0x1], $0xffff  }
0x59b: {  	v41 =	vmul.f32 $6.666667010e-02, v15;
	v15 =	vld.idx.msk [tilespmem:v59+s22+$0x4030 ss:$0x1], $0xffff;
	[tilespmem:$0x1FDF0] =	vst v1;
	v1 =	vmul.f32 $6.666667010e-02, v10  }
0x59c: {  	v45 =	vld.idx.msk [tilespmem:v59+s22+$0x42D0 ss:$0x1], $0xffff;
	[tilespmem:$0x1FE30] =	vst v0;
	v0 =	vmul.f32 $6.666667010e-02, v63  }
0x59d: {  	v44 =	vld.idx.msk [tilespmem:v59+s22+$0x4170 ss:$0x1], $0xffff;
	[tilespmem:$0x1FE10] =	vst v1;
	v1 =	vmul.f32 $6.666667010e-02, v12  }
0x59e: {  	s20 =	sadd.s32 $0x1, s20;
	v26 =	vld.idx.msk [tilespmem:v59+s22+$0x4340 ss:$0x1], $0xffff;
	[tilespmem:$0x1FE50] =	vst v0;
	v0 =	vlaneseq.u32  }
0x59f: {  	v2 =	vld.idx.msk [tilespmem:v59+s22+$0x4180 ss:$0x1], $0xffff;
	[tilespmem:$0x1FE00] =	vst v1;
	v1 =	vmul.f32 $6.666667010e-02, v40;
	v40 =	vmul.f32 $6.666667010e-02, v9;
	v9 =	vmov s20  }
0x5a0: {  	v42 =	vld.idx.msk [tilespmem:v59+s22+$0x41B0 ss:$0x1], $0xffff;
	vm9 =	veq.s32 v9, v0;
	v0 =	vmul.f32 $6.666667010e-02, v15  }
0x5a1: {  	v39 =	vld.idx.msk [tilespmem:v59+s22+$0x41C0 ss:$0x1], $0xffff  }
0x5a2: {  	[tilespmem:$0x1FE60] =	vst v0;
	v0 =	vld [tilespmem:$0x1FED0]  }
0x5a3: {  	v31 =	vld.idx.msk [tilespmem:v59+s22+$0x42E0 ss:$0x1], $0xffff  }
0x5a4: {  	v30 =	vld.idx.msk [tilespmem:v59+s22+$0x4300 ss:$0x1], $0xffff;
	v50 =	vmul.f32 $6.666667010e-02, v26;
	v26 =	vmul.f32 $6.666667010e-02, v2;
	v2, _, _ =	vpop (xrf2)  }
0x5a5: {  	v29 =	vld.idx.msk [tilespmem:v59+s22+$0x4200 ss:$0x1], $0xffff;
	v12 =	vbroadcast v2, $0xF  }
0x5a6: {  	v13 =	vld.idx.msk [tilespmem:v59+s22+$0x4110 ss:$0x1], $0xffff  }
0x5a7: {  	v10 =	vld.idx.msk [tilespmem:v59+s22+$0x4000 ss:$0x1], $0xffff;
	v0 =	vsel vm9, v12, v0  }
0x5a8: {  	[tilespmem:$0x1FED0] =	vst v0;
	v0 =	vld [tilespmem:$0x1FDB0]  }
0x5a9: {  	v33 =	vld.idx.msk [tilespmem:v59+s22+$0x42A0 ss:$0x1], $0xffff;
	v57 =	vmul.f32 $6.666667010e-02, v30  }
0x5aa: {  	v32 =	vld.idx.msk [tilespmem:v59+s22+$0x42C0 ss:$0x1], $0xffff;
	v30 =	vmul.f32 $6.666667010e-02, v45;
	v45 =	vmul.f32 $6.666667010e-02, v39  }
0x5ab: {  	v51 =	vmul.f32 $6.666667010e-02, v29;
	v39 =	vmul.f32 $6.666667010e-02, v13;
	v13 =	vld.idx.msk [tilespmem:v59+s22+$0x4020 ss:$0x1], $0xffff  }
0x5ac: {  	v29 =	vmul.f32 $6.666667010e-02, v44;
	v62 =	vmul.f32 $6.666667010e-02, v31;
	v31 =	vld.idx.msk [tilespmem:v59+s22+$0x40F0 ss:$0x1], $0xffff  }
0x5ad: {  	v44 =	vmul.f32 $6.666667010e-02, v10;
	v10 =	vmul.f32 $1.442695020e+00, v0;
	v0 =	vld [tilespmem:$0x1FDC0]  }
0x5ae: {  	v25 =	vld.idx.msk [tilespmem:v59+s22+$0x4330 ss:$0x1], $0xffff  }
0x5af: {  	v33 =	vmul.f32 $6.666667010e-02, v33  }
0x5b0: {  	v8 =	vmul.f32 $6.666667010e-02, v46;
	v46 =	vmul.f32 $6.666667010e-02, v42  }
0x5b1: {  	v42 =	vmul.f32 $6.666667010e-02, v43;
	v43 =	vmul.f32 $6.666667010e-02, v31;
	v31 =	vld.idx.msk [tilespmem:v59+s22+$0x4010 ss:$0x1], $0xffff  }
0x5b2: {  	v12 =	vmul.f32 $6.666667010e-02, v13;
	v13 =	vmul.f32 $1.442695020e+00, v0;
	v0 =	vld [tilespmem:$0x1FDD0]  }
0x5b3: {  	v32 =	vmul.f32 $6.666667010e-02, v32;
	v53 =	vmul.f32 $6.666667010e-02, v25;
	v3 =	vld.idx.msk [tilespmem:v59+s22+$0x41A0 ss:$0x1], $0xffff  }
0x5b4: {  	v52 =	vld.idx.msk [tilespmem:v59+s22+$0x4050 ss:$0x1], $0xffff;
	v50 =	vmul.f32 $1.442695020e+00, v50;
	v47 =	vmul.f32 $1.442695020e+00, v47  }
0x5b5: {  	v24 =	vmul.f32 $1.442695020e+00, v24;
	v20 =	vmul.f32 $1.442695020e+00, v20  }
0x5b6: {  	v23 =	vmul.f32 $1.442695020e+00, v23;
	v27 =	vmul.f32 $1.442695020e+00, v27;
	[tilespmem:$0x1FDE0] =	vst v7  }
0x5b7: {  	v2 =	vmul.f32 $6.666667010e-02, v31;
	v31 =	vmul.f32 $1.442695020e+00, v0;
	v0 =	vld [tilespmem:$0x1FDE0]  }
0x5b8: {  	v37 =	vld.idx.msk [tilespmem:v59+s22+$0x41E0 ss:$0x1], $0xffff;
	v22 =	vmul.f32 $1.442695020e+00, v22;
	v25 =	vmul.f32 $6.666667010e-02, v3  }
0x5b9: {  	v49 =	vld.idx.msk [tilespmem:v59+s22+$0x4130 ss:$0x1], $0xffff;
	v3 =	vmul.f32 $6.666667010e-02, v52;
	v52 =	vmul.f32 $1.442695020e+00, v19  }
0x5ba: {  	v19 =	vmul.f32 $1.442695020e+00, v53;
	v53 =	vmul.f32 $1.442695020e+00, v57;
	v14 =	vld.idx.msk [tilespmem:v59+s22+$0x4100 ss:$0x1], $0xffff  }
0x5bb: {  	v56 =	vld.idx.msk [tilespmem:v59+s22+$0x4040 ss:$0x1], $0xffff;
	v57 =	vmul.f32 $1.442695020e+00, v62;
	(erf) = vpow2.f32 v10  }
0x5bc: {  	(erf) = vpow2.f32 v31;
	v63 =	vmul.f32 $1.442695020e+00, v0  }
0x5bd: {  	v21 =	vmul.f32 $6.666667010e-02, v37;
	(erf) = vpow2.f32 v13  }
0x5be: {  	v7 =	vld.idx.msk [tilespmem:v59+s22+$0x4080 ss:$0x1], $0xffff;
	v37 =	vmul.f32 $6.666667010e-02, v49;
	(erf) = vpow2.f32 v63  }
0x5bf: {  	v49 =	vmul.f32 $6.666667010e-02, v14;
	(erf) = vpow2.f32 v24  }
0x5c0: {  	v14 =	vmul.f32 $6.666667010e-02, v56;
	(erf) = vpow2.f32 v27  }
0x5c1: {  	v56 =	vmul.f32 $1.442695020e+00, v58;
	(erf) = vpow2.f32 v23  }
0x5c2: {  	v58 =	vmul.f32 $1.442695020e+00, v16;
	(erf) = vpow2.f32 v22  }
0x5c3: {  	[tilespmem:$0x1FE20] =	vst v1;
	v1 =	vmul.f32 $6.666667010e-02, v7;
	(erf) = vpow2.f32 v47  }
0x5c4: {  	v31 =	vmul.f32 $1.442695020e+00, v34;
	(erf) = vpow2.f32 v20  }
0x5c5: {  	v34 =	vmul.f32 $1.442695020e+00, v17;
	v17 =	vpop (erf);
	(erf) = vpow2.f32 v50  }
0x5c6: {  	v10 =	vmul.f32 $1.442695020e+00, v33;
	v16 =	vpop (erf);
	(erf) = vpow2.f32 v19  }
0x5c7: {  	v33 =	vmul.f32 $1.442695020e+00, v35;
	v19 =	vpop (erf);
	(erf) = vpow2.f32 v52  }
0x5c8: {  	v35 =	vmul.f32 $1.442695020e+00, v18;
	v18 =	vpop (erf);
	(erf) = vpow2.f32 v56  }
0x5c9: {  	v36 =	vld.idx.msk [tilespmem:v59+s22+$0x4160 ss:$0x1], $0xffff;
	[tilespmem:$0x1FE40] =	vst v1;
	v1 =	vmul.f32 $1.442695020e+00, v21;
	v21 =	vpop (erf);
	(erf) = vpow2.f32 v53  }
0x5ca: {  	v30 =	vmul.f32 $1.442695020e+00, v30;
	v20 =	vpop (erf);
	(erf) = vpow2.f32 v58  }
0x5cb: {  	v32 =	vmul.f32 $1.442695020e+00, v32;
	v23 =	vpop (erf);
	(erf) = vpow2.f32 v57  }
0x5cc: {  	v28 =	vmul.f32 $1.442695020e+00, v28;
	v22 =	vpop (erf);
	(erf) = vpow2.f32 v30  }
0x5cd: {  	v11 =	vmul.f32 $1.442695020e+00, v25;
	v25 =	vpop (erf);
	(erf) = vpow2.f32 v32  }
0x5ce: {  	v36 =	vmul.f32 $6.666667010e-02, v36;
	v24 =	vpop (erf);
	(erf) = vpow2.f32 v28  }
0x5cf: {  	v13 =	vmul.f32 $1.442695020e+00, v61;
	v27 =	vpop (erf);
	(erf) = vpow2.f32 v10  }
0x5d0: {  	v58 =	vmul.f32 $1.442695020e+00, v26;
	v26 =	vpop (erf);
	(erf) = vpow2.f32 v31  }
0x5d1: {  	v56 =	vmul.f32 $1.442695020e+00, v29;
	v29 =	vpop (erf);
	(erf) = vpow2.f32 v13  }
0x5d2: {  	v5 =	vmul.f32 $1.442695020e+00, v5;
	v28 =	vpop (erf);
	(erf) = vpow2.f32 v33  }
0x5d3: {  	v6 =	vmul.f32 $1.442695020e+00, v6;
	v31 =	vpop (erf);
	(erf) = vpow2.f32 v34  }
0x5d4: {  	v51 =	vmul.f32 $1.442695020e+00, v51;
	v30 =	vpop (erf);
	(erf) = vpow2.f32 v5  }
0x5d5: {  	v47 =	vmul.f32 $1.442695020e+00, v55;
	v33 =	vpop (erf);
	(erf) = vpow2.f32 v35  }
0x5d6: {  	v63 =	vmul.f32 $1.442695020e+00, v60;
	v32 =	vpop (erf);
	(erf) = vpow2.f32 v6  }
0x5d7: {  	v60 =	vmul.f32 $1.442695020e+00, v36;
	v36 =	vpop (erf);
	(erf) = vpow2.f32 v47  }
0x5d8: {  	v0 =	vmul.f32 $1.442695020e+00, v54;
	v35 =	vpop (erf);
	(erf) = vpow2.f32 v63  }
0x5d9: {  	v48 =	vld.idx.msk [tilespmem:v59+s22+$0x4060 ss:$0x1], $0xffff;
	v55 =	vmul.f32 $1.442695020e+00, v41;
	v41 =	vpop (erf);
	(erf) = vpow2.f32 v51  }
0x5da: {  	v62 =	vmul.f32 $1.442695020e+00, v38;
	v38 =	vpop (erf);
	(erf) = vpow2.f32 v0;
	v0 =	vld [tilespmem:$0x1FE20];
	_ =	sdelay $0x3  }
0x5db: {  	v7 =	vmul.f32 $6.666667010e-02, v48;
	v10 =	vmov v2;
	v2 =	vld [tilespmem:$0x1FDF0]  }
0x5dc: {  	v48 =	vmul.f32 $1.442695020e+00, v43;
	v43 =	vmul.f32 $1.442695020e+00, v0;
	v0 =	vld [tilespmem:$0x1FE30];
	_ =	sdelay $0x1  }
0x5dd: {  	v4 =	vld.idx.msk [tilespmem:v59+s22+$0x4150 ss:$0x1], $0xffff;
	_ =	sdelay $0x1  }
0x5de: {  	v50 =	vmul.f32 $1.442695020e+00, v2;
	v2 =	vld [tilespmem:$0x1FE00]  }
0x5df: {  	v52 =	vmul.f32 $1.442695020e+00, v37;
	v37 =	vmul.f32 $1.442695020e+00, v0;
	v0 =	vld [tilespmem:$0x1FE40];
	_ =	sdelay $0x1  }
0x5e0: {  	v4 =	vmul.f32 $6.666667010e-02, v4;
	v8 =	vmul.f32 $1.442695020e+00, v8  }
0x5e1: {  	v9 =	vmul.f32 $1.442695020e+00, v45;
	v15 =	vmul.f32 $1.442695020e+00, v46  }
0x5e2: {  	v54 =	vmul.f32 $1.442695020e+00, v39;
	v39 =	vmul.f32 $1.442695020e+00, v2;
	v2 =	vld [tilespmem:$0x1FE10]  }
0x5e3: {  	p0 =	sne.s32 s21, $0xF000;
	v40 =	vmul.f32 $1.442695020e+00, v40;
	v45 =	vpop (erf);
	v46 =	vmul.f32 $1.442695020e+00, v0;
	v0 =	vld [tilespmem:$0x1FE50]  }
.Ltmp2:
0x5e4: {  	v57 =	vmul.f32 $1.442695020e+00, v42;
	(erf) = vpow2.f32 v1;
	v42 =	vpop (erf);
	(pc) =	sbr.rel @p0 .LBB2_7-.Ltmp2, $4  }
0x5e5: {  	v61 =	vmul.f32 $1.442695020e+00, v4;
	(erf) = vpow2.f32 v8;
	v63 =	vpop (erf)  }
0x5e6: {  	v53 =	vmul.f32 $1.442695020e+00, v49;
	(erf) = vpow2.f32 v9;
	v47 =	vpop (erf)  }
0x5e7: {  	v34 =	vmul.f32 $1.442695020e+00, v2;
	(erf) = vpow2.f32 v15;
	v51 =	vpop (erf)  }
0x5e8: {  	s21 =	sadd.s32 $0x1000, s21;
	v9 =	vmov v44;
	(erf) = vpow2.f32 v11;
	v11 =	vld [tilespmem:$0x1FE60];
	v49 =	vpop (erf);
	v44 =	vmul.f32 $1.442695020e+00, v0  }
0x5e9: {  	(erf) = vpow2.f32 v57;
	v1 =	vpop (erf)  }
0x5ea: {  	v2 =	vmul.f32 $1.442695020e+00, v3;
	(erf) = vpow2.f32 v58;
	v3 =	vpop (erf)  }
0x5eb: {  	(erf) = vpow2.f32 v56;
	v5 =	vpop (erf)  }
0x5ec: {  	(erf) = vpow2.f32 v60;
	v8 =	vpop (erf)  }
0x5ed: {  	(erf) = vpow2.f32 v61;
	v57 =	vpop (erf)  }
0x5ee: {  	v0 =	vmul.f32 $1.442695020e+00, v7;
	(erf) = vpow2.f32 v62;
	v59 =	vpop (erf)  }
0x5ef: {  	v60 =	vmul.f32 $1.442695020e+00, v9;
	(erf) = vpow2.f32 v52;
	v52 =	vpop (erf)  }
0x5f0: {  	v4 =	vmul.f32 $1.442695020e+00, v14;
	(erf) = vpow2.f32 v55;
	v55 =	vpop (erf)  }
0x5f1: {  	v58 =	vmul.f32 $1.442695020e+00, v10;
	(erf) = vpow2.f32 v54;
	v54 =	vpop (erf)  }
0x5f2: {  	v7 =	vadd.f32 $1.000000000e+00, v17;
	v14 =	vadd.f32 $1.000000000e+00, v23;
	(erf) = vpow2.f32 v53;
	v53 =	vpop (erf)  }
0x5f3: {  	v13 =	vadd.f32 $1.000000000e+00, v20;
	v56 =	vmul.f32 $1.442695020e+00, v12;
	(erf) = vpow2.f32 v60;
	v60 =	vpop (erf)  }
0x5f4: {  	v15 =	vadd.f32 $1.000000000e+00, v22;
	v6 =	vmul.f32 $1.442695020e+00, v11;
	(erf) = vpow2.f32 v48;
	v48 =	vpop (erf)  }
0x5f5: {  	v17 =	vadd.f32 $1.000000000e+00, v24;
	v20 =	vadd.f32 $1.000000000e+00, v29;
	(erf) = vpow2.f32 v58;
	v58 =	vpop (erf)  }
0x5f6: {  	v22 =	vadd.f32 $1.000000000e+00, v31;
	v24 =	vadd.f32 $1.000000000e+00, v33;
	(erf) = vpow2.f32 v50;
	v50 =	vpop (erf)  }
0x5f7: {  	v23 =	vadd.f32 $1.000000000e+00, v30;
	v30 =	vadd.f32 $1.000000000e+00, v45;
	(erf) = vpow2.f32 v56;
	v56 =	vpop (erf)  }
0x5f8: {  	v29 =	vadd.f32 $1.000000000e+00, v38;
	v31 =	vadd.f32 $1.000000000e+00, v42;
	(erf) = vpow2.f32 v6;
	v6 =	vpop (erf)  }
0x5f9: {  	v33 =	vadd.f32 $1.000000000e+00, v47;
	v10 =	vadd.f32 $1.000000000e+00, v19;
	(erf) = vpow2.f32 v39;
	v61 =	vpop (erf)  }
0x5fa: {  	v19 =	vadd.f32 $1.000000000e+00, v26;
	v26 =	vadd.f32 $1.000000000e+00, v36;
	(erf) = vpow2.f32 v4;
	v4 =	vpop (erf)  }
0x5fb: {  	v36 =	vadd.f32 $1.000000000e+00, v1;
	v12 =	vadd.f32 $1.000000000e+00, v21;
	v62 =	vpop (erf)  }
0x5fc: {  	v21 =	vadd.f32 $1.000000000e+00, v28;
	v28 =	vadd.f32 $1.000000000e+00, v41;
	(erf) = vpow2.f32 v34;
	v39 =	vpop (erf)  }
0x5fd: {  	v9 =	vadd.f32 $1.000000000e+00, v16;
	v34 =	vadd.f32 $1.000000000e+00, v51;
	(erf) = vpow2.f32 v2;
	v51 =	vpop (erf)  }
0x5fe: {  	v16 =	vadd.f32 $1.000000000e+00, v25;
	v41 =	vadd.f32 $1.000000000e+00, v39;
	(erf) = vpow2.f32 v37;
	v42 =	vpop (erf)  }
0x5ff: {  	v11 =	vadd.f32 $1.000000000e+00, v18;
	v18 =	vadd.f32 $1.000000000e+00, v27;
	(erf) = vpow2.f32 v0;
	v1 =	vpop (erf)  }
0x600: {  	v27 =	vadd.f32 $1.000000000e+00, v35;
	v45 =	vadd.f32 $1.000000000e+00, v42;
	(erf) = vrcp.f32 v41;
	v47 =	vpop (erf)  }
0x601: {  	v35 =	vadd.f32 $1.000000000e+00, v49;
	v37 =	vadd.f32 $1.000000000e+00, v3;
	(erf) = vpow2.f32 v44;
	v49 =	vpop (erf)  }
0x602: {  	v2 =	vadd.f32 $1.000000000e+00, v47;
	(erf) = vrcp.f32 v45;
	v0 =	vadd.f32 $1.000000000e+00, v49;
	v3 =	vpop (erf)  }
0x603: {  	v25 =	vadd.f32 $1.000000000e+00, v32;
	v41 =	vadd.f32 $1.000000000e+00, v57;
	(erf) = vpow2.f32 v46;
	v57 =	vpop (erf)  }
0x604: {  	v32 =	vadd.f32 $1.000000000e+00, v63;
	(erf) = vrcp.f32 v2;
	v2 =	vadd.f32 $1.000000000e+00, v57  }
0x605: {  	v38 =	vadd.f32 $1.000000000e+00, v5;
	v50 =	vadd.f32 $1.000000000e+00, v50  }
0x606: {  	v39 =	vadd.f32 $1.000000000e+00, v8;
	v8 =	vadd.f32 $1.000000000e+00, v56;
	(erf) = vrcp.f32 v0;
	v0 =	vpop (erf)  }
0x607: {  	v42 =	vadd.f32 $1.000000000e+00, v59;
	v44 =	vadd.f32 $1.000000000e+00, v52;
	(erf) = vpow2.f32 v43;
	v59 =	vpop (erf)  }
0x608: {  	v52 =	vadd.f32 $1.000000000e+00, v61;
	v45 =	vadd.f32 $1.000000000e+00, v55;
	(erf) = vrcp.f32 v2;
	v2 =	vpop (erf)  }
0x609: {  	v49 =	vadd.f32 $1.000000000e+00, v48;
	v48 =	vadd.f32 $1.000000000e+00, v60;
	v60 =	vpop (erf)  }
0x60a: {  	v47 =	vadd.f32 $1.000000000e+00, v53;
	v5 =	vadd.f32 $1.000000000e+00, v59;
	v56 =	vpop (erf)  }
0x60b: {  	v43 =	vadd.f32 $1.000000000e+00, v58;
	(erf) = vpow2.f32 v40;
	v63 =	vadd.f32 $1.000000000e+00, v60;
	v58 =	vpop (erf)  }
0x60c: {  	v46 =	vadd.f32 $1.000000000e+00, v54;
	(erf) = vrcp.f32 v5;
	v57 =	vmul.f32 $6.000000000e+01, v56;
	v59 =	vpop (erf)  }
0x60d: {  	v53 =	vadd.f32 $1.000000000e+00, v58;
	(erf) = vrcp.f32 v63;
	v60 =	vmul.f32 $6.000000000e+01, v59  }
0x60e: {  	v54 =	vadd.f32 $1.000000000e+00, v62;
	v5 =	vsub.f32 $3.000000000e+01, v57;
	v61 =	vpop (erf)  }
0x60f: {  	v55 =	vadd.f32 $1.000000000e+00, v61;
	v62 =	vpop (erf);
	(erf) = vrcp.f32 v53;
	v40 =	vsub.f32 $3.000000000e+01, v60  }
0x610: {  	v6 =	vadd.f32 $1.000000000e+00, v6;
	v5 =	vmul.f32 $1.442695020e+00, v5;
	v63 =	vmul.f32 $6.000000000e+01, v62  }
0x611: {  	v2 =	vadd.f32 $1.000000000e+00, v2;
	(erf) = vrcp.f32 v55;
	v60 =	vpop (erf);
	v40 =	vmul.f32 $1.442695020e+00, v40  }
0x612: {  	v1 =	vadd.f32 $1.000000000e+00, v1;
	v56 =	vmul.f32 $6.000000000e+01, v60;
	v61 =	vpop (erf);
	(erf) = vpow2.f32 v5  }
0x613: {  	v53 =	vsub.f32 $3.000000000e+01, v63;
	v62 =	vpop (erf);
	v55 =	vadd.f32 $1.000000000e+00, v61;
	(erf) = vrcp.f32 v2  }
0x614: {  	v5 =	vmul.f32 $6.000000000e+01, v62;
	v63 =	vpop (erf);
	v56 =	vsub.f32 $3.000000000e+01, v56;
	(erf) = vpow2.f32 v40  }
0x615: {  	v53 =	vmul.f32 $1.442695020e+00, v53;
	v59 =	vpop (erf);
	v2 =	vadd.f32 $1.000000000e+00, v63;
	(erf) = vrcp.f32 v55  }
0x616: {  	v40 =	vmul.f32 $6.000000000e+01, v59;
	v60 =	vmul.f32 $1.442695020e+00, v56;
	v5 =	vsub.f32 $3.000000000e+01, v5;
	v61 =	vpop (erf)  }
0x617: {  	v0 =	vadd.f32 $1.000000000e+00, v0;
	(erf) = vpow2.f32 v53;
	v53 =	vmul.f32 $6.000000000e+01, v61  }
0x618: {  	(erf) = vrcp.f32 v2;
	v55 =	vpop (erf);
	v62 =	vmul.f32 $1.442695020e+00, v5;
	v63 =	vsub.f32 $3.000000000e+01, v40  }
0x619: {  	v3 =	vadd.f32 $1.000000000e+00, v3;
	(erf) = vpow2.f32 v60;
	v40 =	vmul.f32 $6.000000000e+01, v55  }
0x61a: {  	(erf) = vrcp.f32 v0;
	v57 =	vsub.f32 $3.000000000e+01, v53;
	v58 =	vpop (erf);
	v56 =	vmul.f32 $1.442695020e+00, v63  }
0x61b: {  	(erf) = vpow2.f32 v62;
	v40 =	vsub.f32 $3.000000000e+01, v40;
	v2 =	vmul.f32 $6.000000000e+01, v58;
	v59 =	vpop (erf)  }
0x61c: {  	(erf) = vrcp.f32 v3;
	v5 =	vmul.f32 $1.442695020e+00, v57;
	v60 =	vadd.f32 $0.0e+00, v59  }
0x61d: {  	(erf) = vpow2.f32 v56;
	v61 =	vpop (erf);
	v2 =	vsub.f32 $3.000000000e+01, v2;
	v53 =	vmul.f32 $1.442695020e+00, v40  }
0x61e: {  	v51 =	vadd.f32 $1.000000000e+00, v51;
	v0 =	vmul.f32 $6.000000000e+01, v61;
	v62 =	vpop (erf);
	(erf) = vrcp.f32 v1  }
0x61f: {  	v63 =	vadd.f32 v62, v60;
	(erf) = vpow2.f32 v5;
	v55 =	vpop (erf);
	v2 =	vmul.f32 $1.442695020e+00, v2  }
0x620: {  	v4 =	vadd.f32 $1.000000000e+00, v4;
	v5 =	vmul.f32 $6.000000000e+01, v55;
	v56 =	vpop (erf);
	(erf) = vrcp.f32 v51  }
0x621: {  	v0 =	vsub.f32 $3.000000000e+01, v0;
	v1 =	vadd.f32 v56, v63;
	(erf) = vpow2.f32 v53;
	v57 =	vpop (erf)  }
0x622: {  	v5 =	vsub.f32 $3.000000000e+01, v5;
	v3 =	vmul.f32 $6.000000000e+01, v57;
	v58 =	vpop (erf);
	(erf) = vrcp.f32 v54  }
0x623: {  	v0 =	vmul.f32 $1.442695020e+00, v0;
	v1 =	vadd.f32 v58, v1;
	(erf) = vpow2.f32 v2;
	v59 =	vpop (erf)  }
0x624: {  	v3 =	vsub.f32 $3.000000000e+01, v3;
	v2 =	vmul.f32 $6.000000000e+01, v59;
	v60 =	vpop (erf);
	(erf) = vrcp.f32 v4  }
0x625: {  	v61 =	vmul.f32 $1.442695020e+00, v5;
	v1 =	vadd.f32 v60, v1;
	(erf) = vpow2.f32 v0;
	v62 =	vpop (erf)  }
0x626: {  	v2 =	vsub.f32 $3.000000000e+01, v2;
	v0 =	vmul.f32 $6.000000000e+01, v62;
	v63 =	vpop (erf);
	(erf) = vrcp.f32 v52  }
0x627: {  	v3 =	vmul.f32 $1.442695020e+00, v3;
	v1 =	vadd.f32 v63, v1;
	(erf) = vpow2.f32 v61;
	v40 =	vpop (erf)  }
0x628: {  	v0 =	vsub.f32 $3.000000000e+01, v0;
	v4 =	vmul.f32 $6.000000000e+01, v40;
	v51 =	vpop (erf);
	(erf) = vrcp.f32 v6  }
0x629: {  	v2 =	vmul.f32 $1.442695020e+00, v2;
	v1 =	vadd.f32 v51, v1;
	(erf) = vpow2.f32 v3;
	v52 =	vpop (erf)  }
0x62a: {  	v4 =	vsub.f32 $3.000000000e+01, v4;
	v3 =	vmul.f32 $6.000000000e+01, v52;
	v53 =	vpop (erf);
	(erf) = vrcp.f32 v8  }
0x62b: {  	v0 =	vmul.f32 $1.442695020e+00, v0;
	v1 =	vadd.f32 v53, v1;
	(erf) = vpow2.f32 v2;
	v54 =	vpop (erf)  }
0x62c: {  	v3 =	vsub.f32 $3.000000000e+01, v3;
	v2 =	vmul.f32 $6.000000000e+01, v54;
	v55 =	vpop (erf);
	(erf) = vrcp.f32 v50  }
0x62d: {  	v4 =	vmul.f32 $1.442695020e+00, v4;
	v1 =	vadd.f32 v55, v1;
	(erf) = vpow2.f32 v0;
	v56 =	vpop (erf)  }
0x62e: {  	v2 =	vsub.f32 $3.000000000e+01, v2;
	v0 =	vmul.f32 $6.000000000e+01, v56;
	v57 =	vpop (erf);
	(erf) = vrcp.f32 v43  }
0x62f: {  	v3 =	vmul.f32 $1.442695020e+00, v3;
	v1 =	vadd.f32 v57, v1;
	(erf) = vpow2.f32 v4;
	v58 =	vpop (erf)  }
0x630: {  	v0 =	vsub.f32 $3.000000000e+01, v0;
	v4 =	vmul.f32 $6.000000000e+01, v58;
	v59 =	vpop (erf);
	(erf) = vrcp.f32 v49  }
0x631: {  	v2 =	vmul.f32 $1.442695020e+00, v2;
	v1 =	vadd.f32 v59, v1;
	(erf) = vpow2.f32 v3;
	v60 =	vpop (erf)  }
0x632: {  	v4 =	vsub.f32 $3.000000000e+01, v4;
	v3 =	vmul.f32 $6.000000000e+01, v60;
	v61 =	vpop (erf);
	(erf) = vrcp.f32 v48  }
0x633: {  	v0 =	vmul.f32 $1.442695020e+00, v0;
	v1 =	vadd.f32 v61, v1;
	(erf) = vpow2.f32 v2;
	v62 =	vpop (erf)  }
0x634: {  	v3 =	vsub.f32 $3.000000000e+01, v3;
	v2 =	vmul.f32 $6.000000000e+01, v62;
	v63 =	vpop (erf);
	(erf) = vrcp.f32 v47  }
0x635: {  	v4 =	vmul.f32 $1.442695020e+00, v4;
	v1 =	vadd.f32 v63, v1;
	(erf) = vpow2.f32 v0;
	v8 =	vpop (erf)  }
0x636: {  	v2 =	vsub.f32 $3.000000000e+01, v2;
	v0 =	vmul.f32 $6.000000000e+01, v8;
	v40 =	vpop (erf);
	(erf) = vrcp.f32 v46  }
0x637: {  	v3 =	vmul.f32 $1.442695020e+00, v3;
	v1 =	vadd.f32 v40, v1;
	(erf) = vpow2.f32 v4;
	v43 =	vpop (erf)  }
0x638: {  	v0 =	vsub.f32 $3.000000000e+01, v0;
	v4 =	vmul.f32 $6.000000000e+01, v43;
	v46 =	vpop (erf);
	(erf) = vrcp.f32 v45  }
0x639: {  	v2 =	vmul.f32 $1.442695020e+00, v2;
	v1 =	vadd.f32 v46, v1;
	(erf) = vpow2.f32 v3;
	v47 =	vpop (erf)  }
0x63a: {  	v4 =	vsub.f32 $3.000000000e+01, v4;
	v3 =	vmul.f32 $6.000000000e+01, v47;
	v48 =	vpop (erf);
	(erf) = vrcp.f32 v44  }
0x63b: {  	v0 =	vmul.f32 $1.442695020e+00, v0;
	v1 =	vadd.f32 v48, v1;
	(erf) = vpow2.f32 v2;
	v49 =	vpop (erf)  }
0x63c: {  	v3 =	vsub.f32 $3.000000000e+01, v3;
	v2 =	vmul.f32 $6.000000000e+01, v49;
	v50 =	vpop (erf);
	(erf) = vrcp.f32 v42  }
0x63d: {  	v4 =	vmul.f32 $1.442695020e+00, v4;
	v1 =	vadd.f32 v50, v1;
	(erf) = vpow2.f32 v0;
	v51 =	vpop (erf)  }
0x63e: {  	v2 =	vsub.f32 $3.000000000e+01, v2;
	v0 =	vmul.f32 $6.000000000e+01, v51;
	v52 =	vpop (erf);
	(erf) = vrcp.f32 v41  }
0x63f: {  	v3 =	vmul.f32 $1.442695020e+00, v3;
	v1 =	vadd.f32 v52, v1;
	(erf) = vpow2.f32 v4;
	v53 =	vpop (erf)  }
0x640: {  	v0 =	vsub.f32 $3.000000000e+01, v0;
	v4 =	vmul.f32 $6.000000000e+01, v53;
	v54 =	vpop (erf);
	(erf) = vrcp.f32 v39  }
0x641: {  	v2 =	vmul.f32 $1.442695020e+00, v2;
	v1 =	vadd.f32 v54, v1;
	(erf) = vpow2.f32 v3;
	v55 =	vpop (erf)  }
0x642: {  	v4 =	vsub.f32 $3.000000000e+01, v4;
	v3 =	vmul.f32 $6.000000000e+01, v55;
	v56 =	vpop (erf);
	(erf) = vrcp.f32 v38  }
0x643: {  	v0 =	vmul.f32 $1.442695020e+00, v0;
	v1 =	vadd.f32 v56, v1;
	(erf) = vpow2.f32 v2;
	v57 =	vpop (erf)  }
0x644: {  	v3 =	vsub.f32 $3.000000000e+01, v3;
	v2 =	vmul.f32 $6.000000000e+01, v57;
	v58 =	vpop (erf);
	(erf) = vrcp.f32 v37  }
0x645: {  	v4 =	vmul.f32 $1.442695020e+00, v4;
	v1 =	vadd.f32 v58, v1;
	(erf) = vpow2.f32 v0;
	v59 =	vpop (erf)  }
0x646: {  	v2 =	vsub.f32 $3.000000000e+01, v2;
	v0 =	vmul.f32 $6.000000000e+01, v59;
	v60 =	vpop (erf);
	(erf) = vrcp.f32 v36  }
0x647: {  	v3 =	vmul.f32 $1.442695020e+00, v3;
	v1 =	vadd.f32 v60, v1;
	(erf) = vpow2.f32 v4;
	v61 =	vpop (erf)  }
0x648: {  	v0 =	vsub.f32 $3.000000000e+01, v0;
	v4 =	vmul.f32 $6.000000000e+01, v61;
	v62 =	vpop (erf);
	(erf) = vrcp.f32 v35  }
0x649: {  	v2 =	vmul.f32 $1.442695020e+00, v2;
	v1 =	vadd.f32 v62, v1;
	(erf) = vpow2.f32 v3;
	v63 =	vpop (erf)  }
0x64a: {  	v4 =	vsub.f32 $3.000000000e+01, v4;
	v3 =	vmul.f32 $6.000000000e+01, v63;
	v8 =	vpop (erf);
	(erf) = vrcp.f32 v34  }
0x64b: {  	v0 =	vmul.f32 $1.442695020e+00, v0;
	v1 =	vadd.f32 v8, v1;
	(erf) = vpow2.f32 v2;
	v35 =	vpop (erf)  }
0x64c: {  	v3 =	vsub.f32 $3.000000000e+01, v3;
	v2 =	vmul.f32 $6.000000000e+01, v35;
	v36 =	vpop (erf);
	(erf) = vrcp.f32 v33  }
0x64d: {  	v4 =	vmul.f32 $1.442695020e+00, v4;
	v1 =	vadd.f32 v36, v1;
	(erf) = vpow2.f32 v0;
	v37 =	vpop (erf)  }
0x64e: {  	v2 =	vsub.f32 $3.000000000e+01, v2;
	v0 =	vmul.f32 $6.000000000e+01, v37;
	v38 =	vpop (erf);
	(erf) = vrcp.f32 v32  }
0x64f: {  	v3 =	vmul.f32 $1.442695020e+00, v3;
	v1 =	vadd.f32 v38, v1;
	(erf) = vpow2.f32 v4;
	v39 =	vpop (erf)  }
0x650: {  	v0 =	vsub.f32 $3.000000000e+01, v0;
	v4 =	vmul.f32 $6.000000000e+01, v39;
	v40 =	vpop (erf);
	(erf) = vrcp.f32 v31  }
0x651: {  	v2 =	vmul.f32 $1.442695020e+00, v2;
	v1 =	vadd.f32 v40, v1;
	(erf) = vpow2.f32 v3;
	v41 =	vpop (erf)  }
0x652: {  	v4 =	vsub.f32 $3.000000000e+01, v4;
	v3 =	vmul.f32 $6.000000000e+01, v41;
	v42 =	vpop (erf);
	(erf) = vrcp.f32 v30  }
0x653: {  	v0 =	vmul.f32 $1.442695020e+00, v0;
	v1 =	vadd.f32 v42, v1;
	(erf) = vpow2.f32 v2;
	v43 =	vpop (erf)  }
0x654: {  	v3 =	vsub.f32 $3.000000000e+01, v3;
	v2 =	vmul.f32 $6.000000000e+01, v43;
	v44 =	vpop (erf);
	(erf) = vrcp.f32 v29  }
0x655: {  	v4 =	vmul.f32 $1.442695020e+00, v4;
	v1 =	vadd.f32 v44, v1;
	(erf) = vpow2.f32 v0;
	v45 =	vpop (erf)  }
0x656: {  	v2 =	vsub.f32 $3.000000000e+01, v2;
	v0 =	vmul.f32 $6.000000000e+01, v45;
	v46 =	vpop (erf);
	(erf) = vrcp.f32 v28  }
0x657: {  	v3 =	vmul.f32 $1.442695020e+00, v3;
	v1 =	vadd.f32 v46, v1;
	(erf) = vpow2.f32 v4;
	v47 =	vpop (erf)  }
0x658: {  	v0 =	vsub.f32 $3.000000000e+01, v0;
	v4 =	vmul.f32 $6.000000000e+01, v47;
	v48 =	vpop (erf);
	(erf) = vrcp.f32 v27  }
0x659: {  	v2 =	vmul.f32 $1.442695020e+00, v2;
	v1 =	vadd.f32 v48, v1;
	(erf) = vpow2.f32 v3;
	v49 =	vpop (erf)  }
0x65a: {  	v4 =	vsub.f32 $3.000000000e+01, v4;
	v3 =	vmul.f32 $6.000000000e+01, v49;
	v50 =	vpop (erf);
	(erf) = vrcp.f32 v26  }
0x65b: {  	v0 =	vmul.f32 $1.442695020e+00, v0;
	v1 =	vadd.f32 v50, v1;
	(erf) = vpow2.f32 v2;
	v51 =	vpop (erf)  }
0x65c: {  	v3 =	vsub.f32 $3.000000000e+01, v3;
	v2 =	vmul.f32 $6.000000000e+01, v51;
	v52 =	vpop (erf);
	(erf) = vrcp.f32 v25  }
0x65d: {  	v4 =	vmul.f32 $1.442695020e+00, v4;
	v1 =	vadd.f32 v52, v1;
	(erf) = vpow2.f32 v0;
	v53 =	vpop (erf)  }
0x65e: {  	v2 =	vsub.f32 $3.000000000e+01, v2;
	v0 =	vmul.f32 $6.000000000e+01, v53;
	v54 =	vpop (erf);
	(erf) = vrcp.f32 v24  }
0x65f: {  	v3 =	vmul.f32 $1.442695020e+00, v3;
	v1 =	vadd.f32 v54, v1;
	(erf) = vpow2.f32 v4;
	v55 =	vpop (erf)  }
0x660: {  	v0 =	vsub.f32 $3.000000000e+01, v0;
	v4 =	vmul.f32 $6.000000000e+01, v55;
	v56 =	vpop (erf);
	(erf) = vrcp.f32 v23  }
0x661: {  	v2 =	vmul.f32 $1.442695020e+00, v2;
	v1 =	vadd.f32 v56, v1;
	(erf) = vpow2.f32 v3;
	v57 =	vpop (erf)  }
0x662: {  	v4 =	vsub.f32 $3.000000000e+01, v4;
	v3 =	vmul.f32 $6.000000000e+01, v57;
	v58 =	vpop (erf);
	(erf) = vrcp.f32 v22  }
0x663: {  	v0 =	vmul.f32 $1.442695020e+00, v0;
	v1 =	vadd.f32 v58, v1;
	(erf) = vpow2.f32 v2;
	v59 =	vpop (erf)  }
0x664: {  	v3 =	vsub.f32 $3.000000000e+01, v3;
	v2 =	vmul.f32 $6.000000000e+01, v59;
	v60 =	vpop (erf);
	(erf) = vrcp.f32 v21  }
0x665: {  	v4 =	vmul.f32 $1.442695020e+00, v4;
	v1 =	vadd.f32 v60, v1;
	(erf) = vpow2.f32 v0;
	v61 =	vpop (erf)  }
0x666: {  	v2 =	vsub.f32 $3.000000000e+01, v2;
	v0 =	vmul.f32 $6.000000000e+01, v61;
	v62 =	vpop (erf);
	(erf) = vrcp.f32 v20  }
0x667: {  	v3 =	vmul.f32 $1.442695020e+00, v3;
	v1 =	vadd.f32 v62, v1;
	(erf) = vpow2.f32 v4;
	v63 =	vpop (erf)  }
0x668: {  	v0 =	vsub.f32 $3.000000000e+01, v0;
	v4 =	vmul.f32 $6.000000000e+01, v63;
	v8 =	vpop (erf);
	(erf) = vrcp.f32 v19  }
0x669: {  	v2 =	vmul.f32 $1.442695020e+00, v2;
	v1 =	vadd.f32 v8, v1;
	(erf) = vpow2.f32 v3;
	v19 =	vpop (erf)  }
0x66a: {  	v4 =	vsub.f32 $3.000000000e+01, v4;
	v3 =	vmul.f32 $6.000000000e+01, v19;
	v20 =	vpop (erf);
	(erf) = vrcp.f32 v18  }
0x66b: {  	v0 =	vmul.f32 $1.442695020e+00, v0;
	v1 =	vadd.f32 v20, v1;
	(erf) = vpow2.f32 v2;
	v21 =	vpop (erf)  }
0x66c: {  	v3 =	vsub.f32 $3.000000000e+01, v3;
	v2 =	vmul.f32 $6.000000000e+01, v21;
	v22 =	vpop (erf);
	(erf) = vrcp.f32 v17  }
0x66d: {  	v4 =	vmul.f32 $1.442695020e+00, v4;
	v1 =	vadd.f32 v22, v1;
	(erf) = vpow2.f32 v0;
	v23 =	vpop (erf)  }
0x66e: {  	v2 =	vsub.f32 $3.000000000e+01, v2;
	v0 =	vmul.f32 $6.000000000e+01, v23;
	v24 =	vpop (erf);
	(erf) = vrcp.f32 v16  }
0x66f: {  	v3 =	vmul.f32 $1.442695020e+00, v3;
	v1 =	vadd.f32 v24, v1;
	(erf) = vpow2.f32 v4;
	v25 =	vpop (erf)  }
0x670: {  	v0 =	vsub.f32 $3.000000000e+01, v0;
	v4 =	vmul.f32 $6.000000000e+01, v25;
	v26 =	vpop (erf);
	(erf) = vrcp.f32 v15  }
0x671: {  	v2 =	vmul.f32 $1.442695020e+00, v2;
	v1 =	vadd.f32 v26, v1;
	(erf) = vpow2.f32 v3;
	v27 =	vpop (erf)  }
0x672: {  	v4 =	vsub.f32 $3.000000000e+01, v4;
	v3 =	vmul.f32 $6.000000000e+01, v27;
	v28 =	vpop (erf);
	(erf) = vrcp.f32 v14  }
0x673: {  	v0 =	vmul.f32 $1.442695020e+00, v0;
	v1 =	vadd.f32 v28, v1;
	(erf) = vpow2.f32 v2;
	v29 =	vpop (erf)  }
0x674: {  	v3 =	vsub.f32 $3.000000000e+01, v3;
	v2 =	vmul.f32 $6.000000000e+01, v29;
	v30 =	vpop (erf);
	(erf) = vrcp.f32 v13  }
0x675: {  	v4 =	vmul.f32 $1.442695020e+00, v4;
	v1 =	vadd.f32 v30, v1;
	(erf) = vpow2.f32 v0;
	v31 =	vpop (erf)  }
0x676: {  	v2 =	vsub.f32 $3.000000000e+01, v2;
	v0 =	vmul.f32 $6.000000000e+01, v31;
	v32 =	vpop (erf);
	(erf) = vrcp.f32 v12  }
0x677: {  	v3 =	vmul.f32 $1.442695020e+00, v3;
	v1 =	vadd.f32 v32, v1;
	(erf) = vpow2.f32 v4;
	v33 =	vpop (erf)  }
0x678: {  	v0 =	vsub.f32 $3.000000000e+01, v0;
	v4 =	vmul.f32 $6.000000000e+01, v33;
	v34 =	vpop (erf);
	(erf) = vrcp.f32 v11  }
0x679: {  	v2 =	vmul.f32 $1.442695020e+00, v2;
	v1 =	vadd.f32 v34, v1;
	(erf) = vpow2.f32 v3;
	v35 =	vpop (erf)  }
0x67a: {  	v4 =	vsub.f32 $3.000000000e+01, v4;
	v3 =	vmul.f32 $6.000000000e+01, v35;
	v36 =	vpop (erf);
	(erf) = vrcp.f32 v10  }
0x67b: {  	v0 =	vmul.f32 $1.442695020e+00, v0;
	v1 =	vadd.f32 v36, v1;
	(erf) = vpow2.f32 v2;
	v37 =	vpop (erf)  }
0x67c: {  	v3 =	vsub.f32 $3.000000000e+01, v3;
	v2 =	vmul.f32 $6.000000000e+01, v37;
	v38 =	vpop (erf);
	(erf) = vrcp.f32 v9  }
0x67d: {  	v4 =	vmul.f32 $1.442695020e+00, v4;
	v1 =	vadd.f32 v38, v1;
	(erf) = vpow2.f32 v0;
	v39 =	vpop (erf)  }
0x67e: {  	v2 =	vsub.f32 $3.000000000e+01, v2;
	v0 =	vmul.f32 $6.000000000e+01, v39;
	v40 =	vpop (erf);
	(erf) = vrcp.f32 v7  }
0x67f: {  	v3 =	vmul.f32 $1.442695020e+00, v3;
	v1 =	vadd.f32 v40, v1;
	(erf) = vpow2.f32 v4;
	v41 =	vpop (erf)  }
0x680: {  	v0 =	vsub.f32 $3.000000000e+01, v0;
	v4 =	vmul.f32 $6.000000000e+01, v41;
	v42 =	vpop (erf)  }
0x681: {  	v2 =	vmul.f32 $1.442695020e+00, v2;
	(erf) = vpow2.f32 v3;
	v1 =	vadd.f32 v42, v1;
	v43 =	vpop (erf)  }
0x682: {  	v4 =	vsub.f32 $3.000000000e+01, v4;
	v3 =	vmul.f32 $6.000000000e+01, v43;
	v44 =	vpop (erf)  }
0x683: {  	v0 =	vmul.f32 $1.442695020e+00, v0;
	(erf) = vpow2.f32 v2;
	v1 =	vadd.f32 v44, v1;
	v45 =	vpop (erf)  }
0x684: {  	v3 =	vsub.f32 $3.000000000e+01, v3;
	v2 =	vmul.f32 $6.000000000e+01, v45;
	v46 =	vpop (erf)  }
0x685: {  	v4 =	vmul.f32 $1.442695020e+00, v4;
	(erf) = vpow2.f32 v0;
	v1 =	vadd.f32 v46, v1;
	v47 =	vpop (erf)  }
0x686: {  	v2 =	vsub.f32 $3.000000000e+01, v2;
	v0 =	vmul.f32 $6.000000000e+01, v47;
	v48 =	vpop (erf)  }
0x687: {  	v3 =	vmul.f32 $1.442695020e+00, v3;
	(erf) = vpow2.f32 v4;
	v1 =	vadd.f32 v48, v1;
	v49 =	vpop (erf)  }
0x688: {  	v0 =	vsub.f32 $3.000000000e+01, v0;
	v4 =	vmul.f32 $6.000000000e+01, v49;
	v50 =	vpop (erf)  }
0x689: {  	v2 =	vmul.f32 $1.442695020e+00, v2;
	(erf) = vpow2.f32 v3;
	v1 =	vadd.f32 v50, v1  }
0x68a: {  	v52 =	vpop (erf);
	v51 =	vsub.f32 $3.000000000e+01, v4  }
0x68b: {  	v0 =	vmul.f32 $1.442695020e+00, v0;
	(erf) = vpow2.f32 v2;
	v1 =	vadd.f32 v52, v1  }
0x68c: {  	v54 =	vpop (erf);
	v53 =	vmul.f32 $1.442695020e+00, v51  }
0x68d: {  	(erf) = vpow2.f32 v0;
	v1 =	vadd.f32 v54, v1  }
0x68e: {  	v55 =	vpop (erf);
	(erf) = vpow2.f32 v53  }
0x68f: {  	v0 =	vadd.f32 v55, v1  }
0x690: {  	v56 =	vpop (erf)  }
0x691: {  	v0 =	vadd.f32 v56, v0  }
0x692: {  	v57 =	vpop (erf)  }
0x693: {  	v0 =	vadd.f32 v57, v0  }
0x694: {  	v58 =	vpop (erf)  }
0x695: {  	v0 =	vadd.f32 v58, v0  }
0x696: {  	v59 =	vpop (erf)  }
0x697: {  	v0 =	vadd.f32 v59, v0;
	v60 =	vpop (erf)  }
0x698: {  	v1 =	vnsel vm8, $0x0, v60  }
0x699: {  	v0 =	vadd.f32 v1, v0;
	_ =	sdelay $0x1  }
0x69a: {  	(xrf2) =	vadd.scan.msk.f32 $0xffff, v0;
	_ =	sdelay $0x7  }
0x69b: {  	v63 =	vld [tilespmem:$0x1FED0]  }
0x69c: {  	p0 =	sne.s32 s18, $0x32  }
.Ltmp3:
0x69d: {  	s0 =	sadd.s32 $0x1, s20;
	v0, _, _ =	vpop (xrf2);
	(pc) =	sbr.rel @p0 .LBB2_4-.Ltmp3, $4  }
0x69e: {  	v61 =	vmov s0;
	v62 =	vlaneseq.u32;
	v0 =	vbroadcast v0, $0xF  }
0x69f: {  	vm9 =	veq.s32 v61, v62  }
0x6a0: {  	v0 =	vsel vm9, v0, v63  }
0x6a1: {  	[tilespmem:s19+$0x11380] =	vst v0  }
0x6a2: {  	s1 =	simm.s32 $0x0;
	s0 =	rddreg [dreg:$0x8];
	s2 =	simm.s32 $0x11380  }
0x6a3: {  	[hbm4b:s0+s1] =	stream.linear.scatter [tilespmem:s2], [sflag:$0x2], $0x640, $0x38;
	[tilespmem:$0x12080] =	vst v63  }
0x6a4: {  	s2 =	simm.s32 $0x2  }
0x6a5: {  	_ =	swait.ge [sflag:s2], $0x640  }
0x6a6: {  	[sflag:s2] =	ssyncset.done $0x0  }
0x6a7: {  	s3 =	simm.s32 $0x11A00;
	s29 =	rddreg [dreg:$0x9];
	[sflag:s2] =	ssyncadd.s32 $0xFFFFF9C0  }
0x6a8: {  	[hbm4b:s29+s1] =	stream.linear.scatter [tilespmem:s3], [sflag:$0x2], $0x640, $0x38;
	[tilespmem:$0x12080] =	vst v63  }
0x6a9: {  	_ =	swait.ge [sflag:s2], $0x640  }
0x6aa: {  	s30 =	rddreg [dreg:$0xb]  }
0x6ab: {  	s31 =	rddreg [dreg:$0xa];
	s3 =	sadd.s32 $0x1, s30  }
0x6ac: {  	p0 =	sne.s32 s3, s31  }
.Ltmp4:
0x6ad: {  	v2 =	vld [tilespmem:$0x1FFD0];
	(pc) =	sbr.rel @p0 .LBB2_1-.Ltmp4, $4  }
0x6ae: {  	_ = 	snop  }
0x6af: {  	v1 =	vld [tilespmem:$0x1FFC0]  }
0x6b0: {  	[sflag:s2] =	ssyncset.done $0x0;
	v3 =	vld [tilespmem:$0x1FFE0]  }
0x6b1: {  	v4 =	vld [tilespmem:$0x1FFF0];
	[sflag:s2] =	ssyncadd.s32 $0xFFFFF9C0  }
0x6b2: {  	_ =	sfence.sel $0x180000  }
0x6b3: {  	[bflag:$0x0] =	sbarrier.arrive $0xFFFF  }
0x6b4: {  	_ =	strace $0x90000047  }
0x6b5: {  	s0 =	stileid.u32;
	[bflag:$0x2] =	sbarrier.arrive $0xFFFF  }
0x6b6: {  	p0 =	sne.s32 s0, $0x0;
	s0 =	rddreg [dreg:$0x5]  }
0x6b7: {  	s0 =	sadd.s32 @!p0 $0x100000, s0  }
0x6b8: {  	[sflag:s0] =	ssyncadd.tile.s32 @!p0 $0x1;
	_ =	shalt  }
.Lfunc_end2:
_tile_overlayer_lowered:
.L_overlay_start_2:
0x6b9: {  	(tag) =	ssettag $0x2  }
0x6ba: {  	s0 =	rddreg [dreg:$0x0];
	s2 =	stileid.u32  }
0x6bb: {  	s1 =	rddreg [dreg:$0x1];
	p0 =	sne.s32 s2, $0x0  }
0x6bc: {  	s3 =	rddreg [dreg:$0x2];
	[bflag:$0x3] =	sbarrier.arrive $0xFFFF;
	s2 =	simm.s32 @!p0 $0x1C02  }
0x6bd: {  	[timem:s3], [sflag:s2] =	dma.local @!p0 [hbm:s0], s1  }
0x6be: {  	s0 =	simm.s32 @!p0 $0x2  }
0x6bf: {  	_ =	swait.ge @!p0 [sflag:s0], s1  }
0x6c0: {  	s1 =	ssub.s32 @!p0 $0x0, s1;
	[sflag:s0] =	ssyncset.done @!p0 $0x0  }
0x6c1: {  	[sflag:s0] =	ssyncadd.s32 @!p0 s1  }
0x6c2: {  	[bflag:$0x3] =	sbarrier.arrive $0xFFFF  }
0x6c3: {  	_ =	shalt  }

</sc_bundles>
